<compile_context>
chip_gen: v7x
topology: tpu7x:2x2x1
jax: 0.10.2.dev20260603
libtpu: 0.0.44.dev20260713+nightly
codegen_flags: <defaults>
</compile_context>

<pallas_src>
import functools

import jax
import jax.numpy as jnp
from jax import lax
from jax.experimental import pallas as pl
from jax.experimental.pallas import tpu as pltpu
from jax.experimental.pallas import tpu_sc as plsc


def _make_gather_t(D, V, B):
    info = plsc.get_sparse_core_info()
    NC, NS = info.num_cores, info.num_subcores
    NW = NC * NS
    assert B % NW == 0
    b_per_w = B // NW
    K = 8
    M = 5
    NB = b_per_w // K
    mesh = plsc.VectorSubcoreMesh(core_axis_name="c", subcore_axis_name="s")

    @functools.partial(
        pl.kernel,
        mesh=mesh,
        compiler_params=pltpu.CompilerParams(needs_layout_passes=False),
        out_type=jax.ShapeDtypeStruct((D, B), jnp.float32),
        scratch_types=[
            pltpu.VMEM((b_per_w + 16,), jnp.int32),
            pltpu.VMEM((M, K, D, 128), jnp.float32),
            pltpu.VMEM((D, b_per_w), jnp.float32),
        ]
        + [pltpu.SemaphoreType.DMA] * M,
    )
    def gather_kernel(table_hbm, idx_hbm, out_hbm, idx_v, win_v, obuf_v, *sems):
        wid = lax.axis_index("s") * NC + lax.axis_index("c")
        base = wid * b_per_w
        pltpu.sync_copy(idx_hbm.at[pl.ds(base, b_per_w)], idx_v.at[pl.ds(0, b_per_w)])
        rows0 = lax.iota(jnp.int32, 16)

        def fire(bidx, buf):
            v = idx_v[pl.ds(bidx * K, 16)]
            for m in range(K):
                off = pl.multiple_of((v[m] >> 7) * 128, 128)
                pltpu.async_copy(
                    table_hbm.at[:, pl.ds(off, 128)],
                    win_v.at[buf, m],
                    sems[buf],
                )

        def drain(buf):
            for m in range(K):
                pltpu.make_async_copy(
                    table_hbm.at[:, pl.ds(0, 128)], win_v.at[buf, m], sems[buf]
                ).wait()

        def extract(bidx, buf):
            v = idx_v[pl.ds(bidx * K, 16)]
            bsel = jnp.full((16,), buf, jnp.int32)
            for m in range(K):
                lane = jnp.full((16,), v[m] & 127, jnp.int32)
                col = jnp.full((16,), bidx * K + m, jnp.int32)
                val = plsc.load_gather(
                    win_v, [bsel, jnp.full((16,), m, jnp.int32), rows0, lane]
                )
                plsc.store_scatter(obuf_v, [rows0, col], val)

        for t in range(M - 1):
            fire(t, t)

        n_loop = ((NB - (M - 1)) // M) * M

        def body(q, carry):
            for r in range(M):
                t = M * q + r
                fire(t + (M - 1), (r + (M - 1)) % M)
                drain(r)
                extract(t, r)
            return carry

        lax.fori_loop(0, n_loop // M, body, 0)
        for t in range(n_loop, NB):
            if t + (M - 1) < NB:
                fire(t + (M - 1), (t + (M - 1)) % M)
            drain(t % M)
            extract(t, t % M)
        pltpu.sync_copy(obuf_v, out_hbm.at[:, pl.ds(base, b_per_w)])

    return gather_kernel


def kernel(stack_code, emb_table):
    B = stack_code.shape[0]
    V, D = emb_table.shape
    gather_t = _make_gather_t(D, V, B)
    out_t = gather_t(emb_table.T, stack_code.astype(jnp.int32))
    return out_t.T

# --- scband reference (transcript-rebuilt; emitter-appended) ---
"""Pipeline reference for scband-tabular-branch-19971597926927 (READ-ONLY COPY).

The authoritative reference and input builder live on the scoring server;
editing this copy changes nothing except your own understanding.
"""

import jax, jax.numpy as jnp
import numpy as np

VOCAB = 1000000
D_EMB = 16
BATCH = 16384

def setup_inputs(seed: int = 0) -> dict:
    key = jax.random.key(seed)
    k1, k2 = jax.random.split(key)
    stack_code = jax.random.randint(k1, (BATCH,), 0, VOCAB, dtype=jnp.int64) if jax.config.jax_enable_x64 else jax.random.randint(k1, (BATCH,), 0, VOCAB, dtype=jnp.int32)
    emb_table = jax.random.normal(k2, (VOCAB, D_EMB), dtype=jnp.float32)
    return {"stack_code": stack_code, "emb_table": emb_table}

def reference(stack_code, emb_table):
    # TabularBranch.forward: dropout(emb(stack_code)); dropout is identity at inference
    return jnp.take(emb_table, stack_code, axis=0)

if __name__ == "__main__":
    import jax
    _d = setup_inputs()
    print(jax.jit(kernel)(*tuple(_d.values())))

</pallas_src>

<mosaic_0001>
#map = affine_map<(d0, d1) -> (0, 0)>
#map1 = affine_map<(d0, d1) -> (0)>
module attributes {stable_mosaic.version = 14 : i64} {
  func.func @gather_kernel(%arg0: i32, %arg1: i32, %arg2: memref<16x1000000xf32, #tpu.memory_space<hbm>>, %arg3: memref<16384xi32, #tpu.memory_space<hbm>>, %arg4: memref<16x16384xf32, #tpu.memory_space<hbm>>, %arg5: memref<528xi32, #tpu.memory_space<vmem>>, %arg6: memref<5x8x16x128xf32, #tpu.memory_space<vmem>>, %arg7: memref<16x512xf32, #tpu.memory_space<vmem>>, %arg8: memref<!tpu.dma_semaphore, #tpu.memory_space<semaphore_mem>>, %arg9: memref<!tpu.dma_semaphore, #tpu.memory_space<semaphore_mem>>, %arg10: memref<!tpu.dma_semaphore, #tpu.memory_space<semaphore_mem>>, %arg11: memref<!tpu.dma_semaphore, #tpu.memory_space<semaphore_mem>>, %arg12: memref<!tpu.dma_semaphore, #tpu.memory_space<semaphore_mem>>) attributes {dimension_semantics = [#tpu.dimension_semantics<core_parallel>, #tpu.dimension_semantics<subcore_parallel>], iteration_bounds = array<i64: 2, 16>, scalar_prefetch = 0 : i64, scratch_operands = 8 : i64, tpu.core_type = #tpu.core_type<sc_vector_subcore>, window_params = [{transform_indices = #map}, {transform_indices = #map1}, {transform_indices = #map}]} {
    %mul3A = arith.constant 2 : i32
    %mul3A_0 = arith.muli %arg1, %mul3A : i32
    %add3A = arith.addi %mul3A_0, %arg0 : i32
    %mul3A_1 = arith.constant 512 : i32
    %mul3A_2 = arith.muli %add3A, %mul3A_1 : i32
    "tpu.region"() ({
      %run_scoped3A = tpu.sem_alloc : memref<!tpu.dma_semaphore, #tpu.memory_space<semaphore_mem>>
      %dma_start3A_1526 = arith.constant 0 : i32
      %dma_start3A_1527 = tpu.memref_slice %arg5[%dma_start3A_1526] : memref<528xi32, #tpu.memory_space<vmem>> -> memref<512xi32, #tpu.memory_space<vmem>>
      %dma_start3A_1528 = tpu.memref_slice %arg3[%mul3A_2] : memref<16384xi32, #tpu.memory_space<hbm>> -> memref<512xi32, #tpu.memory_space<hbm>>
      %dma_start3A_1529 = arith.constant 0 : i32
      %dma_start3A_1530 = tpu.memref_slice %arg5[%dma_start3A_1529] : memref<528xi32, #tpu.memory_space<vmem>> -> memref<512xi32, #tpu.memory_space<vmem>>
      %dma_start3A_1531 = tpu.memref_slice %arg3[%mul3A_2] : memref<16384xi32, #tpu.memory_space<hbm>> -> memref<512xi32, #tpu.memory_space<hbm>>
      tpu.enqueue_dma source(%dma_start3A_1531 : memref<512xi32, #tpu.memory_space<hbm>>) target(%dma_start3A_1530 : memref<512xi32, #tpu.memory_space<vmem>>) target_semaphore(%run_scoped3A : memref<!tpu.dma_semaphore, #tpu.memory_space<semaphore_mem>>)
      %dma_wait3A_1532 = arith.constant 0 : i32
      %dma_wait3A_1533 = tpu.memref_slice %arg5[%dma_wait3A_1532] : memref<528xi32, #tpu.memory_space<vmem>> -> memref<512xi32, #tpu.memory_space<vmem>>
      %dma_wait3A_1534 = tpu.memref_slice %arg3[%mul3A_2] : memref<16384xi32, #tpu.memory_space<hbm>> -> memref<512xi32, #tpu.memory_space<hbm>>
      %dma_wait3A_1535 = arith.constant 0 : i32
      %dma_wait3A_1536 = tpu.memref_slice %arg5[%dma_wait3A_1535] : memref<528xi32, #tpu.memory_space<vmem>> -> memref<512xi32, #tpu.memory_space<vmem>>
      %dma_wait3A_1537 = tpu.memref_slice %arg3[%mul3A_2] : memref<16384xi32, #tpu.memory_space<hbm>> -> memref<512xi32, #tpu.memory_space<hbm>>
      tpu.wait_dma2 semaphore(%run_scoped3A : memref<!tpu.dma_semaphore, #tpu.memory_space<semaphore_mem>>) src(%dma_wait3A_1537 : memref<512xi32, #tpu.memory_space<hbm>>) dst(%dma_wait3A_1536 : memref<512xi32, #tpu.memory_space<vmem>>)
      tpu.yield
    }) : () -> ()
    %iota3A = tpu.iota {dimensions = array<i32: 0>} : vector<16xi32>
    %get3A = arith.constant 0 : index
    %get3A_3 = tpu.vector_load %arg5[%get3A] {strides = array<i32>} : memref<528xi32, #tpu.memory_space<vmem>>, vector<16xi32>,
    %slice3A = vector.extract_strided_slice %get3A_3 {offsets = [0], sizes = [1], strides = [1]} : vector<16xi32> to vector<1xi32>
    %squeeze3A = vector.extract %slice3A[0] : i32 from vector<1xi32>
    %shift_right_arithmetic3A = arith.constant 7 : i32
    %shift_right_arithmetic3A_4 = arith.shrsi %squeeze3A, %shift_right_arithmetic3A : i32
    %mul3A_5 = arith.constant 128 : i32
    %mul3A_6 = arith.muli %shift_right_arithmetic3A_4, %mul3A_5 : i32
    %multiple_of3A = tpu.assume_multiple %mul3A_6, 128 : i32
    %dma_start3A = arith.constant 0 : i32
    %dma_start3A_7 = arith.constant 0 : i32
    %dma_start3A_8 = arith.constant 0 : i32
    %dma_start3A_9 = arith.constant 0 : i32
    %dma_start3A_10 = tpu.memref_slice %arg6[%dma_start3A, %dma_start3A_7, %dma_start3A_8, %dma_start3A_9] : memref<5x8x16x128xf32, #tpu.memory_space<vmem>> -> memref<1x1x16x128xf32, #tpu.memory_space<vmem>>
    %dma_start3A_11 = tpu.memref_squeeze %dma_start3A_10 : memref<1x1x16x128xf32, #tpu.memory_space<vmem>> -> memref<16x128xf32, #tpu.memory_space<vmem>>
    %dma_start3A_12 = arith.constant 0 : i32
    %dma_start3A_13 = tpu.memref_slice %arg2[%dma_start3A_12, %multiple_of3A] : memref<16x1000000xf32, #tpu.memory_space<hbm>> -> memref<16x128xf32, #tpu.memory_space<hbm>>
    %dma_start3A_14 = arith.constant 0 : i32
    %dma_start3A_15 = arith.constant 0 : i32
    %dma_start3A_16 = tpu.memref_slice %arg6[%dma_start3A, %dma_start3A_7, %dma_start3A_14, %dma_start3A_15] : memref<5x8x16x128xf32, #tpu.memory_space<vmem>> -> memref<1x1x16x128xf32, #tpu.memory_space<vmem>>
    %dma_start3A_17 = tpu.memref_squeeze %dma_start3A_16 : memref<1x1x16x128xf32, #tpu.memory_space<vmem>> -> memref<16x128xf32, #tpu.memory_space<vmem>>
    %dma_start3A_18 = arith.constant 0 : i32
    %dma_start3A_19 = tpu.memref_slice %arg2[%dma_start3A_18, %multiple_of3A] : memref<16x1000000xf32, #tpu.memory_space<hbm>> -> memref<16x128xf32, #tpu.memory_space<hbm>>
    tpu.enqueue_dma source(%dma_start3A_19 : memref<16x128xf32, #tpu.memory_space<hbm>>) target(%dma_start3A_17 : memref<16x128xf32, #tpu.memory_space<vmem>>) target_semaphore(%arg8 : memref<!tpu.dma_semaphore, #tpu.memory_space<semaphore_mem>>)
    %slice3A_20 = vector.extract_strided_slice %get3A_3 {offsets = [1], sizes = [1], strides = [1]} : vector<16xi32> to vector<1xi32>
    %squeeze3A_21 = vector.extract %slice3A_20[0] : i32 from vector<1xi32>
    %shift_right_arithmetic3A_22 = arith.constant 7 : i32
    %shift_right_arithmetic3A_23 = arith.shrsi %squeeze3A_21, %shift_right_arithmetic3A_22 : i32
    %mul3A_24 = arith.constant 128 : i32
    %mul3A_25 = arith.muli %shift_right_arithmetic3A_23, %mul3A_24 : i32
    %multiple_of3A_26 = tpu.assume_multiple %mul3A_25, 128 : i32
    %dma_start3A_27 = arith.constant 0 : i32
    %dma_start3A_28 = arith.constant 1 : i32
    %dma_start3A_29 = arith.constant 0 : i32
    %dma_start3A_30 = arith.constant 0 : i32
    %dma_start3A_31 = tpu.memref_slice %arg6[%dma_start3A_27, %dma_start3A_28, %dma_start3A_29, %dma_start3A_30] : memref<5x8x16x128xf32, #tpu.memory_space<vmem>> -> memref<1x1x16x128xf32, #tpu.memory_space<vmem>>
    %dma_start3A_32 = tpu.memref_squeeze %dma_start3A_31 : memref<1x1x16x128xf32, #tpu.memory_space<vmem>> -> memref<16x128xf32, #tpu.memory_space<vmem>>
    %dma_start3A_33 = arith.constant 0 : i32
    %dma_start3A_34 = tpu.memref_slice %arg2[%dma_start3A_33, %multiple_of3A_26] : memref<16x1000000xf32, #tpu.memory_space<hbm>> -> memref<16x128xf32, #tpu.memory_space<hbm>>
    %dma_start3A_35 = arith.constant 0 : i32
    %dma_start3A_36 = arith.constant 0 : i32
    %dma_start3A_37 = tpu.memref_slice %arg6[%dma_start3A_27, %dma_start3A_28, %dma_start3A_35, %dma_start3A_36] : memref<5x8x16x128xf32, #tpu.memory_space<vmem>> -> memref<1x1x16x128xf32, #tpu.memory_space<vmem>>
    %dma_start3A_38 = tpu.memref_squeeze %dma_start3A_37 : memref<1x1x16x128xf32, #tpu.memory_space<vmem>> -> memref<16x128xf32, #tpu.memory_space<vmem>>
    %dma_start3A_39 = arith.constant 0 : i32
    %dma_start3A_40 = tpu.memref_slice %arg2[%dma_start3A_39, %multiple_of3A_26] : memref<16x1000000xf32, #tpu.memory_space<hbm>> -> memref<16x128xf32, #tpu.memory_space<hbm>>
    tpu.enqueue_dma source(%dma_start3A_40 : memref<16x128xf32, #tpu.memory_space<hbm>>) target(%dma_start3A_38 : memref<16x128xf32, #tpu.memory_space<vmem>>) target_semaphore(%arg8 : memref<!tpu.dma_semaphore, #tpu.memory_space<semaphore_mem>>)
    %slice3A_41 = vector.extract_strided_slice %get3A_3 {offsets = [2], sizes = [1], strides = [1]} : vector<16xi32> to vector<1xi32>
    %squeeze3A_42 = vector.extract %slice3A_41[0] : i32 from vector<1xi32>
    %shift_right_arithmetic3A_43 = arith.constant 7 : i32
    %shift_right_arithmetic3A_44 = arith.shrsi %squeeze3A_42, %shift_right_arithmetic3A_43 : i32
    %mul3A_45 = arith.constant 128 : i32
    %mul3A_46 = arith.muli %shift_right_arithmetic3A_44, %mul3A_45 : i32
    %multiple_of3A_47 = tpu.assume_multiple %mul3A_46, 128 : i32
    %dma_start3A_48 = arith.constant 0 : i32
    %dma_start3A_49 = arith.constant 2 : i32
    %dma_start3A_50 = arith.constant 0 : i32
    %dma_start3A_51 = arith.constant 0 : i32
    %dma_start3A_52 = tpu.memref_slice %arg6[%dma_start3A_48, %dma_start3A_49, %dma_start3A_50, %dma_start3A_51] : memref<5x8x16x128xf32, #tpu.memory_space<vmem>> -> memref<1x1x16x128xf32, #tpu.memory_space<vmem>>
    %dma_start3A_53 = tpu.memref_squeeze %dma_start3A_52 : memref<1x1x16x128xf32, #tpu.memory_space<vmem>> -> memref<16x128xf32, #tpu.memory_space<vmem>>
    %dma_start3A_54 = arith.constant 0 : i32
    %dma_start3A_55 = tpu.memref_slice %arg2[%dma_start3A_54, %multiple_of3A_47] : memref<16x1000000xf32, #tpu.memory_space<hbm>> -> memref<16x128xf32, #tpu.memory_space<hbm>>
    %dma_start3A_56 = arith.constant 0 : i32
    %dma_start3A_57 = arith.constant 0 : i32
    %dma_start3A_58 = tpu.memref_slice %arg6[%dma_start3A_48, %dma_start3A_49, %dma_start3A_56, %dma_start3A_57] : memref<5x8x16x128xf32, #tpu.memory_space<vmem>> -> memref<1x1x16x128xf32, #tpu.memory_space<vmem>>
    %dma_start3A_59 = tpu.memref_squeeze %dma_start3A_58 : memref<1x1x16x128xf32, #tpu.memory_space<vmem>> -> memref<16x128xf32, #tpu.memory_space<vmem>>
    %dma_start3A_60 = arith.constant 0 : i32
    %dma_start3A_61 = tpu.memref_slice %arg2[%dma_start3A_60, %multiple_of3A_47] : memref<16x1000000xf32, #tpu.memory_space<hbm>> -> memref<16x128xf32, #tpu.memory_space<hbm>>
    tpu.enqueue_dma source(%dma_start3A_61 : memref<16x128xf32, #tpu.memory_space<hbm>>) target(%dma_start3A_59 : memref<16x128xf32, #tpu.memory_space<vmem>>) target_semaphore(%arg8 : memref<!tpu.dma_semaphore, #tpu.memory_space<semaphore_mem>>)
    %slice3A_62 = vector.extract_strided_slice %get3A_3 {offsets = [3], sizes = [1], strides = [1]} : vector<16xi32> to vector<1xi32>
    %squeeze3A_63 = vector.extract %slice3A_62[0] : i32 from vector<1xi32>
    %shift_right_arithmetic3A_64 = arith.constant 7 : i32
    %shift_right_arithmetic3A_65 = arith.shrsi %squeeze3A_63, %shift_right_arithmetic3A_64 : i32
    %mul3A_66 = arith.constant 128 : i32
    %mul3A_67 = arith.muli %shift_right_arithmetic3A_65, %mul3A_66 : i32
    %multiple_of3A_68 = tpu.assume_multiple %mul3A_67, 128 : i32
    %dma_start3A_69 = arith.constant 0 : i32
    %dma_start3A_70 = arith.constant 3 : i32
    %dma_start3A_71 = arith.constant 0 : i32
    %dma_start3A_72 = arith.constant 0 : i32
    %dma_start3A_73 = tpu.memref_slice %arg6[%dma_start3A_69, %dma_start3A_70, %dma_start3A_71, %dma_start3A_72] : memref<5x8x16x128xf32, #tpu.memory_space<vmem>> -> memref<1x1x16x128xf32, #tpu.memory_space<vmem>>
    %dma_start3A_74 = tpu.memref_squeeze %dma_start3A_73 : memref<1x1x16x128xf32, #tpu.memory_space<vmem>> -> memref<16x128xf32, #tpu.memory_space<vmem>>
    %dma_start3A_75 = arith.constant 0 : i32
    %dma_start3A_76 = tpu.memref_slice %arg2[%dma_start3A_75, %multiple_of3A_68] : memref<16x1000000xf32, #tpu.memory_space<hbm>> -> memref<16x128xf32, #tpu.memory_space<hbm>>
    %dma_start3A_77 = arith.constant 0 : i32
    %dma_start3A_78 = arith.constant 0 : i32
    %dma_start3A_79 = tpu.memref_slice %arg6[%dma_start3A_69, %dma_start3A_70, %dma_start3A_77, %dma_start3A_78] : memref<5x8x16x128xf32, #tpu.memory_space<vmem>> -> memref<1x1x16x128xf32, #tpu.memory_space<vmem>>
    %dma_start3A_80 = tpu.memref_squeeze %dma_start3A_79 : memref<1x1x16x128xf32, #tpu.memory_space<vmem>> -> memref<16x128xf32, #tpu.memory_space<vmem>>
    %dma_start3A_81 = arith.constant 0 : i32
    %dma_start3A_82 = tpu.memref_slice %arg2[%dma_start3A_81, %multiple_of3A_68] : memref<16x1000000xf32, #tpu.memory_space<hbm>> -> memref<16x128xf32, #tpu.memory_space<hbm>>
    tpu.enqueue_dma source(%dma_start3A_82 : memref<16x128xf32, #tpu.memory_space<hbm>>) target(%dma_start3A_80 : memref<16x128xf32, #tpu.memory_space<vmem>>) target_semaphore(%arg8 : memref<!tpu.dma_semaphore, #tpu.memory_space<semaphore_mem>>)
    %slice3A_83 = vector.extract_strided_slice %get3A_3 {offsets = [4], sizes = [1], strides = [1]} : vector<16xi32> to vector<1xi32>
    %squeeze3A_84 = vector.extract %slice3A_83[0] : i32 from vector<1xi32>
    %shift_right_arithmetic3A_85 = arith.constant 7 : i32
    %shift_right_arithmetic3A_86 = arith.shrsi %squeeze3A_84, %shift_right_arithmetic3A_85 : i32
    %mul3A_87 = arith.constant 128 : i32
    %mul3A_88 = arith.muli %shift_right_arithmetic3A_86, %mul3A_87 : i32
    %multiple_of3A_89 = tpu.assume_multiple %mul3A_88, 128 : i32
    %dma_start3A_90 = arith.constant 0 : i32
    %dma_start3A_91 = arith.constant 4 : i32
    %dma_start3A_92 = arith.constant 0 : i32
    %dma_start3A_93 = arith.constant 0 : i32
    %dma_start3A_94 = tpu.memref_slice %arg6[%dma_start3A_90, %dma_start3A_91, %dma_start3A_92, %dma_start3A_93] : memref<5x8x16x128xf32, #tpu.memory_space<vmem>> -> memref<1x1x16x128xf32, #tpu.memory_space<vmem>>
    %dma_start3A_95 = tpu.memref_squeeze %dma_start3A_94 : memref<1x1x16x128xf32, #tpu.memory_space<vmem>> -> memref<16x128xf32, #tpu.memory_space<vmem>>
    %dma_start3A_96 = arith.constant 0 : i32
    %dma_start3A_97 = tpu.memref_slice %arg2[%dma_start3A_96, %multiple_of3A_89] : memref<16x1000000xf32, #tpu.memory_space<hbm>> -> memref<16x128xf32, #tpu.memory_space<hbm>>
    %dma_start3A_98 = arith.constant 0 : i32
    %dma_start3A_99 = arith.constant 0 : i32
    %dma_start3A_100 = tpu.memref_slice %arg6[%dma_start3A_90, %dma_start3A_91, %dma_start3A_98, %dma_start3A_99] : memref<5x8x16x128xf32, #tpu.memory_space<vmem>> -> memref<1x1x16x128xf32, #tpu.memory_space<vmem>>
    %dma_start3A_101 = tpu.memref_squeeze %dma_start3A_100 : memref<1x1x16x128xf32, #tpu.memory_space<vmem>> -> memref<16x128xf32, #tpu.memory_space<vmem>>
    %dma_start3A_102 = arith.constant 0 : i32
    %dma_start3A_103 = tpu.memref_slice %arg2[%dma_start3A_102, %multiple_of3A_89] : memref<16x1000000xf32, #tpu.memory_space<hbm>> -> memref<16x128xf32, #tpu.memory_space<hbm>>
    tpu.enqueue_dma source(%dma_start3A_103 : memref<16x128xf32, #tpu.memory_space<hbm>>) target(%dma_start3A_101 : memref<16x128xf32, #tpu.memory_space<vmem>>) target_semaphore(%arg8 : memref<!tpu.dma_semaphore, #tpu.memory_space<semaphore_mem>>)
    %slice3A_104 = vector.extract_strided_slice %get3A_3 {offsets = [5], sizes = [1], strides = [1]} : vector<16xi32> to vector<1xi32>
    %squeeze3A_105 = vector.extract %slice3A_104[0] : i32 from vector<1xi32>
    %shift_right_arithmetic3A_106 = arith.constant 7 : i32
    %shift_right_arithmetic3A_107 = arith.shrsi %squeeze3A_105, %shift_right_arithmetic3A_106 : i32
    %mul3A_108 = arith.constant 128 : i32
    %mul3A_109 = arith.muli %shift_right_arithmetic3A_107, %mul3A_108 : i32
    %multiple_of3A_110 = tpu.assume_multiple %mul3A_109, 128 : i32
    %dma_start3A_111 = arith.constant 0 : i32
    %dma_start3A_112 = arith.constant 5 : i32
    %dma_start3A_113 = arith.constant 0 : i32
    %dma_start3A_114 = arith.constant 0 : i32
    %dma_start3A_115 = tpu.memref_slice %arg6[%dma_start3A_111, %dma_start3A_112, %dma_start3A_113, %dma_start3A_114] : memref<5x8x16x128xf32, #tpu.memory_space<vmem>> -> memref<1x1x16x128xf32, #tpu.memory_space<vmem>>
    %dma_start3A_116 = tpu.memref_squeeze %dma_start3A_115 : memref<1x1x16x128xf32, #tpu.memory_space<vmem>> -> memref<16x128xf32, #tpu.memory_space<vmem>>
    %dma_start3A_117 = arith.constant 0 : i32
    %dma_start3A_118 = tpu.memref_slice %arg2[%dma_start3A_117, %multiple_of3A_110] : memref<16x1000000xf32, #tpu.memory_space<hbm>> -> memref<16x128xf32, #tpu.memory_space<hbm>>
    %dma_start3A_119 = arith.constant 0 : i32
    %dma_start3A_120 = arith.constant 0 : i32
    %dma_start3A_121 = tpu.memref_slice %arg6[%dma_start3A_111, %dma_start3A_112, %dma_start3A_119, %dma_start3A_120] : memref<5x8x16x128xf32, #tpu.memory_space<vmem>> -> memref<1x1x16x128xf32, #tpu.memory_space<vmem>>
    %dma_start3A_122 = tpu.memref_squeeze %dma_start3A_121 : memref<1x1x16x128xf32, #tpu.memory_space<vmem>> -> memref<16x128xf32, #tpu.memory_space<vmem>>
    %dma_start3A_123 = arith.constant 0 : i32
    %dma_start3A_124 = tpu.memref_slice %arg2[%dma_start3A_123, %multiple_of3A_110] : memref<16x1000000xf32, #tpu.memory_space<hbm>> -> memref<16x128xf32, #tpu.memory_space<hbm>>
    tpu.enqueue_dma source(%dma_start3A_124 : memref<16x128xf32, #tpu.memory_space<hbm>>) target(%dma_start3A_122 : memref<16x128xf32, #tpu.memory_space<vmem>>) target_semaphore(%arg8 : memref<!tpu.dma_semaphore, #tpu.memory_space<semaphore_mem>>)
    %slice3A_125 = vector.extract_strided_slice %get3A_3 {offsets = [6], sizes = [1], strides = [1]} : vector<16xi32> to vector<1xi32>
    %squeeze3A_126 = vector.extract %slice3A_125[0] : i32 from vector<1xi32>
    %shift_right_arithmetic3A_127 = arith.constant 7 : i32
    %shift_right_arithmetic3A_128 = arith.shrsi %squeeze3A_126, %shift_right_arithmetic3A_127 : i32
    %mul3A_129 = arith.constant 128 : i32
    %mul3A_130 = arith.muli %shift_right_arithmetic3A_128, %mul3A_129 : i32
    %multiple_of3A_131 = tpu.assume_multiple %mul3A_130, 128 : i32
    %dma_start3A_132 = arith.constant 0 : i32
    %dma_start3A_133 = arith.constant 6 : i32
    %dma_start3A_134 = arith.constant 0 : i32
    %dma_start3A_135 = arith.constant 0 : i32
    %dma_start3A_136 = tpu.memref_slice %arg6[%dma_start3A_132, %dma_start3A_133, %dma_start3A_134, %dma_start3A_135] : memref<5x8x16x128xf32, #tpu.memory_space<vmem>> -> memref<1x1x16x128xf32, #tpu.memory_space<vmem>>
    %dma_start3A_137 = tpu.memref_squeeze %dma_start3A_136 : memref<1x1x16x128xf32, #tpu.memory_space<vmem>> -> memref<16x128xf32, #tpu.memory_space<vmem>>
    %dma_start3A_138 = arith.constant 0 : i32
    %dma_start3A_139 = tpu.memref_slice %arg2[%dma_start3A_138, %multiple_of3A_131] : memref<16x1000000xf32, #tpu.memory_space<hbm>> -> memref<16x128xf32, #tpu.memory_space<hbm>>
    %dma_start3A_140 = arith.constant 0 : i32
    %dma_start3A_141 = arith.constant 0 : i32
    %dma_start3A_142 = tpu.memref_slice %arg6[%dma_start3A_132, %dma_start3A_133, %dma_start3A_140, %dma_start3A_141] : memref<5x8x16x128xf32, #tpu.memory_space<vmem>> -> memref<1x1x16x128xf32, #tpu.memory_space<vmem>>
    %dma_start3A_143 = tpu.memref_squeeze %dma_start3A_142 : memref<1x1x16x128xf32, #tpu.memory_space<vmem>> -> memref<16x128xf32, #tpu.memory_space<vmem>>
    %dma_start3A_144 = arith.constant 0 : i32
    %dma_start3A_145 = tpu.memref_slice %arg2[%dma_start3A_144, %multiple_of3A_131] : memref<16x1000000xf32, #tpu.memory_space<hbm>> -> memref<16x128xf32, #tpu.memory_space<hbm>>
    tpu.enqueue_dma source(%dma_start3A_145 : memref<16x128xf32, #tpu.memory_space<hbm>>) target(%dma_start3A_143 : memref<16x128xf32, #tpu.memory_space<vmem>>) target_semaphore(%arg8 : memref<!tpu.dma_semaphore, #tpu.memory_space<semaphore_mem>>)
    %slice3A_146 = vector.extract_strided_slice %get3A_3 {offsets = [7], sizes = [1], strides = [1]} : vector<16xi32> to vector<1xi32>
    %squeeze3A_147 = vector.extract %slice3A_146[0] : i32 from vector<1xi32>
    %shift_right_arithmetic3A_148 = arith.constant 7 : i32
    %shift_right_arithmetic3A_149 = arith.shrsi %squeeze3A_147, %shift_right_arithmetic3A_148 : i32
    %mul3A_150 = arith.constant 128 : i32
    %mul3A_151 = arith.muli %shift_right_arithmetic3A_149, %mul3A_150 : i32
    %multiple_of3A_152 = tpu.assume_multiple %mul3A_151, 128 : i32
    %dma_start3A_153 = arith.constant 0 : i32
    %dma_start3A_154 = arith.constant 7 : i32
    %dma_start3A_155 = arith.constant 0 : i32
    %dma_start3A_156 = arith.constant 0 : i32
    %dma_start3A_157 = tpu.memref_slice %arg6[%dma_start3A_153, %dma_start3A_154, %dma_start3A_155, %dma_start3A_156] : memref<5x8x16x128xf32, #tpu.memory_space<vmem>> -> memref<1x1x16x128xf32, #tpu.memory_space<vmem>>
    %dma_start3A_158 = tpu.memref_squeeze %dma_start3A_157 : memref<1x1x16x128xf32, #tpu.memory_space<vmem>> -> memref<16x128xf32, #tpu.memory_space<vmem>>
    %dma_start3A_159 = arith.constant 0 : i32
    %dma_start3A_160 = tpu.memref_slice %arg2[%dma_start3A_159, %multiple_of3A_152] : memref<16x1000000xf32, #tpu.memory_space<hbm>> -> memref<16x128xf32, #tpu.memory_space<hbm>>
    %dma_start3A_161 = arith.constant 0 : i32
    %dma_start3A_162 = arith.constant 0 : i32
    %dma_start3A_163 = tpu.memref_slice %arg6[%dma_start3A_153, %dma_start3A_154, %dma_start3A_161, %dma_start3A_162] : memref<5x8x16x128xf32, #tpu.memory_space<vmem>> -> memref<1x1x16x128xf32, #tpu.memory_space<vmem>>
    %dma_start3A_164 = tpu.memref_squeeze %dma_start3A_163 : memref<1x1x16x128xf32, #tpu.memory_space<vmem>> -> memref<16x128xf32, #tpu.memory_space<vmem>>
    %dma_start3A_165 = arith.constant 0 : i32
    %dma_start3A_166 = tpu.memref_slice %arg2[%dma_start3A_165, %multiple_of3A_152] : memref<16x1000000xf32, #tpu.memory_space<hbm>> -> memref<16x128xf32, #tpu.memory_space<hbm>>
    tpu.enqueue_dma source(%dma_start3A_166 : memref<16x128xf32, #tpu.memory_space<hbm>>) target(%dma_start3A_164 : memref<16x128xf32, #tpu.memory_space<vmem>>) target_semaphore(%arg8 : memref<!tpu.dma_semaphore, #tpu.memory_space<semaphore_mem>>)
    %get3A_167 = arith.constant 8 : index
    %get3A_168 = tpu.vector_load %arg5[%get3A_167] {strides = array<i32>} : memref<528xi32, #tpu.memory_space<vmem>>, vector<16xi32>,
    %slice3A_169 = vector.extract_strided_slice %get3A_168 {offsets = [0], sizes = [1], strides = [1]} : vector<16xi32> to vector<1xi32>
    %squeeze3A_170 = vector.extract %slice3A_169[0] : i32 from vector<1xi32>
    %shift_right_arithmetic3A_171 = arith.constant 7 : i32
    %shift_right_arithmetic3A_172 = arith.shrsi %squeeze3A_170, %shift_right_arithmetic3A_171 : i32
    %mul3A_173 = arith.constant 128 : i32
    %mul3A_174 = arith.muli %shift_right_arithmetic3A_172, %mul3A_173 : i32
    %multiple_of3A_175 = tpu.assume_multiple %mul3A_174, 128 : i32
    %dma_start3A_176 = arith.constant 1 : i32
    %dma_start3A_177 = arith.constant 0 : i32
    %dma_start3A_178 = arith.constant 0 : i32
    %dma_start3A_179 = arith.constant 0 : i32
    %dma_start3A_180 = tpu.memref_slice %arg6[%dma_start3A_176, %dma_start3A_177, %dma_start3A_178, %dma_start3A_179] : memref<5x8x16x128xf32, #tpu.memory_space<vmem>> -> memref<1x1x16x128xf32, #tpu.memory_space<vmem>>
    %dma_start3A_181 = tpu.memref_squeeze %dma_start3A_180 : memref<1x1x16x128xf32, #tpu.memory_space<vmem>> -> memref<16x128xf32, #tpu.memory_space<vmem>>
    %dma_start3A_182 = arith.constant 0 : i32
    %dma_start3A_183 = tpu.memref_slice %arg2[%dma_start3A_182, %multiple_of3A_175] : memref<16x1000000xf32, #tpu.memory_space<hbm>> -> memref<16x128xf32, #tpu.memory_space<hbm>>
    %dma_start3A_184 = arith.constant 0 : i32
    %dma_start3A_185 = arith.constant 0 : i32
    %dma_start3A_186 = tpu.memref_slice %arg6[%dma_start3A_176, %dma_start3A_177, %dma_start3A_184, %dma_start3A_185] : memref<5x8x16x128xf32, #tpu.memory_space<vmem>> -> memref<1x1x16x128xf32, #tpu.memory_space<vmem>>
    %dma_start3A_187 = tpu.memref_squeeze %dma_start3A_186 : memref<1x1x16x128xf32, #tpu.memory_space<vmem>> -> memref<16x128xf32, #tpu.memory_space<vmem>>
    %dma_start3A_188 = arith.constant 0 : i32
    %dma_start3A_189 = tpu.memref_slice %arg2[%dma_start3A_188, %multiple_of3A_175] : memref<16x1000000xf32, #tpu.memory_space<hbm>> -> memref<16x128xf32, #tpu.memory_space<hbm>>
    tpu.enqueue_dma source(%dma_start3A_189 : memref<16x128xf32, #tpu.memory_space<hbm>>) target(%dma_start3A_187 : memref<16x128xf32, #tpu.memory_space<vmem>>) target_semaphore(%arg9 : memref<!tpu.dma_semaphore, #tpu.memory_space<semaphore_mem>>)
    %slice3A_190 = vector.extract_strided_slice %get3A_168 {offsets = [1], sizes = [1], strides = [1]} : vector<16xi32> to vector<1xi32>
    %squeeze3A_191 = vector.extract %slice3A_190[0] : i32 from vector<1xi32>
    %shift_right_arithmetic3A_192 = arith.constant 7 : i32
    %shift_right_arithmetic3A_193 = arith.shrsi %squeeze3A_191, %shift_right_arithmetic3A_192 : i32
    %mul3A_194 = arith.constant 128 : i32
    %mul3A_195 = arith.muli %shift_right_arithmetic3A_193, %mul3A_194 : i32
    %multiple_of3A_196 = tpu.assume_multiple %mul3A_195, 128 : i32
    %dma_start3A_197 = arith.constant 1 : i32
    %dma_start3A_198 = arith.constant 1 : i32
    %dma_start3A_199 = arith.constant 0 : i32
    %dma_start3A_200 = arith.constant 0 : i32
    %dma_start3A_201 = tpu.memref_slice %arg6[%dma_start3A_197, %dma_start3A_198, %dma_start3A_199, %dma_start3A_200] : memref<5x8x16x128xf32, #tpu.memory_space<vmem>> -> memref<1x1x16x128xf32, #tpu.memory_space<vmem>>
    %dma_start3A_202 = tpu.memref_squeeze %dma_start3A_201 : memref<1x1x16x128xf32, #tpu.memory_space<vmem>> -> memref<16x128xf32, #tpu.memory_space<vmem>>
    %dma_start3A_203 = arith.constant 0 : i32
    %dma_start3A_204 = tpu.memref_slice %arg2[%dma_start3A_203, %multiple_of3A_196] : memref<16x1000000xf32, #tpu.memory_space<hbm>> -> memref<16x128xf32, #tpu.memory_space<hbm>>
    %dma_start3A_205 = arith.constant 0 : i32
    %dma_start3A_206 = arith.constant 0 : i32
    %dma_start3A_207 = tpu.memref_slice %arg6[%dma_start3A_197, %dma_start3A_198, %dma_start3A_205, %dma_start3A_206] : memref<5x8x16x128xf32, #tpu.memory_space<vmem>> -> memref<1x1x16x128xf32, #tpu.memory_space<vmem>>
    %dma_start3A_208 = tpu.memref_squeeze %dma_start3A_207 : memref<1x1x16x128xf32, #tpu.memory_space<vmem>> -> memref<16x128xf32, #tpu.memory_space<vmem>>
    %dma_start3A_209 = arith.constant 0 : i32
    %dma_start3A_210 = tpu.memref_slice %arg2[%dma_start3A_209, %multiple_of3A_196] : memref<16x1000000xf32, #tpu.memory_space<hbm>> -> memref<16x128xf32, #tpu.memory_space<hbm>>
    tpu.enqueue_dma source(%dma_start3A_210 : memref<16x128xf32, #tpu.memory_space<hbm>>) target(%dma_start3A_208 : memref<16x128xf32, #tpu.memory_space<vmem>>) target_semaphore(%arg9 : memref<!tpu.dma_semaphore, #tpu.memory_space<semaphore_mem>>)
    %slice3A_211 = vector.extract_strided_slice %get3A_168 {offsets = [2], sizes = [1], strides = [1]} : vector<16xi32> to vector<1xi32>
    %squeeze3A_212 = vector.extract %slice3A_211[0] : i32 from vector<1xi32>
    %shift_right_arithmetic3A_213 = arith.constant 7 : i32
    %shift_right_arithmetic3A_214 = arith.shrsi %squeeze3A_212, %shift_right_arithmetic3A_213 : i32
    %mul3A_215 = arith.constant 128 : i32
    %mul3A_216 = arith.muli %shift_right_arithmetic3A_214, %mul3A_215 : i32
    %multiple_of3A_217 = tpu.assume_multiple %mul3A_216, 128 : i32
    %dma_start3A_218 = arith.constant 1 : i32
    %dma_start3A_219 = arith.constant 2 : i32
    %dma_start3A_220 = arith.constant 0 : i32
    %dma_start3A_221 = arith.constant 0 : i32
    %dma_start3A_222 = tpu.memref_slice %arg6[%dma_start3A_218, %dma_start3A_219, %dma_start3A_220, %dma_start3A_221] : memref<5x8x16x128xf32, #tpu.memory_space<vmem>> -> memref<1x1x16x128xf32, #tpu.memory_space<vmem>>
    %dma_start3A_223 = tpu.memref_squeeze %dma_start3A_222 : memref<1x1x16x128xf32, #tpu.memory_space<vmem>> -> memref<16x128xf32, #tpu.memory_space<vmem>>
    %dma_start3A_224 = arith.constant 0 : i32
    %dma_start3A_225 = tpu.memref_slice %arg2[%dma_start3A_224, %multiple_of3A_217] : memref<16x1000000xf32, #tpu.memory_space<hbm>> -> memref<16x128xf32, #tpu.memory_space<hbm>>
    %dma_start3A_226 = arith.constant 0 : i32
    %dma_start3A_227 = arith.constant 0 : i32
    %dma_start3A_228 = tpu.memref_slice %arg6[%dma_start3A_218, %dma_start3A_219, %dma_start3A_226, %dma_start3A_227] : memref<5x8x16x128xf32, #tpu.memory_space<vmem>> -> memref<1x1x16x128xf32, #tpu.memory_space<vmem>>
    %dma_start3A_229 = tpu.memref_squeeze %dma_start3A_228 : memref<1x1x16x128xf32, #tpu.memory_space<vmem>> -> memref<16x128xf32, #tpu.memory_space<vmem>>
    %dma_start3A_230 = arith.constant 0 : i32
    %dma_start3A_231 = tpu.memref_slice %arg2[%dma_start3A_230, %multiple_of3A_217] : memref<16x1000000xf32, #tpu.memory_space<hbm>> -> memref<16x128xf32, #tpu.memory_space<hbm>>
    tpu.enqueue_dma source(%dma_start3A_231 : memref<16x128xf32, #tpu.memory_space<hbm>>) target(%dma_start3A_229 : memref<16x128xf32, #tpu.memory_space<vmem>>) target_semaphore(%arg9 : memref<!tpu.dma_semaphore, #tpu.memory_space<semaphore_mem>>)
    %slice3A_232 = vector.extract_strided_slice %get3A_168 {offsets = [3], sizes = [1], strides = [1]} : vector<16xi32> to vector<1xi32>
    %squeeze3A_233 = vector.extract %slice3A_232[0] : i32 from vector<1xi32>
    %shift_right_arithmetic3A_234 = arith.constant 7 : i32
    %shift_right_arithmetic3A_235 = arith.shrsi %squeeze3A_233, %shift_right_arithmetic3A_234 : i32
    %mul3A_236 = arith.constant 128 : i32
    %mul3A_237 = arith.muli %shift_right_arithmetic3A_235, %mul3A_236 : i32
    %multiple_of3A_238 = tpu.assume_multiple %mul3A_237, 128 : i32
    %dma_start3A_239 = arith.constant 1 : i32
    %dma_start3A_240 = arith.constant 3 : i32
    %dma_start3A_241 = arith.constant 0 : i32
    %dma_start3A_242 = arith.constant 0 : i32
    %dma_start3A_243 = tpu.memref_slice %arg6[%dma_start3A_239, %dma_start3A_240, %dma_start3A_241, %dma_start3A_242] : memref<5x8x16x128xf32, #tpu.memory_space<vmem>> -> memref<1x1x16x128xf32, #tpu.memory_space<vmem>>
    %dma_start3A_244 = tpu.memref_squeeze %dma_start3A_243 : memref<1x1x16x128xf32, #tpu.memory_space<vmem>> -> memref<16x128xf32, #tpu.memory_space<vmem>>
    %dma_start3A_245 = arith.constant 0 : i32
    %dma_start3A_246 = tpu.memref_slice %arg2[%dma_start3A_245, %multiple_of3A_238] : memref<16x1000000xf32, #tpu.memory_space<hbm>> -> memref<16x128xf32, #tpu.memory_space<hbm>>
    %dma_start3A_247 = arith.constant 0 : i32
    %dma_start3A_248 = arith.constant 0 : i32
    %dma_start3A_249 = tpu.memref_slice %arg6[%dma_start3A_239, %dma_start3A_240, %dma_start3A_247, %dma_start3A_248] : memref<5x8x16x128xf32, #tpu.memory_space<vmem>> -> memref<1x1x16x128xf32, #tpu.memory_space<vmem>>
    %dma_start3A_250 = tpu.memref_squeeze %dma_start3A_249 : memref<1x1x16x128xf32, #tpu.memory_space<vmem>> -> memref<16x128xf32, #tpu.memory_space<vmem>>
    %dma_start3A_251 = arith.constant 0 : i32
    %dma_start3A_252 = tpu.memref_slice %arg2[%dma_start3A_251, %multiple_of3A_238] : memref<16x1000000xf32, #tpu.memory_space<hbm>> -> memref<16x128xf32, #tpu.memory_space<hbm>>
    tpu.enqueue_dma source(%dma_start3A_252 : memref<16x128xf32, #tpu.memory_space<hbm>>) target(%dma_start3A_250 : memref<16x128xf32, #tpu.memory_space<vmem>>) target_semaphore(%arg9 : memref<!tpu.dma_semaphore, #tpu.memory_space<semaphore_mem>>)
    %slice3A_253 = vector.extract_strided_slice %get3A_168 {offsets = [4], sizes = [1], strides = [1]} : vector<16xi32> to vector<1xi32>
    %squeeze3A_254 = vector.extract %slice3A_253[0] : i32 from vector<1xi32>
    %shift_right_arithmetic3A_255 = arith.constant 7 : i32
    %shift_right_arithmetic3A_256 = arith.shrsi %squeeze3A_254, %shift_right_arithmetic3A_255 : i32
    %mul3A_257 = arith.constant 128 : i32
    %mul3A_258 = arith.muli %shift_right_arithmetic3A_256, %mul3A_257 : i32
    %multiple_of3A_259 = tpu.assume_multiple %mul3A_258, 128 : i32
    %dma_start3A_260 = arith.constant 1 : i32
    %dma_start3A_261 = arith.constant 4 : i32
    %dma_start3A_262 = arith.constant 0 : i32
    %dma_start3A_263 = arith.constant 0 : i32
    %dma_start3A_264 = tpu.memref_slice %arg6[%dma_start3A_260, %dma_start3A_261, %dma_start3A_262, %dma_start3A_263] : memref<5x8x16x128xf32, #tpu.memory_space<vmem>> -> memref<1x1x16x128xf32, #tpu.memory_space<vmem>>
    %dma_start3A_265 = tpu.memref_squeeze %dma_start3A_264 : memref<1x1x16x128xf32, #tpu.memory_space<vmem>> -> memref<16x128xf32, #tpu.memory_space<vmem>>
    %dma_start3A_266 = arith.constant 0 : i32
    %dma_start3A_267 = tpu.memref_slice %arg2[%dma_start3A_266, %multiple_of3A_259] : memref<16x1000000xf32, #tpu.memory_space<hbm>> -> memref<16x128xf32, #tpu.memory_space<hbm>>
    %dma_start3A_268 = arith.constant 0 : i32
    %dma_start3A_269 = arith.constant 0 : i32
    %dma_start3A_270 = tpu.memref_slice %arg6[%dma_start3A_260, %dma_start3A_261, %dma_start3A_268, %dma_start3A_269] : memref<5x8x16x128xf32, #tpu.memory_space<vmem>> -> memref<1x1x16x128xf32, #tpu.memory_space<vmem>>
    %dma_start3A_271 = tpu.memref_squeeze %dma_start3A_270 : memref<1x1x16x128xf32, #tpu.memory_space<vmem>> -> memref<16x128xf32, #tpu.memory_space<vmem>>
    %dma_start3A_272 = arith.constant 0 : i32
    %dma_start3A_273 = tpu.memref_slice %arg2[%dma_start3A_272, %multiple_of3A_259] : memref<16x1000000xf32, #tpu.memory_space<hbm>> -> memref<16x128xf32, #tpu.memory_space<hbm>>
    tpu.enqueue_dma source(%dma_start3A_273 : memref<16x128xf32, #tpu.memory_space<hbm>>) target(%dma_start3A_271 : memref<16x128xf32, #tpu.memory_space<vmem>>) target_semaphore(%arg9 : memref<!tpu.dma_semaphore, #tpu.memory_space<semaphore_mem>>)
    %slice3A_274 = vector.extract_strided_slice %get3A_168 {offsets = [5], sizes = [1], strides = [1]} : vector<16xi32> to vector<1xi32>
    %squeeze3A_275 = vector.extract %slice3A_274[0] : i32 from vector<1xi32>
    %shift_right_arithmetic3A_276 = arith.constant 7 : i32
    %shift_right_arithmetic3A_277 = arith.shrsi %squeeze3A_275, %shift_right_arithmetic3A_276 : i32
    %mul3A_278 = arith.constant 128 : i32
    %mul3A_279 = arith.muli %shift_right_arithmetic3A_277, %mul3A_278 : i32
    %multiple_of3A_280 = tpu.assume_multiple %mul3A_279, 128 : i32
    %dma_start3A_281 = arith.constant 1 : i32
    %dma_start3A_282 = arith.constant 5 : i32
    %dma_start3A_283 = arith.constant 0 : i32
    %dma_start3A_284 = arith.constant 0 : i32
    %dma_start3A_285 = tpu.memref_slice %arg6[%dma_start3A_281, %dma_start3A_282, %dma_start3A_283, %dma_start3A_284] : memref<5x8x16x128xf32, #tpu.memory_space<vmem>> -> memref<1x1x16x128xf32, #tpu.memory_space<vmem>>
    %dma_start3A_286 = tpu.memref_squeeze %dma_start3A_285 : memref<1x1x16x128xf32, #tpu.memory_space<vmem>> -> memref<16x128xf32, #tpu.memory_space<vmem>>
    %dma_start3A_287 = arith.constant 0 : i32
    %dma_start3A_288 = tpu.memref_slice %arg2[%dma_start3A_287, %multiple_of3A_280] : memref<16x1000000xf32, #tpu.memory_space<hbm>> -> memref<16x128xf32, #tpu.memory_space<hbm>>
    %dma_start3A_289 = arith.constant 0 : i32
    %dma_start3A_290 = arith.constant 0 : i32
    %dma_start3A_291 = tpu.memref_slice %arg6[%dma_start3A_281, %dma_start3A_282, %dma_start3A_289, %dma_start3A_290] : memref<5x8x16x128xf32, #tpu.memory_space<vmem>> -> memref<1x1x16x128xf32, #tpu.memory_space<vmem>>
    %dma_start3A_292 = tpu.memref_squeeze %dma_start3A_291 : memref<1x1x16x128xf32, #tpu.memory_space<vmem>> -> memref<16x128xf32, #tpu.memory_space<vmem>>
    %dma_start3A_293 = arith.constant 0 : i32
    %dma_start3A_294 = tpu.memref_slice %arg2[%dma_start3A_293, %multiple_of3A_280] : memref<16x1000000xf32, #tpu.memory_space<hbm>> -> memref<16x128xf32, #tpu.memory_space<hbm>>
    tpu.enqueue_dma source(%dma_start3A_294 : memref<16x128xf32, #tpu.memory_space<hbm>>) target(%dma_start3A_292 : memref<16x128xf32, #tpu.memory_space<vmem>>) target_semaphore(%arg9 : memref<!tpu.dma_semaphore, #tpu.memory_space<semaphore_mem>>)
    %slice3A_295 = vector.extract_strided_slice %get3A_168 {offsets = [6], sizes = [1], strides = [1]} : vector<16xi32> to vector<1xi32>
    %squeeze3A_296 = vector.extract %slice3A_295[0] : i32 from vector<1xi32>
    %shift_right_arithmetic3A_297 = arith.constant 7 : i32
    %shift_right_arithmetic3A_298 = arith.shrsi %squeeze3A_296, %shift_right_arithmetic3A_297 : i32
    %mul3A_299 = arith.constant 128 : i32
    %mul3A_300 = arith.muli %shift_right_arithmetic3A_298, %mul3A_299 : i32
    %multiple_of3A_301 = tpu.assume_multiple %mul3A_300, 128 : i32
    %dma_start3A_302 = arith.constant 1 : i32
    %dma_start3A_303 = arith.constant 6 : i32
    %dma_start3A_304 = arith.constant 0 : i32
    %dma_start3A_305 = arith.constant 0 : i32
    %dma_start3A_306 = tpu.memref_slice %arg6[%dma_start3A_302, %dma_start3A_303, %dma_start3A_304, %dma_start3A_305] : memref<5x8x16x128xf32, #tpu.memory_space<vmem>> -> memref<1x1x16x128xf32, #tpu.memory_space<vmem>>
    %dma_start3A_307 = tpu.memref_squeeze %dma_start3A_306 : memref<1x1x16x128xf32, #tpu.memory_space<vmem>> -> memref<16x128xf32, #tpu.memory_space<vmem>>
    %dma_start3A_308 = arith.constant 0 : i32
    %dma_start3A_309 = tpu.memref_slice %arg2[%dma_start3A_308, %multiple_of3A_301] : memref<16x1000000xf32, #tpu.memory_space<hbm>> -> memref<16x128xf32, #tpu.memory_space<hbm>>
    %dma_start3A_310 = arith.constant 0 : i32
    %dma_start3A_311 = arith.constant 0 : i32
    %dma_start3A_312 = tpu.memref_slice %arg6[%dma_start3A_302, %dma_start3A_303, %dma_start3A_310, %dma_start3A_311] : memref<5x8x16x128xf32, #tpu.memory_space<vmem>> -> memref<1x1x16x128xf32, #tpu.memory_space<vmem>>
    %dma_start3A_313 = tpu.memref_squeeze %dma_start3A_312 : memref<1x1x16x128xf32, #tpu.memory_space<vmem>> -> memref<16x128xf32, #tpu.memory_space<vmem>>
    %dma_start3A_314 = arith.constant 0 : i32
    %dma_start3A_315 = tpu.memref_slice %arg2[%dma_start3A_314, %multiple_of3A_301] : memref<16x1000000xf32, #tpu.memory_space<hbm>> -> memref<16x128xf32, #tpu.memory_space<hbm>>
    tpu.enqueue_dma source(%dma_start3A_315 : memref<16x128xf32, #tpu.memory_space<hbm>>) target(%dma_start3A_313 : memref<16x128xf32, #tpu.memory_space<vmem>>) target_semaphore(%arg9 : memref<!tpu.dma_semaphore, #tpu.memory_space<semaphore_mem>>)
    %slice3A_316 = vector.extract_strided_slice %get3A_168 {offsets = [7], sizes = [1], strides = [1]} : vector<16xi32> to vector<1xi32>
    %squeeze3A_317 = vector.extract %slice3A_316[0] : i32 from vector<1xi32>
    %shift_right_arithmetic3A_318 = arith.constant 7 : i32
    %shift_right_arithmetic3A_319 = arith.shrsi %squeeze3A_317, %shift_right_arithmetic3A_318 : i32
    %mul3A_320 = arith.constant 128 : i32
    %mul3A_321 = arith.muli %shift_right_arithmetic3A_319, %mul3A_320 : i32
    %multiple_of3A_322 = tpu.assume_multiple %mul3A_321, 128 : i32
    %dma_start3A_323 = arith.constant 1 : i32
    %dma_start3A_324 = arith.constant 7 : i32
    %dma_start3A_325 = arith.constant 0 : i32
    %dma_start3A_326 = arith.constant 0 : i32
    %dma_start3A_327 = tpu.memref_slice %arg6[%dma_start3A_323, %dma_start3A_324, %dma_start3A_325, %dma_start3A_326] : memref<5x8x16x128xf32, #tpu.memory_space<vmem>> -> memref<1x1x16x128xf32, #tpu.memory_space<vmem>>
    %dma_start3A_328 = tpu.memref_squeeze %dma_start3A_327 : memref<1x1x16x128xf32, #tpu.memory_space<vmem>> -> memref<16x128xf32, #tpu.memory_space<vmem>>
    %dma_start3A_329 = arith.constant 0 : i32
    %dma_start3A_330 = tpu.memref_slice %arg2[%dma_start3A_329, %multiple_of3A_322] : memref<16x1000000xf32, #tpu.memory_space<hbm>> -> memref<16x128xf32, #tpu.memory_space<hbm>>
    %dma_start3A_331 = arith.constant 0 : i32
    %dma_start3A_332 = arith.constant 0 : i32
    %dma_start3A_333 = tpu.memref_slice %arg6[%dma_start3A_323, %dma_start3A_324, %dma_start3A_331, %dma_start3A_332] : memref<5x8x16x128xf32, #tpu.memory_space<vmem>> -> memref<1x1x16x128xf32, #tpu.memory_space<vmem>>
    %dma_start3A_334 = tpu.memref_squeeze %dma_start3A_333 : memref<1x1x16x128xf32, #tpu.memory_space<vmem>> -> memref<16x128xf32, #tpu.memory_space<vmem>>
    %dma_start3A_335 = arith.constant 0 : i32
    %dma_start3A_336 = tpu.memref_slice %arg2[%dma_start3A_335, %multiple_of3A_322] : memref<16x1000000xf32, #tpu.memory_space<hbm>> -> memref<16x128xf32, #tpu.memory_space<hbm>>
    tpu.enqueue_dma source(%dma_start3A_336 : memref<16x128xf32, #tpu.memory_space<hbm>>) target(%dma_start3A_334 : memref<16x128xf32, #tpu.memory_space<vmem>>) target_semaphore(%arg9 : memref<!tpu.dma_semaphore, #tpu.memory_space<semaphore_mem>>)
    %get3A_337 = arith.constant 16 : index
    %get3A_338 = tpu.vector_load %arg5[%get3A_337] {strides = array<i32>} : memref<528xi32, #tpu.memory_space<vmem>>, vector<16xi32>,
    %slice3A_339 = vector.extract_strided_slice %get3A_338 {offsets = [0], sizes = [1], strides = [1]} : vector<16xi32> to vector<1xi32>
    %squeeze3A_340 = vector.extract %slice3A_339[0] : i32 from vector<1xi32>
    %shift_right_arithmetic3A_341 = arith.constant 7 : i32
    %shift_right_arithmetic3A_342 = arith.shrsi %squeeze3A_340, %shift_right_arithmetic3A_341 : i32
    %mul3A_343 = arith.constant 128 : i32
    %mul3A_344 = arith.muli %shift_right_arithmetic3A_342, %mul3A_343 : i32
    %multiple_of3A_345 = tpu.assume_multiple %mul3A_344, 128 : i32
    %dma_start3A_346 = arith.constant 2 : i32
    %dma_start3A_347 = arith.constant 0 : i32
    %dma_start3A_348 = arith.constant 0 : i32
    %dma_start3A_349 = arith.constant 0 : i32
    %dma_start3A_350 = tpu.memref_slice %arg6[%dma_start3A_346, %dma_start3A_347, %dma_start3A_348, %dma_start3A_349] : memref<5x8x16x128xf32, #tpu.memory_space<vmem>> -> memref<1x1x16x128xf32, #tpu.memory_space<vmem>>
    %dma_start3A_351 = tpu.memref_squeeze %dma_start3A_350 : memref<1x1x16x128xf32, #tpu.memory_space<vmem>> -> memref<16x128xf32, #tpu.memory_space<vmem>>
    %dma_start3A_352 = arith.constant 0 : i32
    %dma_start3A_353 = tpu.memref_slice %arg2[%dma_start3A_352, %multiple_of3A_345] : memref<16x1000000xf32, #tpu.memory_space<hbm>> -> memref<16x128xf32, #tpu.memory_space<hbm>>
    %dma_start3A_354 = arith.constant 0 : i32
    %dma_start3A_355 = arith.constant 0 : i32
    %dma_start3A_356 = tpu.memref_slice %arg6[%dma_start3A_346, %dma_start3A_347, %dma_start3A_354, %dma_start3A_355] : memref<5x8x16x128xf32, #tpu.memory_space<vmem>> -> memref<1x1x16x128xf32, #tpu.memory_space<vmem>>
    %dma_start3A_357 = tpu.memref_squeeze %dma_start3A_356 : memref<1x1x16x128xf32, #tpu.memory_space<vmem>> -> memref<16x128xf32, #tpu.memory_space<vmem>>
    %dma_start3A_358 = arith.constant 0 : i32
    %dma_start3A_359 = tpu.memref_slice %arg2[%dma_start3A_358, %multiple_of3A_345] : memref<16x1000000xf32, #tpu.memory_space<hbm>> -> memref<16x128xf32, #tpu.memory_space<hbm>>
    tpu.enqueue_dma source(%dma_start3A_359 : memref<16x128xf32, #tpu.memory_space<hbm>>) target(%dma_start3A_357 : memref<16x128xf32, #tpu.memory_space<vmem>>) target_semaphore(%arg10 : memref<!tpu.dma_semaphore, #tpu.memory_space<semaphore_mem>>)
    %slice3A_360 = vector.extract_strided_slice %get3A_338 {offsets = [1], sizes = [1], strides = [1]} : vector<16xi32> to vector<1xi32>
    %squeeze3A_361 = vector.extract %slice3A_360[0] : i32 from vector<1xi32>
    %shift_right_arithmetic3A_362 = arith.constant 7 : i32
    %shift_right_arithmetic3A_363 = arith.shrsi %squeeze3A_361, %shift_right_arithmetic3A_362 : i32
    %mul3A_364 = arith.constant 128 : i32
    %mul3A_365 = arith.muli %shift_right_arithmetic3A_363, %mul3A_364 : i32
    %multiple_of3A_366 = tpu.assume_multiple %mul3A_365, 128 : i32
    %dma_start3A_367 = arith.constant 2 : i32
    %dma_start3A_368 = arith.constant 1 : i32
    %dma_start3A_369 = arith.constant 0 : i32
    %dma_start3A_370 = arith.constant 0 : i32
    %dma_start3A_371 = tpu.memref_slice %arg6[%dma_start3A_367, %dma_start3A_368, %dma_start3A_369, %dma_start3A_370] : memref<5x8x16x128xf32, #tpu.memory_space<vmem>> -> memref<1x1x16x128xf32, #tpu.memory_space<vmem>>
    %dma_start3A_372 = tpu.memref_squeeze %dma_start3A_371 : memref<1x1x16x128xf32, #tpu.memory_space<vmem>> -> memref<16x128xf32, #tpu.memory_space<vmem>>
    %dma_start3A_373 = arith.constant 0 : i32
    %dma_start3A_374 = tpu.memref_slice %arg2[%dma_start3A_373, %multiple_of3A_366] : memref<16x1000000xf32, #tpu.memory_space<hbm>> -> memref<16x128xf32, #tpu.memory_space<hbm>>
    %dma_start3A_375 = arith.constant 0 : i32
    %dma_start3A_376 = arith.constant 0 : i32
    %dma_start3A_377 = tpu.memref_slice %arg6[%dma_start3A_367, %dma_start3A_368, %dma_start3A_375, %dma_start3A_376] : memref<5x8x16x128xf32, #tpu.memory_space<vmem>> -> memref<1x1x16x128xf32, #tpu.memory_space<vmem>>
    %dma_start3A_378 = tpu.memref_squeeze %dma_start3A_377 : memref<1x1x16x128xf32, #tpu.memory_space<vmem>> -> memref<16x128xf32, #tpu.memory_space<vmem>>
    %dma_start3A_379 = arith.constant 0 : i32
    %dma_start3A_380 = tpu.memref_slice %arg2[%dma_start3A_379, %multiple_of3A_366] : memref<16x1000000xf32, #tpu.memory_space<hbm>> -> memref<16x128xf32, #tpu.memory_space<hbm>>
    tpu.enqueue_dma source(%dma_start3A_380 : memref<16x128xf32, #tpu.memory_space<hbm>>) target(%dma_start3A_378 : memref<16x128xf32, #tpu.memory_space<vmem>>) target_semaphore(%arg10 : memref<!tpu.dma_semaphore, #tpu.memory_space<semaphore_mem>>)
    %slice3A_381 = vector.extract_strided_slice %get3A_338 {offsets = [2], sizes = [1], strides = [1]} : vector<16xi32> to vector<1xi32>
    %squeeze3A_382 = vector.extract %slice3A_381[0] : i32 from vector<1xi32>
    %shift_right_arithmetic3A_383 = arith.constant 7 : i32
    %shift_right_arithmetic3A_384 = arith.shrsi %squeeze3A_382, %shift_right_arithmetic3A_383 : i32
    %mul3A_385 = arith.constant 128 : i32
    %mul3A_386 = arith.muli %shift_right_arithmetic3A_384, %mul3A_385 : i32
    %multiple_of3A_387 = tpu.assume_multiple %mul3A_386, 128 : i32
    %dma_start3A_388 = arith.constant 2 : i32
    %dma_start3A_389 = arith.constant 2 : i32
    %dma_start3A_390 = arith.constant 0 : i32
    %dma_start3A_391 = arith.constant 0 : i32
    %dma_start3A_392 = tpu.memref_slice %arg6[%dma_start3A_388, %dma_start3A_389, %dma_start3A_390, %dma_start3A_391] : memref<5x8x16x128xf32, #tpu.memory_space<vmem>> -> memref<1x1x16x128xf32, #tpu.memory_space<vmem>>
    %dma_start3A_393 = tpu.memref_squeeze %dma_start3A_392 : memref<1x1x16x128xf32, #tpu.memory_space<vmem>> -> memref<16x128xf32, #tpu.memory_space<vmem>>
    %dma_start3A_394 = arith.constant 0 : i32
    %dma_start3A_395 = tpu.memref_slice %arg2[%dma_start3A_394, %multiple_of3A_387] : memref<16x1000000xf32, #tpu.memory_space<hbm>> -> memref<16x128xf32, #tpu.memory_space<hbm>>
    %dma_start3A_396 = arith.constant 0 : i32
    %dma_start3A_397 = arith.constant 0 : i32
    %dma_start3A_398 = tpu.memref_slice %arg6[%dma_start3A_388, %dma_start3A_389, %dma_start3A_396, %dma_start3A_397] : memref<5x8x16x128xf32, #tpu.memory_space<vmem>> -> memref<1x1x16x128xf32, #tpu.memory_space<vmem>>
    %dma_start3A_399 = tpu.memref_squeeze %dma_start3A_398 : memref<1x1x16x128xf32, #tpu.memory_space<vmem>> -> memref<16x128xf32, #tpu.memory_space<vmem>>
    %dma_start3A_400 = arith.constant 0 : i32
    %dma_start3A_401 = tpu.memref_slice %arg2[%dma_start3A_400, %multiple_of3A_387] : memref<16x1000000xf32, #tpu.memory_space<hbm>> -> memref<16x128xf32, #tpu.memory_space<hbm>>
    tpu.enqueue_dma source(%dma_start3A_401 : memref<16x128xf32, #tpu.memory_space<hbm>>) target(%dma_start3A_399 : memref<16x128xf32, #tpu.memory_space<vmem>>) target_semaphore(%arg10 : memref<!tpu.dma_semaphore, #tpu.memory_space<semaphore_mem>>)
    %slice3A_402 = vector.extract_strided_slice %get3A_338 {offsets = [3], sizes = [1], strides = [1]} : vector<16xi32> to vector<1xi32>
    %squeeze3A_403 = vector.extract %slice3A_402[0] : i32 from vector<1xi32>
    %shift_right_arithmetic3A_404 = arith.constant 7 : i32
    %shift_right_arithmetic3A_405 = arith.shrsi %squeeze3A_403, %shift_right_arithmetic3A_404 : i32
    %mul3A_406 = arith.constant 128 : i32
    %mul3A_407 = arith.muli %shift_right_arithmetic3A_405, %mul3A_406 : i32
    %multiple_of3A_408 = tpu.assume_multiple %mul3A_407, 128 : i32
    %dma_start3A_409 = arith.constant 2 : i32
    %dma_start3A_410 = arith.constant 3 : i32
    %dma_start3A_411 = arith.constant 0 : i32
    %dma_start3A_412 = arith.constant 0 : i32
    %dma_start3A_413 = tpu.memref_slice %arg6[%dma_start3A_409, %dma_start3A_410, %dma_start3A_411, %dma_start3A_412] : memref<5x8x16x128xf32, #tpu.memory_space<vmem>> -> memref<1x1x16x128xf32, #tpu.memory_space<vmem>>
    %dma_start3A_414 = tpu.memref_squeeze %dma_start3A_413 : memref<1x1x16x128xf32, #tpu.memory_space<vmem>> -> memref<16x128xf32, #tpu.memory_space<vmem>>
    %dma_start3A_415 = arith.constant 0 : i32
    %dma_start3A_416 = tpu.memref_slice %arg2[%dma_start3A_415, %multiple_of3A_408] : memref<16x1000000xf32, #tpu.memory_space<hbm>> -> memref<16x128xf32, #tpu.memory_space<hbm>>
    %dma_start3A_417 = arith.constant 0 : i32
    %dma_start3A_418 = arith.constant 0 : i32
    %dma_start3A_419 = tpu.memref_slice %arg6[%dma_start3A_409, %dma_start3A_410, %dma_start3A_417, %dma_start3A_418] : memref<5x8x16x128xf32, #tpu.memory_space<vmem>> -> memref<1x1x16x128xf32, #tpu.memory_space<vmem>>
    %dma_start3A_420 = tpu.memref_squeeze %dma_start3A_419 : memref<1x1x16x128xf32, #tpu.memory_space<vmem>> -> memref<16x128xf32, #tpu.memory_space<vmem>>
    %dma_start3A_421 = arith.constant 0 : i32
    %dma_start3A_422 = tpu.memref_slice %arg2[%dma_start3A_421, %multiple_of3A_408] : memref<16x1000000xf32, #tpu.memory_space<hbm>> -> memref<16x128xf32, #tpu.memory_space<hbm>>
    tpu.enqueue_dma source(%dma_start3A_422 : memref<16x128xf32, #tpu.memory_space<hbm>>) target(%dma_start3A_420 : memref<16x128xf32, #tpu.memory_space<vmem>>) target_semaphore(%arg10 : memref<!tpu.dma_semaphore, #tpu.memory_space<semaphore_mem>>)
    %slice3A_423 = vector.extract_strided_slice %get3A_338 {offsets = [4], sizes = [1], strides = [1]} : vector<16xi32> to vector<1xi32>
    %squeeze3A_424 = vector.extract %slice3A_423[0] : i32 from vector<1xi32>
    %shift_right_arithmetic3A_425 = arith.constant 7 : i32
    %shift_right_arithmetic3A_426 = arith.shrsi %squeeze3A_424, %shift_right_arithmetic3A_425 : i32
    %mul3A_427 = arith.constant 128 : i32
    %mul3A_428 = arith.muli %shift_right_arithmetic3A_426, %mul3A_427 : i32
    %multiple_of3A_429 = tpu.assume_multiple %mul3A_428, 128 : i32
    %dma_start3A_430 = arith.constant 2 : i32
    %dma_start3A_431 = arith.constant 4 : i32
    %dma_start3A_432 = arith.constant 0 : i32
    %dma_start3A_433 = arith.constant 0 : i32
    %dma_start3A_434 = tpu.memref_slice %arg6[%dma_start3A_430, %dma_start3A_431, %dma_start3A_432, %dma_start3A_433] : memref<5x8x16x128xf32, #tpu.memory_space<vmem>> -> memref<1x1x16x128xf32, #tpu.memory_space<vmem>>
    %dma_start3A_435 = tpu.memref_squeeze %dma_start3A_434 : memref<1x1x16x128xf32, #tpu.memory_space<vmem>> -> memref<16x128xf32, #tpu.memory_space<vmem>>
    %dma_start3A_436 = arith.constant 0 : i32
    %dma_start3A_437 = tpu.memref_slice %arg2[%dma_start3A_436, %multiple_of3A_429] : memref<16x1000000xf32, #tpu.memory_space<hbm>> -> memref<16x128xf32, #tpu.memory_space<hbm>>
    %dma_start3A_438 = arith.constant 0 : i32
    %dma_start3A_439 = arith.constant 0 : i32
    %dma_start3A_440 = tpu.memref_slice %arg6[%dma_start3A_430, %dma_start3A_431, %dma_start3A_438, %dma_start3A_439] : memref<5x8x16x128xf32, #tpu.memory_space<vmem>> -> memref<1x1x16x128xf32, #tpu.memory_space<vmem>>
    %dma_start3A_441 = tpu.memref_squeeze %dma_start3A_440 : memref<1x1x16x128xf32, #tpu.memory_space<vmem>> -> memref<16x128xf32, #tpu.memory_space<vmem>>
    %dma_start3A_442 = arith.constant 0 : i32
    %dma_start3A_443 = tpu.memref_slice %arg2[%dma_start3A_442, %multiple_of3A_429] : memref<16x1000000xf32, #tpu.memory_space<hbm>> -> memref<16x128xf32, #tpu.memory_space<hbm>>
    tpu.enqueue_dma source(%dma_start3A_443 : memref<16x128xf32, #tpu.memory_space<hbm>>) target(%dma_start3A_441 : memref<16x128xf32, #tpu.memory_space<vmem>>) target_semaphore(%arg10 : memref<!tpu.dma_semaphore, #tpu.memory_space<semaphore_mem>>)
    %slice3A_444 = vector.extract_strided_slice %get3A_338 {offsets = [5], sizes = [1], strides = [1]} : vector<16xi32> to vector<1xi32>
    %squeeze3A_445 = vector.extract %slice3A_444[0] : i32 from vector<1xi32>
    %shift_right_arithmetic3A_446 = arith.constant 7 : i32
    %shift_right_arithmetic3A_447 = arith.shrsi %squeeze3A_445, %shift_right_arithmetic3A_446 : i32
    %mul3A_448 = arith.constant 128 : i32
    %mul3A_449 = arith.muli %shift_right_arithmetic3A_447, %mul3A_448 : i32
    %multiple_of3A_450 = tpu.assume_multiple %mul3A_449, 128 : i32
    %dma_start3A_451 = arith.constant 2 : i32
    %dma_start3A_452 = arith.constant 5 : i32
    %dma_start3A_453 = arith.constant 0 : i32
    %dma_start3A_454 = arith.constant 0 : i32
    %dma_start3A_455 = tpu.memref_slice %arg6[%dma_start3A_451, %dma_start3A_452, %dma_start3A_453, %dma_start3A_454] : memref<5x8x16x128xf32, #tpu.memory_space<vmem>> -> memref<1x1x16x128xf32, #tpu.memory_space<vmem>>
    %dma_start3A_456 = tpu.memref_squeeze %dma_start3A_455 : memref<1x1x16x128xf32, #tpu.memory_space<vmem>> -> memref<16x128xf32, #tpu.memory_space<vmem>>
    %dma_start3A_457 = arith.constant 0 : i32
    %dma_start3A_458 = tpu.memref_slice %arg2[%dma_start3A_457, %multiple_of3A_450] : memref<16x1000000xf32, #tpu.memory_space<hbm>> -> memref<16x128xf32, #tpu.memory_space<hbm>>
    %dma_start3A_459 = arith.constant 0 : i32
    %dma_start3A_460 = arith.constant 0 : i32
    %dma_start3A_461 = tpu.memref_slice %arg6[%dma_start3A_451, %dma_start3A_452, %dma_start3A_459, %dma_start3A_460] : memref<5x8x16x128xf32, #tpu.memory_space<vmem>> -> memref<1x1x16x128xf32, #tpu.memory_space<vmem>>
    %dma_start3A_462 = tpu.memref_squeeze %dma_start3A_461 : memref<1x1x16x128xf32, #tpu.memory_space<vmem>> -> memref<16x128xf32, #tpu.memory_space<vmem>>
    %dma_start3A_463 = arith.constant 0 : i32
    %dma_start3A_464 = tpu.memref_slice %arg2[%dma_start3A_463, %multiple_of3A_450] : memref<16x1000000xf32, #tpu.memory_space<hbm>> -> memref<16x128xf32, #tpu.memory_space<hbm>>
    tpu.enqueue_dma source(%dma_start3A_464 : memref<16x128xf32, #tpu.memory_space<hbm>>) target(%dma_start3A_462 : memref<16x128xf32, #tpu.memory_space<vmem>>) target_semaphore(%arg10 : memref<!tpu.dma_semaphore, #tpu.memory_space<semaphore_mem>>)
    %slice3A_465 = vector.extract_strided_slice %get3A_338 {offsets = [6], sizes = [1], strides = [1]} : vector<16xi32> to vector<1xi32>
    %squeeze3A_466 = vector.extract %slice3A_465[0] : i32 from vector<1xi32>
    %shift_right_arithmetic3A_467 = arith.constant 7 : i32
    %shift_right_arithmetic3A_468 = arith.shrsi %squeeze3A_466, %shift_right_arithmetic3A_467 : i32
    %mul3A_469 = arith.constant 128 : i32
    %mul3A_470 = arith.muli %shift_right_arithmetic3A_468, %mul3A_469 : i32
    %multiple_of3A_471 = tpu.assume_multiple %mul3A_470, 128 : i32
    %dma_start3A_472 = arith.constant 2 : i32
    %dma_start3A_473 = arith.constant 6 : i32
    %dma_start3A_474 = arith.constant 0 : i32
    %dma_start3A_475 = arith.constant 0 : i32
    %dma_start3A_476 = tpu.memref_slice %arg6[%dma_start3A_472, %dma_start3A_473, %dma_start3A_474, %dma_start3A_475] : memref<5x8x16x128xf32, #tpu.memory_space<vmem>> -> memref<1x1x16x128xf32, #tpu.memory_space<vmem>>
    %dma_start3A_477 = tpu.memref_squeeze %dma_start3A_476 : memref<1x1x16x128xf32, #tpu.memory_space<vmem>> -> memref<16x128xf32, #tpu.memory_space<vmem>>
    %dma_start3A_478 = arith.constant 0 : i32
    %dma_start3A_479 = tpu.memref_slice %arg2[%dma_start3A_478, %multiple_of3A_471] : memref<16x1000000xf32, #tpu.memory_space<hbm>> -> memref<16x128xf32, #tpu.memory_space<hbm>>
    %dma_start3A_480 = arith.constant 0 : i32
    %dma_start3A_481 = arith.constant 0 : i32
    %dma_start3A_482 = tpu.memref_slice %arg6[%dma_start3A_472, %dma_start3A_473, %dma_start3A_480, %dma_start3A_481] : memref<5x8x16x128xf32, #tpu.memory_space<vmem>> -> memref<1x1x16x128xf32, #tpu.memory_space<vmem>>
    %dma_start3A_483 = tpu.memref_squeeze %dma_start3A_482 : memref<1x1x16x128xf32, #tpu.memory_space<vmem>> -> memref<16x128xf32, #tpu.memory_space<vmem>>
    %dma_start3A_484 = arith.constant 0 : i32
    %dma_start3A_485 = tpu.memref_slice %arg2[%dma_start3A_484, %multiple_of3A_471] : memref<16x1000000xf32, #tpu.memory_space<hbm>> -> memref<16x128xf32, #tpu.memory_space<hbm>>
    tpu.enqueue_dma source(%dma_start3A_485 : memref<16x128xf32, #tpu.memory_space<hbm>>) target(%dma_start3A_483 : memref<16x128xf32, #tpu.memory_space<vmem>>) target_semaphore(%arg10 : memref<!tpu.dma_semaphore, #tpu.memory_space<semaphore_mem>>)
    %slice3A_486 = vector.extract_strided_slice %get3A_338 {offsets = [7], sizes = [1], strides = [1]} : vector<16xi32> to vector<1xi32>
    %squeeze3A_487 = vector.extract %slice3A_486[0] : i32 from vector<1xi32>
    %shift_right_arithmetic3A_488 = arith.constant 7 : i32
    %shift_right_arithmetic3A_489 = arith.shrsi %squeeze3A_487, %shift_right_arithmetic3A_488 : i32
    %mul3A_490 = arith.constant 128 : i32
    %mul3A_491 = arith.muli %shift_right_arithmetic3A_489, %mul3A_490 : i32
    %multiple_of3A_492 = tpu.assume_multiple %mul3A_491, 128 : i32
    %dma_start3A_493 = arith.constant 2 : i32
    %dma_start3A_494 = arith.constant 7 : i32
    %dma_start3A_495 = arith.constant 0 : i32
    %dma_start3A_496 = arith.constant 0 : i32
    %dma_start3A_497 = tpu.memref_slice %arg6[%dma_start3A_493, %dma_start3A_494, %dma_start3A_495, %dma_start3A_496] : memref<5x8x16x128xf32, #tpu.memory_space<vmem>> -> memref<1x1x16x128xf32, #tpu.memory_space<vmem>>
    %dma_start3A_498 = tpu.memref_squeeze %dma_start3A_497 : memref<1x1x16x128xf32, #tpu.memory_space<vmem>> -> memref<16x128xf32, #tpu.memory_space<vmem>>
    %dma_start3A_499 = arith.constant 0 : i32
    %dma_start3A_500 = tpu.memref_slice %arg2[%dma_start3A_499, %multiple_of3A_492] : memref<16x1000000xf32, #tpu.memory_space<hbm>> -> memref<16x128xf32, #tpu.memory_space<hbm>>
    %dma_start3A_501 = arith.constant 0 : i32
    %dma_start3A_502 = arith.constant 0 : i32
    %dma_start3A_503 = tpu.memref_slice %arg6[%dma_start3A_493, %dma_start3A_494, %dma_start3A_501, %dma_start3A_502] : memref<5x8x16x128xf32, #tpu.memory_space<vmem>> -> memref<1x1x16x128xf32, #tpu.memory_space<vmem>>
    %dma_start3A_504 = tpu.memref_squeeze %dma_start3A_503 : memref<1x1x16x128xf32, #tpu.memory_space<vmem>> -> memref<16x128xf32, #tpu.memory_space<vmem>>
    %dma_start3A_505 = arith.constant 0 : i32
    %dma_start3A_506 = tpu.memref_slice %arg2[%dma_start3A_505, %multiple_of3A_492] : memref<16x1000000xf32, #tpu.memory_space<hbm>> -> memref<16x128xf32, #tpu.memory_space<hbm>>
    tpu.enqueue_dma source(%dma_start3A_506 : memref<16x128xf32, #tpu.memory_space<hbm>>) target(%dma_start3A_504 : memref<16x128xf32, #tpu.memory_space<vmem>>) target_semaphore(%arg10 : memref<!tpu.dma_semaphore, #tpu.memory_space<semaphore_mem>>)
    %get3A_507 = arith.constant 24 : index
    %get3A_508 = tpu.vector_load %arg5[%get3A_507] {strides = array<i32>} : memref<528xi32, #tpu.memory_space<vmem>>, vector<16xi32>,
    %slice3A_509 = vector.extract_strided_slice %get3A_508 {offsets = [0], sizes = [1], strides = [1]} : vector<16xi32> to vector<1xi32>
    %squeeze3A_510 = vector.extract %slice3A_509[0] : i32 from vector<1xi32>
    %shift_right_arithmetic3A_511 = arith.constant 7 : i32
    %shift_right_arithmetic3A_512 = arith.shrsi %squeeze3A_510, %shift_right_arithmetic3A_511 : i32
    %mul3A_513 = arith.constant 128 : i32
    %mul3A_514 = arith.muli %shift_right_arithmetic3A_512, %mul3A_513 : i32
    %multiple_of3A_515 = tpu.assume_multiple %mul3A_514, 128 : i32
    %dma_start3A_516 = arith.constant 3 : i32
    %dma_start3A_517 = arith.constant 0 : i32
    %dma_start3A_518 = arith.constant 0 : i32
    %dma_start3A_519 = arith.constant 0 : i32
    %dma_start3A_520 = tpu.memref_slice %arg6[%dma_start3A_516, %dma_start3A_517, %dma_start3A_518, %dma_start3A_519] : memref<5x8x16x128xf32, #tpu.memory_space<vmem>> -> memref<1x1x16x128xf32, #tpu.memory_space<vmem>>
    %dma_start3A_521 = tpu.memref_squeeze %dma_start3A_520 : memref<1x1x16x128xf32, #tpu.memory_space<vmem>> -> memref<16x128xf32, #tpu.memory_space<vmem>>
    %dma_start3A_522 = arith.constant 0 : i32
    %dma_start3A_523 = tpu.memref_slice %arg2[%dma_start3A_522, %multiple_of3A_515] : memref<16x1000000xf32, #tpu.memory_space<hbm>> -> memref<16x128xf32, #tpu.memory_space<hbm>>
    %dma_start3A_524 = arith.constant 0 : i32
    %dma_start3A_525 = arith.constant 0 : i32
    %dma_start3A_526 = tpu.memref_slice %arg6[%dma_start3A_516, %dma_start3A_517, %dma_start3A_524, %dma_start3A_525] : memref<5x8x16x128xf32, #tpu.memory_space<vmem>> -> memref<1x1x16x128xf32, #tpu.memory_space<vmem>>
    %dma_start3A_527 = tpu.memref_squeeze %dma_start3A_526 : memref<1x1x16x128xf32, #tpu.memory_space<vmem>> -> memref<16x128xf32, #tpu.memory_space<vmem>>
    %dma_start3A_528 = arith.constant 0 : i32
    %dma_start3A_529 = tpu.memref_slice %arg2[%dma_start3A_528, %multiple_of3A_515] : memref<16x1000000xf32, #tpu.memory_space<hbm>> -> memref<16x128xf32, #tpu.memory_space<hbm>>
    tpu.enqueue_dma source(%dma_start3A_529 : memref<16x128xf32, #tpu.memory_space<hbm>>) target(%dma_start3A_527 : memref<16x128xf32, #tpu.memory_space<vmem>>) target_semaphore(%arg11 : memref<!tpu.dma_semaphore, #tpu.memory_space<semaphore_mem>>)
    %slice3A_530 = vector.extract_strided_slice %get3A_508 {offsets = [1], sizes = [1], strides = [1]} : vector<16xi32> to vector<1xi32>
    %squeeze3A_531 = vector.extract %slice3A_530[0] : i32 from vector<1xi32>
    %shift_right_arithmetic3A_532 = arith.constant 7 : i32
    %shift_right_arithmetic3A_533 = arith.shrsi %squeeze3A_531, %shift_right_arithmetic3A_532 : i32
    %mul3A_534 = arith.constant 128 : i32
    %mul3A_535 = arith.muli %shift_right_arithmetic3A_533, %mul3A_534 : i32
    %multiple_of3A_536 = tpu.assume_multiple %mul3A_535, 128 : i32
    %dma_start3A_537 = arith.constant 3 : i32
    %dma_start3A_538 = arith.constant 1 : i32
    %dma_start3A_539 = arith.constant 0 : i32
    %dma_start3A_540 = arith.constant 0 : i32
    %dma_start3A_541 = tpu.memref_slice %arg6[%dma_start3A_537, %dma_start3A_538, %dma_start3A_539, %dma_start3A_540] : memref<5x8x16x128xf32, #tpu.memory_space<vmem>> -> memref<1x1x16x128xf32, #tpu.memory_space<vmem>>
    %dma_start3A_542 = tpu.memref_squeeze %dma_start3A_541 : memref<1x1x16x128xf32, #tpu.memory_space<vmem>> -> memref<16x128xf32, #tpu.memory_space<vmem>>
    %dma_start3A_543 = arith.constant 0 : i32
    %dma_start3A_544 = tpu.memref_slice %arg2[%dma_start3A_543, %multiple_of3A_536] : memref<16x1000000xf32, #tpu.memory_space<hbm>> -> memref<16x128xf32, #tpu.memory_space<hbm>>
    %dma_start3A_545 = arith.constant 0 : i32
    %dma_start3A_546 = arith.constant 0 : i32
    %dma_start3A_547 = tpu.memref_slice %arg6[%dma_start3A_537, %dma_start3A_538, %dma_start3A_545, %dma_start3A_546] : memref<5x8x16x128xf32, #tpu.memory_space<vmem>> -> memref<1x1x16x128xf32, #tpu.memory_space<vmem>>
    %dma_start3A_548 = tpu.memref_squeeze %dma_start3A_547 : memref<1x1x16x128xf32, #tpu.memory_space<vmem>> -> memref<16x128xf32, #tpu.memory_space<vmem>>
    %dma_start3A_549 = arith.constant 0 : i32
    %dma_start3A_550 = tpu.memref_slice %arg2[%dma_start3A_549, %multiple_of3A_536] : memref<16x1000000xf32, #tpu.memory_space<hbm>> -> memref<16x128xf32, #tpu.memory_space<hbm>>
    tpu.enqueue_dma source(%dma_start3A_550 : memref<16x128xf32, #tpu.memory_space<hbm>>) target(%dma_start3A_548 : memref<16x128xf32, #tpu.memory_space<vmem>>) target_semaphore(%arg11 : memref<!tpu.dma_semaphore, #tpu.memory_space<semaphore_mem>>)
    %slice3A_551 = vector.extract_strided_slice %get3A_508 {offsets = [2], sizes = [1], strides = [1]} : vector<16xi32> to vector<1xi32>
    %squeeze3A_552 = vector.extract %slice3A_551[0] : i32 from vector<1xi32>
    %shift_right_arithmetic3A_553 = arith.constant 7 : i32
    %shift_right_arithmetic3A_554 = arith.shrsi %squeeze3A_552, %shift_right_arithmetic3A_553 : i32
    %mul3A_555 = arith.constant 128 : i32
    %mul3A_556 = arith.muli %shift_right_arithmetic3A_554, %mul3A_555 : i32
    %multiple_of3A_557 = tpu.assume_multiple %mul3A_556, 128 : i32
    %dma_start3A_558 = arith.constant 3 : i32
    %dma_start3A_559 = arith.constant 2 : i32
    %dma_start3A_560 = arith.constant 0 : i32
    %dma_start3A_561 = arith.constant 0 : i32
    %dma_start3A_562 = tpu.memref_slice %arg6[%dma_start3A_558, %dma_start3A_559, %dma_start3A_560, %dma_start3A_561] : memref<5x8x16x128xf32, #tpu.memory_space<vmem>> -> memref<1x1x16x128xf32, #tpu.memory_space<vmem>>
    %dma_start3A_563 = tpu.memref_squeeze %dma_start3A_562 : memref<1x1x16x128xf32, #tpu.memory_space<vmem>> -> memref<16x128xf32, #tpu.memory_space<vmem>>
    %dma_start3A_564 = arith.constant 0 : i32
    %dma_start3A_565 = tpu.memref_slice %arg2[%dma_start3A_564, %multiple_of3A_557] : memref<16x1000000xf32, #tpu.memory_space<hbm>> -> memref<16x128xf32, #tpu.memory_space<hbm>>
    %dma_start3A_566 = arith.constant 0 : i32
    %dma_start3A_567 = arith.constant 0 : i32
    %dma_start3A_568 = tpu.memref_slice %arg6[%dma_start3A_558, %dma_start3A_559, %dma_start3A_566, %dma_start3A_567] : memref<5x8x16x128xf32, #tpu.memory_space<vmem>> -> memref<1x1x16x128xf32, #tpu.memory_space<vmem>>
    %dma_start3A_569 = tpu.memref_squeeze %dma_start3A_568 : memref<1x1x16x128xf32, #tpu.memory_space<vmem>> -> memref<16x128xf32, #tpu.memory_space<vmem>>
    %dma_start3A_570 = arith.constant 0 : i32
    %dma_start3A_571 = tpu.memref_slice %arg2[%dma_start3A_570, %multiple_of3A_557] : memref<16x1000000xf32, #tpu.memory_space<hbm>> -> memref<16x128xf32, #tpu.memory_space<hbm>>
    tpu.enqueue_dma source(%dma_start3A_571 : memref<16x128xf32, #tpu.memory_space<hbm>>) target(%dma_start3A_569 : memref<16x128xf32, #tpu.memory_space<vmem>>) target_semaphore(%arg11 : memref<!tpu.dma_semaphore, #tpu.memory_space<semaphore_mem>>)
    %slice3A_572 = vector.extract_strided_slice %get3A_508 {offsets = [3], sizes = [1], strides = [1]} : vector<16xi32> to vector<1xi32>
    %squeeze3A_573 = vector.extract %slice3A_572[0] : i32 from vector<1xi32>
    %shift_right_arithmetic3A_574 = arith.constant 7 : i32
    %shift_right_arithmetic3A_575 = arith.shrsi %squeeze3A_573, %shift_right_arithmetic3A_574 : i32
    %mul3A_576 = arith.constant 128 : i32
    %mul3A_577 = arith.muli %shift_right_arithmetic3A_575, %mul3A_576 : i32
    %multiple_of3A_578 = tpu.assume_multiple %mul3A_577, 128 : i32
    %dma_start3A_579 = arith.constant 3 : i32
    %dma_start3A_580 = arith.constant 3 : i32
    %dma_start3A_581 = arith.constant 0 : i32
    %dma_start3A_582 = arith.constant 0 : i32
    %dma_start3A_583 = tpu.memref_slice %arg6[%dma_start3A_579, %dma_start3A_580, %dma_start3A_581, %dma_start3A_582] : memref<5x8x16x128xf32, #tpu.memory_space<vmem>> -> memref<1x1x16x128xf32, #tpu.memory_space<vmem>>
    %dma_start3A_584 = tpu.memref_squeeze %dma_start3A_583 : memref<1x1x16x128xf32, #tpu.memory_space<vmem>> -> memref<16x128xf32, #tpu.memory_space<vmem>>
    %dma_start3A_585 = arith.constant 0 : i32
    %dma_start3A_586 = tpu.memref_slice %arg2[%dma_start3A_585, %multiple_of3A_578] : memref<16x1000000xf32, #tpu.memory_space<hbm>> -> memref<16x128xf32, #tpu.memory_space<hbm>>
    %dma_start3A_587 = arith.constant 0 : i32
    %dma_start3A_588 = arith.constant 0 : i32
    %dma_start3A_589 = tpu.memref_slice %arg6[%dma_start3A_579, %dma_start3A_580, %dma_start3A_587, %dma_start3A_588] : memref<5x8x16x128xf32, #tpu.memory_space<vmem>> -> memref<1x1x16x128xf32, #tpu.memory_space<vmem>>
    %dma_start3A_590 = tpu.memref_squeeze %dma_start3A_589 : memref<1x1x16x128xf32, #tpu.memory_space<vmem>> -> memref<16x128xf32, #tpu.memory_space<vmem>>
    %dma_start3A_591 = arith.constant 0 : i32
    %dma_start3A_592 = tpu.memref_slice %arg2[%dma_start3A_591, %multiple_of3A_578] : memref<16x1000000xf32, #tpu.memory_space<hbm>> -> memref<16x128xf32, #tpu.memory_space<hbm>>
    tpu.enqueue_dma source(%dma_start3A_592 : memref<16x128xf32, #tpu.memory_space<hbm>>) target(%dma_start3A_590 : memref<16x128xf32, #tpu.memory_space<vmem>>) target_semaphore(%arg11 : memref<!tpu.dma_semaphore, #tpu.memory_space<semaphore_mem>>)
    %slice3A_593 = vector.extract_strided_slice %get3A_508 {offsets = [4], sizes = [1], strides = [1]} : vector<16xi32> to vector<1xi32>
    %squeeze3A_594 = vector.extract %slice3A_593[0] : i32 from vector<1xi32>
    %shift_right_arithmetic3A_595 = arith.constant 7 : i32
    %shift_right_arithmetic3A_596 = arith.shrsi %squeeze3A_594, %shift_right_arithmetic3A_595 : i32
    %mul3A_597 = arith.constant 128 : i32
    %mul3A_598 = arith.muli %shift_right_arithmetic3A_596, %mul3A_597 : i32
    %multiple_of3A_599 = tpu.assume_multiple %mul3A_598, 128 : i32
    %dma_start3A_600 = arith.constant 3 : i32
    %dma_start3A_601 = arith.constant 4 : i32
    %dma_start3A_602 = arith.constant 0 : i32
    %dma_start3A_603 = arith.constant 0 : i32
    %dma_start3A_604 = tpu.memref_slice %arg6[%dma_start3A_600, %dma_start3A_601, %dma_start3A_602, %dma_start3A_603] : memref<5x8x16x128xf32, #tpu.memory_space<vmem>> -> memref<1x1x16x128xf32, #tpu.memory_space<vmem>>
    %dma_start3A_605 = tpu.memref_squeeze %dma_start3A_604 : memref<1x1x16x128xf32, #tpu.memory_space<vmem>> -> memref<16x128xf32, #tpu.memory_space<vmem>>
    %dma_start3A_606 = arith.constant 0 : i32
    %dma_start3A_607 = tpu.memref_slice %arg2[%dma_start3A_606, %multiple_of3A_599] : memref<16x1000000xf32, #tpu.memory_space<hbm>> -> memref<16x128xf32, #tpu.memory_space<hbm>>
    %dma_start3A_608 = arith.constant 0 : i32
    %dma_start3A_609 = arith.constant 0 : i32
    %dma_start3A_610 = tpu.memref_slice %arg6[%dma_start3A_600, %dma_start3A_601, %dma_start3A_608, %dma_start3A_609] : memref<5x8x16x128xf32, #tpu.memory_space<vmem>> -> memref<1x1x16x128xf32, #tpu.memory_space<vmem>>
    %dma_start3A_611 = tpu.memref_squeeze %dma_start3A_610 : memref<1x1x16x128xf32, #tpu.memory_space<vmem>> -> memref<16x128xf32, #tpu.memory_space<vmem>>
    %dma_start3A_612 = arith.constant 0 : i32
    %dma_start3A_613 = tpu.memref_slice %arg2[%dma_start3A_612, %multiple_of3A_599] : memref<16x1000000xf32, #tpu.memory_space<hbm>> -> memref<16x128xf32, #tpu.memory_space<hbm>>
    tpu.enqueue_dma source(%dma_start3A_613 : memref<16x128xf32, #tpu.memory_space<hbm>>) target(%dma_start3A_611 : memref<16x128xf32, #tpu.memory_space<vmem>>) target_semaphore(%arg11 : memref<!tpu.dma_semaphore, #tpu.memory_space<semaphore_mem>>)
    %slice3A_614 = vector.extract_strided_slice %get3A_508 {offsets = [5], sizes = [1], strides = [1]} : vector<16xi32> to vector<1xi32>
    %squeeze3A_615 = vector.extract %slice3A_614[0] : i32 from vector<1xi32>
    %shift_right_arithmetic3A_616 = arith.constant 7 : i32
    %shift_right_arithmetic3A_617 = arith.shrsi %squeeze3A_615, %shift_right_arithmetic3A_616 : i32
    %mul3A_618 = arith.constant 128 : i32
    %mul3A_619 = arith.muli %shift_right_arithmetic3A_617, %mul3A_618 : i32
    %multiple_of3A_620 = tpu.assume_multiple %mul3A_619, 128 : i32
    %dma_start3A_621 = arith.constant 3 : i32
    %dma_start3A_622 = arith.constant 5 : i32
    %dma_start3A_623 = arith.constant 0 : i32
    %dma_start3A_624 = arith.constant 0 : i32
    %dma_start3A_625 = tpu.memref_slice %arg6[%dma_start3A_621, %dma_start3A_622, %dma_start3A_623, %dma_start3A_624] : memref<5x8x16x128xf32, #tpu.memory_space<vmem>> -> memref<1x1x16x128xf32, #tpu.memory_space<vmem>>
    %dma_start3A_626 = tpu.memref_squeeze %dma_start3A_625 : memref<1x1x16x128xf32, #tpu.memory_space<vmem>> -> memref<16x128xf32, #tpu.memory_space<vmem>>
    %dma_start3A_627 = arith.constant 0 : i32
    %dma_start3A_628 = tpu.memref_slice %arg2[%dma_start3A_627, %multiple_of3A_620] : memref<16x1000000xf32, #tpu.memory_space<hbm>> -> memref<16x128xf32, #tpu.memory_space<hbm>>
    %dma_start3A_629 = arith.constant 0 : i32
    %dma_start3A_630 = arith.constant 0 : i32
    %dma_start3A_631 = tpu.memref_slice %arg6[%dma_start3A_621, %dma_start3A_622, %dma_start3A_629, %dma_start3A_630] : memref<5x8x16x128xf32, #tpu.memory_space<vmem>> -> memref<1x1x16x128xf32, #tpu.memory_space<vmem>>
    %dma_start3A_632 = tpu.memref_squeeze %dma_start3A_631 : memref<1x1x16x128xf32, #tpu.memory_space<vmem>> -> memref<16x128xf32, #tpu.memory_space<vmem>>
    %dma_start3A_633 = arith.constant 0 : i32
    %dma_start3A_634 = tpu.memref_slice %arg2[%dma_start3A_633, %multiple_of3A_620] : memref<16x1000000xf32, #tpu.memory_space<hbm>> -> memref<16x128xf32, #tpu.memory_space<hbm>>
    tpu.enqueue_dma source(%dma_start3A_634 : memref<16x128xf32, #tpu.memory_space<hbm>>) target(%dma_start3A_632 : memref<16x128xf32, #tpu.memory_space<vmem>>) target_semaphore(%arg11 : memref<!tpu.dma_semaphore, #tpu.memory_space<semaphore_mem>>)
    %slice3A_635 = vector.extract_strided_slice %get3A_508 {offsets = [6], sizes = [1], strides = [1]} : vector<16xi32> to vector<1xi32>
    %squeeze3A_636 = vector.extract %slice3A_635[0] : i32 from vector<1xi32>
    %shift_right_arithmetic3A_637 = arith.constant 7 : i32
    %shift_right_arithmetic3A_638 = arith.shrsi %squeeze3A_636, %shift_right_arithmetic3A_637 : i32
    %mul3A_639 = arith.constant 128 : i32
    %mul3A_640 = arith.muli %shift_right_arithmetic3A_638, %mul3A_639 : i32
    %multiple_of3A_641 = tpu.assume_multiple %mul3A_640, 128 : i32
    %dma_start3A_642 = arith.constant 3 : i32
    %dma_start3A_643 = arith.constant 6 : i32
    %dma_start3A_644 = arith.constant 0 : i32
    %dma_start3A_645 = arith.constant 0 : i32
    %dma_start3A_646 = tpu.memref_slice %arg6[%dma_start3A_642, %dma_start3A_643, %dma_start3A_644, %dma_start3A_645] : memref<5x8x16x128xf32, #tpu.memory_space<vmem>> -> memref<1x1x16x128xf32, #tpu.memory_space<vmem>>
    %dma_start3A_647 = tpu.memref_squeeze %dma_start3A_646 : memref<1x1x16x128xf32, #tpu.memory_space<vmem>> -> memref<16x128xf32, #tpu.memory_space<vmem>>
    %dma_start3A_648 = arith.constant 0 : i32
    %dma_start3A_649 = tpu.memref_slice %arg2[%dma_start3A_648, %multiple_of3A_641] : memref<16x1000000xf32, #tpu.memory_space<hbm>> -> memref<16x128xf32, #tpu.memory_space<hbm>>
    %dma_start3A_650 = arith.constant 0 : i32
    %dma_start3A_651 = arith.constant 0 : i32
    %dma_start3A_652 = tpu.memref_slice %arg6[%dma_start3A_642, %dma_start3A_643, %dma_start3A_650, %dma_start3A_651] : memref<5x8x16x128xf32, #tpu.memory_space<vmem>> -> memref<1x1x16x128xf32, #tpu.memory_space<vmem>>
    %dma_start3A_653 = tpu.memref_squeeze %dma_start3A_652 : memref<1x1x16x128xf32, #tpu.memory_space<vmem>> -> memref<16x128xf32, #tpu.memory_space<vmem>>
    %dma_start3A_654 = arith.constant 0 : i32
    %dma_start3A_655 = tpu.memref_slice %arg2[%dma_start3A_654, %multiple_of3A_641] : memref<16x1000000xf32, #tpu.memory_space<hbm>> -> memref<16x128xf32, #tpu.memory_space<hbm>>
    tpu.enqueue_dma source(%dma_start3A_655 : memref<16x128xf32, #tpu.memory_space<hbm>>) target(%dma_start3A_653 : memref<16x128xf32, #tpu.memory_space<vmem>>) target_semaphore(%arg11 : memref<!tpu.dma_semaphore, #tpu.memory_space<semaphore_mem>>)
    %slice3A_656 = vector.extract_strided_slice %get3A_508 {offsets = [7], sizes = [1], strides = [1]} : vector<16xi32> to vector<1xi32>
    %squeeze3A_657 = vector.extract %slice3A_656[0] : i32 from vector<1xi32>
    %shift_right_arithmetic3A_658 = arith.constant 7 : i32
    %shift_right_arithmetic3A_659 = arith.shrsi %squeeze3A_657, %shift_right_arithmetic3A_658 : i32
    %mul3A_660 = arith.constant 128 : i32
    %mul3A_661 = arith.muli %shift_right_arithmetic3A_659, %mul3A_660 : i32
    %multiple_of3A_662 = tpu.assume_multiple %mul3A_661, 128 : i32
    %dma_start3A_663 = arith.constant 3 : i32
    %dma_start3A_664 = arith.constant 7 : i32
    %dma_start3A_665 = arith.constant 0 : i32
    %dma_start3A_666 = arith.constant 0 : i32
    %dma_start3A_667 = tpu.memref_slice %arg6[%dma_start3A_663, %dma_start3A_664, %dma_start3A_665, %dma_start3A_666] : memref<5x8x16x128xf32, #tpu.memory_space<vmem>> -> memref<1x1x16x128xf32, #tpu.memory_space<vmem>>
    %dma_start3A_668 = tpu.memref_squeeze %dma_start3A_667 : memref<1x1x16x128xf32, #tpu.memory_space<vmem>> -> memref<16x128xf32, #tpu.memory_space<vmem>>
    %dma_start3A_669 = arith.constant 0 : i32
    %dma_start3A_670 = tpu.memref_slice %arg2[%dma_start3A_669, %multiple_of3A_662] : memref<16x1000000xf32, #tpu.memory_space<hbm>> -> memref<16x128xf32, #tpu.memory_space<hbm>>
    %dma_start3A_671 = arith.constant 0 : i32
    %dma_start3A_672 = arith.constant 0 : i32
    %dma_start3A_673 = tpu.memref_slice %arg6[%dma_start3A_663, %dma_start3A_664, %dma_start3A_671, %dma_start3A_672] : memref<5x8x16x128xf32, #tpu.memory_space<vmem>> -> memref<1x1x16x128xf32, #tpu.memory_space<vmem>>
    %dma_start3A_674 = tpu.memref_squeeze %dma_start3A_673 : memref<1x1x16x128xf32, #tpu.memory_space<vmem>> -> memref<16x128xf32, #tpu.memory_space<vmem>>
    %dma_start3A_675 = arith.constant 0 : i32
    %dma_start3A_676 = tpu.memref_slice %arg2[%dma_start3A_675, %multiple_of3A_662] : memref<16x1000000xf32, #tpu.memory_space<hbm>> -> memref<16x128xf32, #tpu.memory_space<hbm>>
    tpu.enqueue_dma source(%dma_start3A_676 : memref<16x128xf32, #tpu.memory_space<hbm>>) target(%dma_start3A_674 : memref<16x128xf32, #tpu.memory_space<vmem>>) target_semaphore(%arg11 : memref<!tpu.dma_semaphore, #tpu.memory_space<semaphore_mem>>)
    %scan3A = arith.constant 0 : i32
    %scan3A_677 = arith.constant 0 : i32
    %scan3A_678 = arith.constant 12 : i32
    %scan3A_679 = arith.addi %scan3A_677, %scan3A_678 : i32
    %scan3A_680 = arith.constant 1 : i32
    scf.for %scan3A_1526 = %scan3A_677 to %scan3A_679 step %scan3A_680  : i32 {
      %mul3A_1527 = arith.constant 5 : i32
      %mul3A_1528 = arith.muli %mul3A_1527, %scan3A_1526 : i32
      %add3A_1529 = arith.constant 0 : i32
      %add3A_1530 = arith.addi %mul3A_1528, %add3A_1529 : i32
      %add3A_1531 = arith.constant 4 : i32
      %add3A_1532 = arith.addi %add3A_1530, %add3A_1531 : i32
      %mul3A_1533 = arith.constant 8 : i32
      %mul3A_1534 = arith.muli %add3A_1532, %mul3A_1533 : i32
      %get3A_1535 = arith.index_cast %mul3A_1534 : i32 to index
      %get3A_1536 = tpu.vector_load %arg5[%get3A_1535] {strides = array<i32>} : memref<528xi32, #tpu.memory_space<vmem>>, vector<16xi32>,
      %slice3A_1537 = vector.extract_strided_slice %get3A_1536 {offsets = [0], sizes = [1], strides = [1]} : vector<16xi32> to vector<1xi32>
      %squeeze3A_1538 = vector.extract %slice3A_1537[0] : i32 from vector<1xi32>
      %shift_right_arithmetic3A_1539 = arith.constant 7 : i32
      %shift_right_arithmetic3A_1540 = arith.shrsi %squeeze3A_1538, %shift_right_arithmetic3A_1539 : i32
      %mul3A_1541 = arith.constant 128 : i32
      %mul3A_1542 = arith.muli %shift_right_arithmetic3A_1540, %mul3A_1541 : i32
      %multiple_of3A_1543 = tpu.assume_multiple %mul3A_1542, 128 : i32
      %dma_start3A_1544 = arith.constant 4 : i32
      %dma_start3A_1545 = arith.constant 0 : i32
      %dma_start3A_1546 = arith.constant 0 : i32
      %dma_start3A_1547 = arith.constant 0 : i32
      %dma_start3A_1548 = tpu.memref_slice %arg6[%dma_start3A_1544, %dma_start3A_1545, %dma_start3A_1546, %dma_start3A_1547] : memref<5x8x16x128xf32, #tpu.memory_space<vmem>> -> memref<1x1x16x128xf32, #tpu.memory_space<vmem>>
      %dma_start3A_1549 = tpu.memref_squeeze %dma_start3A_1548 : memref<1x1x16x128xf32, #tpu.memory_space<vmem>> -> memref<16x128xf32, #tpu.memory_space<vmem>>
      %dma_start3A_1550 = arith.constant 0 : i32
      %dma_start3A_1551 = tpu.memref_slice %arg2[%dma_start3A_1550, %multiple_of3A_1543] : memref<16x1000000xf32, #tpu.memory_space<hbm>> -> memref<16x128xf32, #tpu.memory_space<hbm>>
      %dma_start3A_1552 = arith.constant 0 : i32
      %dma_start3A_1553 = arith.constant 0 : i32
      %dma_start3A_1554 = tpu.memref_slice %arg6[%dma_start3A_1544, %dma_start3A_1545, %dma_start3A_1552, %dma_start3A_1553] : memref<5x8x16x128xf32, #tpu.memory_space<vmem>> -> memref<1x1x16x128xf32, #tpu.memory_space<vmem>>
      %dma_start3A_1555 = tpu.memref_squeeze %dma_start3A_1554 : memref<1x1x16x128xf32, #tpu.memory_space<vmem>> -> memref<16x128xf32, #tpu.memory_space<vmem>>
      %dma_start3A_1556 = arith.constant 0 : i32
      %dma_start3A_1557 = tpu.memref_slice %arg2[%dma_start3A_1556, %multiple_of3A_1543] : memref<16x1000000xf32, #tpu.memory_space<hbm>> -> memref<16x128xf32, #tpu.memory_space<hbm>>
      tpu.enqueue_dma source(%dma_start3A_1557 : memref<16x128xf32, #tpu.memory_space<hbm>>) target(%dma_start3A_1555 : memref<16x128xf32, #tpu.memory_space<vmem>>) target_semaphore(%arg12 : memref<!tpu.dma_semaphore, #tpu.memory_space<semaphore_mem>>)
      %slice3A_1558 = vector.extract_strided_slice %get3A_1536 {offsets = [1], sizes = [1], strides = [1]} : vector<16xi32> to vector<1xi32>
      %squeeze3A_1559 = vector.extract %slice3A_1558[0] : i32 from vector<1xi32>
      %shift_right_arithmetic3A_1560 = arith.constant 7 : i32
      %shift_right_arithmetic3A_1561 = arith.shrsi %squeeze3A_1559, %shift_right_arithmetic3A_1560 : i32
      %mul3A_1562 = arith.constant 128 : i32
      %mul3A_1563 = arith.muli %shift_right_arithmetic3A_1561, %mul3A_1562 : i32
      %multiple_of3A_1564 = tpu.assume_multiple %mul3A_1563, 128 : i32
      %dma_start3A_1565 = arith.constant 4 : i32
      %dma_start3A_1566 = arith.constant 1 : i32
      %dma_start3A_1567 = arith.constant 0 : i32
      %dma_start3A_1568 = arith.constant 0 : i32
      %dma_start3A_1569 = tpu.memref_slice %arg6[%dma_start3A_1565, %dma_start3A_1566, %dma_start3A_1567, %dma_start3A_1568] : memref<5x8x16x128xf32, #tpu.memory_space<vmem>> -> memref<1x1x16x128xf32, #tpu.memory_space<vmem>>
      %dma_start3A_1570 = tpu.memref_squeeze %dma_start3A_1569 : memref<1x1x16x128xf32, #tpu.memory_space<vmem>> -> memref<16x128xf32, #tpu.memory_space<vmem>>
      %dma_start3A_1571 = arith.constant 0 : i32
      %dma_start3A_1572 = tpu.memref_slice %arg2[%dma_start3A_1571, %multiple_of3A_1564] : memref<16x1000000xf32, #tpu.memory_space<hbm>> -> memref<16x128xf32, #tpu.memory_space<hbm>>
      %dma_start3A_1573 = arith.constant 0 : i32
      %dma_start3A_1574 = arith.constant 0 : i32
      %dma_start3A_1575 = tpu.memref_slice %arg6[%dma_start3A_1565, %dma_start3A_1566, %dma_start3A_1573, %dma_start3A_1574] : memref<5x8x16x128xf32, #tpu.memory_space<vmem>> -> memref<1x1x16x128xf32, #tpu.memory_space<vmem>>
      %dma_start3A_1576 = tpu.memref_squeeze %dma_start3A_1575 : memref<1x1x16x128xf32, #tpu.memory_space<vmem>> -> memref<16x128xf32, #tpu.memory_space<vmem>>
      %dma_start3A_1577 = arith.constant 0 : i32
      %dma_start3A_1578 = tpu.memref_slice %arg2[%dma_start3A_1577, %multiple_of3A_1564] : memref<16x1000000xf32, #tpu.memory_space<hbm>> -> memref<16x128xf32, #tpu.memory_space<hbm>>
      tpu.enqueue_dma source(%dma_start3A_1578 : memref<16x128xf32, #tpu.memory_space<hbm>>) target(%dma_start3A_1576 : memref<16x128xf32, #tpu.memory_space<vmem>>) target_semaphore(%arg12 : memref<!tpu.dma_semaphore, #tpu.memory_space<semaphore_mem>>)
      %slice3A_1579 = vector.extract_strided_slice %get3A_1536 {offsets = [2], sizes = [1], strides = [1]} : vector<16xi32> to vector<1xi32>
      %squeeze3A_1580 = vector.extract %slice3A_1579[0] : i32 from vector<1xi32>
      %shift_right_arithmetic3A_1581 = arith.constant 7 : i32
      %shift_right_arithmetic3A_1582 = arith.shrsi %squeeze3A_1580, %shift_right_arithmetic3A_1581 : i32
      %mul3A_1583 = arith.constant 128 : i32
      %mul3A_1584 = arith.muli %shift_right_arithmetic3A_1582, %mul3A_1583 : i32
      %multiple_of3A_1585 = tpu.assume_multiple %mul3A_1584, 128 : i32
      %dma_start3A_1586 = arith.constant 4 : i32
      %dma_start3A_1587 = arith.constant 2 : i32
      %dma_start3A_1588 = arith.constant 0 : i32
      %dma_start3A_1589 = arith.constant 0 : i32
      %dma_start3A_1590 = tpu.memref_slice %arg6[%dma_start3A_1586, %dma_start3A_1587, %dma_start3A_1588, %dma_start3A_1589] : memref<5x8x16x128xf32, #tpu.memory_space<vmem>> -> memref<1x1x16x128xf32, #tpu.memory_space<vmem>>
      %dma_start3A_1591 = tpu.memref_squeeze %dma_start3A_1590 : memref<1x1x16x128xf32, #tpu.memory_space<vmem>> -> memref<16x128xf32, #tpu.memory_space<vmem>>
      %dma_start3A_1592 = arith.constant 0 : i32
      %dma_start3A_1593 = tpu.memref_slice %arg2[%dma_start3A_1592, %multiple_of3A_1585] : memref<16x1000000xf32, #tpu.memory_space<hbm>> -> memref<16x128xf32, #tpu.memory_space<hbm>>
      %dma_start3A_1594 = arith.constant 0 : i32
      %dma_start3A_1595 = arith.constant 0 : i32
      %dma_start3A_1596 = tpu.memref_slice %arg6[%dma_start3A_1586, %dma_start3A_1587, %dma_start3A_1594, %dma_start3A_1595] : memref<5x8x16x128xf32, #tpu.memory_space<vmem>> -> memref<1x1x16x128xf32, #tpu.memory_space<vmem>>
      %dma_start3A_1597 = tpu.memref_squeeze %dma_start3A_1596 : memref<1x1x16x128xf32, #tpu.memory_space<vmem>> -> memref<16x128xf32, #tpu.memory_space<vmem>>
      %dma_start3A_1598 = arith.constant 0 : i32
      %dma_start3A_1599 = tpu.memref_slice %arg2[%dma_start3A_1598, %multiple_of3A_1585] : memref<16x1000000xf32, #tpu.memory_space<hbm>> -> memref<16x128xf32, #tpu.memory_space<hbm>>
      tpu.enqueue_dma source(%dma_start3A_1599 : memref<16x128xf32, #tpu.memory_space<hbm>>) target(%dma_start3A_1597 : memref<16x128xf32, #tpu.memory_space<vmem>>) target_semaphore(%arg12 : memref<!tpu.dma_semaphore, #tpu.memory_space<semaphore_mem>>)
      %slice3A_1600 = vector.extract_strided_slice %get3A_1536 {offsets = [3], sizes = [1], strides = [1]} : vector<16xi32> to vector<1xi32>
      %squeeze3A_1601 = vector.extract %slice3A_1600[0] : i32 from vector<1xi32>
      %shift_right_arithmetic3A_1602 = arith.constant 7 : i32
      %shift_right_arithmetic3A_1603 = arith.shrsi %squeeze3A_1601, %shift_right_arithmetic3A_1602 : i32
      %mul3A_1604 = arith.constant 128 : i32
      %mul3A_1605 = arith.muli %shift_right_arithmetic3A_1603, %mul3A_1604 : i32
      %multiple_of3A_1606 = tpu.assume_multiple %mul3A_1605, 128 : i32
      %dma_start3A_1607 = arith.constant 4 : i32
      %dma_start3A_1608 = arith.constant 3 : i32
      %dma_start3A_1609 = arith.constant 0 : i32
      %dma_start3A_1610 = arith.constant 0 : i32
      %dma_start3A_1611 = tpu.memref_slice %arg6[%dma_start3A_1607, %dma_start3A_1608, %dma_start3A_1609, %dma_start3A_1610] : memref<5x8x16x128xf32, #tpu.memory_space<vmem>> -> memref<1x1x16x128xf32, #tpu.memory_space<vmem>>
      %dma_start3A_1612 = tpu.memref_squeeze %dma_start3A_1611 : memref<1x1x16x128xf32, #tpu.memory_space<vmem>> -> memref<16x128xf32, #tpu.memory_space<vmem>>
      %dma_start3A_1613 = arith.constant 0 : i32
      %dma_start3A_1614 = tpu.memref_slice %arg2[%dma_start3A_1613, %multiple_of3A_1606] : memref<16x1000000xf32, #tpu.memory_space<hbm>> -> memref<16x128xf32, #tpu.memory_space<hbm>>
      %dma_start3A_1615 = arith.constant 0 : i32
      %dma_start3A_1616 = arith.constant 0 : i32
      %dma_start3A_1617 = tpu.memref_slice %arg6[%dma_start3A_1607, %dma_start3A_1608, %dma_start3A_1615, %dma_start3A_1616] : memref<5x8x16x128xf32, #tpu.memory_space<vmem>> -> memref<1x1x16x128xf32, #tpu.memory_space<vmem>>
      %dma_start3A_1618 = tpu.memref_squeeze %dma_start3A_1617 : memref<1x1x16x128xf32, #tpu.memory_space<vmem>> -> memref<16x128xf32, #tpu.memory_space<vmem>>
      %dma_start3A_1619 = arith.constant 0 : i32
      %dma_start3A_1620 = tpu.memref_slice %arg2[%dma_start3A_1619, %multiple_of3A_1606] : memref<16x1000000xf32, #tpu.memory_space<hbm>> -> memref<16x128xf32, #tpu.memory_space<hbm>>
      tpu.enqueue_dma source(%dma_start3A_1620 : memref<16x128xf32, #tpu.memory_space<hbm>>) target(%dma_start3A_1618 : memref<16x128xf32, #tpu.memory_space<vmem>>) target_semaphore(%arg12 : memref<!tpu.dma_semaphore, #tpu.memory_space<semaphore_mem>>)
      %slice3A_1621 = vector.extract_strided_slice %get3A_1536 {offsets = [4], sizes = [1], strides = [1]} : vector<16xi32> to vector<1xi32>
      %squeeze3A_1622 = vector.extract %slice3A_1621[0] : i32 from vector<1xi32>
      %shift_right_arithmetic3A_1623 = arith.constant 7 : i32
      %shift_right_arithmetic3A_1624 = arith.shrsi %squeeze3A_1622, %shift_right_arithmetic3A_1623 : i32
      %mul3A_1625 = arith.constant 128 : i32
      %mul3A_1626 = arith.muli %shift_right_arithmetic3A_1624, %mul3A_1625 : i32
      %multiple_of3A_1627 = tpu.assume_multiple %mul3A_1626, 128 : i32
      %dma_start3A_1628 = arith.constant 4 : i32
      %dma_start3A_1629 = arith.constant 4 : i32
      %dma_start3A_1630 = arith.constant 0 : i32
      %dma_start3A_1631 = arith.constant 0 : i32
      %dma_start3A_1632 = tpu.memref_slice %arg6[%dma_start3A_1628, %dma_start3A_1629, %dma_start3A_1630, %dma_start3A_1631] : memref<5x8x16x128xf32, #tpu.memory_space<vmem>> -> memref<1x1x16x128xf32, #tpu.memory_space<vmem>>
      %dma_start3A_1633 = tpu.memref_squeeze %dma_start3A_1632 : memref<1x1x16x128xf32, #tpu.memory_space<vmem>> -> memref<16x128xf32, #tpu.memory_space<vmem>>
      %dma_start3A_1634 = arith.constant 0 : i32
      %dma_start3A_1635 = tpu.memref_slice %arg2[%dma_start3A_1634, %multiple_of3A_1627] : memref<16x1000000xf32, #tpu.memory_space<hbm>> -> memref<16x128xf32, #tpu.memory_space<hbm>>
      %dma_start3A_1636 = arith.constant 0 : i32
      %dma_start3A_1637 = arith.constant 0 : i32
      %dma_start3A_1638 = tpu.memref_slice %arg6[%dma_start3A_1628, %dma_start3A_1629, %dma_start3A_1636, %dma_start3A_1637] : memref<5x8x16x128xf32, #tpu.memory_space<vmem>> -> memref<1x1x16x128xf32, #tpu.memory_space<vmem>>
      %dma_start3A_1639 = tpu.memref_squeeze %dma_start3A_1638 : memref<1x1x16x128xf32, #tpu.memory_space<vmem>> -> memref<16x128xf32, #tpu.memory_space<vmem>>
      %dma_start3A_1640 = arith.constant 0 : i32
      %dma_start3A_1641 = tpu.memref_slice %arg2[%dma_start3A_1640, %multiple_of3A_1627] : memref<16x1000000xf32, #tpu.memory_space<hbm>> -> memref<16x128xf32, #tpu.memory_space<hbm>>
      tpu.enqueue_dma source(%dma_start3A_1641 : memref<16x128xf32, #tpu.memory_space<hbm>>) target(%dma_start3A_1639 : memref<16x128xf32, #tpu.memory_space<vmem>>) target_semaphore(%arg12 : memref<!tpu.dma_semaphore, #tpu.memory_space<semaphore_mem>>)
      %slice3A_1642 = vector.extract_strided_slice %get3A_1536 {offsets = [5], sizes = [1], strides = [1]} : vector<16xi32> to vector<1xi32>
      %squeeze3A_1643 = vector.extract %slice3A_1642[0] : i32 from vector<1xi32>
      %shift_right_arithmetic3A_1644 = arith.constant 7 : i32
      %shift_right_arithmetic3A_1645 = arith.shrsi %squeeze3A_1643, %shift_right_arithmetic3A_1644 : i32
      %mul3A_1646 = arith.constant 128 : i32
      %mul3A_1647 = arith.muli %shift_right_arithmetic3A_1645, %mul3A_1646 : i32
      %multiple_of3A_1648 = tpu.assume_multiple %mul3A_1647, 128 : i32
      %dma_start3A_1649 = arith.constant 4 : i32
      %dma_start3A_1650 = arith.constant 5 : i32
      %dma_start3A_1651 = arith.constant 0 : i32
      %dma_start3A_1652 = arith.constant 0 : i32
      %dma_start3A_1653 = tpu.memref_slice %arg6[%dma_start3A_1649, %dma_start3A_1650, %dma_start3A_1651, %dma_start3A_1652] : memref<5x8x16x128xf32, #tpu.memory_space<vmem>> -> memref<1x1x16x128xf32, #tpu.memory_space<vmem>>
      %dma_start3A_1654 = tpu.memref_squeeze %dma_start3A_1653 : memref<1x1x16x128xf32, #tpu.memory_space<vmem>> -> memref<16x128xf32, #tpu.memory_space<vmem>>
      %dma_start3A_1655 = arith.constant 0 : i32
      %dma_start3A_1656 = tpu.memref_slice %arg2[%dma_start3A_1655, %multiple_of3A_1648] : memref<16x1000000xf32, #tpu.memory_space<hbm>> -> memref<16x128xf32, #tpu.memory_space<hbm>>
      %dma_start3A_1657 = arith.constant 0 : i32
      %dma_start3A_1658 = arith.constant 0 : i32
      %dma_start3A_1659 = tpu.memref_slice %arg6[%dma_start3A_1649, %dma_start3A_1650, %dma_start3A_1657, %dma_start3A_1658] : memref<5x8x16x128xf32, #tpu.memory_space<vmem>> -> memref<1x1x16x128xf32, #tpu.memory_space<vmem>>
      %dma_start3A_1660 = tpu.memref_squeeze %dma_start3A_1659 : memref<1x1x16x128xf32, #tpu.memory_space<vmem>> -> memref<16x128xf32, #tpu.memory_space<vmem>>
      %dma_start3A_1661 = arith.constant 0 : i32
      %dma_start3A_1662 = tpu.memref_slice %arg2[%dma_start3A_1661, %multiple_of3A_1648] : memref<16x1000000xf32, #tpu.memory_space<hbm>> -> memref<16x128xf32, #tpu.memory_space<hbm>>
      tpu.enqueue_dma source(%dma_start3A_1662 : memref<16x128xf32, #tpu.memory_space<hbm>>) target(%dma_start3A_1660 : memref<16x128xf32, #tpu.memory_space<vmem>>) target_semaphore(%arg12 : memref<!tpu.dma_semaphore, #tpu.memory_space<semaphore_mem>>)
      %slice3A_1663 = vector.extract_strided_slice %get3A_1536 {offsets = [6], sizes = [1], strides = [1]} : vector<16xi32> to vector<1xi32>
      %squeeze3A_1664 = vector.extract %slice3A_1663[0] : i32 from vector<1xi32>
      %shift_right_arithmetic3A_1665 = arith.constant 7 : i32
      %shift_right_arithmetic3A_1666 = arith.shrsi %squeeze3A_1664, %shift_right_arithmetic3A_1665 : i32
      %mul3A_1667 = arith.constant 128 : i32
      %mul3A_1668 = arith.muli %shift_right_arithmetic3A_1666, %mul3A_1667 : i32
      %multiple_of3A_1669 = tpu.assume_multiple %mul3A_1668, 128 : i32
      %dma_start3A_1670 = arith.constant 4 : i32
      %dma_start3A_1671 = arith.constant 6 : i32
      %dma_start3A_1672 = arith.constant 0 : i32
      %dma_start3A_1673 = arith.constant 0 : i32
      %dma_start3A_1674 = tpu.memref_slice %arg6[%dma_start3A_1670, %dma_start3A_1671, %dma_start3A_1672, %dma_start3A_1673] : memref<5x8x16x128xf32, #tpu.memory_space<vmem>> -> memref<1x1x16x128xf32, #tpu.memory_space<vmem>>
      %dma_start3A_1675 = tpu.memref_squeeze %dma_start3A_1674 : memref<1x1x16x128xf32, #tpu.memory_space<vmem>> -> memref<16x128xf32, #tpu.memory_space<vmem>>
      %dma_start3A_1676 = arith.constant 0 : i32
      %dma_start3A_1677 = tpu.memref_slice %arg2[%dma_start3A_1676, %multiple_of3A_1669] : memref<16x1000000xf32, #tpu.memory_space<hbm>> -> memref<16x128xf32, #tpu.memory_space<hbm>>
      %dma_start3A_1678 = arith.constant 0 : i32
      %dma_start3A_1679 = arith.constant 0 : i32
      %dma_start3A_1680 = tpu.memref_slice %arg6[%dma_start3A_1670, %dma_start3A_1671, %dma_start3A_1678, %dma_start3A_1679] : memref<5x8x16x128xf32, #tpu.memory_space<vmem>> -> memref<1x1x16x128xf32, #tpu.memory_space<vmem>>
      %dma_start3A_1681 = tpu.memref_squeeze %dma_start3A_1680 : memref<1x1x16x128xf32, #tpu.memory_space<vmem>> -> memref<16x128xf32, #tpu.memory_space<vmem>>
      %dma_start3A_1682 = arith.constant 0 : i32
      %dma_start3A_1683 = tpu.memref_slice %arg2[%dma_start3A_1682, %multiple_of3A_1669] : memref<16x1000000xf32, #tpu.memory_space<hbm>> -> memref<16x128xf32, #tpu.memory_space<hbm>>
      tpu.enqueue_dma source(%dma_start3A_1683 : memref<16x128xf32, #tpu.memory_space<hbm>>) target(%dma_start3A_1681 : memref<16x128xf32, #tpu.memory_space<vmem>>) target_semaphore(%arg12 : memref<!tpu.dma_semaphore, #tpu.memory_space<semaphore_mem>>)
      %slice3A_1684 = vector.extract_strided_slice %get3A_1536 {offsets = [7], sizes = [1], strides = [1]} : vector<16xi32> to vector<1xi32>
      %squeeze3A_1685 = vector.extract %slice3A_1684[0] : i32 from vector<1xi32>
      %shift_right_arithmetic3A_1686 = arith.constant 7 : i32
      %shift_right_arithmetic3A_1687 = arith.shrsi %squeeze3A_1685, %shift_right_arithmetic3A_1686 : i32
      %mul3A_1688 = arith.constant 128 : i32
      %mul3A_1689 = arith.muli %shift_right_arithmetic3A_1687, %mul3A_1688 : i32
      %multiple_of3A_1690 = tpu.assume_multiple %mul3A_1689, 128 : i32
      %dma_start3A_1691 = arith.constant 4 : i32
      %dma_start3A_1692 = arith.constant 7 : i32
      %dma_start3A_1693 = arith.constant 0 : i32
      %dma_start3A_1694 = arith.constant 0 : i32
      %dma_start3A_1695 = tpu.memref_slice %arg6[%dma_start3A_1691, %dma_start3A_1692, %dma_start3A_1693, %dma_start3A_1694] : memref<5x8x16x128xf32, #tpu.memory_space<vmem>> -> memref<1x1x16x128xf32, #tpu.memory_space<vmem>>
      %dma_start3A_1696 = tpu.memref_squeeze %dma_start3A_1695 : memref<1x1x16x128xf32, #tpu.memory_space<vmem>> -> memref<16x128xf32, #tpu.memory_space<vmem>>
      %dma_start3A_1697 = arith.constant 0 : i32
      %dma_start3A_1698 = tpu.memref_slice %arg2[%dma_start3A_1697, %multiple_of3A_1690] : memref<16x1000000xf32, #tpu.memory_space<hbm>> -> memref<16x128xf32, #tpu.memory_space<hbm>>
      %dma_start3A_1699 = arith.constant 0 : i32
      %dma_start3A_1700 = arith.constant 0 : i32
      %dma_start3A_1701 = tpu.memref_slice %arg6[%dma_start3A_1691, %dma_start3A_1692, %dma_start3A_1699, %dma_start3A_1700] : memref<5x8x16x128xf32, #tpu.memory_space<vmem>> -> memref<1x1x16x128xf32, #tpu.memory_space<vmem>>
      %dma_start3A_1702 = tpu.memref_squeeze %dma_start3A_1701 : memref<1x1x16x128xf32, #tpu.memory_space<vmem>> -> memref<16x128xf32, #tpu.memory_space<vmem>>
      %dma_start3A_1703 = arith.constant 0 : i32
      %dma_start3A_1704 = tpu.memref_slice %arg2[%dma_start3A_1703, %multiple_of3A_1690] : memref<16x1000000xf32, #tpu.memory_space<hbm>> -> memref<16x128xf32, #tpu.memory_space<hbm>>
      tpu.enqueue_dma source(%dma_start3A_1704 : memref<16x128xf32, #tpu.memory_space<hbm>>) target(%dma_start3A_1702 : memref<16x128xf32, #tpu.memory_space<vmem>>) target_semaphore(%arg12 : memref<!tpu.dma_semaphore, #tpu.memory_space<semaphore_mem>>)
      %dma_wait3A_1705 = arith.constant 0 : i32
      %dma_wait3A_1706 = arith.constant 0 : i32
      %dma_wait3A_1707 = arith.constant 0 : i32
      %dma_wait3A_1708 = arith.constant 0 : i32
      %dma_wait3A_1709 = tpu.memref_slice %arg6[%dma_wait3A_1705, %dma_wait3A_1706, %dma_wait3A_1707, %dma_wait3A_1708] : memref<5x8x16x128xf32, #tpu.memory_space<vmem>> -> memref<1x1x16x128xf32, #tpu.memory_space<vmem>>
      %dma_wait3A_1710 = tpu.memref_squeeze %dma_wait3A_1709 : memref<1x1x16x128xf32, #tpu.memory_space<vmem>> -> memref<16x128xf32, #tpu.memory_space<vmem>>
      %dma_wait3A_1711 = arith.constant 0 : i32
      %dma_wait3A_1712 = arith.constant 0 : i32
      %dma_wait3A_1713 = tpu.memref_slice %arg2[%dma_wait3A_1711, %dma_wait3A_1712] : memref<16x1000000xf32, #tpu.memory_space<hbm>> -> memref<16x128xf32, #tpu.memory_space<hbm>>
      %dma_wait3A_1714 = arith.constant 0 : i32
      %dma_wait3A_1715 = arith.constant 0 : i32
      %dma_wait3A_1716 = tpu.memref_slice %arg6[%dma_wait3A_1705, %dma_wait3A_1706, %dma_wait3A_1714, %dma_wait3A_1715] : memref<5x8x16x128xf32, #tpu.memory_space<vmem>> -> memref<1x1x16x128xf32, #tpu.memory_space<vmem>>
      %dma_wait3A_1717 = tpu.memref_squeeze %dma_wait3A_1716 : memref<1x1x16x128xf32, #tpu.memory_space<vmem>> -> memref<16x128xf32, #tpu.memory_space<vmem>>
      %dma_wait3A_1718 = arith.constant 0 : i32
      %dma_wait3A_1719 = arith.constant 0 : i32
      %dma_wait3A_1720 = tpu.memref_slice %arg2[%dma_wait3A_1718, %dma_wait3A_1719] : memref<16x1000000xf32, #tpu.memory_space<hbm>> -> memref<16x128xf32, #tpu.memory_space<hbm>>
      tpu.wait_dma2 semaphore(%arg8 : memref<!tpu.dma_semaphore, #tpu.memory_space<semaphore_mem>>) src(%dma_wait3A_1720 : memref<16x128xf32, #tpu.memory_space<hbm>>) dst(%dma_wait3A_1717 : memref<16x128xf32, #tpu.memory_space<vmem>>)
      %dma_wait3A_1721 = arith.constant 0 : i32
      %dma_wait3A_1722 = arith.constant 1 : i32
      %dma_wait3A_1723 = arith.constant 0 : i32
      %dma_wait3A_1724 = arith.constant 0 : i32
      %dma_wait3A_1725 = tpu.memref_slice %arg6[%dma_wait3A_1721, %dma_wait3A_1722, %dma_wait3A_1723, %dma_wait3A_1724] : memref<5x8x16x128xf32, #tpu.memory_space<vmem>> -> memref<1x1x16x128xf32, #tpu.memory_space<vmem>>
      %dma_wait3A_1726 = tpu.memref_squeeze %dma_wait3A_1725 : memref<1x1x16x128xf32, #tpu.memory_space<vmem>> -> memref<16x128xf32, #tpu.memory_space<vmem>>
      %dma_wait3A_1727 = arith.constant 0 : i32
      %dma_wait3A_1728 = arith.constant 0 : i32
      %dma_wait3A_1729 = tpu.memref_slice %arg2[%dma_wait3A_1727, %dma_wait3A_1728] : memref<16x1000000xf32, #tpu.memory_space<hbm>> -> memref<16x128xf32, #tpu.memory_space<hbm>>
      %dma_wait3A_1730 = arith.constant 0 : i32
      %dma_wait3A_1731 = arith.constant 0 : i32
      %dma_wait3A_1732 = tpu.memref_slice %arg6[%dma_wait3A_1721, %dma_wait3A_1722, %dma_wait3A_1730, %dma_wait3A_1731] : memref<5x8x16x128xf32, #tpu.memory_space<vmem>> -> memref<1x1x16x128xf32, #tpu.memory_space<vmem>>
      %dma_wait3A_1733 = tpu.memref_squeeze %dma_wait3A_1732 : memref<1x1x16x128xf32, #tpu.memory_space<vmem>> -> memref<16x128xf32, #tpu.memory_space<vmem>>
      %dma_wait3A_1734 = arith.constant 0 : i32
      %dma_wait3A_1735 = arith.constant 0 : i32
      %dma_wait3A_1736 = tpu.memref_slice %arg2[%dma_wait3A_1734, %dma_wait3A_1735] : memref<16x1000000xf32, #tpu.memory_space<hbm>> -> memref<16x128xf32, #tpu.memory_space<hbm>>
      tpu.wait_dma2 semaphore(%arg8 : memref<!tpu.dma_semaphore, #tpu.memory_space<semaphore_mem>>) src(%dma_wait3A_1736 : memref<16x128xf32, #tpu.memory_space<hbm>>) dst(%dma_wait3A_1733 : memref<16x128xf32, #tpu.memory_space<vmem>>)
      %dma_wait3A_1737 = arith.constant 0 : i32
      %dma_wait3A_1738 = arith.constant 2 : i32
      %dma_wait3A_1739 = arith.constant 0 : i32
      %dma_wait3A_1740 = arith.constant 0 : i32
      %dma_wait3A_1741 = tpu.memref_slice %arg6[%dma_wait3A_1737, %dma_wait3A_1738, %dma_wait3A_1739, %dma_wait3A_1740] : memref<5x8x16x128xf32, #tpu.memory_space<vmem>> -> memref<1x1x16x128xf32, #tpu.memory_space<vmem>>
      %dma_wait3A_1742 = tpu.memref_squeeze %dma_wait3A_1741 : memref<1x1x16x128xf32, #tpu.memory_space<vmem>> -> memref<16x128xf32, #tpu.memory_space<vmem>>
      %dma_wait3A_1743 = arith.constant 0 : i32
      %dma_wait3A_1744 = arith.constant 0 : i32
      %dma_wait3A_1745 = tpu.memref_slice %arg2[%dma_wait3A_1743, %dma_wait3A_1744] : memref<16x1000000xf32, #tpu.memory_space<hbm>> -> memref<16x128xf32, #tpu.memory_space<hbm>>
      %dma_wait3A_1746 = arith.constant 0 : i32
      %dma_wait3A_1747 = arith.constant 0 : i32
      %dma_wait3A_1748 = tpu.memref_slice %arg6[%dma_wait3A_1737, %dma_wait3A_1738, %dma_wait3A_1746, %dma_wait3A_1747] : memref<5x8x16x128xf32, #tpu.memory_space<vmem>> -> memref<1x1x16x128xf32, #tpu.memory_space<vmem>>
      %dma_wait3A_1749 = tpu.memref_squeeze %dma_wait3A_1748 : memref<1x1x16x128xf32, #tpu.memory_space<vmem>> -> memref<16x128xf32, #tpu.memory_space<vmem>>
      %dma_wait3A_1750 = arith.constant 0 : i32
      %dma_wait3A_1751 = arith.constant 0 : i32
      %dma_wait3A_1752 = tpu.memref_slice %arg2[%dma_wait3A_1750, %dma_wait3A_1751] : memref<16x1000000xf32, #tpu.memory_space<hbm>> -> memref<16x128xf32, #tpu.memory_space<hbm>>
      tpu.wait_dma2 semaphore(%arg8 : memref<!tpu.dma_semaphore, #tpu.memory_space<semaphore_mem>>) src(%dma_wait3A_1752 : memref<16x128xf32, #tpu.memory_space<hbm>>) dst(%dma_wait3A_1749 : memref<16x128xf32, #tpu.memory_space<vmem>>)
      %dma_wait3A_1753 = arith.constant 0 : i32
      %dma_wait3A_1754 = arith.constant 3 : i32
      %dma_wait3A_1755 = arith.constant 0 : i32
      %dma_wait3A_1756 = arith.constant 0 : i32
      %dma_wait3A_1757 = tpu.memref_slice %arg6[%dma_wait3A_1753, %dma_wait3A_1754, %dma_wait3A_1755, %dma_wait3A_1756] : memref<5x8x16x128xf32, #tpu.memory_space<vmem>> -> memref<1x1x16x128xf32, #tpu.memory_space<vmem>>
      %dma_wait3A_1758 = tpu.memref_squeeze %dma_wait3A_1757 : memref<1x1x16x128xf32, #tpu.memory_space<vmem>> -> memref<16x128xf32, #tpu.memory_space<vmem>>
      %dma_wait3A_1759 = arith.constant 0 : i32
      %dma_wait3A_1760 = arith.constant 0 : i32
      %dma_wait3A_1761 = tpu.memref_slice %arg2[%dma_wait3A_1759, %dma_wait3A_1760] : memref<16x1000000xf32, #tpu.memory_space<hbm>> -> memref<16x128xf32, #tpu.memory_space<hbm>>
      %dma_wait3A_1762 = arith.constant 0 : i32
      %dma_wait3A_1763 = arith.constant 0 : i32
      %dma_wait3A_1764 = tpu.memref_slice %arg6[%dma_wait3A_1753, %dma_wait3A_1754, %dma_wait3A_1762, %dma_wait3A_1763] : memref<5x8x16x128xf32, #tpu.memory_space<vmem>> -> memref<1x1x16x128xf32, #tpu.memory_space<vmem>>
      %dma_wait3A_1765 = tpu.memref_squeeze %dma_wait3A_1764 : memref<1x1x16x128xf32, #tpu.memory_space<vmem>> -> memref<16x128xf32, #tpu.memory_space<vmem>>
      %dma_wait3A_1766 = arith.constant 0 : i32
      %dma_wait3A_1767 = arith.constant 0 : i32
      %dma_wait3A_1768 = tpu.memref_slice %arg2[%dma_wait3A_1766, %dma_wait3A_1767] : memref<16x1000000xf32, #tpu.memory_space<hbm>> -> memref<16x128xf32, #tpu.memory_space<hbm>>
      tpu.wait_dma2 semaphore(%arg8 : memref<!tpu.dma_semaphore, #tpu.memory_space<semaphore_mem>>) src(%dma_wait3A_1768 : memref<16x128xf32, #tpu.memory_space<hbm>>) dst(%dma_wait3A_1765 : memref<16x128xf32, #tpu.memory_space<vmem>>)
      %dma_wait3A_1769 = arith.constant 0 : i32
      %dma_wait3A_1770 = arith.constant 4 : i32
      %dma_wait3A_1771 = arith.constant 0 : i32
      %dma_wait3A_1772 = arith.constant 0 : i32
      %dma_wait3A_1773 = tpu.memref_slice %arg6[%dma_wait3A_1769, %dma_wait3A_1770, %dma_wait3A_1771, %dma_wait3A_1772] : memref<5x8x16x128xf32, #tpu.memory_space<vmem>> -> memref<1x1x16x128xf32, #tpu.memory_space<vmem>>
      %dma_wait3A_1774 = tpu.memref_squeeze %dma_wait3A_1773 : memref<1x1x16x128xf32, #tpu.memory_space<vmem>> -> memref<16x128xf32, #tpu.memory_space<vmem>>
      %dma_wait3A_1775 = arith.constant 0 : i32
      %dma_wait3A_1776 = arith.constant 0 : i32
      %dma_wait3A_1777 = tpu.memref_slice %arg2[%dma_wait3A_1775, %dma_wait3A_1776] : memref<16x1000000xf32, #tpu.memory_space<hbm>> -> memref<16x128xf32, #tpu.memory_space<hbm>>
      %dma_wait3A_1778 = arith.constant 0 : i32
      %dma_wait3A_1779 = arith.constant 0 : i32
      %dma_wait3A_1780 = tpu.memref_slice %arg6[%dma_wait3A_1769, %dma_wait3A_1770, %dma_wait3A_1778, %dma_wait3A_1779] : memref<5x8x16x128xf32, #tpu.memory_space<vmem>> -> memref<1x1x16x128xf32, #tpu.memory_space<vmem>>
      %dma_wait3A_1781 = tpu.memref_squeeze %dma_wait3A_1780 : memref<1x1x16x128xf32, #tpu.memory_space<vmem>> -> memref<16x128xf32, #tpu.memory_space<vmem>>
      %dma_wait3A_1782 = arith.constant 0 : i32
      %dma_wait3A_1783 = arith.constant 0 : i32
      %dma_wait3A_1784 = tpu.memref_slice %arg2[%dma_wait3A_1782, %dma_wait3A_1783] : memref<16x1000000xf32, #tpu.memory_space<hbm>> -> memref<16x128xf32, #tpu.memory_space<hbm>>
      tpu.wait_dma2 semaphore(%arg8 : memref<!tpu.dma_semaphore, #tpu.memory_space<semaphore_mem>>) src(%dma_wait3A_1784 : memref<16x128xf32, #tpu.memory_space<hbm>>) dst(%dma_wait3A_1781 : memref<16x128xf32, #tpu.memory_space<vmem>>)
      %dma_wait3A_1785 = arith.constant 0 : i32
      %dma_wait3A_1786 = arith.constant 5 : i32
      %dma_wait3A_1787 = arith.constant 0 : i32
      %dma_wait3A_1788 = arith.constant 0 : i32
      %dma_wait3A_1789 = tpu.memref_slice %arg6[%dma_wait3A_1785, %dma_wait3A_1786, %dma_wait3A_1787, %dma_wait3A_1788] : memref<5x8x16x128xf32, #tpu.memory_space<vmem>> -> memref<1x1x16x128xf32, #tpu.memory_space<vmem>>
      %dma_wait3A_1790 = tpu.memref_squeeze %dma_wait3A_1789 : memref<1x1x16x128xf32, #tpu.memory_space<vmem>> -> memref<16x128xf32, #tpu.memory_space<vmem>>
      %dma_wait3A_1791 = arith.constant 0 : i32
      %dma_wait3A_1792 = arith.constant 0 : i32
      %dma_wait3A_1793 = tpu.memref_slice %arg2[%dma_wait3A_1791, %dma_wait3A_1792] : memref<16x1000000xf32, #tpu.memory_space<hbm>> -> memref<16x128xf32, #tpu.memory_space<hbm>>
      %dma_wait3A_1794 = arith.constant 0 : i32
      %dma_wait3A_1795 = arith.constant 0 : i32
      %dma_wait3A_1796 = tpu.memref_slice %arg6[%dma_wait3A_1785, %dma_wait3A_1786, %dma_wait3A_1794, %dma_wait3A_1795] : memref<5x8x16x128xf32, #tpu.memory_space<vmem>> -> memref<1x1x16x128xf32, #tpu.memory_space<vmem>>
      %dma_wait3A_1797 = tpu.memref_squeeze %dma_wait3A_1796 : memref<1x1x16x128xf32, #tpu.memory_space<vmem>> -> memref<16x128xf32, #tpu.memory_space<vmem>>
      %dma_wait3A_1798 = arith.constant 0 : i32
      %dma_wait3A_1799 = arith.constant 0 : i32
      %dma_wait3A_1800 = tpu.memref_slice %arg2[%dma_wait3A_1798, %dma_wait3A_1799] : memref<16x1000000xf32, #tpu.memory_space<hbm>> -> memref<16x128xf32, #tpu.memory_space<hbm>>
      tpu.wait_dma2 semaphore(%arg8 : memref<!tpu.dma_semaphore, #tpu.memory_space<semaphore_mem>>) src(%dma_wait3A_1800 : memref<16x128xf32, #tpu.memory_space<hbm>>) dst(%dma_wait3A_1797 : memref<16x128xf32, #tpu.memory_space<vmem>>)
      %dma_wait3A_1801 = arith.constant 0 : i32
      %dma_wait3A_1802 = arith.constant 6 : i32
      %dma_wait3A_1803 = arith.constant 0 : i32
      %dma_wait3A_1804 = arith.constant 0 : i32
      %dma_wait3A_1805 = tpu.memref_slice %arg6[%dma_wait3A_1801, %dma_wait3A_1802, %dma_wait3A_1803, %dma_wait3A_1804] : memref<5x8x16x128xf32, #tpu.memory_space<vmem>> -> memref<1x1x16x128xf32, #tpu.memory_space<vmem>>
      %dma_wait3A_1806 = tpu.memref_squeeze %dma_wait3A_1805 : memref<1x1x16x128xf32, #tpu.memory_space<vmem>> -> memref<16x128xf32, #tpu.memory_space<vmem>>
      %dma_wait3A_1807 = arith.constant 0 : i32
      %dma_wait3A_1808 = arith.constant 0 : i32
      %dma_wait3A_1809 = tpu.memref_slice %arg2[%dma_wait3A_1807, %dma_wait3A_1808] : memref<16x1000000xf32, #tpu.memory_space<hbm>> -> memref<16x128xf32, #tpu.memory_space<hbm>>
      %dma_wait3A_1810 = arith.constant 0 : i32
      %dma_wait3A_1811 = arith.constant 0 : i32
      %dma_wait3A_1812 = tpu.memref_slice %arg6[%dma_wait3A_1801, %dma_wait3A_1802, %dma_wait3A_1810, %dma_wait3A_1811] : memref<5x8x16x128xf32, #tpu.memory_space<vmem>> -> memref<1x1x16x128xf32, #tpu.memory_space<vmem>>
      %dma_wait3A_1813 = tpu.memref_squeeze %dma_wait3A_1812 : memref<1x1x16x128xf32, #tpu.memory_space<vmem>> -> memref<16x128xf32, #tpu.memory_space<vmem>>
      %dma_wait3A_1814 = arith.constant 0 : i32
      %dma_wait3A_1815 = arith.constant 0 : i32
      %dma_wait3A_1816 = tpu.memref_slice %arg2[%dma_wait3A_1814, %dma_wait3A_1815] : memref<16x1000000xf32, #tpu.memory_space<hbm>> -> memref<16x128xf32, #tpu.memory_space<hbm>>
      tpu.wait_dma2 semaphore(%arg8 : memref<!tpu.dma_semaphore, #tpu.memory_space<semaphore_mem>>) src(%dma_wait3A_1816 : memref<16x128xf32, #tpu.memory_space<hbm>>) dst(%dma_wait3A_1813 : memref<16x128xf32, #tpu.memory_space<vmem>>)
      %dma_wait3A_1817 = arith.constant 0 : i32
      %dma_wait3A_1818 = arith.constant 7 : i32
      %dma_wait3A_1819 = arith.constant 0 : i32
      %dma_wait3A_1820 = arith.constant 0 : i32
      %dma_wait3A_1821 = tpu.memref_slice %arg6[%dma_wait3A_1817, %dma_wait3A_1818, %dma_wait3A_1819, %dma_wait3A_1820] : memref<5x8x16x128xf32, #tpu.memory_space<vmem>> -> memref<1x1x16x128xf32, #tpu.memory_space<vmem>>
      %dma_wait3A_1822 = tpu.memref_squeeze %dma_wait3A_1821 : memref<1x1x16x128xf32, #tpu.memory_space<vmem>> -> memref<16x128xf32, #tpu.memory_space<vmem>>
      %dma_wait3A_1823 = arith.constant 0 : i32
      %dma_wait3A_1824 = arith.constant 0 : i32
      %dma_wait3A_1825 = tpu.memref_slice %arg2[%dma_wait3A_1823, %dma_wait3A_1824] : memref<16x1000000xf32, #tpu.memory_space<hbm>> -> memref<16x128xf32, #tpu.memory_space<hbm>>
      %dma_wait3A_1826 = arith.constant 0 : i32
      %dma_wait3A_1827 = arith.constant 0 : i32
      %dma_wait3A_1828 = tpu.memref_slice %arg6[%dma_wait3A_1817, %dma_wait3A_1818, %dma_wait3A_1826, %dma_wait3A_1827] : memref<5x8x16x128xf32, #tpu.memory_space<vmem>> -> memref<1x1x16x128xf32, #tpu.memory_space<vmem>>
      %dma_wait3A_1829 = tpu.memref_squeeze %dma_wait3A_1828 : memref<1x1x16x128xf32, #tpu.memory_space<vmem>> -> memref<16x128xf32, #tpu.memory_space<vmem>>
      %dma_wait3A_1830 = arith.constant 0 : i32
      %dma_wait3A_1831 = arith.constant 0 : i32
      %dma_wait3A_1832 = tpu.memref_slice %arg2[%dma_wait3A_1830, %dma_wait3A_1831] : memref<16x1000000xf32, #tpu.memory_space<hbm>> -> memref<16x128xf32, #tpu.memory_space<hbm>>
      tpu.wait_dma2 semaphore(%arg8 : memref<!tpu.dma_semaphore, #tpu.memory_space<semaphore_mem>>) src(%dma_wait3A_1832 : memref<16x128xf32, #tpu.memory_space<hbm>>) dst(%dma_wait3A_1829 : memref<16x128xf32, #tpu.memory_space<vmem>>)
      %mul3A_1833 = arith.constant 8 : i32
      %mul3A_1834 = arith.muli %add3A_1530, %mul3A_1833 : i32
      %get3A_1835 = arith.index_cast %mul3A_1834 : i32 to index
      %get3A_1836 = tpu.vector_load %arg5[%get3A_1835] {strides = array<i32>} : memref<528xi32, #tpu.memory_space<vmem>>, vector<16xi32>,
      %broadcast_in_dim3A_1837 = arith.constant 0 : i32
      %broadcast_in_dim3A_1838 = vector.broadcast %broadcast_in_dim3A_1837 : i32 to vector<16xi32>
      %slice3A_1839 = vector.extract_strided_slice %get3A_1836 {offsets = [0], sizes = [1], strides = [1]} : vector<16xi32> to vector<1xi32>
      %squeeze3A_1840 = vector.extract %slice3A_1839[0] : i32 from vector<1xi32>
      %and3A_1841 = arith.constant 127 : i32
      %and3A_1842 = arith.andi %squeeze3A_1840, %and3A_1841 : i32
      %broadcast_in_dim3A_1843 = vector.broadcast %and3A_1842 : i32 to vector<16xi32>
      %mul3A_1844 = arith.constant 8 : i32
      %mul3A_1845 = arith.muli %add3A_1530, %mul3A_1844 : i32
      %add3A_1846 = arith.constant 0 : i32
      %add3A_1847 = arith.addi %mul3A_1845, %add3A_1846 : i32
      %broadcast_in_dim3A_1848 = vector.broadcast %add3A_1847 : i32 to vector<16xi32>
      %broadcast_in_dim3A_1849 = arith.constant 0 : i32
      %broadcast_in_dim3A_1850 = vector.broadcast %broadcast_in_dim3A_1849 : i32 to vector<16xi32>
      %gather3A_1851 = tpu.vector_load_idx %arg6[%broadcast_in_dim3A_1838, %broadcast_in_dim3A_1850, %iota3A, %broadcast_in_dim3A_1843] : memref<5x8x16x128xf32, #tpu.memory_space<vmem>>[vector<16xi32>, vector<16xi32>, vector<16xi32>, vector<16xi32>], vector<16xf32>,
      tpu.vector_store_idx %arg7[%iota3A, %broadcast_in_dim3A_1848], %gather3A_1851 : memref<16x512xf32, #tpu.memory_space<vmem>>[vector<16xi32>, vector<16xi32>], vector<16xf32>,
      %slice3A_1852 = vector.extract_strided_slice %get3A_1836 {offsets = [1], sizes = [1], strides = [1]} : vector<16xi32> to vector<1xi32>
      %squeeze3A_1853 = vector.extract %slice3A_1852[0] : i32 from vector<1xi32>
      %and3A_1854 = arith.constant 127 : i32
      %and3A_1855 = arith.andi %squeeze3A_1853, %and3A_1854 : i32
      %broadcast_in_dim3A_1856 = vector.broadcast %and3A_1855 : i32 to vector<16xi32>
      %mul3A_1857 = arith.constant 8 : i32
      %mul3A_1858 = arith.muli %add3A_1530, %mul3A_1857 : i32
      %add3A_1859 = arith.constant 1 : i32
      %add3A_1860 = arith.addi %mul3A_1858, %add3A_1859 : i32
      %broadcast_in_dim3A_1861 = vector.broadcast %add3A_1860 : i32 to vector<16xi32>
      %broadcast_in_dim3A_1862 = arith.constant 1 : i32
      %broadcast_in_dim3A_1863 = vector.broadcast %broadcast_in_dim3A_1862 : i32 to vector<16xi32>
      %gather3A_1864 = tpu.vector_load_idx %arg6[%broadcast_in_dim3A_1838, %broadcast_in_dim3A_1863, %iota3A, %broadcast_in_dim3A_1856] : memref<5x8x16x128xf32, #tpu.memory_space<vmem>>[vector<16xi32>, vector<16xi32>, vector<16xi32>, vector<16xi32>], vector<16xf32>,
      tpu.vector_store_idx %arg7[%iota3A, %broadcast_in_dim3A_1861], %gather3A_1864 : memref<16x512xf32, #tpu.memory_space<vmem>>[vector<16xi32>, vector<16xi32>], vector<16xf32>,
      %slice3A_1865 = vector.extract_strided_slice %get3A_1836 {offsets = [2], sizes = [1], strides = [1]} : vector<16xi32> to vector<1xi32>
      %squeeze3A_1866 = vector.extract %slice3A_1865[0] : i32 from vector<1xi32>
      %and3A_1867 = arith.constant 127 : i32
      %and3A_1868 = arith.andi %squeeze3A_1866, %and3A_1867 : i32
      %broadcast_in_dim3A_1869 = vector.broadcast %and3A_1868 : i32 to vector<16xi32>
      %mul3A_1870 = arith.constant 8 : i32
      %mul3A_1871 = arith.muli %add3A_1530, %mul3A_1870 : i32
      %add3A_1872 = arith.constant 2 : i32
      %add3A_1873 = arith.addi %mul3A_1871, %add3A_1872 : i32
      %broadcast_in_dim3A_1874 = vector.broadcast %add3A_1873 : i32 to vector<16xi32>
      %broadcast_in_dim3A_1875 = arith.constant 2 : i32
      %broadcast_in_dim3A_1876 = vector.broadcast %broadcast_in_dim3A_1875 : i32 to vector<16xi32>
      %gather3A_1877 = tpu.vector_load_idx %arg6[%broadcast_in_dim3A_1838, %broadcast_in_dim3A_1876, %iota3A, %broadcast_in_dim3A_1869] : memref<5x8x16x128xf32, #tpu.memory_space<vmem>>[vector<16xi32>, vector<16xi32>, vector<16xi32>, vector<16xi32>], vector<16xf32>,
      tpu.vector_store_idx %arg7[%iota3A, %broadcast_in_dim3A_1874], %gather3A_1877 : memref<16x512xf32, #tpu.memory_space<vmem>>[vector<16xi32>, vector<16xi32>], vector<16xf32>,
      %slice3A_1878 = vector.extract_strided_slice %get3A_1836 {offsets = [3], sizes = [1], strides = [1]} : vector<16xi32> to vector<1xi32>
      %squeeze3A_1879 = vector.extract %slice3A_1878[0] : i32 from vector<1xi32>
      %and3A_1880 = arith.constant 127 : i32
      %and3A_1881 = arith.andi %squeeze3A_1879, %and3A_1880 : i32
      %broadcast_in_dim3A_1882 = vector.broadcast %and3A_1881 : i32 to vector<16xi32>
      %mul3A_1883 = arith.constant 8 : i32
      %mul3A_1884 = arith.muli %add3A_1530, %mul3A_1883 : i32
      %add3A_1885 = arith.constant 3 : i32
      %add3A_1886 = arith.addi %mul3A_1884, %add3A_1885 : i32
      %broadcast_in_dim3A_1887 = vector.broadcast %add3A_1886 : i32 to vector<16xi32>
      %broadcast_in_dim3A_1888 = arith.constant 3 : i32
      %broadcast_in_dim3A_1889 = vector.broadcast %broadcast_in_dim3A_1888 : i32 to vector<16xi32>
      %gather3A_1890 = tpu.vector_load_idx %arg6[%broadcast_in_dim3A_1838, %broadcast_in_dim3A_1889, %iota3A, %broadcast_in_dim3A_1882] : memref<5x8x16x128xf32, #tpu.memory_space<vmem>>[vector<16xi32>, vector<16xi32>, vector<16xi32>, vector<16xi32>], vector<16xf32>,
      tpu.vector_store_idx %arg7[%iota3A, %broadcast_in_dim3A_1887], %gather3A_1890 : memref<16x512xf32, #tpu.memory_space<vmem>>[vector<16xi32>, vector<16xi32>], vector<16xf32>,
      %slice3A_1891 = vector.extract_strided_slice %get3A_1836 {offsets = [4], sizes = [1], strides = [1]} : vector<16xi32> to vector<1xi32>
      %squeeze3A_1892 = vector.extract %slice3A_1891[0] : i32 from vector<1xi32>
      %and3A_1893 = arith.constant 127 : i32
      %and3A_1894 = arith.andi %squeeze3A_1892, %and3A_1893 : i32
      %broadcast_in_dim3A_1895 = vector.broadcast %and3A_1894 : i32 to vector<16xi32>
      %mul3A_1896 = arith.constant 8 : i32
      %mul3A_1897 = arith.muli %add3A_1530, %mul3A_1896 : i32
      %add3A_1898 = arith.constant 4 : i32
      %add3A_1899 = arith.addi %mul3A_1897, %add3A_1898 : i32
      %broadcast_in_dim3A_1900 = vector.broadcast %add3A_1899 : i32 to vector<16xi32>
      %broadcast_in_dim3A_1901 = arith.constant 4 : i32
      %broadcast_in_dim3A_1902 = vector.broadcast %broadcast_in_dim3A_1901 : i32 to vector<16xi32>
      %gather3A_1903 = tpu.vector_load_idx %arg6[%broadcast_in_dim3A_1838, %broadcast_in_dim3A_1902, %iota3A, %broadcast_in_dim3A_1895] : memref<5x8x16x128xf32, #tpu.memory_space<vmem>>[vector<16xi32>, vector<16xi32>, vector<16xi32>, vector<16xi32>], vector<16xf32>,
      tpu.vector_store_idx %arg7[%iota3A, %broadcast_in_dim3A_1900], %gather3A_1903 : memref<16x512xf32, #tpu.memory_space<vmem>>[vector<16xi32>, vector<16xi32>], vector<16xf32>,
      %slice3A_1904 = vector.extract_strided_slice %get3A_1836 {offsets = [5], sizes = [1], strides = [1]} : vector<16xi32> to vector<1xi32>
      %squeeze3A_1905 = vector.extract %slice3A_1904[0] : i32 from vector<1xi32>
      %and3A_1906 = arith.constant 127 : i32
      %and3A_1907 = arith.andi %squeeze3A_1905, %and3A_1906 : i32
      %broadcast_in_dim3A_1908 = vector.broadcast %and3A_1907 : i32 to vector<16xi32>
      %mul3A_1909 = arith.constant 8 : i32
      %mul3A_1910 = arith.muli %add3A_1530, %mul3A_1909 : i32
      %add3A_1911 = arith.constant 5 : i32
      %add3A_1912 = arith.addi %mul3A_1910, %add3A_1911 : i32
      %broadcast_in_dim3A_1913 = vector.broadcast %add3A_1912 : i32 to vector<16xi32>
      %broadcast_in_dim3A_1914 = arith.constant 5 : i32
      %broadcast_in_dim3A_1915 = vector.broadcast %broadcast_in_dim3A_1914 : i32 to vector<16xi32>
      %gather3A_1916 = tpu.vector_load_idx %arg6[%broadcast_in_dim3A_1838, %broadcast_in_dim3A_1915, %iota3A, %broadcast_in_dim3A_1908] : memref<5x8x16x128xf32, #tpu.memory_space<vmem>>[vector<16xi32>, vector<16xi32>, vector<16xi32>, vector<16xi32>], vector<16xf32>,
      tpu.vector_store_idx %arg7[%iota3A, %broadcast_in_dim3A_1913], %gather3A_1916 : memref<16x512xf32, #tpu.memory_space<vmem>>[vector<16xi32>, vector<16xi32>], vector<16xf32>,
      %slice3A_1917 = vector.extract_strided_slice %get3A_1836 {offsets = [6], sizes = [1], strides = [1]} : vector<16xi32> to vector<1xi32>
      %squeeze3A_1918 = vector.extract %slice3A_1917[0] : i32 from vector<1xi32>
      %and3A_1919 = arith.constant 127 : i32
      %and3A_1920 = arith.andi %squeeze3A_1918, %and3A_1919 : i32
      %broadcast_in_dim3A_1921 = vector.broadcast %and3A_1920 : i32 to vector<16xi32>
      %mul3A_1922 = arith.constant 8 : i32
      %mul3A_1923 = arith.muli %add3A_1530, %mul3A_1922 : i32
      %add3A_1924 = arith.constant 6 : i32
      %add3A_1925 = arith.addi %mul3A_1923, %add3A_1924 : i32
      %broadcast_in_dim3A_1926 = vector.broadcast %add3A_1925 : i32 to vector<16xi32>
      %broadcast_in_dim3A_1927 = arith.constant 6 : i32
      %broadcast_in_dim3A_1928 = vector.broadcast %broadcast_in_dim3A_1927 : i32 to vector<16xi32>
      %gather3A_1929 = tpu.vector_load_idx %arg6[%broadcast_in_dim3A_1838, %broadcast_in_dim3A_1928, %iota3A, %broadcast_in_dim3A_1921] : memref<5x8x16x128xf32, #tpu.memory_space<vmem>>[vector<16xi32>, vector<16xi32>, vector<16xi32>, vector<16xi32>], vector<16xf32>,
      tpu.vector_store_idx %arg7[%iota3A, %broadcast_in_dim3A_1926], %gather3A_1929 : memref<16x512xf32, #tpu.memory_space<vmem>>[vector<16xi32>, vector<16xi32>], vector<16xf32>,
      %slice3A_1930 = vector.extract_strided_slice %get3A_1836 {offsets = [7], sizes = [1], strides = [1]} : vector<16xi32> to vector<1xi32>
      %squeeze3A_1931 = vector.extract %slice3A_1930[0] : i32 from vector<1xi32>
      %and3A_1932 = arith.constant 127 : i32
      %and3A_1933 = arith.andi %squeeze3A_1931, %and3A_1932 : i32
      %broadcast_in_dim3A_1934 = vector.broadcast %and3A_1933 : i32 to vector<16xi32>
      %mul3A_1935 = arith.constant 8 : i32
      %mul3A_1936 = arith.muli %add3A_1530, %mul3A_1935 : i32
      %add3A_1937 = arith.constant 7 : i32
      %add3A_1938 = arith.addi %mul3A_1936, %add3A_1937 : i32
      %broadcast_in_dim3A_1939 = vector.broadcast %add3A_1938 : i32 to vector<16xi32>
      %broadcast_in_dim3A_1940 = arith.constant 7 : i32
      %broadcast_in_dim3A_1941 = vector.broadcast %broadcast_in_dim3A_1940 : i32 to vector<16xi32>
      %gather3A_1942 = tpu.vector_load_idx %arg6[%broadcast_in_dim3A_1838, %broadcast_in_dim3A_1941, %iota3A, %broadcast_in_dim3A_1934] : memref<5x8x16x128xf32, #tpu.memory_space<vmem>>[vector<16xi32>, vector<16xi32>, vector<16xi32>, vector<16xi32>], vector<16xf32>,
      tpu.vector_store_idx %arg7[%iota3A, %broadcast_in_dim3A_1939], %gather3A_1942 : memref<16x512xf32, #tpu.memory_space<vmem>>[vector<16xi32>, vector<16xi32>], vector<16xf32>,
      %mul3A_1943 = arith.constant 5 : i32
      %mul3A_1944 = arith.muli %mul3A_1943, %scan3A_1526 : i32
      %add3A_1945 = arith.constant 1 : i32
      %add3A_1946 = arith.addi %mul3A_1944, %add3A_1945 : i32
      %add3A_1947 = arith.constant 4 : i32
      %add3A_1948 = arith.addi %add3A_1946, %add3A_1947 : i32
      %mul3A_1949 = arith.constant 8 : i32
      %mul3A_1950 = arith.muli %add3A_1948, %mul3A_1949 : i32
      %get3A_1951 = arith.index_cast %mul3A_1950 : i32 to index
      %get3A_1952 = tpu.vector_load %arg5[%get3A_1951] {strides = array<i32>} : memref<528xi32, #tpu.memory_space<vmem>>, vector<16xi32>,
      %slice3A_1953 = vector.extract_strided_slice %get3A_1952 {offsets = [0], sizes = [1], strides = [1]} : vector<16xi32> to vector<1xi32>
      %squeeze3A_1954 = vector.extract %slice3A_1953[0] : i32 from vector<1xi32>
      %shift_right_arithmetic3A_1955 = arith.constant 7 : i32
      %shift_right_arithmetic3A_1956 = arith.shrsi %squeeze3A_1954, %shift_right_arithmetic3A_1955 : i32
      %mul3A_1957 = arith.constant 128 : i32
      %mul3A_1958 = arith.muli %shift_right_arithmetic3A_1956, %mul3A_1957 : i32
      %multiple_of3A_1959 = tpu.assume_multiple %mul3A_1958, 128 : i32
      %dma_start3A_1960 = arith.constant 0 : i32
      %dma_start3A_1961 = arith.constant 0 : i32
      %dma_start3A_1962 = arith.constant 0 : i32
      %dma_start3A_1963 = arith.constant 0 : i32
      %dma_start3A_1964 = tpu.memref_slice %arg6[%dma_start3A_1960, %dma_start3A_1961, %dma_start3A_1962, %dma_start3A_1963] : memref<5x8x16x128xf32, #tpu.memory_space<vmem>> -> memref<1x1x16x128xf32, #tpu.memory_space<vmem>>
      %dma_start3A_1965 = tpu.memref_squeeze %dma_start3A_1964 : memref<1x1x16x128xf32, #tpu.memory_space<vmem>> -> memref<16x128xf32, #tpu.memory_space<vmem>>
      %dma_start3A_1966 = arith.constant 0 : i32
      %dma_start3A_1967 = tpu.memref_slice %arg2[%dma_start3A_1966, %multiple_of3A_1959] : memref<16x1000000xf32, #tpu.memory_space<hbm>> -> memref<16x128xf32, #tpu.memory_space<hbm>>
      %dma_start3A_1968 = arith.constant 0 : i32
      %dma_start3A_1969 = arith.constant 0 : i32
      %dma_start3A_1970 = tpu.memref_slice %arg6[%dma_start3A_1960, %dma_start3A_1961, %dma_start3A_1968, %dma_start3A_1969] : memref<5x8x16x128xf32, #tpu.memory_space<vmem>> -> memref<1x1x16x128xf32, #tpu.memory_space<vmem>>
      %dma_start3A_1971 = tpu.memref_squeeze %dma_start3A_1970 : memref<1x1x16x128xf32, #tpu.memory_space<vmem>> -> memref<16x128xf32, #tpu.memory_space<vmem>>
      %dma_start3A_1972 = arith.constant 0 : i32
      %dma_start3A_1973 = tpu.memref_slice %arg2[%dma_start3A_1972, %multiple_of3A_1959] : memref<16x1000000xf32, #tpu.memory_space<hbm>> -> memref<16x128xf32, #tpu.memory_space<hbm>>
      tpu.enqueue_dma source(%dma_start3A_1973 : memref<16x128xf32, #tpu.memory_space<hbm>>) target(%dma_start3A_1971 : memref<16x128xf32, #tpu.memory_space<vmem>>) target_semaphore(%arg8 : memref<!tpu.dma_semaphore, #tpu.memory_space<semaphore_mem>>)
      %slice3A_1974 = vector.extract_strided_slice %get3A_1952 {offsets = [1], sizes = [1], strides = [1]} : vector<16xi32> to vector<1xi32>
      %squeeze3A_1975 = vector.extract %slice3A_1974[0] : i32 from vector<1xi32>
      %shift_right_arithmetic3A_1976 = arith.constant 7 : i32
      %shift_right_arithmetic3A_1977 = arith.shrsi %squeeze3A_1975, %shift_right_arithmetic3A_1976 : i32
      %mul3A_1978 = arith.constant 128 : i32
      %mul3A_1979 = arith.muli %shift_right_arithmetic3A_1977, %mul3A_1978 : i32
      %multiple_of3A_1980 = tpu.assume_multiple %mul3A_1979, 128 : i32
      %dma_start3A_1981 = arith.constant 0 : i32
      %dma_start3A_1982 = arith.constant 1 : i32
      %dma_start3A_1983 = arith.constant 0 : i32
      %dma_start3A_1984 = arith.constant 0 : i32
      %dma_start3A_1985 = tpu.memref_slice %arg6[%dma_start3A_1981, %dma_start3A_1982, %dma_start3A_1983, %dma_start3A_1984] : memref<5x8x16x128xf32, #tpu.memory_space<vmem>> -> memref<1x1x16x128xf32, #tpu.memory_space<vmem>>
      %dma_start3A_1986 = tpu.memref_squeeze %dma_start3A_1985 : memref<1x1x16x128xf32, #tpu.memory_space<vmem>> -> memref<16x128xf32, #tpu.memory_space<vmem>>
      %dma_start3A_1987 = arith.constant 0 : i32
      %dma_start3A_1988 = tpu.memref_slice %arg2[%dma_start3A_1987, %multiple_of3A_1980] : memref<16x1000000xf32, #tpu.memory_space<hbm>> -> memref<16x128xf32, #tpu.memory_space<hbm>>
      %dma_start3A_1989 = arith.constant 0 : i32
      %dma_start3A_1990 = arith.constant 0 : i32
      %dma_start3A_1991 = tpu.memref_slice %arg6[%dma_start3A_1981, %dma_start3A_1982, %dma_start3A_1989, %dma_start3A_1990] : memref<5x8x16x128xf32, #tpu.memory_space<vmem>> -> memref<1x1x16x128xf32, #tpu.memory_space<vmem>>
      %dma_start3A_1992 = tpu.memref_squeeze %dma_start3A_1991 : memref<1x1x16x128xf32, #tpu.memory_space<vmem>> -> memref<16x128xf32, #tpu.memory_space<vmem>>
      %dma_start3A_1993 = arith.constant 0 : i32
      %dma_start3A_1994 = tpu.memref_slice %arg2[%dma_start3A_1993, %multiple_of3A_1980] : memref<16x1000000xf32, #tpu.memory_space<hbm>> -> memref<16x128xf32, #tpu.memory_space<hbm>>
      tpu.enqueue_dma source(%dma_start3A_1994 : memref<16x128xf32, #tpu.memory_space<hbm>>) target(%dma_start3A_1992 : memref<16x128xf32, #tpu.memory_space<vmem>>) target_semaphore(%arg8 : memref<!tpu.dma_semaphore, #tpu.memory_space<semaphore_mem>>)
      %slice3A_1995 = vector.extract_strided_slice %get3A_1952 {offsets = [2], sizes = [1], strides = [1]} : vector<16xi32> to vector<1xi32>
      %squeeze3A_1996 = vector.extract %slice3A_1995[0] : i32 from vector<1xi32>
      %shift_right_arithmetic3A_1997 = arith.constant 7 : i32
      %shift_right_arithmetic3A_1998 = arith.shrsi %squeeze3A_1996, %shift_right_arithmetic3A_1997 : i32
      %mul3A_1999 = arith.constant 128 : i32
      %mul3A_2000 = arith.muli %shift_right_arithmetic3A_1998, %mul3A_1999 : i32
      %multiple_of3A_2001 = tpu.assume_multiple %mul3A_2000, 128 : i32
      %dma_start3A_2002 = arith.constant 0 : i32
      %dma_start3A_2003 = arith.constant 2 : i32
      %dma_start3A_2004 = arith.constant 0 : i32
      %dma_start3A_2005 = arith.constant 0 : i32
      %dma_start3A_2006 = tpu.memref_slice %arg6[%dma_start3A_2002, %dma_start3A_2003, %dma_start3A_2004, %dma_start3A_2005] : memref<5x8x16x128xf32, #tpu.memory_space<vmem>> -> memref<1x1x16x128xf32, #tpu.memory_space<vmem>>
      %dma_start3A_2007 = tpu.memref_squeeze %dma_start3A_2006 : memref<1x1x16x128xf32, #tpu.memory_space<vmem>> -> memref<16x128xf32, #tpu.memory_space<vmem>>
      %dma_start3A_2008 = arith.constant 0 : i32
      %dma_start3A_2009 = tpu.memref_slice %arg2[%dma_start3A_2008, %multiple_of3A_2001] : memref<16x1000000xf32, #tpu.memory_space<hbm>> -> memref<16x128xf32, #tpu.memory_space<hbm>>
      %dma_start3A_2010 = arith.constant 0 : i32
      %dma_start3A_2011 = arith.constant 0 : i32
      %dma_start3A_2012 = tpu.memref_slice %arg6[%dma_start3A_2002, %dma_start3A_2003, %dma_start3A_2010, %dma_start3A_2011] : memref<5x8x16x128xf32, #tpu.memory_space<vmem>> -> memref<1x1x16x128xf32, #tpu.memory_space<vmem>>
      %dma_start3A_2013 = tpu.memref_squeeze %dma_start3A_2012 : memref<1x1x16x128xf32, #tpu.memory_space<vmem>> -> memref<16x128xf32, #tpu.memory_space<vmem>>
      %dma_start3A_2014 = arith.constant 0 : i32
      %dma_start3A_2015 = tpu.memref_slice %arg2[%dma_start3A_2014, %multiple_of3A_2001] : memref<16x1000000xf32, #tpu.memory_space<hbm>> -> memref<16x128xf32, #tpu.memory_space<hbm>>
      tpu.enqueue_dma source(%dma_start3A_2015 : memref<16x128xf32, #tpu.memory_space<hbm>>) target(%dma_start3A_2013 : memref<16x128xf32, #tpu.memory_space<vmem>>) target_semaphore(%arg8 : memref<!tpu.dma_semaphore, #tpu.memory_space<semaphore_mem>>)
      %slice3A_2016 = vector.extract_strided_slice %get3A_1952 {offsets = [3], sizes = [1], strides = [1]} : vector<16xi32> to vector<1xi32>
      %squeeze3A_2017 = vector.extract %slice3A_2016[0] : i32 from vector<1xi32>
      %shift_right_arithmetic3A_2018 = arith.constant 7 : i32
      %shift_right_arithmetic3A_2019 = arith.shrsi %squeeze3A_2017, %shift_right_arithmetic3A_2018 : i32
      %mul3A_2020 = arith.constant 128 : i32
      %mul3A_2021 = arith.muli %shift_right_arithmetic3A_2019, %mul3A_2020 : i32
      %multiple_of3A_2022 = tpu.assume_multiple %mul3A_2021, 128 : i32
      %dma_start3A_2023 = arith.constant 0 : i32
      %dma_start3A_2024 = arith.constant 3 : i32
      %dma_start3A_2025 = arith.constant 0 : i32
      %dma_start3A_2026 = arith.constant 0 : i32
      %dma_start3A_2027 = tpu.memref_slice %arg6[%dma_start3A_2023, %dma_start3A_2024, %dma_start3A_2025, %dma_start3A_2026] : memref<5x8x16x128xf32, #tpu.memory_space<vmem>> -> memref<1x1x16x128xf32, #tpu.memory_space<vmem>>
      %dma_start3A_2028 = tpu.memref_squeeze %dma_start3A_2027 : memref<1x1x16x128xf32, #tpu.memory_space<vmem>> -> memref<16x128xf32, #tpu.memory_space<vmem>>
      %dma_start3A_2029 = arith.constant 0 : i32
      %dma_start3A_2030 = tpu.memref_slice %arg2[%dma_start3A_2029, %multiple_of3A_2022] : memref<16x1000000xf32, #tpu.memory_space<hbm>> -> memref<16x128xf32, #tpu.memory_space<hbm>>
      %dma_start3A_2031 = arith.constant 0 : i32
      %dma_start3A_2032 = arith.constant 0 : i32
      %dma_start3A_2033 = tpu.memref_slice %arg6[%dma_start3A_2023, %dma_start3A_2024, %dma_start3A_2031, %dma_start3A_2032] : memref<5x8x16x128xf32, #tpu.memory_space<vmem>> -> memref<1x1x16x128xf32, #tpu.memory_space<vmem>>
      %dma_start3A_2034 = tpu.memref_squeeze %dma_start3A_2033 : memref<1x1x16x128xf32, #tpu.memory_space<vmem>> -> memref<16x128xf32, #tpu.memory_space<vmem>>
      %dma_start3A_2035 = arith.constant 0 : i32
      %dma_start3A_2036 = tpu.memref_slice %arg2[%dma_start3A_2035, %multiple_of3A_2022] : memref<16x1000000xf32, #tpu.memory_space<hbm>> -> memref<16x128xf32, #tpu.memory_space<hbm>>
      tpu.enqueue_dma source(%dma_start3A_2036 : memref<16x128xf32, #tpu.memory_space<hbm>>) target(%dma_start3A_2034 : memref<16x128xf32, #tpu.memory_space<vmem>>) target_semaphore(%arg8 : memref<!tpu.dma_semaphore, #tpu.memory_space<semaphore_mem>>)
      %slice3A_2037 = vector.extract_strided_slice %get3A_1952 {offsets = [4], sizes = [1], strides = [1]} : vector<16xi32> to vector<1xi32>
      %squeeze3A_2038 = vector.extract %slice3A_2037[0] : i32 from vector<1xi32>
      %shift_right_arithmetic3A_2039 = arith.constant 7 : i32
      %shift_right_arithmetic3A_2040 = arith.shrsi %squeeze3A_2038, %shift_right_arithmetic3A_2039 : i32
      %mul3A_2041 = arith.constant 128 : i32
      %mul3A_2042 = arith.muli %shift_right_arithmetic3A_2040, %mul3A_2041 : i32
      %multiple_of3A_2043 = tpu.assume_multiple %mul3A_2042, 128 : i32
      %dma_start3A_2044 = arith.constant 0 : i32
      %dma_start3A_2045 = arith.constant 4 : i32
      %dma_start3A_2046 = arith.constant 0 : i32
      %dma_start3A_2047 = arith.constant 0 : i32
      %dma_start3A_2048 = tpu.memref_slice %arg6[%dma_start3A_2044, %dma_start3A_2045, %dma_start3A_2046, %dma_start3A_2047] : memref<5x8x16x128xf32, #tpu.memory_space<vmem>> -> memref<1x1x16x128xf32, #tpu.memory_space<vmem>>
      %dma_start3A_2049 = tpu.memref_squeeze %dma_start3A_2048 : memref<1x1x16x128xf32, #tpu.memory_space<vmem>> -> memref<16x128xf32, #tpu.memory_space<vmem>>
      %dma_start3A_2050 = arith.constant 0 : i32
      %dma_start3A_2051 = tpu.memref_slice %arg2[%dma_start3A_2050, %multiple_of3A_2043] : memref<16x1000000xf32, #tpu.memory_space<hbm>> -> memref<16x128xf32, #tpu.memory_space<hbm>>
      %dma_start3A_2052 = arith.constant 0 : i32
      %dma_start3A_2053 = arith.constant 0 : i32
      %dma_start3A_2054 = tpu.memref_slice %arg6[%dma_start3A_2044, %dma_start3A_2045, %dma_start3A_2052, %dma_start3A_2053] : memref<5x8x16x128xf32, #tpu.memory_space<vmem>> -> memref<1x1x16x128xf32, #tpu.memory_space<vmem>>
      %dma_start3A_2055 = tpu.memref_squeeze %dma_start3A_2054 : memref<1x1x16x128xf32, #tpu.memory_space<vmem>> -> memref<16x128xf32, #tpu.memory_space<vmem>>
      %dma_start3A_2056 = arith.constant 0 : i32
      %dma_start3A_2057 = tpu.memref_slice %arg2[%dma_start3A_2056, %multiple_of3A_2043] : memref<16x1000000xf32, #tpu.memory_space<hbm>> -> memref<16x128xf32, #tpu.memory_space<hbm>>
      tpu.enqueue_dma source(%dma_start3A_2057 : memref<16x128xf32, #tpu.memory_space<hbm>>) target(%dma_start3A_2055 : memref<16x128xf32, #tpu.memory_space<vmem>>) target_semaphore(%arg8 : memref<!tpu.dma_semaphore, #tpu.memory_space<semaphore_mem>>)
      %slice3A_2058 = vector.extract_strided_slice %get3A_1952 {offsets = [5], sizes = [1], strides = [1]} : vector<16xi32> to vector<1xi32>
      %squeeze3A_2059 = vector.extract %slice3A_2058[0] : i32 from vector<1xi32>
      %shift_right_arithmetic3A_2060 = arith.constant 7 : i32
      %shift_right_arithmetic3A_2061 = arith.shrsi %squeeze3A_2059, %shift_right_arithmetic3A_2060 : i32
      %mul3A_2062 = arith.constant 128 : i32
      %mul3A_2063 = arith.muli %shift_right_arithmetic3A_2061, %mul3A_2062 : i32
      %multiple_of3A_2064 = tpu.assume_multiple %mul3A_2063, 128 : i32
      %dma_start3A_2065 = arith.constant 0 : i32
      %dma_start3A_2066 = arith.constant 5 : i32
      %dma_start3A_2067 = arith.constant 0 : i32
      %dma_start3A_2068 = arith.constant 0 : i32
      %dma_start3A_2069 = tpu.memref_slice %arg6[%dma_start3A_2065, %dma_start3A_2066, %dma_start3A_2067, %dma_start3A_2068] : memref<5x8x16x128xf32, #tpu.memory_space<vmem>> -> memref<1x1x16x128xf32, #tpu.memory_space<vmem>>
      %dma_start3A_2070 = tpu.memref_squeeze %dma_start3A_2069 : memref<1x1x16x128xf32, #tpu.memory_space<vmem>> -> memref<16x128xf32, #tpu.memory_space<vmem>>
      %dma_start3A_2071 = arith.constant 0 : i32
      %dma_start3A_2072 = tpu.memref_slice %arg2[%dma_start3A_2071, %multiple_of3A_2064] : memref<16x1000000xf32, #tpu.memory_space<hbm>> -> memref<16x128xf32, #tpu.memory_space<hbm>>
      %dma_start3A_2073 = arith.constant 0 : i32
      %dma_start3A_2074 = arith.constant 0 : i32
      %dma_start3A_2075 = tpu.memref_slice %arg6[%dma_start3A_2065, %dma_start3A_2066, %dma_start3A_2073, %dma_start3A_2074] : memref<5x8x16x128xf32, #tpu.memory_space<vmem>> -> memref<1x1x16x128xf32, #tpu.memory_space<vmem>>
      %dma_start3A_2076 = tpu.memref_squeeze %dma_start3A_2075 : memref<1x1x16x128xf32, #tpu.memory_space<vmem>> -> memref<16x128xf32, #tpu.memory_space<vmem>>
      %dma_start3A_2077 = arith.constant 0 : i32
      %dma_start3A_2078 = tpu.memref_slice %arg2[%dma_start3A_2077, %multiple_of3A_2064] : memref<16x1000000xf32, #tpu.memory_space<hbm>> -> memref<16x128xf32, #tpu.memory_space<hbm>>
      tpu.enqueue_dma source(%dma_start3A_2078 : memref<16x128xf32, #tpu.memory_space<hbm>>) target(%dma_start3A_2076 : memref<16x128xf32, #tpu.memory_space<vmem>>) target_semaphore(%arg8 : memref<!tpu.dma_semaphore, #tpu.memory_space<semaphore_mem>>)
      %slice3A_2079 = vector.extract_strided_slice %get3A_1952 {offsets = [6], sizes = [1], strides = [1]} : vector<16xi32> to vector<1xi32>
      %squeeze3A_2080 = vector.extract %slice3A_2079[0] : i32 from vector<1xi32>
      %shift_right_arithmetic3A_2081 = arith.constant 7 : i32
      %shift_right_arithmetic3A_2082 = arith.shrsi %squeeze3A_2080, %shift_right_arithmetic3A_2081 : i32
      %mul3A_2083 = arith.constant 128 : i32
      %mul3A_2084 = arith.muli %shift_right_arithmetic3A_2082, %mul3A_2083 : i32
      %multiple_of3A_2085 = tpu.assume_multiple %mul3A_2084, 128 : i32
      %dma_start3A_2086 = arith.constant 0 : i32
      %dma_start3A_2087 = arith.constant 6 : i32
      %dma_start3A_2088 = arith.constant 0 : i32
      %dma_start3A_2089 = arith.constant 0 : i32
      %dma_start3A_2090 = tpu.memref_slice %arg6[%dma_start3A_2086, %dma_start3A_2087, %dma_start3A_2088, %dma_start3A_2089] : memref<5x8x16x128xf32, #tpu.memory_space<vmem>> -> memref<1x1x16x128xf32, #tpu.memory_space<vmem>>
      %dma_start3A_2091 = tpu.memref_squeeze %dma_start3A_2090 : memref<1x1x16x128xf32, #tpu.memory_space<vmem>> -> memref<16x128xf32, #tpu.memory_space<vmem>>
      %dma_start3A_2092 = arith.constant 0 : i32
      %dma_start3A_2093 = tpu.memref_slice %arg2[%dma_start3A_2092, %multiple_of3A_2085] : memref<16x1000000xf32, #tpu.memory_space<hbm>> -> memref<16x128xf32, #tpu.memory_space<hbm>>
      %dma_start3A_2094 = arith.constant 0 : i32
      %dma_start3A_2095 = arith.constant 0 : i32
      %dma_start3A_2096 = tpu.memref_slice %arg6[%dma_start3A_2086, %dma_start3A_2087, %dma_start3A_2094, %dma_start3A_2095] : memref<5x8x16x128xf32, #tpu.memory_space<vmem>> -> memref<1x1x16x128xf32, #tpu.memory_space<vmem>>
      %dma_start3A_2097 = tpu.memref_squeeze %dma_start3A_2096 : memref<1x1x16x128xf32, #tpu.memory_space<vmem>> -> memref<16x128xf32, #tpu.memory_space<vmem>>
      %dma_start3A_2098 = arith.constant 0 : i32
      %dma_start3A_2099 = tpu.memref_slice %arg2[%dma_start3A_2098, %multiple_of3A_2085] : memref<16x1000000xf32, #tpu.memory_space<hbm>> -> memref<16x128xf32, #tpu.memory_space<hbm>>
      tpu.enqueue_dma source(%dma_start3A_2099 : memref<16x128xf32, #tpu.memory_space<hbm>>) target(%dma_start3A_2097 : memref<16x128xf32, #tpu.memory_space<vmem>>) target_semaphore(%arg8 : memref<!tpu.dma_semaphore, #tpu.memory_space<semaphore_mem>>)
      %slice3A_2100 = vector.extract_strided_slice %get3A_1952 {offsets = [7], sizes = [1], strides = [1]} : vector<16xi32> to vector<1xi32>
      %squeeze3A_2101 = vector.extract %slice3A_2100[0] : i32 from vector<1xi32>
      %shift_right_arithmetic3A_2102 = arith.constant 7 : i32
      %shift_right_arithmetic3A_2103 = arith.shrsi %squeeze3A_2101, %shift_right_arithmetic3A_2102 : i32
      %mul3A_2104 = arith.constant 128 : i32
      %mul3A_2105 = arith.muli %shift_right_arithmetic3A_2103, %mul3A_2104 : i32
      %multiple_of3A_2106 = tpu.assume_multiple %mul3A_2105, 128 : i32
      %dma_start3A_2107 = arith.constant 0 : i32
      %dma_start3A_2108 = arith.constant 7 : i32
      %dma_start3A_2109 = arith.constant 0 : i32
      %dma_start3A_2110 = arith.constant 0 : i32
      %dma_start3A_2111 = tpu.memref_slice %arg6[%dma_start3A_2107, %dma_start3A_2108, %dma_start3A_2109, %dma_start3A_2110] : memref<5x8x16x128xf32, #tpu.memory_space<vmem>> -> memref<1x1x16x128xf32, #tpu.memory_space<vmem>>
      %dma_start3A_2112 = tpu.memref_squeeze %dma_start3A_2111 : memref<1x1x16x128xf32, #tpu.memory_space<vmem>> -> memref<16x128xf32, #tpu.memory_space<vmem>>
      %dma_start3A_2113 = arith.constant 0 : i32
      %dma_start3A_2114 = tpu.memref_slice %arg2[%dma_start3A_2113, %multiple_of3A_2106] : memref<16x1000000xf32, #tpu.memory_space<hbm>> -> memref<16x128xf32, #tpu.memory_space<hbm>>
      %dma_start3A_2115 = arith.constant 0 : i32
      %dma_start3A_2116 = arith.constant 0 : i32
      %dma_start3A_2117 = tpu.memref_slice %arg6[%dma_start3A_2107, %dma_start3A_2108, %dma_start3A_2115, %dma_start3A_2116] : memref<5x8x16x128xf32, #tpu.memory_space<vmem>> -> memref<1x1x16x128xf32, #tpu.memory_space<vmem>>
      %dma_start3A_2118 = tpu.memref_squeeze %dma_start3A_2117 : memref<1x1x16x128xf32, #tpu.memory_space<vmem>> -> memref<16x128xf32, #tpu.memory_space<vmem>>
      %dma_start3A_2119 = arith.constant 0 : i32
      %dma_start3A_2120 = tpu.memref_slice %arg2[%dma_start3A_2119, %multiple_of3A_2106] : memref<16x1000000xf32, #tpu.memory_space<hbm>> -> memref<16x128xf32, #tpu.memory_space<hbm>>
      tpu.enqueue_dma source(%dma_start3A_2120 : memref<16x128xf32, #tpu.memory_space<hbm>>) target(%dma_start3A_2118 : memref<16x128xf32, #tpu.memory_space<vmem>>) target_semaphore(%arg8 : memref<!tpu.dma_semaphore, #tpu.memory_space<semaphore_mem>>)
      %dma_wait3A_2121 = arith.constant 1 : i32
      %dma_wait3A_2122 = arith.constant 0 : i32
      %dma_wait3A_2123 = arith.constant 0 : i32
      %dma_wait3A_2124 = arith.constant 0 : i32
      %dma_wait3A_2125 = tpu.memref_slice %arg6[%dma_wait3A_2121, %dma_wait3A_2122, %dma_wait3A_2123, %dma_wait3A_2124] : memref<5x8x16x128xf32, #tpu.memory_space<vmem>> -> memref<1x1x16x128xf32, #tpu.memory_space<vmem>>
      %dma_wait3A_2126 = tpu.memref_squeeze %dma_wait3A_2125 : memref<1x1x16x128xf32, #tpu.memory_space<vmem>> -> memref<16x128xf32, #tpu.memory_space<vmem>>
      %dma_wait3A_2127 = arith.constant 0 : i32
      %dma_wait3A_2128 = arith.constant 0 : i32
      %dma_wait3A_2129 = tpu.memref_slice %arg2[%dma_wait3A_2127, %dma_wait3A_2128] : memref<16x1000000xf32, #tpu.memory_space<hbm>> -> memref<16x128xf32, #tpu.memory_space<hbm>>
      %dma_wait3A_2130 = arith.constant 0 : i32
      %dma_wait3A_2131 = arith.constant 0 : i32
      %dma_wait3A_2132 = tpu.memref_slice %arg6[%dma_wait3A_2121, %dma_wait3A_2122, %dma_wait3A_2130, %dma_wait3A_2131] : memref<5x8x16x128xf32, #tpu.memory_space<vmem>> -> memref<1x1x16x128xf32, #tpu.memory_space<vmem>>
      %dma_wait3A_2133 = tpu.memref_squeeze %dma_wait3A_2132 : memref<1x1x16x128xf32, #tpu.memory_space<vmem>> -> memref<16x128xf32, #tpu.memory_space<vmem>>
      %dma_wait3A_2134 = arith.constant 0 : i32
      %dma_wait3A_2135 = arith.constant 0 : i32
      %dma_wait3A_2136 = tpu.memref_slice %arg2[%dma_wait3A_2134, %dma_wait3A_2135] : memref<16x1000000xf32, #tpu.memory_space<hbm>> -> memref<16x128xf32, #tpu.memory_space<hbm>>
      tpu.wait_dma2 semaphore(%arg9 : memref<!tpu.dma_semaphore, #tpu.memory_space<semaphore_mem>>) src(%dma_wait3A_2136 : memref<16x128xf32, #tpu.memory_space<hbm>>) dst(%dma_wait3A_2133 : memref<16x128xf32, #tpu.memory_space<vmem>>)
      %dma_wait3A_2137 = arith.constant 1 : i32
      %dma_wait3A_2138 = arith.constant 1 : i32
      %dma_wait3A_2139 = arith.constant 0 : i32
      %dma_wait3A_2140 = arith.constant 0 : i32
      %dma_wait3A_2141 = tpu.memref_slice %arg6[%dma_wait3A_2137, %dma_wait3A_2138, %dma_wait3A_2139, %dma_wait3A_2140] : memref<5x8x16x128xf32, #tpu.memory_space<vmem>> -> memref<1x1x16x128xf32, #tpu.memory_space<vmem>>
      %dma_wait3A_2142 = tpu.memref_squeeze %dma_wait3A_2141 : memref<1x1x16x128xf32, #tpu.memory_space<vmem>> -> memref<16x128xf32, #tpu.memory_space<vmem>>
      %dma_wait3A_2143 = arith.constant 0 : i32
      %dma_wait3A_2144 = arith.constant 0 : i32
      %dma_wait3A_2145 = tpu.memref_slice %arg2[%dma_wait3A_2143, %dma_wait3A_2144] : memref<16x1000000xf32, #tpu.memory_space<hbm>> -> memref<16x128xf32, #tpu.memory_space<hbm>>
      %dma_wait3A_2146 = arith.constant 0 : i32
      %dma_wait3A_2147 = arith.constant 0 : i32
      %dma_wait3A_2148 = tpu.memref_slice %arg6[%dma_wait3A_2137, %dma_wait3A_2138, %dma_wait3A_2146, %dma_wait3A_2147] : memref<5x8x16x128xf32, #tpu.memory_space<vmem>> -> memref<1x1x16x128xf32, #tpu.memory_space<vmem>>
      %dma_wait3A_2149 = tpu.memref_squeeze %dma_wait3A_2148 : memref<1x1x16x128xf32, #tpu.memory_space<vmem>> -> memref<16x128xf32, #tpu.memory_space<vmem>>
      %dma_wait3A_2150 = arith.constant 0 : i32
      %dma_wait3A_2151 = arith.constant 0 : i32
      %dma_wait3A_2152 = tpu.memref_slice %arg2[%dma_wait3A_2150, %dma_wait3A_2151] : memref<16x1000000xf32, #tpu.memory_space<hbm>> -> memref<16x128xf32, #tpu.memory_space<hbm>>
      tpu.wait_dma2 semaphore(%arg9 : memref<!tpu.dma_semaphore, #tpu.memory_space<semaphore_mem>>) src(%dma_wait3A_2152 : memref<16x128xf32, #tpu.memory_space<hbm>>) dst(%dma_wait3A_2149 : memref<16x128xf32, #tpu.memory_space<vmem>>)
      %dma_wait3A_2153 = arith.constant 1 : i32
      %dma_wait3A_2154 = arith.constant 2 : i32
      %dma_wait3A_2155 = arith.constant 0 : i32
      %dma_wait3A_2156 = arith.constant 0 : i32
      %dma_wait3A_2157 = tpu.memref_slice %arg6[%dma_wait3A_2153, %dma_wait3A_2154, %dma_wait3A_2155, %dma_wait3A_2156] : memref<5x8x16x128xf32, #tpu.memory_space<vmem>> -> memref<1x1x16x128xf32, #tpu.memory_space<vmem>>
      %dma_wait3A_2158 = tpu.memref_squeeze %dma_wait3A_2157 : memref<1x1x16x128xf32, #tpu.memory_space<vmem>> -> memref<16x128xf32, #tpu.memory_space<vmem>>
      %dma_wait3A_2159 = arith.constant 0 : i32
      %dma_wait3A_2160 = arith.constant 0 : i32
      %dma_wait3A_2161 = tpu.memref_slice %arg2[%dma_wait3A_2159, %dma_wait3A_2160] : memref<16x1000000xf32, #tpu.memory_space<hbm>> -> memref<16x128xf32, #tpu.memory_space<hbm>>
      %dma_wait3A_2162 = arith.constant 0 : i32
      %dma_wait3A_2163 = arith.constant 0 : i32
      %dma_wait3A_2164 = tpu.memref_slice %arg6[%dma_wait3A_2153, %dma_wait3A_2154, %dma_wait3A_2162, %dma_wait3A_2163] : memref<5x8x16x128xf32, #tpu.memory_space<vmem>> -> memref<1x1x16x128xf32, #tpu.memory_space<vmem>>
      %dma_wait3A_2165 = tpu.memref_squeeze %dma_wait3A_2164 : memref<1x1x16x128xf32, #tpu.memory_space<vmem>> -> memref<16x128xf32, #tpu.memory_space<vmem>>
      %dma_wait3A_2166 = arith.constant 0 : i32
      %dma_wait3A_2167 = arith.constant 0 : i32
      %dma_wait3A_2168 = tpu.memref_slice %arg2[%dma_wait3A_2166, %dma_wait3A_2167] : memref<16x1000000xf32, #tpu.memory_space<hbm>> -> memref<16x128xf32, #tpu.memory_space<hbm>>
      tpu.wait_dma2 semaphore(%arg9 : memref<!tpu.dma_semaphore, #tpu.memory_space<semaphore_mem>>) src(%dma_wait3A_2168 : memref<16x128xf32, #tpu.memory_space<hbm>>) dst(%dma_wait3A_2165 : memref<16x128xf32, #tpu.memory_space<vmem>>)
      %dma_wait3A_2169 = arith.constant 1 : i32
      %dma_wait3A_2170 = arith.constant 3 : i32
      %dma_wait3A_2171 = arith.constant 0 : i32
      %dma_wait3A_2172 = arith.constant 0 : i32
      %dma_wait3A_2173 = tpu.memref_slice %arg6[%dma_wait3A_2169, %dma_wait3A_2170, %dma_wait3A_2171, %dma_wait3A_2172] : memref<5x8x16x128xf32, #tpu.memory_space<vmem>> -> memref<1x1x16x128xf32, #tpu.memory_space<vmem>>
      %dma_wait3A_2174 = tpu.memref_squeeze %dma_wait3A_2173 : memref<1x1x16x128xf32, #tpu.memory_space<vmem>> -> memref<16x128xf32, #tpu.memory_space<vmem>>
      %dma_wait3A_2175 = arith.constant 0 : i32
      %dma_wait3A_2176 = arith.constant 0 : i32
      %dma_wait3A_2177 = tpu.memref_slice %arg2[%dma_wait3A_2175, %dma_wait3A_2176] : memref<16x1000000xf32, #tpu.memory_space<hbm>> -> memref<16x128xf32, #tpu.memory_space<hbm>>
      %dma_wait3A_2178 = arith.constant 0 : i32
      %dma_wait3A_2179 = arith.constant 0 : i32
      %dma_wait3A_2180 = tpu.memref_slice %arg6[%dma_wait3A_2169, %dma_wait3A_2170, %dma_wait3A_2178, %dma_wait3A_2179] : memref<5x8x16x128xf32, #tpu.memory_space<vmem>> -> memref<1x1x16x128xf32, #tpu.memory_space<vmem>>
      %dma_wait3A_2181 = tpu.memref_squeeze %dma_wait3A_2180 : memref<1x1x16x128xf32, #tpu.memory_space<vmem>> -> memref<16x128xf32, #tpu.memory_space<vmem>>
      %dma_wait3A_2182 = arith.constant 0 : i32
      %dma_wait3A_2183 = arith.constant 0 : i32
      %dma_wait3A_2184 = tpu.memref_slice %arg2[%dma_wait3A_2182, %dma_wait3A_2183] : memref<16x1000000xf32, #tpu.memory_space<hbm>> -> memref<16x128xf32, #tpu.memory_space<hbm>>
      tpu.wait_dma2 semaphore(%arg9 : memref<!tpu.dma_semaphore, #tpu.memory_space<semaphore_mem>>) src(%dma_wait3A_2184 : memref<16x128xf32, #tpu.memory_space<hbm>>) dst(%dma_wait3A_2181 : memref<16x128xf32, #tpu.memory_space<vmem>>)
      %dma_wait3A_2185 = arith.constant 1 : i32
      %dma_wait3A_2186 = arith.constant 4 : i32
      %dma_wait3A_2187 = arith.constant 0 : i32
      %dma_wait3A_2188 = arith.constant 0 : i32
      %dma_wait3A_2189 = tpu.memref_slice %arg6[%dma_wait3A_2185, %dma_wait3A_2186, %dma_wait3A_2187, %dma_wait3A_2188] : memref<5x8x16x128xf32, #tpu.memory_space<vmem>> -> memref<1x1x16x128xf32, #tpu.memory_space<vmem>>
      %dma_wait3A_2190 = tpu.memref_squeeze %dma_wait3A_2189 : memref<1x1x16x128xf32, #tpu.memory_space<vmem>> -> memref<16x128xf32, #tpu.memory_space<vmem>>
      %dma_wait3A_2191 = arith.constant 0 : i32
      %dma_wait3A_2192 = arith.constant 0 : i32
      %dma_wait3A_2193 = tpu.memref_slice %arg2[%dma_wait3A_2191, %dma_wait3A_2192] : memref<16x1000000xf32, #tpu.memory_space<hbm>> -> memref<16x128xf32, #tpu.memory_space<hbm>>
      %dma_wait3A_2194 = arith.constant 0 : i32
      %dma_wait3A_2195 = arith.constant 0 : i32
      %dma_wait3A_2196 = tpu.memref_slice %arg6[%dma_wait3A_2185, %dma_wait3A_2186, %dma_wait3A_2194, %dma_wait3A_2195] : memref<5x8x16x128xf32, #tpu.memory_space<vmem>> -> memref<1x1x16x128xf32, #tpu.memory_space<vmem>>
      %dma_wait3A_2197 = tpu.memref_squeeze %dma_wait3A_2196 : memref<1x1x16x128xf32, #tpu.memory_space<vmem>> -> memref<16x128xf32, #tpu.memory_space<vmem>>
      %dma_wait3A_2198 = arith.constant 0 : i32
      %dma_wait3A_2199 = arith.constant 0 : i32
      %dma_wait3A_2200 = tpu.memref_slice %arg2[%dma_wait3A_2198, %dma_wait3A_2199] : memref<16x1000000xf32, #tpu.memory_space<hbm>> -> memref<16x128xf32, #tpu.memory_space<hbm>>
      tpu.wait_dma2 semaphore(%arg9 : memref<!tpu.dma_semaphore, #tpu.memory_space<semaphore_mem>>) src(%dma_wait3A_2200 : memref<16x128xf32, #tpu.memory_space<hbm>>) dst(%dma_wait3A_2197 : memref<16x128xf32, #tpu.memory_space<vmem>>)
      %dma_wait3A_2201 = arith.constant 1 : i32
      %dma_wait3A_2202 = arith.constant 5 : i32
      %dma_wait3A_2203 = arith.constant 0 : i32
      %dma_wait3A_2204 = arith.constant 0 : i32
      %dma_wait3A_2205 = tpu.memref_slice %arg6[%dma_wait3A_2201, %dma_wait3A_2202, %dma_wait3A_2203, %dma_wait3A_2204] : memref<5x8x16x128xf32, #tpu.memory_space<vmem>> -> memref<1x1x16x128xf32, #tpu.memory_space<vmem>>
      %dma_wait3A_2206 = tpu.memref_squeeze %dma_wait3A_2205 : memref<1x1x16x128xf32, #tpu.memory_space<vmem>> -> memref<16x128xf32, #tpu.memory_space<vmem>>
      %dma_wait3A_2207 = arith.constant 0 : i32
      %dma_wait3A_2208 = arith.constant 0 : i32
      %dma_wait3A_2209 = tpu.memref_slice %arg2[%dma_wait3A_2207, %dma_wait3A_2208] : memref<16x1000000xf32, #tpu.memory_space<hbm>> -> memref<16x128xf32, #tpu.memory_space<hbm>>
      %dma_wait3A_2210 = arith.constant 0 : i32
      %dma_wait3A_2211 = arith.constant 0 : i32
      %dma_wait3A_2212 = tpu.memref_slice %arg6[%dma_wait3A_2201, %dma_wait3A_2202, %dma_wait3A_2210, %dma_wait3A_2211] : memref<5x8x16x128xf32, #tpu.memory_space<vmem>> -> memref<1x1x16x128xf32, #tpu.memory_space<vmem>>
      %dma_wait3A_2213 = tpu.memref_squeeze %dma_wait3A_2212 : memref<1x1x16x128xf32, #tpu.memory_space<vmem>> -> memref<16x128xf32, #tpu.memory_space<vmem>>
      %dma_wait3A_2214 = arith.constant 0 : i32
      %dma_wait3A_2215 = arith.constant 0 : i32
      %dma_wait3A_2216 = tpu.memref_slice %arg2[%dma_wait3A_2214, %dma_wait3A_2215] : memref<16x1000000xf32, #tpu.memory_space<hbm>> -> memref<16x128xf32, #tpu.memory_space<hbm>>
      tpu.wait_dma2 semaphore(%arg9 : memref<!tpu.dma_semaphore, #tpu.memory_space<semaphore_mem>>) src(%dma_wait3A_2216 : memref<16x128xf32, #tpu.memory_space<hbm>>) dst(%dma_wait3A_2213 : memref<16x128xf32, #tpu.memory_space<vmem>>)
      %dma_wait3A_2217 = arith.constant 1 : i32
      %dma_wait3A_2218 = arith.constant 6 : i32
      %dma_wait3A_2219 = arith.constant 0 : i32
      %dma_wait3A_2220 = arith.constant 0 : i32
      %dma_wait3A_2221 = tpu.memref_slice %arg6[%dma_wait3A_2217, %dma_wait3A_2218, %dma_wait3A_2219, %dma_wait3A_2220] : memref<5x8x16x128xf32, #tpu.memory_space<vmem>> -> memref<1x1x16x128xf32, #tpu.memory_space<vmem>>
      %dma_wait3A_2222 = tpu.memref_squeeze %dma_wait3A_2221 : memref<1x1x16x128xf32, #tpu.memory_space<vmem>> -> memref<16x128xf32, #tpu.memory_space<vmem>>
      %dma_wait3A_2223 = arith.constant 0 : i32
      %dma_wait3A_2224 = arith.constant 0 : i32
      %dma_wait3A_2225 = tpu.memref_slice %arg2[%dma_wait3A_2223, %dma_wait3A_2224] : memref<16x1000000xf32, #tpu.memory_space<hbm>> -> memref<16x128xf32, #tpu.memory_space<hbm>>
      %dma_wait3A_2226 = arith.constant 0 : i32
      %dma_wait3A_2227 = arith.constant 0 : i32
      %dma_wait3A_2228 = tpu.memref_slice %arg6[%dma_wait3A_2217, %dma_wait3A_2218, %dma_wait3A_2226, %dma_wait3A_2227] : memref<5x8x16x128xf32, #tpu.memory_space<vmem>> -> memref<1x1x16x128xf32, #tpu.memory_space<vmem>>
      %dma_wait3A_2229 = tpu.memref_squeeze %dma_wait3A_2228 : memref<1x1x16x128xf32, #tpu.memory_space<vmem>> -> memref<16x128xf32, #tpu.memory_space<vmem>>
      %dma_wait3A_2230 = arith.constant 0 : i32
      %dma_wait3A_2231 = arith.constant 0 : i32
      %dma_wait3A_2232 = tpu.memref_slice %arg2[%dma_wait3A_2230, %dma_wait3A_2231] : memref<16x1000000xf32, #tpu.memory_space<hbm>> -> memref<16x128xf32, #tpu.memory_space<hbm>>
      tpu.wait_dma2 semaphore(%arg9 : memref<!tpu.dma_semaphore, #tpu.memory_space<semaphore_mem>>) src(%dma_wait3A_2232 : memref<16x128xf32, #tpu.memory_space<hbm>>) dst(%dma_wait3A_2229 : memref<16x128xf32, #tpu.memory_space<vmem>>)
      %dma_wait3A_2233 = arith.constant 1 : i32
      %dma_wait3A_2234 = arith.constant 7 : i32
      %dma_wait3A_2235 = arith.constant 0 : i32
      %dma_wait3A_2236 = arith.constant 0 : i32
      %dma_wait3A_2237 = tpu.memref_slice %arg6[%dma_wait3A_2233, %dma_wait3A_2234, %dma_wait3A_2235, %dma_wait3A_2236] : memref<5x8x16x128xf32, #tpu.memory_space<vmem>> -> memref<1x1x16x128xf32, #tpu.memory_space<vmem>>
      %dma_wait3A_2238 = tpu.memref_squeeze %dma_wait3A_2237 : memref<1x1x16x128xf32, #tpu.memory_space<vmem>> -> memref<16x128xf32, #tpu.memory_space<vmem>>
      %dma_wait3A_2239 = arith.constant 0 : i32
      %dma_wait3A_2240 = arith.constant 0 : i32
      %dma_wait3A_2241 = tpu.memref_slice %arg2[%dma_wait3A_2239, %dma_wait3A_2240] : memref<16x1000000xf32, #tpu.memory_space<hbm>> -> memref<16x128xf32, #tpu.memory_space<hbm>>
      %dma_wait3A_2242 = arith.constant 0 : i32
      %dma_wait3A_2243 = arith.constant 0 : i32
      %dma_wait3A_2244 = tpu.memref_slice %arg6[%dma_wait3A_2233, %dma_wait3A_2234, %dma_wait3A_2242, %dma_wait3A_2243] : memref<5x8x16x128xf32, #tpu.memory_space<vmem>> -> memref<1x1x16x128xf32, #tpu.memory_space<vmem>>
      %dma_wait3A_2245 = tpu.memref_squeeze %dma_wait3A_2244 : memref<1x1x16x128xf32, #tpu.memory_space<vmem>> -> memref<16x128xf32, #tpu.memory_space<vmem>>
      %dma_wait3A_2246 = arith.constant 0 : i32
      %dma_wait3A_2247 = arith.constant 0 : i32
      %dma_wait3A_2248 = tpu.memref_slice %arg2[%dma_wait3A_2246, %dma_wait3A_2247] : memref<16x1000000xf32, #tpu.memory_space<hbm>> -> memref<16x128xf32, #tpu.memory_space<hbm>>
      tpu.wait_dma2 semaphore(%arg9 : memref<!tpu.dma_semaphore, #tpu.memory_space<semaphore_mem>>) src(%dma_wait3A_2248 : memref<16x128xf32, #tpu.memory_space<hbm>>) dst(%dma_wait3A_2245 : memref<16x128xf32, #tpu.memory_space<vmem>>)
      %mul3A_2249 = arith.constant 8 : i32
      %mul3A_2250 = arith.muli %add3A_1946, %mul3A_2249 : i32
      %get3A_2251 = arith.index_cast %mul3A_2250 : i32 to index
      %get3A_2252 = tpu.vector_load %arg5[%get3A_2251] {strides = array<i32>} : memref<528xi32, #tpu.memory_space<vmem>>, vector<16xi32>,
      %broadcast_in_dim3A_2253 = arith.constant 1 : i32
      %broadcast_in_dim3A_2254 = vector.broadcast %broadcast_in_dim3A_2253 : i32 to vector<16xi32>
      %slice3A_2255 = vector.extract_strided_slice %get3A_2252 {offsets = [0], sizes = [1], strides = [1]} : vector<16xi32> to vector<1xi32>
      %squeeze3A_2256 = vector.extract %slice3A_2255[0] : i32 from vector<1xi32>
      %and3A_2257 = arith.constant 127 : i32
      %and3A_2258 = arith.andi %squeeze3A_2256, %and3A_2257 : i32
      %broadcast_in_dim3A_2259 = vector.broadcast %and3A_2258 : i32 to vector<16xi32>
      %mul3A_2260 = arith.constant 8 : i32
      %mul3A_2261 = arith.muli %add3A_1946, %mul3A_2260 : i32
      %add3A_2262 = arith.constant 0 : i32
      %add3A_2263 = arith.addi %mul3A_2261, %add3A_2262 : i32
      %broadcast_in_dim3A_2264 = vector.broadcast %add3A_2263 : i32 to vector<16xi32>
      %broadcast_in_dim3A_2265 = arith.constant 0 : i32
      %broadcast_in_dim3A_2266 = vector.broadcast %broadcast_in_dim3A_2265 : i32 to vector<16xi32>
      %gather3A_2267 = tpu.vector_load_idx %arg6[%broadcast_in_dim3A_2254, %broadcast_in_dim3A_2266, %iota3A, %broadcast_in_dim3A_2259] : memref<5x8x16x128xf32, #tpu.memory_space<vmem>>[vector<16xi32>, vector<16xi32>, vector<16xi32>, vector<16xi32>], vector<16xf32>,
      tpu.vector_store_idx %arg7[%iota3A, %broadcast_in_dim3A_2264], %gather3A_2267 : memref<16x512xf32, #tpu.memory_space<vmem>>[vector<16xi32>, vector<16xi32>], vector<16xf32>,
      %slice3A_2268 = vector.extract_strided_slice %get3A_2252 {offsets = [1], sizes = [1], strides = [1]} : vector<16xi32> to vector<1xi32>
      %squeeze3A_2269 = vector.extract %slice3A_2268[0] : i32 from vector<1xi32>
      %and3A_2270 = arith.constant 127 : i32
      %and3A_2271 = arith.andi %squeeze3A_2269, %and3A_2270 : i32
      %broadcast_in_dim3A_2272 = vector.broadcast %and3A_2271 : i32 to vector<16xi32>
      %mul3A_2273 = arith.constant 8 : i32
      %mul3A_2274 = arith.muli %add3A_1946, %mul3A_2273 : i32
      %add3A_2275 = arith.constant 1 : i32
      %add3A_2276 = arith.addi %mul3A_2274, %add3A_2275 : i32
      %broadcast_in_dim3A_2277 = vector.broadcast %add3A_2276 : i32 to vector<16xi32>
      %broadcast_in_dim3A_2278 = arith.constant 1 : i32
      %broadcast_in_dim3A_2279 = vector.broadcast %broadcast_in_dim3A_2278 : i32 to vector<16xi32>
      %gather3A_2280 = tpu.vector_load_idx %arg6[%broadcast_in_dim3A_2254, %broadcast_in_dim3A_2279, %iota3A, %broadcast_in_dim3A_2272] : memref<5x8x16x128xf32, #tpu.memory_space<vmem>>[vector<16xi32>, vector<16xi32>, vector<16xi32>, vector<16xi32>], vector<16xf32>,
      tpu.vector_store_idx %arg7[%iota3A, %broadcast_in_dim3A_2277], %gather3A_2280 : memref<16x512xf32, #tpu.memory_space<vmem>>[vector<16xi32>, vector<16xi32>], vector<16xf32>,
      %slice3A_2281 = vector.extract_strided_slice %get3A_2252 {offsets = [2], sizes = [1], strides = [1]} : vector<16xi32> to vector<1xi32>
      %squeeze3A_2282 = vector.extract %slice3A_2281[0] : i32 from vector<1xi32>
      %and3A_2283 = arith.constant 127 : i32
      %and3A_2284 = arith.andi %squeeze3A_2282, %and3A_2283 : i32
      %broadcast_in_dim3A_2285 = vector.broadcast %and3A_2284 : i32 to vector<16xi32>
      %mul3A_2286 = arith.constant 8 : i32
      %mul3A_2287 = arith.muli %add3A_1946, %mul3A_2286 : i32
      %add3A_2288 = arith.constant 2 : i32
      %add3A_2289 = arith.addi %mul3A_2287, %add3A_2288 : i32
      %broadcast_in_dim3A_2290 = vector.broadcast %add3A_2289 : i32 to vector<16xi32>
      %broadcast_in_dim3A_2291 = arith.constant 2 : i32
      %broadcast_in_dim3A_2292 = vector.broadcast %broadcast_in_dim3A_2291 : i32 to vector<16xi32>
      %gather3A_2293 = tpu.vector_load_idx %arg6[%broadcast_in_dim3A_2254, %broadcast_in_dim3A_2292, %iota3A, %broadcast_in_dim3A_2285] : memref<5x8x16x128xf32, #tpu.memory_space<vmem>>[vector<16xi32>, vector<16xi32>, vector<16xi32>, vector<16xi32>], vector<16xf32>,
      tpu.vector_store_idx %arg7[%iota3A, %broadcast_in_dim3A_2290], %gather3A_2293 : memref<16x512xf32, #tpu.memory_space<vmem>>[vector<16xi32>, vector<16xi32>], vector<16xf32>,
      %slice3A_2294 = vector.extract_strided_slice %get3A_2252 {offsets = [3], sizes = [1], strides = [1]} : vector<16xi32> to vector<1xi32>
      %squeeze3A_2295 = vector.extract %slice3A_2294[0] : i32 from vector<1xi32>
      %and3A_2296 = arith.constant 127 : i32
      %and3A_2297 = arith.andi %squeeze3A_2295, %and3A_2296 : i32
      %broadcast_in_dim3A_2298 = vector.broadcast %and3A_2297 : i32 to vector<16xi32>
      %mul3A_2299 = arith.constant 8 : i32
      %mul3A_2300 = arith.muli %add3A_1946, %mul3A_2299 : i32
      %add3A_2301 = arith.constant 3 : i32
      %add3A_2302 = arith.addi %mul3A_2300, %add3A_2301 : i32
      %broadcast_in_dim3A_2303 = vector.broadcast %add3A_2302 : i32 to vector<16xi32>
      %broadcast_in_dim3A_2304 = arith.constant 3 : i32
      %broadcast_in_dim3A_2305 = vector.broadcast %broadcast_in_dim3A_2304 : i32 to vector<16xi32>
      %gather3A_2306 = tpu.vector_load_idx %arg6[%broadcast_in_dim3A_2254, %broadcast_in_dim3A_2305, %iota3A, %broadcast_in_dim3A_2298] : memref<5x8x16x128xf32, #tpu.memory_space<vmem>>[vector<16xi32>, vector<16xi32>, vector<16xi32>, vector<16xi32>], vector<16xf32>,
      tpu.vector_store_idx %arg7[%iota3A, %broadcast_in_dim3A_2303], %gather3A_2306 : memref<16x512xf32, #tpu.memory_space<vmem>>[vector<16xi32>, vector<16xi32>], vector<16xf32>,
      %slice3A_2307 = vector.extract_strided_slice %get3A_2252 {offsets = [4], sizes = [1], strides = [1]} : vector<16xi32> to vector<1xi32>
      %squeeze3A_2308 = vector.extract %slice3A_2307[0] : i32 from vector<1xi32>
      %and3A_2309 = arith.constant 127 : i32
      %and3A_2310 = arith.andi %squeeze3A_2308, %and3A_2309 : i32
      %broadcast_in_dim3A_2311 = vector.broadcast %and3A_2310 : i32 to vector<16xi32>
      %mul3A_2312 = arith.constant 8 : i32
      %mul3A_2313 = arith.muli %add3A_1946, %mul3A_2312 : i32
      %add3A_2314 = arith.constant 4 : i32
      %add3A_2315 = arith.addi %mul3A_2313, %add3A_2314 : i32
      %broadcast_in_dim3A_2316 = vector.broadcast %add3A_2315 : i32 to vector<16xi32>
      %broadcast_in_dim3A_2317 = arith.constant 4 : i32
      %broadcast_in_dim3A_2318 = vector.broadcast %broadcast_in_dim3A_2317 : i32 to vector<16xi32>
      %gather3A_2319 = tpu.vector_load_idx %arg6[%broadcast_in_dim3A_2254, %broadcast_in_dim3A_2318, %iota3A, %broadcast_in_dim3A_2311] : memref<5x8x16x128xf32, #tpu.memory_space<vmem>>[vector<16xi32>, vector<16xi32>, vector<16xi32>, vector<16xi32>], vector<16xf32>,
      tpu.vector_store_idx %arg7[%iota3A, %broadcast_in_dim3A_2316], %gather3A_2319 : memref<16x512xf32, #tpu.memory_space<vmem>>[vector<16xi32>, vector<16xi32>], vector<16xf32>,
      %slice3A_2320 = vector.extract_strided_slice %get3A_2252 {offsets = [5], sizes = [1], strides = [1]} : vector<16xi32> to vector<1xi32>
      %squeeze3A_2321 = vector.extract %slice3A_2320[0] : i32 from vector<1xi32>
      %and3A_2322 = arith.constant 127 : i32
      %and3A_2323 = arith.andi %squeeze3A_2321, %and3A_2322 : i32
      %broadcast_in_dim3A_2324 = vector.broadcast %and3A_2323 : i32 to vector<16xi32>
      %mul3A_2325 = arith.constant 8 : i32
      %mul3A_2326 = arith.muli %add3A_1946, %mul3A_2325 : i32
      %add3A_2327 = arith.constant 5 : i32
      %add3A_2328 = arith.addi %mul3A_2326, %add3A_2327 : i32
      %broadcast_in_dim3A_2329 = vector.broadcast %add3A_2328 : i32 to vector<16xi32>
      %broadcast_in_dim3A_2330 = arith.constant 5 : i32
      %broadcast_in_dim3A_2331 = vector.broadcast %broadcast_in_dim3A_2330 : i32 to vector<16xi32>
      %gather3A_2332 = tpu.vector_load_idx %arg6[%broadcast_in_dim3A_2254, %broadcast_in_dim3A_2331, %iota3A, %broadcast_in_dim3A_2324] : memref<5x8x16x128xf32, #tpu.memory_space<vmem>>[vector<16xi32>, vector<16xi32>, vector<16xi32>, vector<16xi32>], vector<16xf32>,
      tpu.vector_store_idx %arg7[%iota3A, %broadcast_in_dim3A_2329], %gather3A_2332 : memref<16x512xf32, #tpu.memory_space<vmem>>[vector<16xi32>, vector<16xi32>], vector<16xf32>,
      %slice3A_2333 = vector.extract_strided_slice %get3A_2252 {offsets = [6], sizes = [1], strides = [1]} : vector<16xi32> to vector<1xi32>
      %squeeze3A_2334 = vector.extract %slice3A_2333[0] : i32 from vector<1xi32>
      %and3A_2335 = arith.constant 127 : i32
      %and3A_2336 = arith.andi %squeeze3A_2334, %and3A_2335 : i32
      %broadcast_in_dim3A_2337 = vector.broadcast %and3A_2336 : i32 to vector<16xi32>
      %mul3A_2338 = arith.constant 8 : i32
      %mul3A_2339 = arith.muli %add3A_1946, %mul3A_2338 : i32
      %add3A_2340 = arith.constant 6 : i32
      %add3A_2341 = arith.addi %mul3A_2339, %add3A_2340 : i32
      %broadcast_in_dim3A_2342 = vector.broadcast %add3A_2341 : i32 to vector<16xi32>
      %broadcast_in_dim3A_2343 = arith.constant 6 : i32
      %broadcast_in_dim3A_2344 = vector.broadcast %broadcast_in_dim3A_2343 : i32 to vector<16xi32>
      %gather3A_2345 = tpu.vector_load_idx %arg6[%broadcast_in_dim3A_2254, %broadcast_in_dim3A_2344, %iota3A, %broadcast_in_dim3A_2337] : memref<5x8x16x128xf32, #tpu.memory_space<vmem>>[vector<16xi32>, vector<16xi32>, vector<16xi32>, vector<16xi32>], vector<16xf32>,
      tpu.vector_store_idx %arg7[%iota3A, %broadcast_in_dim3A_2342], %gather3A_2345 : memref<16x512xf32, #tpu.memory_space<vmem>>[vector<16xi32>, vector<16xi32>], vector<16xf32>,
      %slice3A_2346 = vector.extract_strided_slice %get3A_2252 {offsets = [7], sizes = [1], strides = [1]} : vector<16xi32> to vector<1xi32>
      %squeeze3A_2347 = vector.extract %slice3A_2346[0] : i32 from vector<1xi32>
      %and3A_2348 = arith.constant 127 : i32
      %and3A_2349 = arith.andi %squeeze3A_2347, %and3A_2348 : i32
      %broadcast_in_dim3A_2350 = vector.broadcast %and3A_2349 : i32 to vector<16xi32>
      %mul3A_2351 = arith.constant 8 : i32
      %mul3A_2352 = arith.muli %add3A_1946, %mul3A_2351 : i32
      %add3A_2353 = arith.constant 7 : i32
      %add3A_2354 = arith.addi %mul3A_2352, %add3A_2353 : i32
      %broadcast_in_dim3A_2355 = vector.broadcast %add3A_2354 : i32 to vector<16xi32>
      %broadcast_in_dim3A_2356 = arith.constant 7 : i32
      %broadcast_in_dim3A_2357 = vector.broadcast %broadcast_in_dim3A_2356 : i32 to vector<16xi32>
      %gather3A_2358 = tpu.vector_load_idx %arg6[%broadcast_in_dim3A_2254, %broadcast_in_dim3A_2357, %iota3A, %broadcast_in_dim3A_2350] : memref<5x8x16x128xf32, #tpu.memory_space<vmem>>[vector<16xi32>, vector<16xi32>, vector<16xi32>, vector<16xi32>], vector<16xf32>,
      tpu.vector_store_idx %arg7[%iota3A, %broadcast_in_dim3A_2355], %gather3A_2358 : memref<16x512xf32, #tpu.memory_space<vmem>>[vector<16xi32>, vector<16xi32>], vector<16xf32>,
      %mul3A_2359 = arith.constant 5 : i32
      %mul3A_2360 = arith.muli %mul3A_2359, %scan3A_1526 : i32
      %add3A_2361 = arith.constant 2 : i32
      %add3A_2362 = arith.addi %mul3A_2360, %add3A_2361 : i32
      %add3A_2363 = arith.constant 4 : i32
      %add3A_2364 = arith.addi %add3A_2362, %add3A_2363 : i32
      %mul3A_2365 = arith.constant 8 : i32
      %mul3A_2366 = arith.muli %add3A_2364, %mul3A_2365 : i32
      %get3A_2367 = arith.index_cast %mul3A_2366 : i32 to index
      %get3A_2368 = tpu.vector_load %arg5[%get3A_2367] {strides = array<i32>} : memref<528xi32, #tpu.memory_space<vmem>>, vector<16xi32>,
      %slice3A_2369 = vector.extract_strided_slice %get3A_2368 {offsets = [0], sizes = [1], strides = [1]} : vector<16xi32> to vector<1xi32>
      %squeeze3A_2370 = vector.extract %slice3A_2369[0] : i32 from vector<1xi32>
      %shift_right_arithmetic3A_2371 = arith.constant 7 : i32
      %shift_right_arithmetic3A_2372 = arith.shrsi %squeeze3A_2370, %shift_right_arithmetic3A_2371 : i32
      %mul3A_2373 = arith.constant 128 : i32
      %mul3A_2374 = arith.muli %shift_right_arithmetic3A_2372, %mul3A_2373 : i32
      %multiple_of3A_2375 = tpu.assume_multiple %mul3A_2374, 128 : i32
      %dma_start3A_2376 = arith.constant 1 : i32
      %dma_start3A_2377 = arith.constant 0 : i32
      %dma_start3A_2378 = arith.constant 0 : i32
      %dma_start3A_2379 = arith.constant 0 : i32
      %dma_start3A_2380 = tpu.memref_slice %arg6[%dma_start3A_2376, %dma_start3A_2377, %dma_start3A_2378, %dma_start3A_2379] : memref<5x8x16x128xf32, #tpu.memory_space<vmem>> -> memref<1x1x16x128xf32, #tpu.memory_space<vmem>>
      %dma_start3A_2381 = tpu.memref_squeeze %dma_start3A_2380 : memref<1x1x16x128xf32, #tpu.memory_space<vmem>> -> memref<16x128xf32, #tpu.memory_space<vmem>>
      %dma_start3A_2382 = arith.constant 0 : i32
      %dma_start3A_2383 = tpu.memref_slice %arg2[%dma_start3A_2382, %multiple_of3A_2375] : memref<16x1000000xf32, #tpu.memory_space<hbm>> -> memref<16x128xf32, #tpu.memory_space<hbm>>
      %dma_start3A_2384 = arith.constant 0 : i32
      %dma_start3A_2385 = arith.constant 0 : i32
      %dma_start3A_2386 = tpu.memref_slice %arg6[%dma_start3A_2376, %dma_start3A_2377, %dma_start3A_2384, %dma_start3A_2385] : memref<5x8x16x128xf32, #tpu.memory_space<vmem>> -> memref<1x1x16x128xf32, #tpu.memory_space<vmem>>
      %dma_start3A_2387 = tpu.memref_squeeze %dma_start3A_2386 : memref<1x1x16x128xf32, #tpu.memory_space<vmem>> -> memref<16x128xf32, #tpu.memory_space<vmem>>
      %dma_start3A_2388 = arith.constant 0 : i32
      %dma_start3A_2389 = tpu.memref_slice %arg2[%dma_start3A_2388, %multiple_of3A_2375] : memref<16x1000000xf32, #tpu.memory_space<hbm>> -> memref<16x128xf32, #tpu.memory_space<hbm>>
      tpu.enqueue_dma source(%dma_start3A_2389 : memref<16x128xf32, #tpu.memory_space<hbm>>) target(%dma_start3A_2387 : memref<16x128xf32, #tpu.memory_space<vmem>>) target_semaphore(%arg9 : memref<!tpu.dma_semaphore, #tpu.memory_space<semaphore_mem>>)
      %slice3A_2390 = vector.extract_strided_slice %get3A_2368 {offsets = [1], sizes = [1], strides = [1]} : vector<16xi32> to vector<1xi32>
      %squeeze3A_2391 = vector.extract %slice3A_2390[0] : i32 from vector<1xi32>
      %shift_right_arithmetic3A_2392 = arith.constant 7 : i32
      %shift_right_arithmetic3A_2393 = arith.shrsi %squeeze3A_2391, %shift_right_arithmetic3A_2392 : i32
      %mul3A_2394 = arith.constant 128 : i32
      %mul3A_2395 = arith.muli %shift_right_arithmetic3A_2393, %mul3A_2394 : i32
      %multiple_of3A_2396 = tpu.assume_multiple %mul3A_2395, 128 : i32
      %dma_start3A_2397 = arith.constant 1 : i32
      %dma_start3A_2398 = arith.constant 1 : i32
      %dma_start3A_2399 = arith.constant 0 : i32
      %dma_start3A_2400 = arith.constant 0 : i32
      %dma_start3A_2401 = tpu.memref_slice %arg6[%dma_start3A_2397, %dma_start3A_2398, %dma_start3A_2399, %dma_start3A_2400] : memref<5x8x16x128xf32, #tpu.memory_space<vmem>> -> memref<1x1x16x128xf32, #tpu.memory_space<vmem>>
      %dma_start3A_2402 = tpu.memref_squeeze %dma_start3A_2401 : memref<1x1x16x128xf32, #tpu.memory_space<vmem>> -> memref<16x128xf32, #tpu.memory_space<vmem>>
      %dma_start3A_2403 = arith.constant 0 : i32
      %dma_start3A_2404 = tpu.memref_slice %arg2[%dma_start3A_2403, %multiple_of3A_2396] : memref<16x1000000xf32, #tpu.memory_space<hbm>> -> memref<16x128xf32, #tpu.memory_space<hbm>>
      %dma_start3A_2405 = arith.constant 0 : i32
      %dma_start3A_2406 = arith.constant 0 : i32
      %dma_start3A_2407 = tpu.memref_slice %arg6[%dma_start3A_2397, %dma_start3A_2398, %dma_start3A_2405, %dma_start3A_2406] : memref<5x8x16x128xf32, #tpu.memory_space<vmem>> -> memref<1x1x16x128xf32, #tpu.memory_space<vmem>>
      %dma_start3A_2408 = tpu.memref_squeeze %dma_start3A_2407 : memref<1x1x16x128xf32, #tpu.memory_space<vmem>> -> memref<16x128xf32, #tpu.memory_space<vmem>>
      %dma_start3A_2409 = arith.constant 0 : i32
      %dma_start3A_2410 = tpu.memref_slice %arg2[%dma_start3A_2409, %multiple_of3A_2396] : memref<16x1000000xf32, #tpu.memory_space<hbm>> -> memref<16x128xf32, #tpu.memory_space<hbm>>
      tpu.enqueue_dma source(%dma_start3A_2410 : memref<16x128xf32, #tpu.memory_space<hbm>>) target(%dma_start3A_2408 : memref<16x128xf32, #tpu.memory_space<vmem>>) target_semaphore(%arg9 : memref<!tpu.dma_semaphore, #tpu.memory_space<semaphore_mem>>)
      %slice3A_2411 = vector.extract_strided_slice %get3A_2368 {offsets = [2], sizes = [1], strides = [1]} : vector<16xi32> to vector<1xi32>
      %squeeze3A_2412 = vector.extract %slice3A_2411[0] : i32 from vector<1xi32>
      %shift_right_arithmetic3A_2413 = arith.constant 7 : i32
      %shift_right_arithmetic3A_2414 = arith.shrsi %squeeze3A_2412, %shift_right_arithmetic3A_2413 : i32
      %mul3A_2415 = arith.constant 128 : i32
      %mul3A_2416 = arith.muli %shift_right_arithmetic3A_2414, %mul3A_2415 : i32
      %multiple_of3A_2417 = tpu.assume_multiple %mul3A_2416, 128 : i32
      %dma_start3A_2418 = arith.constant 1 : i32
      %dma_start3A_2419 = arith.constant 2 : i32
      %dma_start3A_2420 = arith.constant 0 : i32
      %dma_start3A_2421 = arith.constant 0 : i32
      %dma_start3A_2422 = tpu.memref_slice %arg6[%dma_start3A_2418, %dma_start3A_2419, %dma_start3A_2420, %dma_start3A_2421] : memref<5x8x16x128xf32, #tpu.memory_space<vmem>> -> memref<1x1x16x128xf32, #tpu.memory_space<vmem>>
      %dma_start3A_2423 = tpu.memref_squeeze %dma_start3A_2422 : memref<1x1x16x128xf32, #tpu.memory_space<vmem>> -> memref<16x128xf32, #tpu.memory_space<vmem>>
      %dma_start3A_2424 = arith.constant 0 : i32
      %dma_start3A_2425 = tpu.memref_slice %arg2[%dma_start3A_2424, %multiple_of3A_2417] : memref<16x1000000xf32, #tpu.memory_space<hbm>> -> memref<16x128xf32, #tpu.memory_space<hbm>>
      %dma_start3A_2426 = arith.constant 0 : i32
      %dma_start3A_2427 = arith.constant 0 : i32
      %dma_start3A_2428 = tpu.memref_slice %arg6[%dma_start3A_2418, %dma_start3A_2419, %dma_start3A_2426, %dma_start3A_2427] : memref<5x8x16x128xf32, #tpu.memory_space<vmem>> -> memref<1x1x16x128xf32, #tpu.memory_space<vmem>>
      %dma_start3A_2429 = tpu.memref_squeeze %dma_start3A_2428 : memref<1x1x16x128xf32, #tpu.memory_space<vmem>> -> memref<16x128xf32, #tpu.memory_space<vmem>>
      %dma_start3A_2430 = arith.constant 0 : i32
      %dma_start3A_2431 = tpu.memref_slice %arg2[%dma_start3A_2430, %multiple_of3A_2417] : memref<16x1000000xf32, #tpu.memory_space<hbm>> -> memref<16x128xf32, #tpu.memory_space<hbm>>
      tpu.enqueue_dma source(%dma_start3A_2431 : memref<16x128xf32, #tpu.memory_space<hbm>>) target(%dma_start3A_2429 : memref<16x128xf32, #tpu.memory_space<vmem>>) target_semaphore(%arg9 : memref<!tpu.dma_semaphore, #tpu.memory_space<semaphore_mem>>)
      %slice3A_2432 = vector.extract_strided_slice %get3A_2368 {offsets = [3], sizes = [1], strides = [1]} : vector<16xi32> to vector<1xi32>
      %squeeze3A_2433 = vector.extract %slice3A_2432[0] : i32 from vector<1xi32>
      %shift_right_arithmetic3A_2434 = arith.constant 7 : i32
      %shift_right_arithmetic3A_2435 = arith.shrsi %squeeze3A_2433, %shift_right_arithmetic3A_2434 : i32
      %mul3A_2436 = arith.constant 128 : i32
      %mul3A_2437 = arith.muli %shift_right_arithmetic3A_2435, %mul3A_2436 : i32
      %multiple_of3A_2438 = tpu.assume_multiple %mul3A_2437, 128 : i32
      %dma_start3A_2439 = arith.constant 1 : i32
      %dma_start3A_2440 = arith.constant 3 : i32
      %dma_start3A_2441 = arith.constant 0 : i32
      %dma_start3A_2442 = arith.constant 0 : i32
      %dma_start3A_2443 = tpu.memref_slice %arg6[%dma_start3A_2439, %dma_start3A_2440, %dma_start3A_2441, %dma_start3A_2442] : memref<5x8x16x128xf32, #tpu.memory_space<vmem>> -> memref<1x1x16x128xf32, #tpu.memory_space<vmem>>
      %dma_start3A_2444 = tpu.memref_squeeze %dma_start3A_2443 : memref<1x1x16x128xf32, #tpu.memory_space<vmem>> -> memref<16x128xf32, #tpu.memory_space<vmem>>
      %dma_start3A_2445 = arith.constant 0 : i32
      %dma_start3A_2446 = tpu.memref_slice %arg2[%dma_start3A_2445, %multiple_of3A_2438] : memref<16x1000000xf32, #tpu.memory_space<hbm>> -> memref<16x128xf32, #tpu.memory_space<hbm>>
      %dma_start3A_2447 = arith.constant 0 : i32
      %dma_start3A_2448 = arith.constant 0 : i32
      %dma_start3A_2449 = tpu.memref_slice %arg6[%dma_start3A_2439, %dma_start3A_2440, %dma_start3A_2447, %dma_start3A_2448] : memref<5x8x16x128xf32, #tpu.memory_space<vmem>> -> memref<1x1x16x128xf32, #tpu.memory_space<vmem>>
      %dma_start3A_2450 = tpu.memref_squeeze %dma_start3A_2449 : memref<1x1x16x128xf32, #tpu.memory_space<vmem>> -> memref<16x128xf32, #tpu.memory_space<vmem>>
      %dma_start3A_2451 = arith.constant 0 : i32
      %dma_start3A_2452 = tpu.memref_slice %arg2[%dma_start3A_2451, %multiple_of3A_2438] : memref<16x1000000xf32, #tpu.memory_space<hbm>> -> memref<16x128xf32, #tpu.memory_space<hbm>>
      tpu.enqueue_dma source(%dma_start3A_2452 : memref<16x128xf32, #tpu.memory_space<hbm>>) target(%dma_start3A_2450 : memref<16x128xf32, #tpu.memory_space<vmem>>) target_semaphore(%arg9 : memref<!tpu.dma_semaphore, #tpu.memory_space<semaphore_mem>>)
      %slice3A_2453 = vector.extract_strided_slice %get3A_2368 {offsets = [4], sizes = [1], strides = [1]} : vector<16xi32> to vector<1xi32>
      %squeeze3A_2454 = vector.extract %slice3A_2453[0] : i32 from vector<1xi32>
      %shift_right_arithmetic3A_2455 = arith.constant 7 : i32
      %shift_right_arithmetic3A_2456 = arith.shrsi %squeeze3A_2454, %shift_right_arithmetic3A_2455 : i32
      %mul3A_2457 = arith.constant 128 : i32
      %mul3A_2458 = arith.muli %shift_right_arithmetic3A_2456, %mul3A_2457 : i32
      %multiple_of3A_2459 = tpu.assume_multiple %mul3A_2458, 128 : i32
      %dma_start3A_2460 = arith.constant 1 : i32
      %dma_start3A_2461 = arith.constant 4 : i32
      %dma_start3A_2462 = arith.constant 0 : i32
      %dma_start3A_2463 = arith.constant 0 : i32
      %dma_start3A_2464 = tpu.memref_slice %arg6[%dma_start3A_2460, %dma_start3A_2461, %dma_start3A_2462, %dma_start3A_2463] : memref<5x8x16x128xf32, #tpu.memory_space<vmem>> -> memref<1x1x16x128xf32, #tpu.memory_space<vmem>>
      %dma_start3A_2465 = tpu.memref_squeeze %dma_start3A_2464 : memref<1x1x16x128xf32, #tpu.memory_space<vmem>> -> memref<16x128xf32, #tpu.memory_space<vmem>>
      %dma_start3A_2466 = arith.constant 0 : i32
      %dma_start3A_2467 = tpu.memref_slice %arg2[%dma_start3A_2466, %multiple_of3A_2459] : memref<16x1000000xf32, #tpu.memory_space<hbm>> -> memref<16x128xf32, #tpu.memory_space<hbm>>
      %dma_start3A_2468 = arith.constant 0 : i32
      %dma_start3A_2469 = arith.constant 0 : i32
      %dma_start3A_2470 = tpu.memref_slice %arg6[%dma_start3A_2460, %dma_start3A_2461, %dma_start3A_2468, %dma_start3A_2469] : memref<5x8x16x128xf32, #tpu.memory_space<vmem>> -> memref<1x1x16x128xf32, #tpu.memory_space<vmem>>
      %dma_start3A_2471 = tpu.memref_squeeze %dma_start3A_2470 : memref<1x1x16x128xf32, #tpu.memory_space<vmem>> -> memref<16x128xf32, #tpu.memory_space<vmem>>
      %dma_start3A_2472 = arith.constant 0 : i32
      %dma_start3A_2473 = tpu.memref_slice %arg2[%dma_start3A_2472, %multiple_of3A_2459] : memref<16x1000000xf32, #tpu.memory_space<hbm>> -> memref<16x128xf32, #tpu.memory_space<hbm>>
      tpu.enqueue_dma source(%dma_start3A_2473 : memref<16x128xf32, #tpu.memory_space<hbm>>) target(%dma_start3A_2471 : memref<16x128xf32, #tpu.memory_space<vmem>>) target_semaphore(%arg9 : memref<!tpu.dma_semaphore, #tpu.memory_space<semaphore_mem>>)
      %slice3A_2474 = vector.extract_strided_slice %get3A_2368 {offsets = [5], sizes = [1], strides = [1]} : vector<16xi32> to vector<1xi32>
      %squeeze3A_2475 = vector.extract %slice3A_2474[0] : i32 from vector<1xi32>
      %shift_right_arithmetic3A_2476 = arith.constant 7 : i32
      %shift_right_arithmetic3A_2477 = arith.shrsi %squeeze3A_2475, %shift_right_arithmetic3A_2476 : i32
      %mul3A_2478 = arith.constant 128 : i32
      %mul3A_2479 = arith.muli %shift_right_arithmetic3A_2477, %mul3A_2478 : i32
      %multiple_of3A_2480 = tpu.assume_multiple %mul3A_2479, 128 : i32
      %dma_start3A_2481 = arith.constant 1 : i32
      %dma_start3A_2482 = arith.constant 5 : i32
      %dma_start3A_2483 = arith.constant 0 : i32
      %dma_start3A_2484 = arith.constant 0 : i32
      %dma_start3A_2485 = tpu.memref_slice %arg6[%dma_start3A_2481, %dma_start3A_2482, %dma_start3A_2483, %dma_start3A_2484] : memref<5x8x16x128xf32, #tpu.memory_space<vmem>> -> memref<1x1x16x128xf32, #tpu.memory_space<vmem>>
      %dma_start3A_2486 = tpu.memref_squeeze %dma_start3A_2485 : memref<1x1x16x128xf32, #tpu.memory_space<vmem>> -> memref<16x128xf32, #tpu.memory_space<vmem>>
      %dma_start3A_2487 = arith.constant 0 : i32
      %dma_start3A_2488 = tpu.memref_slice %arg2[%dma_start3A_2487, %multiple_of3A_2480] : memref<16x1000000xf32, #tpu.memory_space<hbm>> -> memref<16x128xf32, #tpu.memory_space<hbm>>
      %dma_start3A_2489 = arith.constant 0 : i32
      %dma_start3A_2490 = arith.constant 0 : i32
      %dma_start3A_2491 = tpu.memref_slice %arg6[%dma_start3A_2481, %dma_start3A_2482, %dma_start3A_2489, %dma_start3A_2490] : memref<5x8x16x128xf32, #tpu.memory_space<vmem>> -> memref<1x1x16x128xf32, #tpu.memory_space<vmem>>
      %dma_start3A_2492 = tpu.memref_squeeze %dma_start3A_2491 : memref<1x1x16x128xf32, #tpu.memory_space<vmem>> -> memref<16x128xf32, #tpu.memory_space<vmem>>
      %dma_start3A_2493 = arith.constant 0 : i32
      %dma_start3A_2494 = tpu.memref_slice %arg2[%dma_start3A_2493, %multiple_of3A_2480] : memref<16x1000000xf32, #tpu.memory_space<hbm>> -> memref<16x128xf32, #tpu.memory_space<hbm>>
      tpu.enqueue_dma source(%dma_start3A_2494 : memref<16x128xf32, #tpu.memory_space<hbm>>) target(%dma_start3A_2492 : memref<16x128xf32, #tpu.memory_space<vmem>>) target_semaphore(%arg9 : memref<!tpu.dma_semaphore, #tpu.memory_space<semaphore_mem>>)
      %slice3A_2495 = vector.extract_strided_slice %get3A_2368 {offsets = [6], sizes = [1], strides = [1]} : vector<16xi32> to vector<1xi32>
      %squeeze3A_2496 = vector.extract %slice3A_2495[0] : i32 from vector<1xi32>
      %shift_right_arithmetic3A_2497 = arith.constant 7 : i32
      %shift_right_arithmetic3A_2498 = arith.shrsi %squeeze3A_2496, %shift_right_arithmetic3A_2497 : i32
      %mul3A_2499 = arith.constant 128 : i32
      %mul3A_2500 = arith.muli %shift_right_arithmetic3A_2498, %mul3A_2499 : i32
      %multiple_of3A_2501 = tpu.assume_multiple %mul3A_2500, 128 : i32
      %dma_start3A_2502 = arith.constant 1 : i32
      %dma_start3A_2503 = arith.constant 6 : i32
      %dma_start3A_2504 = arith.constant 0 : i32
      %dma_start3A_2505 = arith.constant 0 : i32
      %dma_start3A_2506 = tpu.memref_slice %arg6[%dma_start3A_2502, %dma_start3A_2503, %dma_start3A_2504, %dma_start3A_2505] : memref<5x8x16x128xf32, #tpu.memory_space<vmem>> -> memref<1x1x16x128xf32, #tpu.memory_space<vmem>>
      %dma_start3A_2507 = tpu.memref_squeeze %dma_start3A_2506 : memref<1x1x16x128xf32, #tpu.memory_space<vmem>> -> memref<16x128xf32, #tpu.memory_space<vmem>>
      %dma_start3A_2508 = arith.constant 0 : i32
      %dma_start3A_2509 = tpu.memref_slice %arg2[%dma_start3A_2508, %multiple_of3A_2501] : memref<16x1000000xf32, #tpu.memory_space<hbm>> -> memref<16x128xf32, #tpu.memory_space<hbm>>
      %dma_start3A_2510 = arith.constant 0 : i32
      %dma_start3A_2511 = arith.constant 0 : i32
      %dma_start3A_2512 = tpu.memref_slice %arg6[%dma_start3A_2502, %dma_start3A_2503, %dma_start3A_2510, %dma_start3A_2511] : memref<5x8x16x128xf32, #tpu.memory_space<vmem>> -> memref<1x1x16x128xf32, #tpu.memory_space<vmem>>
      %dma_start3A_2513 = tpu.memref_squeeze %dma_start3A_2512 : memref<1x1x16x128xf32, #tpu.memory_space<vmem>> -> memref<16x128xf32, #tpu.memory_space<vmem>>
      %dma_start3A_2514 = arith.constant 0 : i32
      %dma_start3A_2515 = tpu.memref_slice %arg2[%dma_start3A_2514, %multiple_of3A_2501] : memref<16x1000000xf32, #tpu.memory_space<hbm>> -> memref<16x128xf32, #tpu.memory_space<hbm>>
      tpu.enqueue_dma source(%dma_start3A_2515 : memref<16x128xf32, #tpu.memory_space<hbm>>) target(%dma_start3A_2513 : memref<16x128xf32, #tpu.memory_space<vmem>>) target_semaphore(%arg9 : memref<!tpu.dma_semaphore, #tpu.memory_space<semaphore_mem>>)
      %slice3A_2516 = vector.extract_strided_slice %get3A_2368 {offsets = [7], sizes = [1], strides = [1]} : vector<16xi32> to vector<1xi32>
      %squeeze3A_2517 = vector.extract %slice3A_2516[0] : i32 from vector<1xi32>
      %shift_right_arithmetic3A_2518 = arith.constant 7 : i32
      %shift_right_arithmetic3A_2519 = arith.shrsi %squeeze3A_2517, %shift_right_arithmetic3A_2518 : i32
      %mul3A_2520 = arith.constant 128 : i32
      %mul3A_2521 = arith.muli %shift_right_arithmetic3A_2519, %mul3A_2520 : i32
      %multiple_of3A_2522 = tpu.assume_multiple %mul3A_2521, 128 : i32
      %dma_start3A_2523 = arith.constant 1 : i32
      %dma_start3A_2524 = arith.constant 7 : i32
      %dma_start3A_2525 = arith.constant 0 : i32
      %dma_start3A_2526 = arith.constant 0 : i32
      %dma_start3A_2527 = tpu.memref_slice %arg6[%dma_start3A_2523, %dma_start3A_2524, %dma_start3A_2525, %dma_start3A_2526] : memref<5x8x16x128xf32, #tpu.memory_space<vmem>> -> memref<1x1x16x128xf32, #tpu.memory_space<vmem>>
      %dma_start3A_2528 = tpu.memref_squeeze %dma_start3A_2527 : memref<1x1x16x128xf32, #tpu.memory_space<vmem>> -> memref<16x128xf32, #tpu.memory_space<vmem>>
      %dma_start3A_2529 = arith.constant 0 : i32
      %dma_start3A_2530 = tpu.memref_slice %arg2[%dma_start3A_2529, %multiple_of3A_2522] : memref<16x1000000xf32, #tpu.memory_space<hbm>> -> memref<16x128xf32, #tpu.memory_space<hbm>>
      %dma_start3A_2531 = arith.constant 0 : i32
      %dma_start3A_2532 = arith.constant 0 : i32
      %dma_start3A_2533 = tpu.memref_slice %arg6[%dma_start3A_2523, %dma_start3A_2524, %dma_start3A_2531, %dma_start3A_2532] : memref<5x8x16x128xf32, #tpu.memory_space<vmem>> -> memref<1x1x16x128xf32, #tpu.memory_space<vmem>>
      %dma_start3A_2534 = tpu.memref_squeeze %dma_start3A_2533 : memref<1x1x16x128xf32, #tpu.memory_space<vmem>> -> memref<16x128xf32, #tpu.memory_space<vmem>>
      %dma_start3A_2535 = arith.constant 0 : i32
      %dma_start3A_2536 = tpu.memref_slice %arg2[%dma_start3A_2535, %multiple_of3A_2522] : memref<16x1000000xf32, #tpu.memory_space<hbm>> -> memref<16x128xf32, #tpu.memory_space<hbm>>
      tpu.enqueue_dma source(%dma_start3A_2536 : memref<16x128xf32, #tpu.memory_space<hbm>>) target(%dma_start3A_2534 : memref<16x128xf32, #tpu.memory_space<vmem>>) target_semaphore(%arg9 : memref<!tpu.dma_semaphore, #tpu.memory_space<semaphore_mem>>)
      %dma_wait3A_2537 = arith.constant 2 : i32
      %dma_wait3A_2538 = arith.constant 0 : i32
      %dma_wait3A_2539 = arith.constant 0 : i32
      %dma_wait3A_2540 = arith.constant 0 : i32
      %dma_wait3A_2541 = tpu.memref_slice %arg6[%dma_wait3A_2537, %dma_wait3A_2538, %dma_wait3A_2539, %dma_wait3A_2540] : memref<5x8x16x128xf32, #tpu.memory_space<vmem>> -> memref<1x1x16x128xf32, #tpu.memory_space<vmem>>
      %dma_wait3A_2542 = tpu.memref_squeeze %dma_wait3A_2541 : memref<1x1x16x128xf32, #tpu.memory_space<vmem>> -> memref<16x128xf32, #tpu.memory_space<vmem>>
      %dma_wait3A_2543 = arith.constant 0 : i32
      %dma_wait3A_2544 = arith.constant 0 : i32
      %dma_wait3A_2545 = tpu.memref_slice %arg2[%dma_wait3A_2543, %dma_wait3A_2544] : memref<16x1000000xf32, #tpu.memory_space<hbm>> -> memref<16x128xf32, #tpu.memory_space<hbm>>
      %dma_wait3A_2546 = arith.constant 0 : i32
      %dma_wait3A_2547 = arith.constant 0 : i32
      %dma_wait3A_2548 = tpu.memref_slice %arg6[%dma_wait3A_2537, %dma_wait3A_2538, %dma_wait3A_2546, %dma_wait3A_2547] : memref<5x8x16x128xf32, #tpu.memory_space<vmem>> -> memref<1x1x16x128xf32, #tpu.memory_space<vmem>>
      %dma_wait3A_2549 = tpu.memref_squeeze %dma_wait3A_2548 : memref<1x1x16x128xf32, #tpu.memory_space<vmem>> -> memref<16x128xf32, #tpu.memory_space<vmem>>
      %dma_wait3A_2550 = arith.constant 0 : i32
      %dma_wait3A_2551 = arith.constant 0 : i32
      %dma_wait3A_2552 = tpu.memref_slice %arg2[%dma_wait3A_2550, %dma_wait3A_2551] : memref<16x1000000xf32, #tpu.memory_space<hbm>> -> memref<16x128xf32, #tpu.memory_space<hbm>>
      tpu.wait_dma2 semaphore(%arg10 : memref<!tpu.dma_semaphore, #tpu.memory_space<semaphore_mem>>) src(%dma_wait3A_2552 : memref<16x128xf32, #tpu.memory_space<hbm>>) dst(%dma_wait3A_2549 : memref<16x128xf32, #tpu.memory_space<vmem>>)
      %dma_wait3A_2553 = arith.constant 2 : i32
      %dma_wait3A_2554 = arith.constant 1 : i32
      %dma_wait3A_2555 = arith.constant 0 : i32
      %dma_wait3A_2556 = arith.constant 0 : i32
      %dma_wait3A_2557 = tpu.memref_slice %arg6[%dma_wait3A_2553, %dma_wait3A_2554, %dma_wait3A_2555, %dma_wait3A_2556] : memref<5x8x16x128xf32, #tpu.memory_space<vmem>> -> memref<1x1x16x128xf32, #tpu.memory_space<vmem>>
      %dma_wait3A_2558 = tpu.memref_squeeze %dma_wait3A_2557 : memref<1x1x16x128xf32, #tpu.memory_space<vmem>> -> memref<16x128xf32, #tpu.memory_space<vmem>>
      %dma_wait3A_2559 = arith.constant 0 : i32
      %dma_wait3A_2560 = arith.constant 0 : i32
      %dma_wait3A_2561 = tpu.memref_slice %arg2[%dma_wait3A_2559, %dma_wait3A_2560] : memref<16x1000000xf32, #tpu.memory_space<hbm>> -> memref<16x128xf32, #tpu.memory_space<hbm>>
      %dma_wait3A_2562 = arith.constant 0 : i32
      %dma_wait3A_2563 = arith.constant 0 : i32
      %dma_wait3A_2564 = tpu.memref_slice %arg6[%dma_wait3A_2553, %dma_wait3A_2554, %dma_wait3A_2562, %dma_wait3A_2563] : memref<5x8x16x128xf32, #tpu.memory_space<vmem>> -> memref<1x1x16x128xf32, #tpu.memory_space<vmem>>
      %dma_wait3A_2565 = tpu.memref_squeeze %dma_wait3A_2564 : memref<1x1x16x128xf32, #tpu.memory_space<vmem>> -> memref<16x128xf32, #tpu.memory_space<vmem>>
      %dma_wait3A_2566 = arith.constant 0 : i32
      %dma_wait3A_2567 = arith.constant 0 : i32
      %dma_wait3A_2568 = tpu.memref_slice %arg2[%dma_wait3A_2566, %dma_wait3A_2567] : memref<16x1000000xf32, #tpu.memory_space<hbm>> -> memref<16x128xf32, #tpu.memory_space<hbm>>
      tpu.wait_dma2 semaphore(%arg10 : memref<!tpu.dma_semaphore, #tpu.memory_space<semaphore_mem>>) src(%dma_wait3A_2568 : memref<16x128xf32, #tpu.memory_space<hbm>>) dst(%dma_wait3A_2565 : memref<16x128xf32, #tpu.memory_space<vmem>>)
      %dma_wait3A_2569 = arith.constant 2 : i32
      %dma_wait3A_2570 = arith.constant 2 : i32
      %dma_wait3A_2571 = arith.constant 0 : i32
      %dma_wait3A_2572 = arith.constant 0 : i32
      %dma_wait3A_2573 = tpu.memref_slice %arg6[%dma_wait3A_2569, %dma_wait3A_2570, %dma_wait3A_2571, %dma_wait3A_2572] : memref<5x8x16x128xf32, #tpu.memory_space<vmem>> -> memref<1x1x16x128xf32, #tpu.memory_space<vmem>>
      %dma_wait3A_2574 = tpu.memref_squeeze %dma_wait3A_2573 : memref<1x1x16x128xf32, #tpu.memory_space<vmem>> -> memref<16x128xf32, #tpu.memory_space<vmem>>
      %dma_wait3A_2575 = arith.constant 0 : i32
      %dma_wait3A_2576 = arith.constant 0 : i32
      %dma_wait3A_2577 = tpu.memref_slice %arg2[%dma_wait3A_2575, %dma_wait3A_2576] : memref<16x1000000xf32, #tpu.memory_space<hbm>> -> memref<16x128xf32, #tpu.memory_space<hbm>>
      %dma_wait3A_2578 = arith.constant 0 : i32
      %dma_wait3A_2579 = arith.constant 0 : i32
      %dma_wait3A_2580 = tpu.memref_slice %arg6[%dma_wait3A_2569, %dma_wait3A_2570, %dma_wait3A_2578, %dma_wait3A_2579] : memref<5x8x16x128xf32, #tpu.memory_space<vmem>> -> memref<1x1x16x128xf32, #tpu.memory_space<vmem>>
      %dma_wait3A_2581 = tpu.memref_squeeze %dma_wait3A_2580 : memref<1x1x16x128xf32, #tpu.memory_space<vmem>> -> memref<16x128xf32, #tpu.memory_space<vmem>>
      %dma_wait3A_2582 = arith.constant 0 : i32
      %dma_wait3A_2583 = arith.constant 0 : i32
      %dma_wait3A_2584 = tpu.memref_slice %arg2[%dma_wait3A_2582, %dma_wait3A_2583] : memref<16x1000000xf32, #tpu.memory_space<hbm>> -> memref<16x128xf32, #tpu.memory_space<hbm>>
      tpu.wait_dma2 semaphore(%arg10 : memref<!tpu.dma_semaphore, #tpu.memory_space<semaphore_mem>>) src(%dma_wait3A_2584 : memref<16x128xf32, #tpu.memory_space<hbm>>) dst(%dma_wait3A_2581 : memref<16x128xf32, #tpu.memory_space<vmem>>)
      %dma_wait3A_2585 = arith.constant 2 : i32
      %dma_wait3A_2586 = arith.constant 3 : i32
      %dma_wait3A_2587 = arith.constant 0 : i32
      %dma_wait3A_2588 = arith.constant 0 : i32
      %dma_wait3A_2589 = tpu.memref_slice %arg6[%dma_wait3A_2585, %dma_wait3A_2586, %dma_wait3A_2587, %dma_wait3A_2588] : memref<5x8x16x128xf32, #tpu.memory_space<vmem>> -> memref<1x1x16x128xf32, #tpu.memory_space<vmem>>
      %dma_wait3A_2590 = tpu.memref_squeeze %dma_wait3A_2589 : memref<1x1x16x128xf32, #tpu.memory_space<vmem>> -> memref<16x128xf32, #tpu.memory_space<vmem>>
      %dma_wait3A_2591 = arith.constant 0 : i32
      %dma_wait3A_2592 = arith.constant 0 : i32
      %dma_wait3A_2593 = tpu.memref_slice %arg2[%dma_wait3A_2591, %dma_wait3A_2592] : memref<16x1000000xf32, #tpu.memory_space<hbm>> -> memref<16x128xf32, #tpu.memory_space<hbm>>
      %dma_wait3A_2594 = arith.constant 0 : i32
      %dma_wait3A_2595 = arith.constant 0 : i32
      %dma_wait3A_2596 = tpu.memref_slice %arg6[%dma_wait3A_2585, %dma_wait3A_2586, %dma_wait3A_2594, %dma_wait3A_2595] : memref<5x8x16x128xf32, #tpu.memory_space<vmem>> -> memref<1x1x16x128xf32, #tpu.memory_space<vmem>>
      %dma_wait3A_2597 = tpu.memref_squeeze %dma_wait3A_2596 : memref<1x1x16x128xf32, #tpu.memory_space<vmem>> -> memref<16x128xf32, #tpu.memory_space<vmem>>
      %dma_wait3A_2598 = arith.constant 0 : i32
      %dma_wait3A_2599 = arith.constant 0 : i32
      %dma_wait3A_2600 = tpu.memref_slice %arg2[%dma_wait3A_2598, %dma_wait3A_2599] : memref<16x1000000xf32, #tpu.memory_space<hbm>> -> memref<16x128xf32, #tpu.memory_space<hbm>>
      tpu.wait_dma2 semaphore(%arg10 : memref<!tpu.dma_semaphore, #tpu.memory_space<semaphore_mem>>) src(%dma_wait3A_2600 : memref<16x128xf32, #tpu.memory_space<hbm>>) dst(%dma_wait3A_2597 : memref<16x128xf32, #tpu.memory_space<vmem>>)
      %dma_wait3A_2601 = arith.constant 2 : i32
      %dma_wait3A_2602 = arith.constant 4 : i32
      %dma_wait3A_2603 = arith.constant 0 : i32
      %dma_wait3A_2604 = arith.constant 0 : i32
      %dma_wait3A_2605 = tpu.memref_slice %arg6[%dma_wait3A_2601, %dma_wait3A_2602, %dma_wait3A_2603, %dma_wait3A_2604] : memref<5x8x16x128xf32, #tpu.memory_space<vmem>> -> memref<1x1x16x128xf32, #tpu.memory_space<vmem>>
      %dma_wait3A_2606 = tpu.memref_squeeze %dma_wait3A_2605 : memref<1x1x16x128xf32, #tpu.memory_space<vmem>> -> memref<16x128xf32, #tpu.memory_space<vmem>>
      %dma_wait3A_2607 = arith.constant 0 : i32
      %dma_wait3A_2608 = arith.constant 0 : i32
      %dma_wait3A_2609 = tpu.memref_slice %arg2[%dma_wait3A_2607, %dma_wait3A_2608] : memref<16x1000000xf32, #tpu.memory_space<hbm>> -> memref<16x128xf32, #tpu.memory_space<hbm>>
      %dma_wait3A_2610 = arith.constant 0 : i32
      %dma_wait3A_2611 = arith.constant 0 : i32
      %dma_wait3A_2612 = tpu.memref_slice %arg6[%dma_wait3A_2601, %dma_wait3A_2602, %dma_wait3A_2610, %dma_wait3A_2611] : memref<5x8x16x128xf32, #tpu.memory_space<vmem>> -> memref<1x1x16x128xf32, #tpu.memory_space<vmem>>
      %dma_wait3A_2613 = tpu.memref_squeeze %dma_wait3A_2612 : memref<1x1x16x128xf32, #tpu.memory_space<vmem>> -> memref<16x128xf32, #tpu.memory_space<vmem>>
      %dma_wait3A_2614 = arith.constant 0 : i32
      %dma_wait3A_2615 = arith.constant 0 : i32
      %dma_wait3A_2616 = tpu.memref_slice %arg2[%dma_wait3A_2614, %dma_wait3A_2615] : memref<16x1000000xf32, #tpu.memory_space<hbm>> -> memref<16x128xf32, #tpu.memory_space<hbm>>
      tpu.wait_dma2 semaphore(%arg10 : memref<!tpu.dma_semaphore, #tpu.memory_space<semaphore_mem>>) src(%dma_wait3A_2616 : memref<16x128xf32, #tpu.memory_space<hbm>>) dst(%dma_wait3A_2613 : memref<16x128xf32, #tpu.memory_space<vmem>>)
      %dma_wait3A_2617 = arith.constant 2 : i32
      %dma_wait3A_2618 = arith.constant 5 : i32
      %dma_wait3A_2619 = arith.constant 0 : i32
      %dma_wait3A_2620 = arith.constant 0 : i32
      %dma_wait3A_2621 = tpu.memref_slice %arg6[%dma_wait3A_2617, %dma_wait3A_2618, %dma_wait3A_2619, %dma_wait3A_2620] : memref<5x8x16x128xf32, #tpu.memory_space<vmem>> -> memref<1x1x16x128xf32, #tpu.memory_space<vmem>>
      %dma_wait3A_2622 = tpu.memref_squeeze %dma_wait3A_2621 : memref<1x1x16x128xf32, #tpu.memory_space<vmem>> -> memref<16x128xf32, #tpu.memory_space<vmem>>
      %dma_wait3A_2623 = arith.constant 0 : i32
      %dma_wait3A_2624 = arith.constant 0 : i32
      %dma_wait3A_2625 = tpu.memref_slice %arg2[%dma_wait3A_2623, %dma_wait3A_2624] : memref<16x1000000xf32, #tpu.memory_space<hbm>> -> memref<16x128xf32, #tpu.memory_space<hbm>>
      %dma_wait3A_2626 = arith.constant 0 : i32
      %dma_wait3A_2627 = arith.constant 0 : i32
      %dma_wait3A_2628 = tpu.memref_slice %arg6[%dma_wait3A_2617, %dma_wait3A_2618, %dma_wait3A_2626, %dma_wait3A_2627] : memref<5x8x16x128xf32, #tpu.memory_space<vmem>> -> memref<1x1x16x128xf32, #tpu.memory_space<vmem>>
      %dma_wait3A_2629 = tpu.memref_squeeze %dma_wait3A_2628 : memref<1x1x16x128xf32, #tpu.memory_space<vmem>> -> memref<16x128xf32, #tpu.memory_space<vmem>>
      %dma_wait3A_2630 = arith.constant 0 : i32
      %dma_wait3A_2631 = arith.constant 0 : i32
      %dma_wait3A_2632 = tpu.memref_slice %arg2[%dma_wait3A_2630, %dma_wait3A_2631] : memref<16x1000000xf32, #tpu.memory_space<hbm>> -> memref<16x128xf32, #tpu.memory_space<hbm>>
      tpu.wait_dma2 semaphore(%arg10 : memref<!tpu.dma_semaphore, #tpu.memory_space<semaphore_mem>>) src(%dma_wait3A_2632 : memref<16x128xf32, #tpu.memory_space<hbm>>) dst(%dma_wait3A_2629 : memref<16x128xf32, #tpu.memory_space<vmem>>)
      %dma_wait3A_2633 = arith.constant 2 : i32
      %dma_wait3A_2634 = arith.constant 6 : i32
      %dma_wait3A_2635 = arith.constant 0 : i32
      %dma_wait3A_2636 = arith.constant 0 : i32
      %dma_wait3A_2637 = tpu.memref_slice %arg6[%dma_wait3A_2633, %dma_wait3A_2634, %dma_wait3A_2635, %dma_wait3A_2636] : memref<5x8x16x128xf32, #tpu.memory_space<vmem>> -> memref<1x1x16x128xf32, #tpu.memory_space<vmem>>
      %dma_wait3A_2638 = tpu.memref_squeeze %dma_wait3A_2637 : memref<1x1x16x128xf32, #tpu.memory_space<vmem>> -> memref<16x128xf32, #tpu.memory_space<vmem>>
      %dma_wait3A_2639 = arith.constant 0 : i32
      %dma_wait3A_2640 = arith.constant 0 : i32
      %dma_wait3A_2641 = tpu.memref_slice %arg2[%dma_wait3A_2639, %dma_wait3A_2640] : memref<16x1000000xf32, #tpu.memory_space<hbm>> -> memref<16x128xf32, #tpu.memory_space<hbm>>
      %dma_wait3A_2642 = arith.constant 0 : i32
      %dma_wait3A_2643 = arith.constant 0 : i32
      %dma_wait3A_2644 = tpu.memref_slice %arg6[%dma_wait3A_2633, %dma_wait3A_2634, %dma_wait3A_2642, %dma_wait3A_2643] : memref<5x8x16x128xf32, #tpu.memory_space<vmem>> -> memref<1x1x16x128xf32, #tpu.memory_space<vmem>>
      %dma_wait3A_2645 = tpu.memref_squeeze %dma_wait3A_2644 : memref<1x1x16x128xf32, #tpu.memory_space<vmem>> -> memref<16x128xf32, #tpu.memory_space<vmem>>
      %dma_wait3A_2646 = arith.constant 0 : i32
      %dma_wait3A_2647 = arith.constant 0 : i32
      %dma_wait3A_2648 = tpu.memref_slice %arg2[%dma_wait3A_2646, %dma_wait3A_2647] : memref<16x1000000xf32, #tpu.memory_space<hbm>> -> memref<16x128xf32, #tpu.memory_space<hbm>>
      tpu.wait_dma2 semaphore(%arg10 : memref<!tpu.dma_semaphore, #tpu.memory_space<semaphore_mem>>) src(%dma_wait3A_2648 : memref<16x128xf32, #tpu.memory_space<hbm>>) dst(%dma_wait3A_2645 : memref<16x128xf32, #tpu.memory_space<vmem>>)
      %dma_wait3A_2649 = arith.constant 2 : i32
      %dma_wait3A_2650 = arith.constant 7 : i32
      %dma_wait3A_2651 = arith.constant 0 : i32
      %dma_wait3A_2652 = arith.constant 0 : i32
      %dma_wait3A_2653 = tpu.memref_slice %arg6[%dma_wait3A_2649, %dma_wait3A_2650, %dma_wait3A_2651, %dma_wait3A_2652] : memref<5x8x16x128xf32, #tpu.memory_space<vmem>> -> memref<1x1x16x128xf32, #tpu.memory_space<vmem>>
      %dma_wait3A_2654 = tpu.memref_squeeze %dma_wait3A_2653 : memref<1x1x16x128xf32, #tpu.memory_space<vmem>> -> memref<16x128xf32, #tpu.memory_space<vmem>>
      %dma_wait3A_2655 = arith.constant 0 : i32
      %dma_wait3A_2656 = arith.constant 0 : i32
      %dma_wait3A_2657 = tpu.memref_slice %arg2[%dma_wait3A_2655, %dma_wait3A_2656] : memref<16x1000000xf32, #tpu.memory_space<hbm>> -> memref<16x128xf32, #tpu.memory_space<hbm>>
      %dma_wait3A_2658 = arith.constant 0 : i32
      %dma_wait3A_2659 = arith.constant 0 : i32
      %dma_wait3A_2660 = tpu.memref_slice %arg6[%dma_wait3A_2649, %dma_wait3A_2650, %dma_wait3A_2658, %dma_wait3A_2659] : memref<5x8x16x128xf32, #tpu.memory_space<vmem>> -> memref<1x1x16x128xf32, #tpu.memory_space<vmem>>
      %dma_wait3A_2661 = tpu.memref_squeeze %dma_wait3A_2660 : memref<1x1x16x128xf32, #tpu.memory_space<vmem>> -> memref<16x128xf32, #tpu.memory_space<vmem>>
      %dma_wait3A_2662 = arith.constant 0 : i32
      %dma_wait3A_2663 = arith.constant 0 : i32
      %dma_wait3A_2664 = tpu.memref_slice %arg2[%dma_wait3A_2662, %dma_wait3A_2663] : memref<16x1000000xf32, #tpu.memory_space<hbm>> -> memref<16x128xf32, #tpu.memory_space<hbm>>
      tpu.wait_dma2 semaphore(%arg10 : memref<!tpu.dma_semaphore, #tpu.memory_space<semaphore_mem>>) src(%dma_wait3A_2664 : memref<16x128xf32, #tpu.memory_space<hbm>>) dst(%dma_wait3A_2661 : memref<16x128xf32, #tpu.memory_space<vmem>>)
      %mul3A_2665 = arith.constant 8 : i32
      %mul3A_2666 = arith.muli %add3A_2362, %mul3A_2665 : i32
      %get3A_2667 = arith.index_cast %mul3A_2666 : i32 to index
      %get3A_2668 = tpu.vector_load %arg5[%get3A_2667] {strides = array<i32>} : memref<528xi32, #tpu.memory_space<vmem>>, vector<16xi32>,
      %broadcast_in_dim3A_2669 = arith.constant 2 : i32
      %broadcast_in_dim3A_2670 = vector.broadcast %broadcast_in_dim3A_2669 : i32 to vector<16xi32>
      %slice3A_2671 = vector.extract_strided_slice %get3A_2668 {offsets = [0], sizes = [1], strides = [1]} : vector<16xi32> to vector<1xi32>
      %squeeze3A_2672 = vector.extract %slice3A_2671[0] : i32 from vector<1xi32>
      %and3A_2673 = arith.constant 127 : i32
      %and3A_2674 = arith.andi %squeeze3A_2672, %and3A_2673 : i32
      %broadcast_in_dim3A_2675 = vector.broadcast %and3A_2674 : i32 to vector<16xi32>
      %mul3A_2676 = arith.constant 8 : i32
      %mul3A_2677 = arith.muli %add3A_2362, %mul3A_2676 : i32
      %add3A_2678 = arith.constant 0 : i32
      %add3A_2679 = arith.addi %mul3A_2677, %add3A_2678 : i32
      %broadcast_in_dim3A_2680 = vector.broadcast %add3A_2679 : i32 to vector<16xi32>
      %broadcast_in_dim3A_2681 = arith.constant 0 : i32
      %broadcast_in_dim3A_2682 = vector.broadcast %broadcast_in_dim3A_2681 : i32 to vector<16xi32>
      %gather3A_2683 = tpu.vector_load_idx %arg6[%broadcast_in_dim3A_2670, %broadcast_in_dim3A_2682, %iota3A, %broadcast_in_dim3A_2675] : memref<5x8x16x128xf32, #tpu.memory_space<vmem>>[vector<16xi32>, vector<16xi32>, vector<16xi32>, vector<16xi32>], vector<16xf32>,
      tpu.vector_store_idx %arg7[%iota3A, %broadcast_in_dim3A_2680], %gather3A_2683 : memref<16x512xf32, #tpu.memory_space<vmem>>[vector<16xi32>, vector<16xi32>], vector<16xf32>,
      %slice3A_2684 = vector.extract_strided_slice %get3A_2668 {offsets = [1], sizes = [1], strides = [1]} : vector<16xi32> to vector<1xi32>
      %squeeze3A_2685 = vector.extract %slice3A_2684[0] : i32 from vector<1xi32>
      %and3A_2686 = arith.constant 127 : i32
      %and3A_2687 = arith.andi %squeeze3A_2685, %and3A_2686 : i32
      %broadcast_in_dim3A_2688 = vector.broadcast %and3A_2687 : i32 to vector<16xi32>
      %mul3A_2689 = arith.constant 8 : i32
      %mul3A_2690 = arith.muli %add3A_2362, %mul3A_2689 : i32
      %add3A_2691 = arith.constant 1 : i32
      %add3A_2692 = arith.addi %mul3A_2690, %add3A_2691 : i32
      %broadcast_in_dim3A_2693 = vector.broadcast %add3A_2692 : i32 to vector<16xi32>
      %broadcast_in_dim3A_2694 = arith.constant 1 : i32
      %broadcast_in_dim3A_2695 = vector.broadcast %broadcast_in_dim3A_2694 : i32 to vector<16xi32>
      %gather3A_2696 = tpu.vector_load_idx %arg6[%broadcast_in_dim3A_2670, %broadcast_in_dim3A_2695, %iota3A, %broadcast_in_dim3A_2688] : memref<5x8x16x128xf32, #tpu.memory_space<vmem>>[vector<16xi32>, vector<16xi32>, vector<16xi32>, vector<16xi32>], vector<16xf32>,
      tpu.vector_store_idx %arg7[%iota3A, %broadcast_in_dim3A_2693], %gather3A_2696 : memref<16x512xf32, #tpu.memory_space<vmem>>[vector<16xi32>, vector<16xi32>], vector<16xf32>,
      %slice3A_2697 = vector.extract_strided_slice %get3A_2668 {offsets = [2], sizes = [1], strides = [1]} : vector<16xi32> to vector<1xi32>
      %squeeze3A_2698 = vector.extract %slice3A_2697[0] : i32 from vector<1xi32>
      %and3A_2699 = arith.constant 127 : i32
      %and3A_2700 = arith.andi %squeeze3A_2698, %and3A_2699 : i32
      %broadcast_in_dim3A_2701 = vector.broadcast %and3A_2700 : i32 to vector<16xi32>
      %mul3A_2702 = arith.constant 8 : i32
      %mul3A_2703 = arith.muli %add3A_2362, %mul3A_2702 : i32
      %add3A_2704 = arith.constant 2 : i32
      %add3A_2705 = arith.addi %mul3A_2703, %add3A_2704 : i32
      %broadcast_in_dim3A_2706 = vector.broadcast %add3A_2705 : i32 to vector<16xi32>
      %broadcast_in_dim3A_2707 = arith.constant 2 : i32
      %broadcast_in_dim3A_2708 = vector.broadcast %broadcast_in_dim3A_2707 : i32 to vector<16xi32>
      %gather3A_2709 = tpu.vector_load_idx %arg6[%broadcast_in_dim3A_2670, %broadcast_in_dim3A_2708, %iota3A, %broadcast_in_dim3A_2701] : memref<5x8x16x128xf32, #tpu.memory_space<vmem>>[vector<16xi32>, vector<16xi32>, vector<16xi32>, vector<16xi32>], vector<16xf32>,
      tpu.vector_store_idx %arg7[%iota3A, %broadcast_in_dim3A_2706], %gather3A_2709 : memref<16x512xf32, #tpu.memory_space<vmem>>[vector<16xi32>, vector<16xi32>], vector<16xf32>,
      %slice3A_2710 = vector.extract_strided_slice %get3A_2668 {offsets = [3], sizes = [1], strides = [1]} : vector<16xi32> to vector<1xi32>
      %squeeze3A_2711 = vector.extract %slice3A_2710[0] : i32 from vector<1xi32>
      %and3A_2712 = arith.constant 127 : i32
      %and3A_2713 = arith.andi %squeeze3A_2711, %and3A_2712 : i32
      %broadcast_in_dim3A_2714 = vector.broadcast %and3A_2713 : i32 to vector<16xi32>
      %mul3A_2715 = arith.constant 8 : i32
      %mul3A_2716 = arith.muli %add3A_2362, %mul3A_2715 : i32
      %add3A_2717 = arith.constant 3 : i32
      %add3A_2718 = arith.addi %mul3A_2716, %add3A_2717 : i32
      %broadcast_in_dim3A_2719 = vector.broadcast %add3A_2718 : i32 to vector<16xi32>
      %broadcast_in_dim3A_2720 = arith.constant 3 : i32
      %broadcast_in_dim3A_2721 = vector.broadcast %broadcast_in_dim3A_2720 : i32 to vector<16xi32>
      %gather3A_2722 = tpu.vector_load_idx %arg6[%broadcast_in_dim3A_2670, %broadcast_in_dim3A_2721, %iota3A, %broadcast_in_dim3A_2714] : memref<5x8x16x128xf32, #tpu.memory_space<vmem>>[vector<16xi32>, vector<16xi32>, vector<16xi32>, vector<16xi32>], vector<16xf32>,
      tpu.vector_store_idx %arg7[%iota3A, %broadcast_in_dim3A_2719], %gather3A_2722 : memref<16x512xf32, #tpu.memory_space<vmem>>[vector<16xi32>, vector<16xi32>], vector<16xf32>,
      %slice3A_2723 = vector.extract_strided_slice %get3A_2668 {offsets = [4], sizes = [1], strides = [1]} : vector<16xi32> to vector<1xi32>
      %squeeze3A_2724 = vector.extract %slice3A_2723[0] : i32 from vector<1xi32>
      %and3A_2725 = arith.constant 127 : i32
      %and3A_2726 = arith.andi %squeeze3A_2724, %and3A_2725 : i32
      %broadcast_in_dim3A_2727 = vector.broadcast %and3A_2726 : i32 to vector<16xi32>
      %mul3A_2728 = arith.constant 8 : i32
      %mul3A_2729 = arith.muli %add3A_2362, %mul3A_2728 : i32
      %add3A_2730 = arith.constant 4 : i32
      %add3A_2731 = arith.addi %mul3A_2729, %add3A_2730 : i32
      %broadcast_in_dim3A_2732 = vector.broadcast %add3A_2731 : i32 to vector<16xi32>
      %broadcast_in_dim3A_2733 = arith.constant 4 : i32
      %broadcast_in_dim3A_2734 = vector.broadcast %broadcast_in_dim3A_2733 : i32 to vector<16xi32>
      %gather3A_2735 = tpu.vector_load_idx %arg6[%broadcast_in_dim3A_2670, %broadcast_in_dim3A_2734, %iota3A, %broadcast_in_dim3A_2727] : memref<5x8x16x128xf32, #tpu.memory_space<vmem>>[vector<16xi32>, vector<16xi32>, vector<16xi32>, vector<16xi32>], vector<16xf32>,
      tpu.vector_store_idx %arg7[%iota3A, %broadcast_in_dim3A_2732], %gather3A_2735 : memref<16x512xf32, #tpu.memory_space<vmem>>[vector<16xi32>, vector<16xi32>], vector<16xf32>,
      %slice3A_2736 = vector.extract_strided_slice %get3A_2668 {offsets = [5], sizes = [1], strides = [1]} : vector<16xi32> to vector<1xi32>
      %squeeze3A_2737 = vector.extract %slice3A_2736[0] : i32 from vector<1xi32>
      %and3A_2738 = arith.constant 127 : i32
      %and3A_2739 = arith.andi %squeeze3A_2737, %and3A_2738 : i32
      %broadcast_in_dim3A_2740 = vector.broadcast %and3A_2739 : i32 to vector<16xi32>
      %mul3A_2741 = arith.constant 8 : i32
      %mul3A_2742 = arith.muli %add3A_2362, %mul3A_2741 : i32
      %add3A_2743 = arith.constant 5 : i32
      %add3A_2744 = arith.addi %mul3A_2742, %add3A_2743 : i32
      %broadcast_in_dim3A_2745 = vector.broadcast %add3A_2744 : i32 to vector<16xi32>
      %broadcast_in_dim3A_2746 = arith.constant 5 : i32
      %broadcast_in_dim3A_2747 = vector.broadcast %broadcast_in_dim3A_2746 : i32 to vector<16xi32>
      %gather3A_2748 = tpu.vector_load_idx %arg6[%broadcast_in_dim3A_2670, %broadcast_in_dim3A_2747, %iota3A, %broadcast_in_dim3A_2740] : memref<5x8x16x128xf32, #tpu.memory_space<vmem>>[vector<16xi32>, vector<16xi32>, vector<16xi32>, vector<16xi32>], vector<16xf32>,
      tpu.vector_store_idx %arg7[%iota3A, %broadcast_in_dim3A_2745], %gather3A_2748 : memref<16x512xf32, #tpu.memory_space<vmem>>[vector<16xi32>, vector<16xi32>], vector<16xf32>,
      %slice3A_2749 = vector.extract_strided_slice %get3A_2668 {offsets = [6], sizes = [1], strides = [1]} : vector<16xi32> to vector<1xi32>
      %squeeze3A_2750 = vector.extract %slice3A_2749[0] : i32 from vector<1xi32>
      %and3A_2751 = arith.constant 127 : i32
      %and3A_2752 = arith.andi %squeeze3A_2750, %and3A_2751 : i32
      %broadcast_in_dim3A_2753 = vector.broadcast %and3A_2752 : i32 to vector<16xi32>
      %mul3A_2754 = arith.constant 8 : i32
      %mul3A_2755 = arith.muli %add3A_2362, %mul3A_2754 : i32
      %add3A_2756 = arith.constant 6 : i32
      %add3A_2757 = arith.addi %mul3A_2755, %add3A_2756 : i32
      %broadcast_in_dim3A_2758 = vector.broadcast %add3A_2757 : i32 to vector<16xi32>
      %broadcast_in_dim3A_2759 = arith.constant 6 : i32
      %broadcast_in_dim3A_2760 = vector.broadcast %broadcast_in_dim3A_2759 : i32 to vector<16xi32>
      %gather3A_2761 = tpu.vector_load_idx %arg6[%broadcast_in_dim3A_2670, %broadcast_in_dim3A_2760, %iota3A, %broadcast_in_dim3A_2753] : memref<5x8x16x128xf32, #tpu.memory_space<vmem>>[vector<16xi32>, vector<16xi32>, vector<16xi32>, vector<16xi32>], vector<16xf32>,
      tpu.vector_store_idx %arg7[%iota3A, %broadcast_in_dim3A_2758], %gather3A_2761 : memref<16x512xf32, #tpu.memory_space<vmem>>[vector<16xi32>, vector<16xi32>], vector<16xf32>,
      %slice3A_2762 = vector.extract_strided_slice %get3A_2668 {offsets = [7], sizes = [1], strides = [1]} : vector<16xi32> to vector<1xi32>
      %squeeze3A_2763 = vector.extract %slice3A_2762[0] : i32 from vector<1xi32>
      %and3A_2764 = arith.constant 127 : i32
      %and3A_2765 = arith.andi %squeeze3A_2763, %and3A_2764 : i32
      %broadcast_in_dim3A_2766 = vector.broadcast %and3A_2765 : i32 to vector<16xi32>
      %mul3A_2767 = arith.constant 8 : i32
      %mul3A_2768 = arith.muli %add3A_2362, %mul3A_2767 : i32
      %add3A_2769 = arith.constant 7 : i32
      %add3A_2770 = arith.addi %mul3A_2768, %add3A_2769 : i32
      %broadcast_in_dim3A_2771 = vector.broadcast %add3A_2770 : i32 to vector<16xi32>
      %broadcast_in_dim3A_2772 = arith.constant 7 : i32
      %broadcast_in_dim3A_2773 = vector.broadcast %broadcast_in_dim3A_2772 : i32 to vector<16xi32>
      %gather3A_2774 = tpu.vector_load_idx %arg6[%broadcast_in_dim3A_2670, %broadcast_in_dim3A_2773, %iota3A, %broadcast_in_dim3A_2766] : memref<5x8x16x128xf32, #tpu.memory_space<vmem>>[vector<16xi32>, vector<16xi32>, vector<16xi32>, vector<16xi32>], vector<16xf32>,
      tpu.vector_store_idx %arg7[%iota3A, %broadcast_in_dim3A_2771], %gather3A_2774 : memref<16x512xf32, #tpu.memory_space<vmem>>[vector<16xi32>, vector<16xi32>], vector<16xf32>,
      %mul3A_2775 = arith.constant 5 : i32
      %mul3A_2776 = arith.muli %mul3A_2775, %scan3A_1526 : i32
      %add3A_2777 = arith.constant 3 : i32
      %add3A_2778 = arith.addi %mul3A_2776, %add3A_2777 : i32
      %add3A_2779 = arith.constant 4 : i32
      %add3A_2780 = arith.addi %add3A_2778, %add3A_2779 : i32
      %mul3A_2781 = arith.constant 8 : i32
      %mul3A_2782 = arith.muli %add3A_2780, %mul3A_2781 : i32
      %get3A_2783 = arith.index_cast %mul3A_2782 : i32 to index
      %get3A_2784 = tpu.vector_load %arg5[%get3A_2783] {strides = array<i32>} : memref<528xi32, #tpu.memory_space<vmem>>, vector<16xi32>,
      %slice3A_2785 = vector.extract_strided_slice %get3A_2784 {offsets = [0], sizes = [1], strides = [1]} : vector<16xi32> to vector<1xi32>
      %squeeze3A_2786 = vector.extract %slice3A_2785[0] : i32 from vector<1xi32>
      %shift_right_arithmetic3A_2787 = arith.constant 7 : i32
      %shift_right_arithmetic3A_2788 = arith.shrsi %squeeze3A_2786, %shift_right_arithmetic3A_2787 : i32
      %mul3A_2789 = arith.constant 128 : i32
      %mul3A_2790 = arith.muli %shift_right_arithmetic3A_2788, %mul3A_2789 : i32
      %multiple_of3A_2791 = tpu.assume_multiple %mul3A_2790, 128 : i32
      %dma_start3A_2792 = arith.constant 2 : i32
      %dma_start3A_2793 = arith.constant 0 : i32
      %dma_start3A_2794 = arith.constant 0 : i32
      %dma_start3A_2795 = arith.constant 0 : i32
      %dma_start3A_2796 = tpu.memref_slice %arg6[%dma_start3A_2792, %dma_start3A_2793, %dma_start3A_2794, %dma_start3A_2795] : memref<5x8x16x128xf32, #tpu.memory_space<vmem>> -> memref<1x1x16x128xf32, #tpu.memory_space<vmem>>
      %dma_start3A_2797 = tpu.memref_squeeze %dma_start3A_2796 : memref<1x1x16x128xf32, #tpu.memory_space<vmem>> -> memref<16x128xf32, #tpu.memory_space<vmem>>
      %dma_start3A_2798 = arith.constant 0 : i32
      %dma_start3A_2799 = tpu.memref_slice %arg2[%dma_start3A_2798, %multiple_of3A_2791] : memref<16x1000000xf32, #tpu.memory_space<hbm>> -> memref<16x128xf32, #tpu.memory_space<hbm>>
      %dma_start3A_2800 = arith.constant 0 : i32
      %dma_start3A_2801 = arith.constant 0 : i32
      %dma_start3A_2802 = tpu.memref_slice %arg6[%dma_start3A_2792, %dma_start3A_2793, %dma_start3A_2800, %dma_start3A_2801] : memref<5x8x16x128xf32, #tpu.memory_space<vmem>> -> memref<1x1x16x128xf32, #tpu.memory_space<vmem>>
      %dma_start3A_2803 = tpu.memref_squeeze %dma_start3A_2802 : memref<1x1x16x128xf32, #tpu.memory_space<vmem>> -> memref<16x128xf32, #tpu.memory_space<vmem>>
      %dma_start3A_2804 = arith.constant 0 : i32
      %dma_start3A_2805 = tpu.memref_slice %arg2[%dma_start3A_2804, %multiple_of3A_2791] : memref<16x1000000xf32, #tpu.memory_space<hbm>> -> memref<16x128xf32, #tpu.memory_space<hbm>>
      tpu.enqueue_dma source(%dma_start3A_2805 : memref<16x128xf32, #tpu.memory_space<hbm>>) target(%dma_start3A_2803 : memref<16x128xf32, #tpu.memory_space<vmem>>) target_semaphore(%arg10 : memref<!tpu.dma_semaphore, #tpu.memory_space<semaphore_mem>>)
      %slice3A_2806 = vector.extract_strided_slice %get3A_2784 {offsets = [1], sizes = [1], strides = [1]} : vector<16xi32> to vector<1xi32>
      %squeeze3A_2807 = vector.extract %slice3A_2806[0] : i32 from vector<1xi32>
      %shift_right_arithmetic3A_2808 = arith.constant 7 : i32
      %shift_right_arithmetic3A_2809 = arith.shrsi %squeeze3A_2807, %shift_right_arithmetic3A_2808 : i32
      %mul3A_2810 = arith.constant 128 : i32
      %mul3A_2811 = arith.muli %shift_right_arithmetic3A_2809, %mul3A_2810 : i32
      %multiple_of3A_2812 = tpu.assume_multiple %mul3A_2811, 128 : i32
      %dma_start3A_2813 = arith.constant 2 : i32
      %dma_start3A_2814 = arith.constant 1 : i32
      %dma_start3A_2815 = arith.constant 0 : i32
      %dma_start3A_2816 = arith.constant 0 : i32
      %dma_start3A_2817 = tpu.memref_slice %arg6[%dma_start3A_2813, %dma_start3A_2814, %dma_start3A_2815, %dma_start3A_2816] : memref<5x8x16x128xf32, #tpu.memory_space<vmem>> -> memref<1x1x16x128xf32, #tpu.memory_space<vmem>>
      %dma_start3A_2818 = tpu.memref_squeeze %dma_start3A_2817 : memref<1x1x16x128xf32, #tpu.memory_space<vmem>> -> memref<16x128xf32, #tpu.memory_space<vmem>>
      %dma_start3A_2819 = arith.constant 0 : i32
      %dma_start3A_2820 = tpu.memref_slice %arg2[%dma_start3A_2819, %multiple_of3A_2812] : memref<16x1000000xf32, #tpu.memory_space<hbm>> -> memref<16x128xf32, #tpu.memory_space<hbm>>
      %dma_start3A_2821 = arith.constant 0 : i32
      %dma_start3A_2822 = arith.constant 0 : i32
      %dma_start3A_2823 = tpu.memref_slice %arg6[%dma_start3A_2813, %dma_start3A_2814, %dma_start3A_2821, %dma_start3A_2822] : memref<5x8x16x128xf32, #tpu.memory_space<vmem>> -> memref<1x1x16x128xf32, #tpu.memory_space<vmem>>
      %dma_start3A_2824 = tpu.memref_squeeze %dma_start3A_2823 : memref<1x1x16x128xf32, #tpu.memory_space<vmem>> -> memref<16x128xf32, #tpu.memory_space<vmem>>
      %dma_start3A_2825 = arith.constant 0 : i32
      %dma_start3A_2826 = tpu.memref_slice %arg2[%dma_start3A_2825, %multiple_of3A_2812] : memref<16x1000000xf32, #tpu.memory_space<hbm>> -> memref<16x128xf32, #tpu.memory_space<hbm>>
      tpu.enqueue_dma source(%dma_start3A_2826 : memref<16x128xf32, #tpu.memory_space<hbm>>) target(%dma_start3A_2824 : memref<16x128xf32, #tpu.memory_space<vmem>>) target_semaphore(%arg10 : memref<!tpu.dma_semaphore, #tpu.memory_space<semaphore_mem>>)
      %slice3A_2827 = vector.extract_strided_slice %get3A_2784 {offsets = [2], sizes = [1], strides = [1]} : vector<16xi32> to vector<1xi32>
      %squeeze3A_2828 = vector.extract %slice3A_2827[0] : i32 from vector<1xi32>
      %shift_right_arithmetic3A_2829 = arith.constant 7 : i32
      %shift_right_arithmetic3A_2830 = arith.shrsi %squeeze3A_2828, %shift_right_arithmetic3A_2829 : i32
      %mul3A_2831 = arith.constant 128 : i32
      %mul3A_2832 = arith.muli %shift_right_arithmetic3A_2830, %mul3A_2831 : i32
      %multiple_of3A_2833 = tpu.assume_multiple %mul3A_2832, 128 : i32
      %dma_start3A_2834 = arith.constant 2 : i32
      %dma_start3A_2835 = arith.constant 2 : i32
      %dma_start3A_2836 = arith.constant 0 : i32
      %dma_start3A_2837 = arith.constant 0 : i32
      %dma_start3A_2838 = tpu.memref_slice %arg6[%dma_start3A_2834, %dma_start3A_2835, %dma_start3A_2836, %dma_start3A_2837] : memref<5x8x16x128xf32, #tpu.memory_space<vmem>> -> memref<1x1x16x128xf32, #tpu.memory_space<vmem>>
      %dma_start3A_2839 = tpu.memref_squeeze %dma_start3A_2838 : memref<1x1x16x128xf32, #tpu.memory_space<vmem>> -> memref<16x128xf32, #tpu.memory_space<vmem>>
      %dma_start3A_2840 = arith.constant 0 : i32
      %dma_start3A_2841 = tpu.memref_slice %arg2[%dma_start3A_2840, %multiple_of3A_2833] : memref<16x1000000xf32, #tpu.memory_space<hbm>> -> memref<16x128xf32, #tpu.memory_space<hbm>>
      %dma_start3A_2842 = arith.constant 0 : i32
      %dma_start3A_2843 = arith.constant 0 : i32
      %dma_start3A_2844 = tpu.memref_slice %arg6[%dma_start3A_2834, %dma_start3A_2835, %dma_start3A_2842, %dma_start3A_2843] : memref<5x8x16x128xf32, #tpu.memory_space<vmem>> -> memref<1x1x16x128xf32, #tpu.memory_space<vmem>>
      %dma_start3A_2845 = tpu.memref_squeeze %dma_start3A_2844 : memref<1x1x16x128xf32, #tpu.memory_space<vmem>> -> memref<16x128xf32, #tpu.memory_space<vmem>>
      %dma_start3A_2846 = arith.constant 0 : i32
      %dma_start3A_2847 = tpu.memref_slice %arg2[%dma_start3A_2846, %multiple_of3A_2833] : memref<16x1000000xf32, #tpu.memory_space<hbm>> -> memref<16x128xf32, #tpu.memory_space<hbm>>
      tpu.enqueue_dma source(%dma_start3A_2847 : memref<16x128xf32, #tpu.memory_space<hbm>>) target(%dma_start3A_2845 : memref<16x128xf32, #tpu.memory_space<vmem>>) target_semaphore(%arg10 : memref<!tpu.dma_semaphore, #tpu.memory_space<semaphore_mem>>)
      %slice3A_2848 = vector.extract_strided_slice %get3A_2784 {offsets = [3], sizes = [1], strides = [1]} : vector<16xi32> to vector<1xi32>
      %squeeze3A_2849 = vector.extract %slice3A_2848[0] : i32 from vector<1xi32>
      %shift_right_arithmetic3A_2850 = arith.constant 7 : i32
      %shift_right_arithmetic3A_2851 = arith.shrsi %squeeze3A_2849, %shift_right_arithmetic3A_2850 : i32
      %mul3A_2852 = arith.constant 128 : i32
      %mul3A_2853 = arith.muli %shift_right_arithmetic3A_2851, %mul3A_2852 : i32
      %multiple_of3A_2854 = tpu.assume_multiple %mul3A_2853, 128 : i32
      %dma_start3A_2855 = arith.constant 2 : i32
      %dma_start3A_2856 = arith.constant 3 : i32
      %dma_start3A_2857 = arith.constant 0 : i32
      %dma_start3A_2858 = arith.constant 0 : i32
      %dma_start3A_2859 = tpu.memref_slice %arg6[%dma_start3A_2855, %dma_start3A_2856, %dma_start3A_2857, %dma_start3A_2858] : memref<5x8x16x128xf32, #tpu.memory_space<vmem>> -> memref<1x1x16x128xf32, #tpu.memory_space<vmem>>
      %dma_start3A_2860 = tpu.memref_squeeze %dma_start3A_2859 : memref<1x1x16x128xf32, #tpu.memory_space<vmem>> -> memref<16x128xf32, #tpu.memory_space<vmem>>
      %dma_start3A_2861 = arith.constant 0 : i32
      %dma_start3A_2862 = tpu.memref_slice %arg2[%dma_start3A_2861, %multiple_of3A_2854] : memref<16x1000000xf32, #tpu.memory_space<hbm>> -> memref<16x128xf32, #tpu.memory_space<hbm>>
      %dma_start3A_2863 = arith.constant 0 : i32
      %dma_start3A_2864 = arith.constant 0 : i32
      %dma_start3A_2865 = tpu.memref_slice %arg6[%dma_start3A_2855, %dma_start3A_2856, %dma_start3A_2863, %dma_start3A_2864] : memref<5x8x16x128xf32, #tpu.memory_space<vmem>> -> memref<1x1x16x128xf32, #tpu.memory_space<vmem>>
      %dma_start3A_2866 = tpu.memref_squeeze %dma_start3A_2865 : memref<1x1x16x128xf32, #tpu.memory_space<vmem>> -> memref<16x128xf32, #tpu.memory_space<vmem>>
      %dma_start3A_2867 = arith.constant 0 : i32
      %dma_start3A_2868 = tpu.memref_slice %arg2[%dma_start3A_2867, %multiple_of3A_2854] : memref<16x1000000xf32, #tpu.memory_space<hbm>> -> memref<16x128xf32, #tpu.memory_space<hbm>>
      tpu.enqueue_dma source(%dma_start3A_2868 : memref<16x128xf32, #tpu.memory_space<hbm>>) target(%dma_start3A_2866 : memref<16x128xf32, #tpu.memory_space<vmem>>) target_semaphore(%arg10 : memref<!tpu.dma_semaphore, #tpu.memory_space<semaphore_mem>>)
      %slice3A_2869 = vector.extract_strided_slice %get3A_2784 {offsets = [4], sizes = [1], strides = [1]} : vector<16xi32> to vector<1xi32>
      %squeeze3A_2870 = vector.extract %slice3A_2869[0] : i32 from vector<1xi32>
      %shift_right_arithmetic3A_2871 = arith.constant 7 : i32
      %shift_right_arithmetic3A_2872 = arith.shrsi %squeeze3A_2870, %shift_right_arithmetic3A_2871 : i32
      %mul3A_2873 = arith.constant 128 : i32
      %mul3A_2874 = arith.muli %shift_right_arithmetic3A_2872, %mul3A_2873 : i32
      %multiple_of3A_2875 = tpu.assume_multiple %mul3A_2874, 128 : i32
      %dma_start3A_2876 = arith.constant 2 : i32
      %dma_start3A_2877 = arith.constant 4 : i32
      %dma_start3A_2878 = arith.constant 0 : i32
      %dma_start3A_2879 = arith.constant 0 : i32
      %dma_start3A_2880 = tpu.memref_slice %arg6[%dma_start3A_2876, %dma_start3A_2877, %dma_start3A_2878, %dma_start3A_2879] : memref<5x8x16x128xf32, #tpu.memory_space<vmem>> -> memref<1x1x16x128xf32, #tpu.memory_space<vmem>>
      %dma_start3A_2881 = tpu.memref_squeeze %dma_start3A_2880 : memref<1x1x16x128xf32, #tpu.memory_space<vmem>> -> memref<16x128xf32, #tpu.memory_space<vmem>>
      %dma_start3A_2882 = arith.constant 0 : i32
      %dma_start3A_2883 = tpu.memref_slice %arg2[%dma_start3A_2882, %multiple_of3A_2875] : memref<16x1000000xf32, #tpu.memory_space<hbm>> -> memref<16x128xf32, #tpu.memory_space<hbm>>
      %dma_start3A_2884 = arith.constant 0 : i32
      %dma_start3A_2885 = arith.constant 0 : i32
      %dma_start3A_2886 = tpu.memref_slice %arg6[%dma_start3A_2876, %dma_start3A_2877, %dma_start3A_2884, %dma_start3A_2885] : memref<5x8x16x128xf32, #tpu.memory_space<vmem>> -> memref<1x1x16x128xf32, #tpu.memory_space<vmem>>
      %dma_start3A_2887 = tpu.memref_squeeze %dma_start3A_2886 : memref<1x1x16x128xf32, #tpu.memory_space<vmem>> -> memref<16x128xf32, #tpu.memory_space<vmem>>
      %dma_start3A_2888 = arith.constant 0 : i32
      %dma_start3A_2889 = tpu.memref_slice %arg2[%dma_start3A_2888, %multiple_of3A_2875] : memref<16x1000000xf32, #tpu.memory_space<hbm>> -> memref<16x128xf32, #tpu.memory_space<hbm>>
      tpu.enqueue_dma source(%dma_start3A_2889 : memref<16x128xf32, #tpu.memory_space<hbm>>) target(%dma_start3A_2887 : memref<16x128xf32, #tpu.memory_space<vmem>>) target_semaphore(%arg10 : memref<!tpu.dma_semaphore, #tpu.memory_space<semaphore_mem>>)
      %slice3A_2890 = vector.extract_strided_slice %get3A_2784 {offsets = [5], sizes = [1], strides = [1]} : vector<16xi32> to vector<1xi32>
      %squeeze3A_2891 = vector.extract %slice3A_2890[0] : i32 from vector<1xi32>
      %shift_right_arithmetic3A_2892 = arith.constant 7 : i32
      %shift_right_arithmetic3A_2893 = arith.shrsi %squeeze3A_2891, %shift_right_arithmetic3A_2892 : i32
      %mul3A_2894 = arith.constant 128 : i32
      %mul3A_2895 = arith.muli %shift_right_arithmetic3A_2893, %mul3A_2894 : i32
      %multiple_of3A_2896 = tpu.assume_multiple %mul3A_2895, 128 : i32
      %dma_start3A_2897 = arith.constant 2 : i32
      %dma_start3A_2898 = arith.constant 5 : i32
      %dma_start3A_2899 = arith.constant 0 : i32
      %dma_start3A_2900 = arith.constant 0 : i32
      %dma_start3A_2901 = tpu.memref_slice %arg6[%dma_start3A_2897, %dma_start3A_2898, %dma_start3A_2899, %dma_start3A_2900] : memref<5x8x16x128xf32, #tpu.memory_space<vmem>> -> memref<1x1x16x128xf32, #tpu.memory_space<vmem>>
      %dma_start3A_2902 = tpu.memref_squeeze %dma_start3A_2901 : memref<1x1x16x128xf32, #tpu.memory_space<vmem>> -> memref<16x128xf32, #tpu.memory_space<vmem>>
      %dma_start3A_2903 = arith.constant 0 : i32
      %dma_start3A_2904 = tpu.memref_slice %arg2[%dma_start3A_2903, %multiple_of3A_2896] : memref<16x1000000xf32, #tpu.memory_space<hbm>> -> memref<16x128xf32, #tpu.memory_space<hbm>>
      %dma_start3A_2905 = arith.constant 0 : i32
      %dma_start3A_2906 = arith.constant 0 : i32
      %dma_start3A_2907 = tpu.memref_slice %arg6[%dma_start3A_2897, %dma_start3A_2898, %dma_start3A_2905, %dma_start3A_2906] : memref<5x8x16x128xf32, #tpu.memory_space<vmem>> -> memref<1x1x16x128xf32, #tpu.memory_space<vmem>>
      %dma_start3A_2908 = tpu.memref_squeeze %dma_start3A_2907 : memref<1x1x16x128xf32, #tpu.memory_space<vmem>> -> memref<16x128xf32, #tpu.memory_space<vmem>>
      %dma_start3A_2909 = arith.constant 0 : i32
      %dma_start3A_2910 = tpu.memref_slice %arg2[%dma_start3A_2909, %multiple_of3A_2896] : memref<16x1000000xf32, #tpu.memory_space<hbm>> -> memref<16x128xf32, #tpu.memory_space<hbm>>
      tpu.enqueue_dma source(%dma_start3A_2910 : memref<16x128xf32, #tpu.memory_space<hbm>>) target(%dma_start3A_2908 : memref<16x128xf32, #tpu.memory_space<vmem>>) target_semaphore(%arg10 : memref<!tpu.dma_semaphore, #tpu.memory_space<semaphore_mem>>)
      %slice3A_2911 = vector.extract_strided_slice %get3A_2784 {offsets = [6], sizes = [1], strides = [1]} : vector<16xi32> to vector<1xi32>
      %squeeze3A_2912 = vector.extract %slice3A_2911[0] : i32 from vector<1xi32>
      %shift_right_arithmetic3A_2913 = arith.constant 7 : i32
      %shift_right_arithmetic3A_2914 = arith.shrsi %squeeze3A_2912, %shift_right_arithmetic3A_2913 : i32
      %mul3A_2915 = arith.constant 128 : i32
      %mul3A_2916 = arith.muli %shift_right_arithmetic3A_2914, %mul3A_2915 : i32
      %multiple_of3A_2917 = tpu.assume_multiple %mul3A_2916, 128 : i32
      %dma_start3A_2918 = arith.constant 2 : i32
      %dma_start3A_2919 = arith.constant 6 : i32
      %dma_start3A_2920 = arith.constant 0 : i32
      %dma_start3A_2921 = arith.constant 0 : i32
      %dma_start3A_2922 = tpu.memref_slice %arg6[%dma_start3A_2918, %dma_start3A_2919, %dma_start3A_2920, %dma_start3A_2921] : memref<5x8x16x128xf32, #tpu.memory_space<vmem>> -> memref<1x1x16x128xf32, #tpu.memory_space<vmem>>
      %dma_start3A_2923 = tpu.memref_squeeze %dma_start3A_2922 : memref<1x1x16x128xf32, #tpu.memory_space<vmem>> -> memref<16x128xf32, #tpu.memory_space<vmem>>
      %dma_start3A_2924 = arith.constant 0 : i32
      %dma_start3A_2925 = tpu.memref_slice %arg2[%dma_start3A_2924, %multiple_of3A_2917] : memref<16x1000000xf32, #tpu.memory_space<hbm>> -> memref<16x128xf32, #tpu.memory_space<hbm>>
      %dma_start3A_2926 = arith.constant 0 : i32
      %dma_start3A_2927 = arith.constant 0 : i32
      %dma_start3A_2928 = tpu.memref_slice %arg6[%dma_start3A_2918, %dma_start3A_2919, %dma_start3A_2926, %dma_start3A_2927] : memref<5x8x16x128xf32, #tpu.memory_space<vmem>> -> memref<1x1x16x128xf32, #tpu.memory_space<vmem>>
      %dma_start3A_2929 = tpu.memref_squeeze %dma_start3A_2928 : memref<1x1x16x128xf32, #tpu.memory_space<vmem>> -> memref<16x128xf32, #tpu.memory_space<vmem>>
      %dma_start3A_2930 = arith.constant 0 : i32
      %dma_start3A_2931 = tpu.memref_slice %arg2[%dma_start3A_2930, %multiple_of3A_2917] : memref<16x1000000xf32, #tpu.memory_space<hbm>> -> memref<16x128xf32, #tpu.memory_space<hbm>>
      tpu.enqueue_dma source(%dma_start3A_2931 : memref<16x128xf32, #tpu.memory_space<hbm>>) target(%dma_start3A_2929 : memref<16x128xf32, #tpu.memory_space<vmem>>) target_semaphore(%arg10 : memref<!tpu.dma_semaphore, #tpu.memory_space<semaphore_mem>>)
      %slice3A_2932 = vector.extract_strided_slice %get3A_2784 {offsets = [7], sizes = [1], strides = [1]} : vector<16xi32> to vector<1xi32>
      %squeeze3A_2933 = vector.extract %slice3A_2932[0] : i32 from vector<1xi32>
      %shift_right_arithmetic3A_2934 = arith.constant 7 : i32
      %shift_right_arithmetic3A_2935 = arith.shrsi %squeeze3A_2933, %shift_right_arithmetic3A_2934 : i32
      %mul3A_2936 = arith.constant 128 : i32
      %mul3A_2937 = arith.muli %shift_right_arithmetic3A_2935, %mul3A_2936 : i32
      %multiple_of3A_2938 = tpu.assume_multiple %mul3A_2937, 128 : i32
      %dma_start3A_2939 = arith.constant 2 : i32
      %dma_start3A_2940 = arith.constant 7 : i32
      %dma_start3A_2941 = arith.constant 0 : i32
      %dma_start3A_2942 = arith.constant 0 : i32
      %dma_start3A_2943 = tpu.memref_slice %arg6[%dma_start3A_2939, %dma_start3A_2940, %dma_start3A_2941, %dma_start3A_2942] : memref<5x8x16x128xf32, #tpu.memory_space<vmem>> -> memref<1x1x16x128xf32, #tpu.memory_space<vmem>>
      %dma_start3A_2944 = tpu.memref_squeeze %dma_start3A_2943 : memref<1x1x16x128xf32, #tpu.memory_space<vmem>> -> memref<16x128xf32, #tpu.memory_space<vmem>>
      %dma_start3A_2945 = arith.constant 0 : i32
      %dma_start3A_2946 = tpu.memref_slice %arg2[%dma_start3A_2945, %multiple_of3A_2938] : memref<16x1000000xf32, #tpu.memory_space<hbm>> -> memref<16x128xf32, #tpu.memory_space<hbm>>
      %dma_start3A_2947 = arith.constant 0 : i32
      %dma_start3A_2948 = arith.constant 0 : i32
      %dma_start3A_2949 = tpu.memref_slice %arg6[%dma_start3A_2939, %dma_start3A_2940, %dma_start3A_2947, %dma_start3A_2948] : memref<5x8x16x128xf32, #tpu.memory_space<vmem>> -> memref<1x1x16x128xf32, #tpu.memory_space<vmem>>
      %dma_start3A_2950 = tpu.memref_squeeze %dma_start3A_2949 : memref<1x1x16x128xf32, #tpu.memory_space<vmem>> -> memref<16x128xf32, #tpu.memory_space<vmem>>
      %dma_start3A_2951 = arith.constant 0 : i32
      %dma_start3A_2952 = tpu.memref_slice %arg2[%dma_start3A_2951, %multiple_of3A_2938] : memref<16x1000000xf32, #tpu.memory_space<hbm>> -> memref<16x128xf32, #tpu.memory_space<hbm>>
      tpu.enqueue_dma source(%dma_start3A_2952 : memref<16x128xf32, #tpu.memory_space<hbm>>) target(%dma_start3A_2950 : memref<16x128xf32, #tpu.memory_space<vmem>>) target_semaphore(%arg10 : memref<!tpu.dma_semaphore, #tpu.memory_space<semaphore_mem>>)
      %dma_wait3A_2953 = arith.constant 3 : i32
      %dma_wait3A_2954 = arith.constant 0 : i32
      %dma_wait3A_2955 = arith.constant 0 : i32
      %dma_wait3A_2956 = arith.constant 0 : i32
      %dma_wait3A_2957 = tpu.memref_slice %arg6[%dma_wait3A_2953, %dma_wait3A_2954, %dma_wait3A_2955, %dma_wait3A_2956] : memref<5x8x16x128xf32, #tpu.memory_space<vmem>> -> memref<1x1x16x128xf32, #tpu.memory_space<vmem>>
      %dma_wait3A_2958 = tpu.memref_squeeze %dma_wait3A_2957 : memref<1x1x16x128xf32, #tpu.memory_space<vmem>> -> memref<16x128xf32, #tpu.memory_space<vmem>>
      %dma_wait3A_2959 = arith.constant 0 : i32
      %dma_wait3A_2960 = arith.constant 0 : i32
      %dma_wait3A_2961 = tpu.memref_slice %arg2[%dma_wait3A_2959, %dma_wait3A_2960] : memref<16x1000000xf32, #tpu.memory_space<hbm>> -> memref<16x128xf32, #tpu.memory_space<hbm>>
      %dma_wait3A_2962 = arith.constant 0 : i32
      %dma_wait3A_2963 = arith.constant 0 : i32
      %dma_wait3A_2964 = tpu.memref_slice %arg6[%dma_wait3A_2953, %dma_wait3A_2954, %dma_wait3A_2962, %dma_wait3A_2963] : memref<5x8x16x128xf32, #tpu.memory_space<vmem>> -> memref<1x1x16x128xf32, #tpu.memory_space<vmem>>
      %dma_wait3A_2965 = tpu.memref_squeeze %dma_wait3A_2964 : memref<1x1x16x128xf32, #tpu.memory_space<vmem>> -> memref<16x128xf32, #tpu.memory_space<vmem>>
      %dma_wait3A_2966 = arith.constant 0 : i32
      %dma_wait3A_2967 = arith.constant 0 : i32
      %dma_wait3A_2968 = tpu.memref_slice %arg2[%dma_wait3A_2966, %dma_wait3A_2967] : memref<16x1000000xf32, #tpu.memory_space<hbm>> -> memref<16x128xf32, #tpu.memory_space<hbm>>
      tpu.wait_dma2 semaphore(%arg11 : memref<!tpu.dma_semaphore, #tpu.memory_space<semaphore_mem>>) src(%dma_wait3A_2968 : memref<16x128xf32, #tpu.memory_space<hbm>>) dst(%dma_wait3A_2965 : memref<16x128xf32, #tpu.memory_space<vmem>>)
      %dma_wait3A_2969 = arith.constant 3 : i32
      %dma_wait3A_2970 = arith.constant 1 : i32
      %dma_wait3A_2971 = arith.constant 0 : i32
      %dma_wait3A_2972 = arith.constant 0 : i32
      %dma_wait3A_2973 = tpu.memref_slice %arg6[%dma_wait3A_2969, %dma_wait3A_2970, %dma_wait3A_2971, %dma_wait3A_2972] : memref<5x8x16x128xf32, #tpu.memory_space<vmem>> -> memref<1x1x16x128xf32, #tpu.memory_space<vmem>>
      %dma_wait3A_2974 = tpu.memref_squeeze %dma_wait3A_2973 : memref<1x1x16x128xf32, #tpu.memory_space<vmem>> -> memref<16x128xf32, #tpu.memory_space<vmem>>
      %dma_wait3A_2975 = arith.constant 0 : i32
      %dma_wait3A_2976 = arith.constant 0 : i32
      %dma_wait3A_2977 = tpu.memref_slice %arg2[%dma_wait3A_2975, %dma_wait3A_2976] : memref<16x1000000xf32, #tpu.memory_space<hbm>> -> memref<16x128xf32, #tpu.memory_space<hbm>>
      %dma_wait3A_2978 = arith.constant 0 : i32
      %dma_wait3A_2979 = arith.constant 0 : i32
      %dma_wait3A_2980 = tpu.memref_slice %arg6[%dma_wait3A_2969, %dma_wait3A_2970, %dma_wait3A_2978, %dma_wait3A_2979] : memref<5x8x16x128xf32, #tpu.memory_space<vmem>> -> memref<1x1x16x128xf32, #tpu.memory_space<vmem>>
      %dma_wait3A_2981 = tpu.memref_squeeze %dma_wait3A_2980 : memref<1x1x16x128xf32, #tpu.memory_space<vmem>> -> memref<16x128xf32, #tpu.memory_space<vmem>>
      %dma_wait3A_2982 = arith.constant 0 : i32
      %dma_wait3A_2983 = arith.constant 0 : i32
      %dma_wait3A_2984 = tpu.memref_slice %arg2[%dma_wait3A_2982, %dma_wait3A_2983] : memref<16x1000000xf32, #tpu.memory_space<hbm>> -> memref<16x128xf32, #tpu.memory_space<hbm>>
      tpu.wait_dma2 semaphore(%arg11 : memref<!tpu.dma_semaphore, #tpu.memory_space<semaphore_mem>>) src(%dma_wait3A_2984 : memref<16x128xf32, #tpu.memory_space<hbm>>) dst(%dma_wait3A_2981 : memref<16x128xf32, #tpu.memory_space<vmem>>)
      %dma_wait3A_2985 = arith.constant 3 : i32
      %dma_wait3A_2986 = arith.constant 2 : i32
      %dma_wait3A_2987 = arith.constant 0 : i32
      %dma_wait3A_2988 = arith.constant 0 : i32
      %dma_wait3A_2989 = tpu.memref_slice %arg6[%dma_wait3A_2985, %dma_wait3A_2986, %dma_wait3A_2987, %dma_wait3A_2988] : memref<5x8x16x128xf32, #tpu.memory_space<vmem>> -> memref<1x1x16x128xf32, #tpu.memory_space<vmem>>
      %dma_wait3A_2990 = tpu.memref_squeeze %dma_wait3A_2989 : memref<1x1x16x128xf32, #tpu.memory_space<vmem>> -> memref<16x128xf32, #tpu.memory_space<vmem>>
      %dma_wait3A_2991 = arith.constant 0 : i32
      %dma_wait3A_2992 = arith.constant 0 : i32
      %dma_wait3A_2993 = tpu.memref_slice %arg2[%dma_wait3A_2991, %dma_wait3A_2992] : memref<16x1000000xf32, #tpu.memory_space<hbm>> -> memref<16x128xf32, #tpu.memory_space<hbm>>
      %dma_wait3A_2994 = arith.constant 0 : i32
      %dma_wait3A_2995 = arith.constant 0 : i32
      %dma_wait3A_2996 = tpu.memref_slice %arg6[%dma_wait3A_2985, %dma_wait3A_2986, %dma_wait3A_2994, %dma_wait3A_2995] : memref<5x8x16x128xf32, #tpu.memory_space<vmem>> -> memref<1x1x16x128xf32, #tpu.memory_space<vmem>>
      %dma_wait3A_2997 = tpu.memref_squeeze %dma_wait3A_2996 : memref<1x1x16x128xf32, #tpu.memory_space<vmem>> -> memref<16x128xf32, #tpu.memory_space<vmem>>
      %dma_wait3A_2998 = arith.constant 0 : i32
      %dma_wait3A_2999 = arith.constant 0 : i32
      %dma_wait3A_3000 = tpu.memref_slice %arg2[%dma_wait3A_2998, %dma_wait3A_2999] : memref<16x1000000xf32, #tpu.memory_space<hbm>> -> memref<16x128xf32, #tpu.memory_space<hbm>>
      tpu.wait_dma2 semaphore(%arg11 : memref<!tpu.dma_semaphore, #tpu.memory_space<semaphore_mem>>) src(%dma_wait3A_3000 : memref<16x128xf32, #tpu.memory_space<hbm>>) dst(%dma_wait3A_2997 : memref<16x128xf32, #tpu.memory_space<vmem>>)
      %dma_wait3A_3001 = arith.constant 3 : i32
      %dma_wait3A_3002 = arith.constant 3 : i32
      %dma_wait3A_3003 = arith.constant 0 : i32
      %dma_wait3A_3004 = arith.constant 0 : i32
      %dma_wait3A_3005 = tpu.memref_slice %arg6[%dma_wait3A_3001, %dma_wait3A_3002, %dma_wait3A_3003, %dma_wait3A_3004] : memref<5x8x16x128xf32, #tpu.memory_space<vmem>> -> memref<1x1x16x128xf32, #tpu.memory_space<vmem>>
      %dma_wait3A_3006 = tpu.memref_squeeze %dma_wait3A_3005 : memref<1x1x16x128xf32, #tpu.memory_space<vmem>> -> memref<16x128xf32, #tpu.memory_space<vmem>>
      %dma_wait3A_3007 = arith.constant 0 : i32
      %dma_wait3A_3008 = arith.constant 0 : i32
      %dma_wait3A_3009 = tpu.memref_slice %arg2[%dma_wait3A_3007, %dma_wait3A_3008] : memref<16x1000000xf32, #tpu.memory_space<hbm>> -> memref<16x128xf32, #tpu.memory_space<hbm>>
      %dma_wait3A_3010 = arith.constant 0 : i32
      %dma_wait3A_3011 = arith.constant 0 : i32
      %dma_wait3A_3012 = tpu.memref_slice %arg6[%dma_wait3A_3001, %dma_wait3A_3002, %dma_wait3A_3010, %dma_wait3A_3011] : memref<5x8x16x128xf32, #tpu.memory_space<vmem>> -> memref<1x1x16x128xf32, #tpu.memory_space<vmem>>
      %dma_wait3A_3013 = tpu.memref_squeeze %dma_wait3A_3012 : memref<1x1x16x128xf32, #tpu.memory_space<vmem>> -> memref<16x128xf32, #tpu.memory_space<vmem>>
      %dma_wait3A_3014 = arith.constant 0 : i32
      %dma_wait3A_3015 = arith.constant 0 : i32
      %dma_wait3A_3016 = tpu.memref_slice %arg2[%dma_wait3A_3014, %dma_wait3A_3015] : memref<16x1000000xf32, #tpu.memory_space<hbm>> -> memref<16x128xf32, #tpu.memory_space<hbm>>
      tpu.wait_dma2 semaphore(%arg11 : memref<!tpu.dma_semaphore, #tpu.memory_space<semaphore_mem>>) src(%dma_wait3A_3016 : memref<16x128xf32, #tpu.memory_space<hbm>>) dst(%dma_wait3A_3013 : memref<16x128xf32, #tpu.memory_space<vmem>>)
      %dma_wait3A_3017 = arith.constant 3 : i32
      %dma_wait3A_3018 = arith.constant 4 : i32
      %dma_wait3A_3019 = arith.constant 0 : i32
      %dma_wait3A_3020 = arith.constant 0 : i32
      %dma_wait3A_3021 = tpu.memref_slice %arg6[%dma_wait3A_3017, %dma_wait3A_3018, %dma_wait3A_3019, %dma_wait3A_3020] : memref<5x8x16x128xf32, #tpu.memory_space<vmem>> -> memref<1x1x16x128xf32, #tpu.memory_space<vmem>>
      %dma_wait3A_3022 = tpu.memref_squeeze %dma_wait3A_3021 : memref<1x1x16x128xf32, #tpu.memory_space<vmem>> -> memref<16x128xf32, #tpu.memory_space<vmem>>
      %dma_wait3A_3023 = arith.constant 0 : i32
      %dma_wait3A_3024 = arith.constant 0 : i32
      %dma_wait3A_3025 = tpu.memref_slice %arg2[%dma_wait3A_3023, %dma_wait3A_3024] : memref<16x1000000xf32, #tpu.memory_space<hbm>> -> memref<16x128xf32, #tpu.memory_space<hbm>>
      %dma_wait3A_3026 = arith.constant 0 : i32
      %dma_wait3A_3027 = arith.constant 0 : i32
      %dma_wait3A_3028 = tpu.memref_slice %arg6[%dma_wait3A_3017, %dma_wait3A_3018, %dma_wait3A_3026, %dma_wait3A_3027] : memref<5x8x16x128xf32, #tpu.memory_space<vmem>> -> memref<1x1x16x128xf32, #tpu.memory_space<vmem>>
      %dma_wait3A_3029 = tpu.memref_squeeze %dma_wait3A_3028 : memref<1x1x16x128xf32, #tpu.memory_space<vmem>> -> memref<16x128xf32, #tpu.memory_space<vmem>>
      %dma_wait3A_3030 = arith.constant 0 : i32
      %dma_wait3A_3031 = arith.constant 0 : i32
      %dma_wait3A_3032 = tpu.memref_slice %arg2[%dma_wait3A_3030, %dma_wait3A_3031] : memref<16x1000000xf32, #tpu.memory_space<hbm>> -> memref<16x128xf32, #tpu.memory_space<hbm>>
      tpu.wait_dma2 semaphore(%arg11 : memref<!tpu.dma_semaphore, #tpu.memory_space<semaphore_mem>>) src(%dma_wait3A_3032 : memref<16x128xf32, #tpu.memory_space<hbm>>) dst(%dma_wait3A_3029 : memref<16x128xf32, #tpu.memory_space<vmem>>)
      %dma_wait3A_3033 = arith.constant 3 : i32
      %dma_wait3A_3034 = arith.constant 5 : i32
      %dma_wait3A_3035 = arith.constant 0 : i32
      %dma_wait3A_3036 = arith.constant 0 : i32
      %dma_wait3A_3037 = tpu.memref_slice %arg6[%dma_wait3A_3033, %dma_wait3A_3034, %dma_wait3A_3035, %dma_wait3A_3036] : memref<5x8x16x128xf32, #tpu.memory_space<vmem>> -> memref<1x1x16x128xf32, #tpu.memory_space<vmem>>
      %dma_wait3A_3038 = tpu.memref_squeeze %dma_wait3A_3037 : memref<1x1x16x128xf32, #tpu.memory_space<vmem>> -> memref<16x128xf32, #tpu.memory_space<vmem>>
      %dma_wait3A_3039 = arith.constant 0 : i32
      %dma_wait3A_3040 = arith.constant 0 : i32
      %dma_wait3A_3041 = tpu.memref_slice %arg2[%dma_wait3A_3039, %dma_wait3A_3040] : memref<16x1000000xf32, #tpu.memory_space<hbm>> -> memref<16x128xf32, #tpu.memory_space<hbm>>
      %dma_wait3A_3042 = arith.constant 0 : i32
      %dma_wait3A_3043 = arith.constant 0 : i32
      %dma_wait3A_3044 = tpu.memref_slice %arg6[%dma_wait3A_3033, %dma_wait3A_3034, %dma_wait3A_3042, %dma_wait3A_3043] : memref<5x8x16x128xf32, #tpu.memory_space<vmem>> -> memref<1x1x16x128xf32, #tpu.memory_space<vmem>>
      %dma_wait3A_3045 = tpu.memref_squeeze %dma_wait3A_3044 : memref<1x1x16x128xf32, #tpu.memory_space<vmem>> -> memref<16x128xf32, #tpu.memory_space<vmem>>
      %dma_wait3A_3046 = arith.constant 0 : i32
      %dma_wait3A_3047 = arith.constant 0 : i32
      %dma_wait3A_3048 = tpu.memref_slice %arg2[%dma_wait3A_3046, %dma_wait3A_3047] : memref<16x1000000xf32, #tpu.memory_space<hbm>> -> memref<16x128xf32, #tpu.memory_space<hbm>>
      tpu.wait_dma2 semaphore(%arg11 : memref<!tpu.dma_semaphore, #tpu.memory_space<semaphore_mem>>) src(%dma_wait3A_3048 : memref<16x128xf32, #tpu.memory_space<hbm>>) dst(%dma_wait3A_3045 : memref<16x128xf32, #tpu.memory_space<vmem>>)
      %dma_wait3A_3049 = arith.constant 3 : i32
      %dma_wait3A_3050 = arith.constant 6 : i32
      %dma_wait3A_3051 = arith.constant 0 : i32
      %dma_wait3A_3052 = arith.constant 0 : i32
      %dma_wait3A_3053 = tpu.memref_slice %arg6[%dma_wait3A_3049, %dma_wait3A_3050, %dma_wait3A_3051, %dma_wait3A_3052] : memref<5x8x16x128xf32, #tpu.memory_space<vmem>> -> memref<1x1x16x128xf32, #tpu.memory_space<vmem>>
      %dma_wait3A_3054 = tpu.memref_squeeze %dma_wait3A_3053 : memref<1x1x16x128xf32, #tpu.memory_space<vmem>> -> memref<16x128xf32, #tpu.memory_space<vmem>>
      %dma_wait3A_3055 = arith.constant 0 : i32
      %dma_wait3A_3056 = arith.constant 0 : i32
      %dma_wait3A_3057 = tpu.memref_slice %arg2[%dma_wait3A_3055, %dma_wait3A_3056] : memref<16x1000000xf32, #tpu.memory_space<hbm>> -> memref<16x128xf32, #tpu.memory_space<hbm>>
      %dma_wait3A_3058 = arith.constant 0 : i32
      %dma_wait3A_3059 = arith.constant 0 : i32
      %dma_wait3A_3060 = tpu.memref_slice %arg6[%dma_wait3A_3049, %dma_wait3A_3050, %dma_wait3A_3058, %dma_wait3A_3059] : memref<5x8x16x128xf32, #tpu.memory_space<vmem>> -> memref<1x1x16x128xf32, #tpu.memory_space<vmem>>
      %dma_wait3A_3061 = tpu.memref_squeeze %dma_wait3A_3060 : memref<1x1x16x128xf32, #tpu.memory_space<vmem>> -> memref<16x128xf32, #tpu.memory_space<vmem>>
      %dma_wait3A_3062 = arith.constant 0 : i32
      %dma_wait3A_3063 = arith.constant 0 : i32
      %dma_wait3A_3064 = tpu.memref_slice %arg2[%dma_wait3A_3062, %dma_wait3A_3063] : memref<16x1000000xf32, #tpu.memory_space<hbm>> -> memref<16x128xf32, #tpu.memory_space<hbm>>
      tpu.wait_dma2 semaphore(%arg11 : memref<!tpu.dma_semaphore, #tpu.memory_space<semaphore_mem>>) src(%dma_wait3A_3064 : memref<16x128xf32, #tpu.memory_space<hbm>>) dst(%dma_wait3A_3061 : memref<16x128xf32, #tpu.memory_space<vmem>>)
      %dma_wait3A_3065 = arith.constant 3 : i32
      %dma_wait3A_3066 = arith.constant 7 : i32
      %dma_wait3A_3067 = arith.constant 0 : i32
      %dma_wait3A_3068 = arith.constant 0 : i32
      %dma_wait3A_3069 = tpu.memref_slice %arg6[%dma_wait3A_3065, %dma_wait3A_3066, %dma_wait3A_3067, %dma_wait3A_3068] : memref<5x8x16x128xf32, #tpu.memory_space<vmem>> -> memref<1x1x16x128xf32, #tpu.memory_space<vmem>>
      %dma_wait3A_3070 = tpu.memref_squeeze %dma_wait3A_3069 : memref<1x1x16x128xf32, #tpu.memory_space<vmem>> -> memref<16x128xf32, #tpu.memory_space<vmem>>
      %dma_wait3A_3071 = arith.constant 0 : i32
      %dma_wait3A_3072 = arith.constant 0 : i32
      %dma_wait3A_3073 = tpu.memref_slice %arg2[%dma_wait3A_3071, %dma_wait3A_3072] : memref<16x1000000xf32, #tpu.memory_space<hbm>> -> memref<16x128xf32, #tpu.memory_space<hbm>>
      %dma_wait3A_3074 = arith.constant 0 : i32
      %dma_wait3A_3075 = arith.constant 0 : i32
      %dma_wait3A_3076 = tpu.memref_slice %arg6[%dma_wait3A_3065, %dma_wait3A_3066, %dma_wait3A_3074, %dma_wait3A_3075] : memref<5x8x16x128xf32, #tpu.memory_space<vmem>> -> memref<1x1x16x128xf32, #tpu.memory_space<vmem>>
      %dma_wait3A_3077 = tpu.memref_squeeze %dma_wait3A_3076 : memref<1x1x16x128xf32, #tpu.memory_space<vmem>> -> memref<16x128xf32, #tpu.memory_space<vmem>>
      %dma_wait3A_3078 = arith.constant 0 : i32
      %dma_wait3A_3079 = arith.constant 0 : i32
      %dma_wait3A_3080 = tpu.memref_slice %arg2[%dma_wait3A_3078, %dma_wait3A_3079] : memref<16x1000000xf32, #tpu.memory_space<hbm>> -> memref<16x128xf32, #tpu.memory_space<hbm>>
      tpu.wait_dma2 semaphore(%arg11 : memref<!tpu.dma_semaphore, #tpu.memory_space<semaphore_mem>>) src(%dma_wait3A_3080 : memref<16x128xf32, #tpu.memory_space<hbm>>) dst(%dma_wait3A_3077 : memref<16x128xf32, #tpu.memory_space<vmem>>)
      %mul3A_3081 = arith.constant 8 : i32
      %mul3A_3082 = arith.muli %add3A_2778, %mul3A_3081 : i32
      %get3A_3083 = arith.index_cast %mul3A_3082 : i32 to index
      %get3A_3084 = tpu.vector_load %arg5[%get3A_3083] {strides = array<i32>} : memref<528xi32, #tpu.memory_space<vmem>>, vector<16xi32>,
      %broadcast_in_dim3A_3085 = arith.constant 3 : i32
      %broadcast_in_dim3A_3086 = vector.broadcast %broadcast_in_dim3A_3085 : i32 to vector<16xi32>
      %slice3A_3087 = vector.extract_strided_slice %get3A_3084 {offsets = [0], sizes = [1], strides = [1]} : vector<16xi32> to vector<1xi32>
      %squeeze3A_3088 = vector.extract %slice3A_3087[0] : i32 from vector<1xi32>
      %and3A_3089 = arith.constant 127 : i32
      %and3A_3090 = arith.andi %squeeze3A_3088, %and3A_3089 : i32
      %broadcast_in_dim3A_3091 = vector.broadcast %and3A_3090 : i32 to vector<16xi32>
      %mul3A_3092 = arith.constant 8 : i32
      %mul3A_3093 = arith.muli %add3A_2778, %mul3A_3092 : i32
      %add3A_3094 = arith.constant 0 : i32
      %add3A_3095 = arith.addi %mul3A_3093, %add3A_3094 : i32
      %broadcast_in_dim3A_3096 = vector.broadcast %add3A_3095 : i32 to vector<16xi32>
      %broadcast_in_dim3A_3097 = arith.constant 0 : i32
      %broadcast_in_dim3A_3098 = vector.broadcast %broadcast_in_dim3A_3097 : i32 to vector<16xi32>
      %gather3A_3099 = tpu.vector_load_idx %arg6[%broadcast_in_dim3A_3086, %broadcast_in_dim3A_3098, %iota3A, %broadcast_in_dim3A_3091] : memref<5x8x16x128xf32, #tpu.memory_space<vmem>>[vector<16xi32>, vector<16xi32>, vector<16xi32>, vector<16xi32>], vector<16xf32>,
      tpu.vector_store_idx %arg7[%iota3A, %broadcast_in_dim3A_3096], %gather3A_3099 : memref<16x512xf32, #tpu.memory_space<vmem>>[vector<16xi32>, vector<16xi32>], vector<16xf32>,
      %slice3A_3100 = vector.extract_strided_slice %get3A_3084 {offsets = [1], sizes = [1], strides = [1]} : vector<16xi32> to vector<1xi32>
      %squeeze3A_3101 = vector.extract %slice3A_3100[0] : i32 from vector<1xi32>
      %and3A_3102 = arith.constant 127 : i32
      %and3A_3103 = arith.andi %squeeze3A_3101, %and3A_3102 : i32
      %broadcast_in_dim3A_3104 = vector.broadcast %and3A_3103 : i32 to vector<16xi32>
      %mul3A_3105 = arith.constant 8 : i32
      %mul3A_3106 = arith.muli %add3A_2778, %mul3A_3105 : i32
      %add3A_3107 = arith.constant 1 : i32
      %add3A_3108 = arith.addi %mul3A_3106, %add3A_3107 : i32
      %broadcast_in_dim3A_3109 = vector.broadcast %add3A_3108 : i32 to vector<16xi32>
      %broadcast_in_dim3A_3110 = arith.constant 1 : i32
      %broadcast_in_dim3A_3111 = vector.broadcast %broadcast_in_dim3A_3110 : i32 to vector<16xi32>
      %gather3A_3112 = tpu.vector_load_idx %arg6[%broadcast_in_dim3A_3086, %broadcast_in_dim3A_3111, %iota3A, %broadcast_in_dim3A_3104] : memref<5x8x16x128xf32, #tpu.memory_space<vmem>>[vector<16xi32>, vector<16xi32>, vector<16xi32>, vector<16xi32>], vector<16xf32>,
      tpu.vector_store_idx %arg7[%iota3A, %broadcast_in_dim3A_3109], %gather3A_3112 : memref<16x512xf32, #tpu.memory_space<vmem>>[vector<16xi32>, vector<16xi32>], vector<16xf32>,
      %slice3A_3113 = vector.extract_strided_slice %get3A_3084 {offsets = [2], sizes = [1], strides = [1]} : vector<16xi32> to vector<1xi32>
      %squeeze3A_3114 = vector.extract %slice3A_3113[0] : i32 from vector<1xi32>
      %and3A_3115 = arith.constant 127 : i32
      %and3A_3116 = arith.andi %squeeze3A_3114, %and3A_3115 : i32
      %broadcast_in_dim3A_3117 = vector.broadcast %and3A_3116 : i32 to vector<16xi32>
      %mul3A_3118 = arith.constant 8 : i32
      %mul3A_3119 = arith.muli %add3A_2778, %mul3A_3118 : i32
      %add3A_3120 = arith.constant 2 : i32
      %add3A_3121 = arith.addi %mul3A_3119, %add3A_3120 : i32
      %broadcast_in_dim3A_3122 = vector.broadcast %add3A_3121 : i32 to vector<16xi32>
      %broadcast_in_dim3A_3123 = arith.constant 2 : i32
      %broadcast_in_dim3A_3124 = vector.broadcast %broadcast_in_dim3A_3123 : i32 to vector<16xi32>
      %gather3A_3125 = tpu.vector_load_idx %arg6[%broadcast_in_dim3A_3086, %broadcast_in_dim3A_3124, %iota3A, %broadcast_in_dim3A_3117] : memref<5x8x16x128xf32, #tpu.memory_space<vmem>>[vector<16xi32>, vector<16xi32>, vector<16xi32>, vector<16xi32>], vector<16xf32>,
      tpu.vector_store_idx %arg7[%iota3A, %broadcast_in_dim3A_3122], %gather3A_3125 : memref<16x512xf32, #tpu.memory_space<vmem>>[vector<16xi32>, vector<16xi32>], vector<16xf32>,
      %slice3A_3126 = vector.extract_strided_slice %get3A_3084 {offsets = [3], sizes = [1], strides = [1]} : vector<16xi32> to vector<1xi32>
      %squeeze3A_3127 = vector.extract %slice3A_3126[0] : i32 from vector<1xi32>
      %and3A_3128 = arith.constant 127 : i32
      %and3A_3129 = arith.andi %squeeze3A_3127, %and3A_3128 : i32
      %broadcast_in_dim3A_3130 = vector.broadcast %and3A_3129 : i32 to vector<16xi32>
      %mul3A_3131 = arith.constant 8 : i32
      %mul3A_3132 = arith.muli %add3A_2778, %mul3A_3131 : i32
      %add3A_3133 = arith.constant 3 : i32
      %add3A_3134 = arith.addi %mul3A_3132, %add3A_3133 : i32
      %broadcast_in_dim3A_3135 = vector.broadcast %add3A_3134 : i32 to vector<16xi32>
      %broadcast_in_dim3A_3136 = arith.constant 3 : i32
      %broadcast_in_dim3A_3137 = vector.broadcast %broadcast_in_dim3A_3136 : i32 to vector<16xi32>
      %gather3A_3138 = tpu.vector_load_idx %arg6[%broadcast_in_dim3A_3086, %broadcast_in_dim3A_3137, %iota3A, %broadcast_in_dim3A_3130] : memref<5x8x16x128xf32, #tpu.memory_space<vmem>>[vector<16xi32>, vector<16xi32>, vector<16xi32>, vector<16xi32>], vector<16xf32>,
      tpu.vector_store_idx %arg7[%iota3A, %broadcast_in_dim3A_3135], %gather3A_3138 : memref<16x512xf32, #tpu.memory_space<vmem>>[vector<16xi32>, vector<16xi32>], vector<16xf32>,
      %slice3A_3139 = vector.extract_strided_slice %get3A_3084 {offsets = [4], sizes = [1], strides = [1]} : vector<16xi32> to vector<1xi32>
      %squeeze3A_3140 = vector.extract %slice3A_3139[0] : i32 from vector<1xi32>
      %and3A_3141 = arith.constant 127 : i32
      %and3A_3142 = arith.andi %squeeze3A_3140, %and3A_3141 : i32
      %broadcast_in_dim3A_3143 = vector.broadcast %and3A_3142 : i32 to vector<16xi32>
      %mul3A_3144 = arith.constant 8 : i32
      %mul3A_3145 = arith.muli %add3A_2778, %mul3A_3144 : i32
      %add3A_3146 = arith.constant 4 : i32
      %add3A_3147 = arith.addi %mul3A_3145, %add3A_3146 : i32
      %broadcast_in_dim3A_3148 = vector.broadcast %add3A_3147 : i32 to vector<16xi32>
      %broadcast_in_dim3A_3149 = arith.constant 4 : i32
      %broadcast_in_dim3A_3150 = vector.broadcast %broadcast_in_dim3A_3149 : i32 to vector<16xi32>
      %gather3A_3151 = tpu.vector_load_idx %arg6[%broadcast_in_dim3A_3086, %broadcast_in_dim3A_3150, %iota3A, %broadcast_in_dim3A_3143] : memref<5x8x16x128xf32, #tpu.memory_space<vmem>>[vector<16xi32>, vector<16xi32>, vector<16xi32>, vector<16xi32>], vector<16xf32>,
      tpu.vector_store_idx %arg7[%iota3A, %broadcast_in_dim3A_3148], %gather3A_3151 : memref<16x512xf32, #tpu.memory_space<vmem>>[vector<16xi32>, vector<16xi32>], vector<16xf32>,
      %slice3A_3152 = vector.extract_strided_slice %get3A_3084 {offsets = [5], sizes = [1], strides = [1]} : vector<16xi32> to vector<1xi32>
      %squeeze3A_3153 = vector.extract %slice3A_3152[0] : i32 from vector<1xi32>
      %and3A_3154 = arith.constant 127 : i32
      %and3A_3155 = arith.andi %squeeze3A_3153, %and3A_3154 : i32
      %broadcast_in_dim3A_3156 = vector.broadcast %and3A_3155 : i32 to vector<16xi32>
      %mul3A_3157 = arith.constant 8 : i32
      %mul3A_3158 = arith.muli %add3A_2778, %mul3A_3157 : i32
      %add3A_3159 = arith.constant 5 : i32
      %add3A_3160 = arith.addi %mul3A_3158, %add3A_3159 : i32
      %broadcast_in_dim3A_3161 = vector.broadcast %add3A_3160 : i32 to vector<16xi32>
      %broadcast_in_dim3A_3162 = arith.constant 5 : i32
      %broadcast_in_dim3A_3163 = vector.broadcast %broadcast_in_dim3A_3162 : i32 to vector<16xi32>
      %gather3A_3164 = tpu.vector_load_idx %arg6[%broadcast_in_dim3A_3086, %broadcast_in_dim3A_3163, %iota3A, %broadcast_in_dim3A_3156] : memref<5x8x16x128xf32, #tpu.memory_space<vmem>>[vector<16xi32>, vector<16xi32>, vector<16xi32>, vector<16xi32>], vector<16xf32>,
      tpu.vector_store_idx %arg7[%iota3A, %broadcast_in_dim3A_3161], %gather3A_3164 : memref<16x512xf32, #tpu.memory_space<vmem>>[vector<16xi32>, vector<16xi32>], vector<16xf32>,
      %slice3A_3165 = vector.extract_strided_slice %get3A_3084 {offsets = [6], sizes = [1], strides = [1]} : vector<16xi32> to vector<1xi32>
      %squeeze3A_3166 = vector.extract %slice3A_3165[0] : i32 from vector<1xi32>
      %and3A_3167 = arith.constant 127 : i32
      %and3A_3168 = arith.andi %squeeze3A_3166, %and3A_3167 : i32
      %broadcast_in_dim3A_3169 = vector.broadcast %and3A_3168 : i32 to vector<16xi32>
      %mul3A_3170 = arith.constant 8 : i32
      %mul3A_3171 = arith.muli %add3A_2778, %mul3A_3170 : i32
      %add3A_3172 = arith.constant 6 : i32
      %add3A_3173 = arith.addi %mul3A_3171, %add3A_3172 : i32
      %broadcast_in_dim3A_3174 = vector.broadcast %add3A_3173 : i32 to vector<16xi32>
      %broadcast_in_dim3A_3175 = arith.constant 6 : i32
      %broadcast_in_dim3A_3176 = vector.broadcast %broadcast_in_dim3A_3175 : i32 to vector<16xi32>
      %gather3A_3177 = tpu.vector_load_idx %arg6[%broadcast_in_dim3A_3086, %broadcast_in_dim3A_3176, %iota3A, %broadcast_in_dim3A_3169] : memref<5x8x16x128xf32, #tpu.memory_space<vmem>>[vector<16xi32>, vector<16xi32>, vector<16xi32>, vector<16xi32>], vector<16xf32>,
      tpu.vector_store_idx %arg7[%iota3A, %broadcast_in_dim3A_3174], %gather3A_3177 : memref<16x512xf32, #tpu.memory_space<vmem>>[vector<16xi32>, vector<16xi32>], vector<16xf32>,
      %slice3A_3178 = vector.extract_strided_slice %get3A_3084 {offsets = [7], sizes = [1], strides = [1]} : vector<16xi32> to vector<1xi32>
      %squeeze3A_3179 = vector.extract %slice3A_3178[0] : i32 from vector<1xi32>
      %and3A_3180 = arith.constant 127 : i32
      %and3A_3181 = arith.andi %squeeze3A_3179, %and3A_3180 : i32
      %broadcast_in_dim3A_3182 = vector.broadcast %and3A_3181 : i32 to vector<16xi32>
      %mul3A_3183 = arith.constant 8 : i32
      %mul3A_3184 = arith.muli %add3A_2778, %mul3A_3183 : i32
      %add3A_3185 = arith.constant 7 : i32
      %add3A_3186 = arith.addi %mul3A_3184, %add3A_3185 : i32
      %broadcast_in_dim3A_3187 = vector.broadcast %add3A_3186 : i32 to vector<16xi32>
      %broadcast_in_dim3A_3188 = arith.constant 7 : i32
      %broadcast_in_dim3A_3189 = vector.broadcast %broadcast_in_dim3A_3188 : i32 to vector<16xi32>
      %gather3A_3190 = tpu.vector_load_idx %arg6[%broadcast_in_dim3A_3086, %broadcast_in_dim3A_3189, %iota3A, %broadcast_in_dim3A_3182] : memref<5x8x16x128xf32, #tpu.memory_space<vmem>>[vector<16xi32>, vector<16xi32>, vector<16xi32>, vector<16xi32>], vector<16xf32>,
      tpu.vector_store_idx %arg7[%iota3A, %broadcast_in_dim3A_3187], %gather3A_3190 : memref<16x512xf32, #tpu.memory_space<vmem>>[vector<16xi32>, vector<16xi32>], vector<16xf32>,
      %mul3A_3191 = arith.constant 5 : i32
      %mul3A_3192 = arith.muli %mul3A_3191, %scan3A_1526 : i32
      %add3A_3193 = arith.constant 4 : i32
      %add3A_3194 = arith.addi %mul3A_3192, %add3A_3193 : i32
      %add3A_3195 = arith.constant 4 : i32
      %add3A_3196 = arith.addi %add3A_3194, %add3A_3195 : i32
      %mul3A_3197 = arith.constant 8 : i32
      %mul3A_3198 = arith.muli %add3A_3196, %mul3A_3197 : i32
      %get3A_3199 = arith.index_cast %mul3A_3198 : i32 to index
      %get3A_3200 = tpu.vector_load %arg5[%get3A_3199] {strides = array<i32>} : memref<528xi32, #tpu.memory_space<vmem>>, vector<16xi32>,
      %slice3A_3201 = vector.extract_strided_slice %get3A_3200 {offsets = [0], sizes = [1], strides = [1]} : vector<16xi32> to vector<1xi32>
      %squeeze3A_3202 = vector.extract %slice3A_3201[0] : i32 from vector<1xi32>
      %shift_right_arithmetic3A_3203 = arith.constant 7 : i32
      %shift_right_arithmetic3A_3204 = arith.shrsi %squeeze3A_3202, %shift_right_arithmetic3A_3203 : i32
      %mul3A_3205 = arith.constant 128 : i32
      %mul3A_3206 = arith.muli %shift_right_arithmetic3A_3204, %mul3A_3205 : i32
      %multiple_of3A_3207 = tpu.assume_multiple %mul3A_3206, 128 : i32
      %dma_start3A_3208 = arith.constant 3 : i32
      %dma_start3A_3209 = arith.constant 0 : i32
      %dma_start3A_3210 = arith.constant 0 : i32
      %dma_start3A_3211 = arith.constant 0 : i32
      %dma_start3A_3212 = tpu.memref_slice %arg6[%dma_start3A_3208, %dma_start3A_3209, %dma_start3A_3210, %dma_start3A_3211] : memref<5x8x16x128xf32, #tpu.memory_space<vmem>> -> memref<1x1x16x128xf32, #tpu.memory_space<vmem>>
      %dma_start3A_3213 = tpu.memref_squeeze %dma_start3A_3212 : memref<1x1x16x128xf32, #tpu.memory_space<vmem>> -> memref<16x128xf32, #tpu.memory_space<vmem>>
      %dma_start3A_3214 = arith.constant 0 : i32
      %dma_start3A_3215 = tpu.memref_slice %arg2[%dma_start3A_3214, %multiple_of3A_3207] : memref<16x1000000xf32, #tpu.memory_space<hbm>> -> memref<16x128xf32, #tpu.memory_space<hbm>>
      %dma_start3A_3216 = arith.constant 0 : i32
      %dma_start3A_3217 = arith.constant 0 : i32
      %dma_start3A_3218 = tpu.memref_slice %arg6[%dma_start3A_3208, %dma_start3A_3209, %dma_start3A_3216, %dma_start3A_3217] : memref<5x8x16x128xf32, #tpu.memory_space<vmem>> -> memref<1x1x16x128xf32, #tpu.memory_space<vmem>>
      %dma_start3A_3219 = tpu.memref_squeeze %dma_start3A_3218 : memref<1x1x16x128xf32, #tpu.memory_space<vmem>> -> memref<16x128xf32, #tpu.memory_space<vmem>>
      %dma_start3A_3220 = arith.constant 0 : i32
      %dma_start3A_3221 = tpu.memref_slice %arg2[%dma_start3A_3220, %multiple_of3A_3207] : memref<16x1000000xf32, #tpu.memory_space<hbm>> -> memref<16x128xf32, #tpu.memory_space<hbm>>
      tpu.enqueue_dma source(%dma_start3A_3221 : memref<16x128xf32, #tpu.memory_space<hbm>>) target(%dma_start3A_3219 : memref<16x128xf32, #tpu.memory_space<vmem>>) target_semaphore(%arg11 : memref<!tpu.dma_semaphore, #tpu.memory_space<semaphore_mem>>)
      %slice3A_3222 = vector.extract_strided_slice %get3A_3200 {offsets = [1], sizes = [1], strides = [1]} : vector<16xi32> to vector<1xi32>
      %squeeze3A_3223 = vector.extract %slice3A_3222[0] : i32 from vector<1xi32>
      %shift_right_arithmetic3A_3224 = arith.constant 7 : i32
      %shift_right_arithmetic3A_3225 = arith.shrsi %squeeze3A_3223, %shift_right_arithmetic3A_3224 : i32
      %mul3A_3226 = arith.constant 128 : i32
      %mul3A_3227 = arith.muli %shift_right_arithmetic3A_3225, %mul3A_3226 : i32
      %multiple_of3A_3228 = tpu.assume_multiple %mul3A_3227, 128 : i32
      %dma_start3A_3229 = arith.constant 3 : i32
      %dma_start3A_3230 = arith.constant 1 : i32
      %dma_start3A_3231 = arith.constant 0 : i32
      %dma_start3A_3232 = arith.constant 0 : i32
      %dma_start3A_3233 = tpu.memref_slice %arg6[%dma_start3A_3229, %dma_start3A_3230, %dma_start3A_3231, %dma_start3A_3232] : memref<5x8x16x128xf32, #tpu.memory_space<vmem>> -> memref<1x1x16x128xf32, #tpu.memory_space<vmem>>
      %dma_start3A_3234 = tpu.memref_squeeze %dma_start3A_3233 : memref<1x1x16x128xf32, #tpu.memory_space<vmem>> -> memref<16x128xf32, #tpu.memory_space<vmem>>
      %dma_start3A_3235 = arith.constant 0 : i32
      %dma_start3A_3236 = tpu.memref_slice %arg2[%dma_start3A_3235, %multiple_of3A_3228] : memref<16x1000000xf32, #tpu.memory_space<hbm>> -> memref<16x128xf32, #tpu.memory_space<hbm>>
      %dma_start3A_3237 = arith.constant 0 : i32
      %dma_start3A_3238 = arith.constant 0 : i32
      %dma_start3A_3239 = tpu.memref_slice %arg6[%dma_start3A_3229, %dma_start3A_3230, %dma_start3A_3237, %dma_start3A_3238] : memref<5x8x16x128xf32, #tpu.memory_space<vmem>> -> memref<1x1x16x128xf32, #tpu.memory_space<vmem>>
      %dma_start3A_3240 = tpu.memref_squeeze %dma_start3A_3239 : memref<1x1x16x128xf32, #tpu.memory_space<vmem>> -> memref<16x128xf32, #tpu.memory_space<vmem>>
      %dma_start3A_3241 = arith.constant 0 : i32
      %dma_start3A_3242 = tpu.memref_slice %arg2[%dma_start3A_3241, %multiple_of3A_3228] : memref<16x1000000xf32, #tpu.memory_space<hbm>> -> memref<16x128xf32, #tpu.memory_space<hbm>>
      tpu.enqueue_dma source(%dma_start3A_3242 : memref<16x128xf32, #tpu.memory_space<hbm>>) target(%dma_start3A_3240 : memref<16x128xf32, #tpu.memory_space<vmem>>) target_semaphore(%arg11 : memref<!tpu.dma_semaphore, #tpu.memory_space<semaphore_mem>>)
      %slice3A_3243 = vector.extract_strided_slice %get3A_3200 {offsets = [2], sizes = [1], strides = [1]} : vector<16xi32> to vector<1xi32>
      %squeeze3A_3244 = vector.extract %slice3A_3243[0] : i32 from vector<1xi32>
      %shift_right_arithmetic3A_3245 = arith.constant 7 : i32
      %shift_right_arithmetic3A_3246 = arith.shrsi %squeeze3A_3244, %shift_right_arithmetic3A_3245 : i32
      %mul3A_3247 = arith.constant 128 : i32
      %mul3A_3248 = arith.muli %shift_right_arithmetic3A_3246, %mul3A_3247 : i32
      %multiple_of3A_3249 = tpu.assume_multiple %mul3A_3248, 128 : i32
      %dma_start3A_3250 = arith.constant 3 : i32
      %dma_start3A_3251 = arith.constant 2 : i32
      %dma_start3A_3252 = arith.constant 0 : i32
      %dma_start3A_3253 = arith.constant 0 : i32
      %dma_start3A_3254 = tpu.memref_slice %arg6[%dma_start3A_3250, %dma_start3A_3251, %dma_start3A_3252, %dma_start3A_3253] : memref<5x8x16x128xf32, #tpu.memory_space<vmem>> -> memref<1x1x16x128xf32, #tpu.memory_space<vmem>>
      %dma_start3A_3255 = tpu.memref_squeeze %dma_start3A_3254 : memref<1x1x16x128xf32, #tpu.memory_space<vmem>> -> memref<16x128xf32, #tpu.memory_space<vmem>>
      %dma_start3A_3256 = arith.constant 0 : i32
      %dma_start3A_3257 = tpu.memref_slice %arg2[%dma_start3A_3256, %multiple_of3A_3249] : memref<16x1000000xf32, #tpu.memory_space<hbm>> -> memref<16x128xf32, #tpu.memory_space<hbm>>
      %dma_start3A_3258 = arith.constant 0 : i32
      %dma_start3A_3259 = arith.constant 0 : i32
      %dma_start3A_3260 = tpu.memref_slice %arg6[%dma_start3A_3250, %dma_start3A_3251, %dma_start3A_3258, %dma_start3A_3259] : memref<5x8x16x128xf32, #tpu.memory_space<vmem>> -> memref<1x1x16x128xf32, #tpu.memory_space<vmem>>
      %dma_start3A_3261 = tpu.memref_squeeze %dma_start3A_3260 : memref<1x1x16x128xf32, #tpu.memory_space<vmem>> -> memref<16x128xf32, #tpu.memory_space<vmem>>
      %dma_start3A_3262 = arith.constant 0 : i32
      %dma_start3A_3263 = tpu.memref_slice %arg2[%dma_start3A_3262, %multiple_of3A_3249] : memref<16x1000000xf32, #tpu.memory_space<hbm>> -> memref<16x128xf32, #tpu.memory_space<hbm>>
      tpu.enqueue_dma source(%dma_start3A_3263 : memref<16x128xf32, #tpu.memory_space<hbm>>) target(%dma_start3A_3261 : memref<16x128xf32, #tpu.memory_space<vmem>>) target_semaphore(%arg11 : memref<!tpu.dma_semaphore, #tpu.memory_space<semaphore_mem>>)
      %slice3A_3264 = vector.extract_strided_slice %get3A_3200 {offsets = [3], sizes = [1], strides = [1]} : vector<16xi32> to vector<1xi32>
      %squeeze3A_3265 = vector.extract %slice3A_3264[0] : i32 from vector<1xi32>
      %shift_right_arithmetic3A_3266 = arith.constant 7 : i32
      %shift_right_arithmetic3A_3267 = arith.shrsi %squeeze3A_3265, %shift_right_arithmetic3A_3266 : i32
      %mul3A_3268 = arith.constant 128 : i32
      %mul3A_3269 = arith.muli %shift_right_arithmetic3A_3267, %mul3A_3268 : i32
      %multiple_of3A_3270 = tpu.assume_multiple %mul3A_3269, 128 : i32
      %dma_start3A_3271 = arith.constant 3 : i32
      %dma_start3A_3272 = arith.constant 3 : i32
      %dma_start3A_3273 = arith.constant 0 : i32
      %dma_start3A_3274 = arith.constant 0 : i32
      %dma_start3A_3275 = tpu.memref_slice %arg6[%dma_start3A_3271, %dma_start3A_3272, %dma_start3A_3273, %dma_start3A_3274] : memref<5x8x16x128xf32, #tpu.memory_space<vmem>> -> memref<1x1x16x128xf32, #tpu.memory_space<vmem>>
      %dma_start3A_3276 = tpu.memref_squeeze %dma_start3A_3275 : memref<1x1x16x128xf32, #tpu.memory_space<vmem>> -> memref<16x128xf32, #tpu.memory_space<vmem>>
      %dma_start3A_3277 = arith.constant 0 : i32
      %dma_start3A_3278 = tpu.memref_slice %arg2[%dma_start3A_3277, %multiple_of3A_3270] : memref<16x1000000xf32, #tpu.memory_space<hbm>> -> memref<16x128xf32, #tpu.memory_space<hbm>>
      %dma_start3A_3279 = arith.constant 0 : i32
      %dma_start3A_3280 = arith.constant 0 : i32
      %dma_start3A_3281 = tpu.memref_slice %arg6[%dma_start3A_3271, %dma_start3A_3272, %dma_start3A_3279, %dma_start3A_3280] : memref<5x8x16x128xf32, #tpu.memory_space<vmem>> -> memref<1x1x16x128xf32, #tpu.memory_space<vmem>>
      %dma_start3A_3282 = tpu.memref_squeeze %dma_start3A_3281 : memref<1x1x16x128xf32, #tpu.memory_space<vmem>> -> memref<16x128xf32, #tpu.memory_space<vmem>>
      %dma_start3A_3283 = arith.constant 0 : i32
      %dma_start3A_3284 = tpu.memref_slice %arg2[%dma_start3A_3283, %multiple_of3A_3270] : memref<16x1000000xf32, #tpu.memory_space<hbm>> -> memref<16x128xf32, #tpu.memory_space<hbm>>
      tpu.enqueue_dma source(%dma_start3A_3284 : memref<16x128xf32, #tpu.memory_space<hbm>>) target(%dma_start3A_3282 : memref<16x128xf32, #tpu.memory_space<vmem>>) target_semaphore(%arg11 : memref<!tpu.dma_semaphore, #tpu.memory_space<semaphore_mem>>)
      %slice3A_3285 = vector.extract_strided_slice %get3A_3200 {offsets = [4], sizes = [1], strides = [1]} : vector<16xi32> to vector<1xi32>
      %squeeze3A_3286 = vector.extract %slice3A_3285[0] : i32 from vector<1xi32>
      %shift_right_arithmetic3A_3287 = arith.constant 7 : i32
      %shift_right_arithmetic3A_3288 = arith.shrsi %squeeze3A_3286, %shift_right_arithmetic3A_3287 : i32
      %mul3A_3289 = arith.constant 128 : i32
      %mul3A_3290 = arith.muli %shift_right_arithmetic3A_3288, %mul3A_3289 : i32
      %multiple_of3A_3291 = tpu.assume_multiple %mul3A_3290, 128 : i32
      %dma_start3A_3292 = arith.constant 3 : i32
      %dma_start3A_3293 = arith.constant 4 : i32
      %dma_start3A_3294 = arith.constant 0 : i32
      %dma_start3A_3295 = arith.constant 0 : i32
      %dma_start3A_3296 = tpu.memref_slice %arg6[%dma_start3A_3292, %dma_start3A_3293, %dma_start3A_3294, %dma_start3A_3295] : memref<5x8x16x128xf32, #tpu.memory_space<vmem>> -> memref<1x1x16x128xf32, #tpu.memory_space<vmem>>
      %dma_start3A_3297 = tpu.memref_squeeze %dma_start3A_3296 : memref<1x1x16x128xf32, #tpu.memory_space<vmem>> -> memref<16x128xf32, #tpu.memory_space<vmem>>
      %dma_start3A_3298 = arith.constant 0 : i32
      %dma_start3A_3299 = tpu.memref_slice %arg2[%dma_start3A_3298, %multiple_of3A_3291] : memref<16x1000000xf32, #tpu.memory_space<hbm>> -> memref<16x128xf32, #tpu.memory_space<hbm>>
      %dma_start3A_3300 = arith.constant 0 : i32
      %dma_start3A_3301 = arith.constant 0 : i32
      %dma_start3A_3302 = tpu.memref_slice %arg6[%dma_start3A_3292, %dma_start3A_3293, %dma_start3A_3300, %dma_start3A_3301] : memref<5x8x16x128xf32, #tpu.memory_space<vmem>> -> memref<1x1x16x128xf32, #tpu.memory_space<vmem>>
      %dma_start3A_3303 = tpu.memref_squeeze %dma_start3A_3302 : memref<1x1x16x128xf32, #tpu.memory_space<vmem>> -> memref<16x128xf32, #tpu.memory_space<vmem>>
      %dma_start3A_3304 = arith.constant 0 : i32
      %dma_start3A_3305 = tpu.memref_slice %arg2[%dma_start3A_3304, %multiple_of3A_3291] : memref<16x1000000xf32, #tpu.memory_space<hbm>> -> memref<16x128xf32, #tpu.memory_space<hbm>>
      tpu.enqueue_dma source(%dma_start3A_3305 : memref<16x128xf32, #tpu.memory_space<hbm>>) target(%dma_start3A_3303 : memref<16x128xf32, #tpu.memory_space<vmem>>) target_semaphore(%arg11 : memref<!tpu.dma_semaphore, #tpu.memory_space<semaphore_mem>>)
      %slice3A_3306 = vector.extract_strided_slice %get3A_3200 {offsets = [5], sizes = [1], strides = [1]} : vector<16xi32> to vector<1xi32>
      %squeeze3A_3307 = vector.extract %slice3A_3306[0] : i32 from vector<1xi32>
      %shift_right_arithmetic3A_3308 = arith.constant 7 : i32
      %shift_right_arithmetic3A_3309 = arith.shrsi %squeeze3A_3307, %shift_right_arithmetic3A_3308 : i32
      %mul3A_3310 = arith.constant 128 : i32
      %mul3A_3311 = arith.muli %shift_right_arithmetic3A_3309, %mul3A_3310 : i32
      %multiple_of3A_3312 = tpu.assume_multiple %mul3A_3311, 128 : i32
      %dma_start3A_3313 = arith.constant 3 : i32
      %dma_start3A_3314 = arith.constant 5 : i32
      %dma_start3A_3315 = arith.constant 0 : i32
      %dma_start3A_3316 = arith.constant 0 : i32
      %dma_start3A_3317 = tpu.memref_slice %arg6[%dma_start3A_3313, %dma_start3A_3314, %dma_start3A_3315, %dma_start3A_3316] : memref<5x8x16x128xf32, #tpu.memory_space<vmem>> -> memref<1x1x16x128xf32, #tpu.memory_space<vmem>>
      %dma_start3A_3318 = tpu.memref_squeeze %dma_start3A_3317 : memref<1x1x16x128xf32, #tpu.memory_space<vmem>> -> memref<16x128xf32, #tpu.memory_space<vmem>>
      %dma_start3A_3319 = arith.constant 0 : i32
      %dma_start3A_3320 = tpu.memref_slice %arg2[%dma_start3A_3319, %multiple_of3A_3312] : memref<16x1000000xf32, #tpu.memory_space<hbm>> -> memref<16x128xf32, #tpu.memory_space<hbm>>
      %dma_start3A_3321 = arith.constant 0 : i32
      %dma_start3A_3322 = arith.constant 0 : i32
      %dma_start3A_3323 = tpu.memref_slice %arg6[%dma_start3A_3313, %dma_start3A_3314, %dma_start3A_3321, %dma_start3A_3322] : memref<5x8x16x128xf32, #tpu.memory_space<vmem>> -> memref<1x1x16x128xf32, #tpu.memory_space<vmem>>
      %dma_start3A_3324 = tpu.memref_squeeze %dma_start3A_3323 : memref<1x1x16x128xf32, #tpu.memory_space<vmem>> -> memref<16x128xf32, #tpu.memory_space<vmem>>
      %dma_start3A_3325 = arith.constant 0 : i32
      %dma_start3A_3326 = tpu.memref_slice %arg2[%dma_start3A_3325, %multiple_of3A_3312] : memref<16x1000000xf32, #tpu.memory_space<hbm>> -> memref<16x128xf32, #tpu.memory_space<hbm>>
      tpu.enqueue_dma source(%dma_start3A_3326 : memref<16x128xf32, #tpu.memory_space<hbm>>) target(%dma_start3A_3324 : memref<16x128xf32, #tpu.memory_space<vmem>>) target_semaphore(%arg11 : memref<!tpu.dma_semaphore, #tpu.memory_space<semaphore_mem>>)
      %slice3A_3327 = vector.extract_strided_slice %get3A_3200 {offsets = [6], sizes = [1], strides = [1]} : vector<16xi32> to vector<1xi32>
      %squeeze3A_3328 = vector.extract %slice3A_3327[0] : i32 from vector<1xi32>
      %shift_right_arithmetic3A_3329 = arith.constant 7 : i32
      %shift_right_arithmetic3A_3330 = arith.shrsi %squeeze3A_3328, %shift_right_arithmetic3A_3329 : i32
      %mul3A_3331 = arith.constant 128 : i32
      %mul3A_3332 = arith.muli %shift_right_arithmetic3A_3330, %mul3A_3331 : i32
      %multiple_of3A_3333 = tpu.assume_multiple %mul3A_3332, 128 : i32
      %dma_start3A_3334 = arith.constant 3 : i32
      %dma_start3A_3335 = arith.constant 6 : i32
      %dma_start3A_3336 = arith.constant 0 : i32
      %dma_start3A_3337 = arith.constant 0 : i32
      %dma_start3A_3338 = tpu.memref_slice %arg6[%dma_start3A_3334, %dma_start3A_3335, %dma_start3A_3336, %dma_start3A_3337] : memref<5x8x16x128xf32, #tpu.memory_space<vmem>> -> memref<1x1x16x128xf32, #tpu.memory_space<vmem>>
      %dma_start3A_3339 = tpu.memref_squeeze %dma_start3A_3338 : memref<1x1x16x128xf32, #tpu.memory_space<vmem>> -> memref<16x128xf32, #tpu.memory_space<vmem>>
      %dma_start3A_3340 = arith.constant 0 : i32
      %dma_start3A_3341 = tpu.memref_slice %arg2[%dma_start3A_3340, %multiple_of3A_3333] : memref<16x1000000xf32, #tpu.memory_space<hbm>> -> memref<16x128xf32, #tpu.memory_space<hbm>>
      %dma_start3A_3342 = arith.constant 0 : i32
      %dma_start3A_3343 = arith.constant 0 : i32
      %dma_start3A_3344 = tpu.memref_slice %arg6[%dma_start3A_3334, %dma_start3A_3335, %dma_start3A_3342, %dma_start3A_3343] : memref<5x8x16x128xf32, #tpu.memory_space<vmem>> -> memref<1x1x16x128xf32, #tpu.memory_space<vmem>>
      %dma_start3A_3345 = tpu.memref_squeeze %dma_start3A_3344 : memref<1x1x16x128xf32, #tpu.memory_space<vmem>> -> memref<16x128xf32, #tpu.memory_space<vmem>>
      %dma_start3A_3346 = arith.constant 0 : i32
      %dma_start3A_3347 = tpu.memref_slice %arg2[%dma_start3A_3346, %multiple_of3A_3333] : memref<16x1000000xf32, #tpu.memory_space<hbm>> -> memref<16x128xf32, #tpu.memory_space<hbm>>
      tpu.enqueue_dma source(%dma_start3A_3347 : memref<16x128xf32, #tpu.memory_space<hbm>>) target(%dma_start3A_3345 : memref<16x128xf32, #tpu.memory_space<vmem>>) target_semaphore(%arg11 : memref<!tpu.dma_semaphore, #tpu.memory_space<semaphore_mem>>)
      %slice3A_3348 = vector.extract_strided_slice %get3A_3200 {offsets = [7], sizes = [1], strides = [1]} : vector<16xi32> to vector<1xi32>
      %squeeze3A_3349 = vector.extract %slice3A_3348[0] : i32 from vector<1xi32>
      %shift_right_arithmetic3A_3350 = arith.constant 7 : i32
      %shift_right_arithmetic3A_3351 = arith.shrsi %squeeze3A_3349, %shift_right_arithmetic3A_3350 : i32
      %mul3A_3352 = arith.constant 128 : i32
      %mul3A_3353 = arith.muli %shift_right_arithmetic3A_3351, %mul3A_3352 : i32
      %multiple_of3A_3354 = tpu.assume_multiple %mul3A_3353, 128 : i32
      %dma_start3A_3355 = arith.constant 3 : i32
      %dma_start3A_3356 = arith.constant 7 : i32
      %dma_start3A_3357 = arith.constant 0 : i32
      %dma_start3A_3358 = arith.constant 0 : i32
      %dma_start3A_3359 = tpu.memref_slice %arg6[%dma_start3A_3355, %dma_start3A_3356, %dma_start3A_3357, %dma_start3A_3358] : memref<5x8x16x128xf32, #tpu.memory_space<vmem>> -> memref<1x1x16x128xf32, #tpu.memory_space<vmem>>
      %dma_start3A_3360 = tpu.memref_squeeze %dma_start3A_3359 : memref<1x1x16x128xf32, #tpu.memory_space<vmem>> -> memref<16x128xf32, #tpu.memory_space<vmem>>
      %dma_start3A_3361 = arith.constant 0 : i32
      %dma_start3A_3362 = tpu.memref_slice %arg2[%dma_start3A_3361, %multiple_of3A_3354] : memref<16x1000000xf32, #tpu.memory_space<hbm>> -> memref<16x128xf32, #tpu.memory_space<hbm>>
      %dma_start3A_3363 = arith.constant 0 : i32
      %dma_start3A_3364 = arith.constant 0 : i32
      %dma_start3A_3365 = tpu.memref_slice %arg6[%dma_start3A_3355, %dma_start3A_3356, %dma_start3A_3363, %dma_start3A_3364] : memref<5x8x16x128xf32, #tpu.memory_space<vmem>> -> memref<1x1x16x128xf32, #tpu.memory_space<vmem>>
      %dma_start3A_3366 = tpu.memref_squeeze %dma_start3A_3365 : memref<1x1x16x128xf32, #tpu.memory_space<vmem>> -> memref<16x128xf32, #tpu.memory_space<vmem>>
      %dma_start3A_3367 = arith.constant 0 : i32
      %dma_start3A_3368 = tpu.memref_slice %arg2[%dma_start3A_3367, %multiple_of3A_3354] : memref<16x1000000xf32, #tpu.memory_space<hbm>> -> memref<16x128xf32, #tpu.memory_space<hbm>>
      tpu.enqueue_dma source(%dma_start3A_3368 : memref<16x128xf32, #tpu.memory_space<hbm>>) target(%dma_start3A_3366 : memref<16x128xf32, #tpu.memory_space<vmem>>) target_semaphore(%arg11 : memref<!tpu.dma_semaphore, #tpu.memory_space<semaphore_mem>>)
      %dma_wait3A_3369 = arith.constant 4 : i32
      %dma_wait3A_3370 = arith.constant 0 : i32
      %dma_wait3A_3371 = arith.constant 0 : i32
      %dma_wait3A_3372 = arith.constant 0 : i32
      %dma_wait3A_3373 = tpu.memref_slice %arg6[%dma_wait3A_3369, %dma_wait3A_3370, %dma_wait3A_3371, %dma_wait3A_3372] : memref<5x8x16x128xf32, #tpu.memory_space<vmem>> -> memref<1x1x16x128xf32, #tpu.memory_space<vmem>>
      %dma_wait3A_3374 = tpu.memref_squeeze %dma_wait3A_3373 : memref<1x1x16x128xf32, #tpu.memory_space<vmem>> -> memref<16x128xf32, #tpu.memory_space<vmem>>
      %dma_wait3A_3375 = arith.constant 0 : i32
      %dma_wait3A_3376 = arith.constant 0 : i32
      %dma_wait3A_3377 = tpu.memref_slice %arg2[%dma_wait3A_3375, %dma_wait3A_3376] : memref<16x1000000xf32, #tpu.memory_space<hbm>> -> memref<16x128xf32, #tpu.memory_space<hbm>>
      %dma_wait3A_3378 = arith.constant 0 : i32
      %dma_wait3A_3379 = arith.constant 0 : i32
      %dma_wait3A_3380 = tpu.memref_slice %arg6[%dma_wait3A_3369, %dma_wait3A_3370, %dma_wait3A_3378, %dma_wait3A_3379] : memref<5x8x16x128xf32, #tpu.memory_space<vmem>> -> memref<1x1x16x128xf32, #tpu.memory_space<vmem>>
      %dma_wait3A_3381 = tpu.memref_squeeze %dma_wait3A_3380 : memref<1x1x16x128xf32, #tpu.memory_space<vmem>> -> memref<16x128xf32, #tpu.memory_space<vmem>>
      %dma_wait3A_3382 = arith.constant 0 : i32
      %dma_wait3A_3383 = arith.constant 0 : i32
      %dma_wait3A_3384 = tpu.memref_slice %arg2[%dma_wait3A_3382, %dma_wait3A_3383] : memref<16x1000000xf32, #tpu.memory_space<hbm>> -> memref<16x128xf32, #tpu.memory_space<hbm>>
      tpu.wait_dma2 semaphore(%arg12 : memref<!tpu.dma_semaphore, #tpu.memory_space<semaphore_mem>>) src(%dma_wait3A_3384 : memref<16x128xf32, #tpu.memory_space<hbm>>) dst(%dma_wait3A_3381 : memref<16x128xf32, #tpu.memory_space<vmem>>)
      %dma_wait3A_3385 = arith.constant 4 : i32
      %dma_wait3A_3386 = arith.constant 1 : i32
      %dma_wait3A_3387 = arith.constant 0 : i32
      %dma_wait3A_3388 = arith.constant 0 : i32
      %dma_wait3A_3389 = tpu.memref_slice %arg6[%dma_wait3A_3385, %dma_wait3A_3386, %dma_wait3A_3387, %dma_wait3A_3388] : memref<5x8x16x128xf32, #tpu.memory_space<vmem>> -> memref<1x1x16x128xf32, #tpu.memory_space<vmem>>
      %dma_wait3A_3390 = tpu.memref_squeeze %dma_wait3A_3389 : memref<1x1x16x128xf32, #tpu.memory_space<vmem>> -> memref<16x128xf32, #tpu.memory_space<vmem>>
      %dma_wait3A_3391 = arith.constant 0 : i32
      %dma_wait3A_3392 = arith.constant 0 : i32
      %dma_wait3A_3393 = tpu.memref_slice %arg2[%dma_wait3A_3391, %dma_wait3A_3392] : memref<16x1000000xf32, #tpu.memory_space<hbm>> -> memref<16x128xf32, #tpu.memory_space<hbm>>
      %dma_wait3A_3394 = arith.constant 0 : i32
      %dma_wait3A_3395 = arith.constant 0 : i32
      %dma_wait3A_3396 = tpu.memref_slice %arg6[%dma_wait3A_3385, %dma_wait3A_3386, %dma_wait3A_3394, %dma_wait3A_3395] : memref<5x8x16x128xf32, #tpu.memory_space<vmem>> -> memref<1x1x16x128xf32, #tpu.memory_space<vmem>>
      %dma_wait3A_3397 = tpu.memref_squeeze %dma_wait3A_3396 : memref<1x1x16x128xf32, #tpu.memory_space<vmem>> -> memref<16x128xf32, #tpu.memory_space<vmem>>
      %dma_wait3A_3398 = arith.constant 0 : i32
      %dma_wait3A_3399 = arith.constant 0 : i32
      %dma_wait3A_3400 = tpu.memref_slice %arg2[%dma_wait3A_3398, %dma_wait3A_3399] : memref<16x1000000xf32, #tpu.memory_space<hbm>> -> memref<16x128xf32, #tpu.memory_space<hbm>>
      tpu.wait_dma2 semaphore(%arg12 : memref<!tpu.dma_semaphore, #tpu.memory_space<semaphore_mem>>) src(%dma_wait3A_3400 : memref<16x128xf32, #tpu.memory_space<hbm>>) dst(%dma_wait3A_3397 : memref<16x128xf32, #tpu.memory_space<vmem>>)
      %dma_wait3A_3401 = arith.constant 4 : i32
      %dma_wait3A_3402 = arith.constant 2 : i32
      %dma_wait3A_3403 = arith.constant 0 : i32
      %dma_wait3A_3404 = arith.constant 0 : i32
      %dma_wait3A_3405 = tpu.memref_slice %arg6[%dma_wait3A_3401, %dma_wait3A_3402, %dma_wait3A_3403, %dma_wait3A_3404] : memref<5x8x16x128xf32, #tpu.memory_space<vmem>> -> memref<1x1x16x128xf32, #tpu.memory_space<vmem>>
      %dma_wait3A_3406 = tpu.memref_squeeze %dma_wait3A_3405 : memref<1x1x16x128xf32, #tpu.memory_space<vmem>> -> memref<16x128xf32, #tpu.memory_space<vmem>>
      %dma_wait3A_3407 = arith.constant 0 : i32
      %dma_wait3A_3408 = arith.constant 0 : i32
      %dma_wait3A_3409 = tpu.memref_slice %arg2[%dma_wait3A_3407, %dma_wait3A_3408] : memref<16x1000000xf32, #tpu.memory_space<hbm>> -> memref<16x128xf32, #tpu.memory_space<hbm>>
      %dma_wait3A_3410 = arith.constant 0 : i32
      %dma_wait3A_3411 = arith.constant 0 : i32
      %dma_wait3A_3412 = tpu.memref_slice %arg6[%dma_wait3A_3401, %dma_wait3A_3402, %dma_wait3A_3410, %dma_wait3A_3411] : memref<5x8x16x128xf32, #tpu.memory_space<vmem>> -> memref<1x1x16x128xf32, #tpu.memory_space<vmem>>
      %dma_wait3A_3413 = tpu.memref_squeeze %dma_wait3A_3412 : memref<1x1x16x128xf32, #tpu.memory_space<vmem>> -> memref<16x128xf32, #tpu.memory_space<vmem>>
      %dma_wait3A_3414 = arith.constant 0 : i32
      %dma_wait3A_3415 = arith.constant 0 : i32
      %dma_wait3A_3416 = tpu.memref_slice %arg2[%dma_wait3A_3414, %dma_wait3A_3415] : memref<16x1000000xf32, #tpu.memory_space<hbm>> -> memref<16x128xf32, #tpu.memory_space<hbm>>
      tpu.wait_dma2 semaphore(%arg12 : memref<!tpu.dma_semaphore, #tpu.memory_space<semaphore_mem>>) src(%dma_wait3A_3416 : memref<16x128xf32, #tpu.memory_space<hbm>>) dst(%dma_wait3A_3413 : memref<16x128xf32, #tpu.memory_space<vmem>>)
      %dma_wait3A_3417 = arith.constant 4 : i32
      %dma_wait3A_3418 = arith.constant 3 : i32
      %dma_wait3A_3419 = arith.constant 0 : i32
      %dma_wait3A_3420 = arith.constant 0 : i32
      %dma_wait3A_3421 = tpu.memref_slice %arg6[%dma_wait3A_3417, %dma_wait3A_3418, %dma_wait3A_3419, %dma_wait3A_3420] : memref<5x8x16x128xf32, #tpu.memory_space<vmem>> -> memref<1x1x16x128xf32, #tpu.memory_space<vmem>>
      %dma_wait3A_3422 = tpu.memref_squeeze %dma_wait3A_3421 : memref<1x1x16x128xf32, #tpu.memory_space<vmem>> -> memref<16x128xf32, #tpu.memory_space<vmem>>
      %dma_wait3A_3423 = arith.constant 0 : i32
      %dma_wait3A_3424 = arith.constant 0 : i32
      %dma_wait3A_3425 = tpu.memref_slice %arg2[%dma_wait3A_3423, %dma_wait3A_3424] : memref<16x1000000xf32, #tpu.memory_space<hbm>> -> memref<16x128xf32, #tpu.memory_space<hbm>>
      %dma_wait3A_3426 = arith.constant 0 : i32
      %dma_wait3A_3427 = arith.constant 0 : i32
      %dma_wait3A_3428 = tpu.memref_slice %arg6[%dma_wait3A_3417, %dma_wait3A_3418, %dma_wait3A_3426, %dma_wait3A_3427] : memref<5x8x16x128xf32, #tpu.memory_space<vmem>> -> memref<1x1x16x128xf32, #tpu.memory_space<vmem>>
      %dma_wait3A_3429 = tpu.memref_squeeze %dma_wait3A_3428 : memref<1x1x16x128xf32, #tpu.memory_space<vmem>> -> memref<16x128xf32, #tpu.memory_space<vmem>>
      %dma_wait3A_3430 = arith.constant 0 : i32
      %dma_wait3A_3431 = arith.constant 0 : i32
      %dma_wait3A_3432 = tpu.memref_slice %arg2[%dma_wait3A_3430, %dma_wait3A_3431] : memref<16x1000000xf32, #tpu.memory_space<hbm>> -> memref<16x128xf32, #tpu.memory_space<hbm>>
      tpu.wait_dma2 semaphore(%arg12 : memref<!tpu.dma_semaphore, #tpu.memory_space<semaphore_mem>>) src(%dma_wait3A_3432 : memref<16x128xf32, #tpu.memory_space<hbm>>) dst(%dma_wait3A_3429 : memref<16x128xf32, #tpu.memory_space<vmem>>)
      %dma_wait3A_3433 = arith.constant 4 : i32
      %dma_wait3A_3434 = arith.constant 4 : i32
      %dma_wait3A_3435 = arith.constant 0 : i32
      %dma_wait3A_3436 = arith.constant 0 : i32
      %dma_wait3A_3437 = tpu.memref_slice %arg6[%dma_wait3A_3433, %dma_wait3A_3434, %dma_wait3A_3435, %dma_wait3A_3436] : memref<5x8x16x128xf32, #tpu.memory_space<vmem>> -> memref<1x1x16x128xf32, #tpu.memory_space<vmem>>
      %dma_wait3A_3438 = tpu.memref_squeeze %dma_wait3A_3437 : memref<1x1x16x128xf32, #tpu.memory_space<vmem>> -> memref<16x128xf32, #tpu.memory_space<vmem>>
      %dma_wait3A_3439 = arith.constant 0 : i32
      %dma_wait3A_3440 = arith.constant 0 : i32
      %dma_wait3A_3441 = tpu.memref_slice %arg2[%dma_wait3A_3439, %dma_wait3A_3440] : memref<16x1000000xf32, #tpu.memory_space<hbm>> -> memref<16x128xf32, #tpu.memory_space<hbm>>
      %dma_wait3A_3442 = arith.constant 0 : i32
      %dma_wait3A_3443 = arith.constant 0 : i32
      %dma_wait3A_3444 = tpu.memref_slice %arg6[%dma_wait3A_3433, %dma_wait3A_3434, %dma_wait3A_3442, %dma_wait3A_3443] : memref<5x8x16x128xf32, #tpu.memory_space<vmem>> -> memref<1x1x16x128xf32, #tpu.memory_space<vmem>>
      %dma_wait3A_3445 = tpu.memref_squeeze %dma_wait3A_3444 : memref<1x1x16x128xf32, #tpu.memory_space<vmem>> -> memref<16x128xf32, #tpu.memory_space<vmem>>
      %dma_wait3A_3446 = arith.constant 0 : i32
      %dma_wait3A_3447 = arith.constant 0 : i32
      %dma_wait3A_3448 = tpu.memref_slice %arg2[%dma_wait3A_3446, %dma_wait3A_3447] : memref<16x1000000xf32, #tpu.memory_space<hbm>> -> memref<16x128xf32, #tpu.memory_space<hbm>>
      tpu.wait_dma2 semaphore(%arg12 : memref<!tpu.dma_semaphore, #tpu.memory_space<semaphore_mem>>) src(%dma_wait3A_3448 : memref<16x128xf32, #tpu.memory_space<hbm>>) dst(%dma_wait3A_3445 : memref<16x128xf32, #tpu.memory_space<vmem>>)
      %dma_wait3A_3449 = arith.constant 4 : i32
      %dma_wait3A_3450 = arith.constant 5 : i32
      %dma_wait3A_3451 = arith.constant 0 : i32
      %dma_wait3A_3452 = arith.constant 0 : i32
      %dma_wait3A_3453 = tpu.memref_slice %arg6[%dma_wait3A_3449, %dma_wait3A_3450, %dma_wait3A_3451, %dma_wait3A_3452] : memref<5x8x16x128xf32, #tpu.memory_space<vmem>> -> memref<1x1x16x128xf32, #tpu.memory_space<vmem>>
      %dma_wait3A_3454 = tpu.memref_squeeze %dma_wait3A_3453 : memref<1x1x16x128xf32, #tpu.memory_space<vmem>> -> memref<16x128xf32, #tpu.memory_space<vmem>>
      %dma_wait3A_3455 = arith.constant 0 : i32
      %dma_wait3A_3456 = arith.constant 0 : i32
      %dma_wait3A_3457 = tpu.memref_slice %arg2[%dma_wait3A_3455, %dma_wait3A_3456] : memref<16x1000000xf32, #tpu.memory_space<hbm>> -> memref<16x128xf32, #tpu.memory_space<hbm>>
      %dma_wait3A_3458 = arith.constant 0 : i32
      %dma_wait3A_3459 = arith.constant 0 : i32
      %dma_wait3A_3460 = tpu.memref_slice %arg6[%dma_wait3A_3449, %dma_wait3A_3450, %dma_wait3A_3458, %dma_wait3A_3459] : memref<5x8x16x128xf32, #tpu.memory_space<vmem>> -> memref<1x1x16x128xf32, #tpu.memory_space<vmem>>
      %dma_wait3A_3461 = tpu.memref_squeeze %dma_wait3A_3460 : memref<1x1x16x128xf32, #tpu.memory_space<vmem>> -> memref<16x128xf32, #tpu.memory_space<vmem>>
      %dma_wait3A_3462 = arith.constant 0 : i32
      %dma_wait3A_3463 = arith.constant 0 : i32
      %dma_wait3A_3464 = tpu.memref_slice %arg2[%dma_wait3A_3462, %dma_wait3A_3463] : memref<16x1000000xf32, #tpu.memory_space<hbm>> -> memref<16x128xf32, #tpu.memory_space<hbm>>
      tpu.wait_dma2 semaphore(%arg12 : memref<!tpu.dma_semaphore, #tpu.memory_space<semaphore_mem>>) src(%dma_wait3A_3464 : memref<16x128xf32, #tpu.memory_space<hbm>>) dst(%dma_wait3A_3461 : memref<16x128xf32, #tpu.memory_space<vmem>>)
      %dma_wait3A_3465 = arith.constant 4 : i32
      %dma_wait3A_3466 = arith.constant 6 : i32
      %dma_wait3A_3467 = arith.constant 0 : i32
      %dma_wait3A_3468 = arith.constant 0 : i32
      %dma_wait3A_3469 = tpu.memref_slice %arg6[%dma_wait3A_3465, %dma_wait3A_3466, %dma_wait3A_3467, %dma_wait3A_3468] : memref<5x8x16x128xf32, #tpu.memory_space<vmem>> -> memref<1x1x16x128xf32, #tpu.memory_space<vmem>>
      %dma_wait3A_3470 = tpu.memref_squeeze %dma_wait3A_3469 : memref<1x1x16x128xf32, #tpu.memory_space<vmem>> -> memref<16x128xf32, #tpu.memory_space<vmem>>
      %dma_wait3A_3471 = arith.constant 0 : i32
      %dma_wait3A_3472 = arith.constant 0 : i32
      %dma_wait3A_3473 = tpu.memref_slice %arg2[%dma_wait3A_3471, %dma_wait3A_3472] : memref<16x1000000xf32, #tpu.memory_space<hbm>> -> memref<16x128xf32, #tpu.memory_space<hbm>>
      %dma_wait3A_3474 = arith.constant 0 : i32
      %dma_wait3A_3475 = arith.constant 0 : i32
      %dma_wait3A_3476 = tpu.memref_slice %arg6[%dma_wait3A_3465, %dma_wait3A_3466, %dma_wait3A_3474, %dma_wait3A_3475] : memref<5x8x16x128xf32, #tpu.memory_space<vmem>> -> memref<1x1x16x128xf32, #tpu.memory_space<vmem>>
      %dma_wait3A_3477 = tpu.memref_squeeze %dma_wait3A_3476 : memref<1x1x16x128xf32, #tpu.memory_space<vmem>> -> memref<16x128xf32, #tpu.memory_space<vmem>>
      %dma_wait3A_3478 = arith.constant 0 : i32
      %dma_wait3A_3479 = arith.constant 0 : i32
      %dma_wait3A_3480 = tpu.memref_slice %arg2[%dma_wait3A_3478, %dma_wait3A_3479] : memref<16x1000000xf32, #tpu.memory_space<hbm>> -> memref<16x128xf32, #tpu.memory_space<hbm>>
      tpu.wait_dma2 semaphore(%arg12 : memref<!tpu.dma_semaphore, #tpu.memory_space<semaphore_mem>>) src(%dma_wait3A_3480 : memref<16x128xf32, #tpu.memory_space<hbm>>) dst(%dma_wait3A_3477 : memref<16x128xf32, #tpu.memory_space<vmem>>)
      %dma_wait3A_3481 = arith.constant 4 : i32
      %dma_wait3A_3482 = arith.constant 7 : i32
      %dma_wait3A_3483 = arith.constant 0 : i32
      %dma_wait3A_3484 = arith.constant 0 : i32
      %dma_wait3A_3485 = tpu.memref_slice %arg6[%dma_wait3A_3481, %dma_wait3A_3482, %dma_wait3A_3483, %dma_wait3A_3484] : memref<5x8x16x128xf32, #tpu.memory_space<vmem>> -> memref<1x1x16x128xf32, #tpu.memory_space<vmem>>
      %dma_wait3A_3486 = tpu.memref_squeeze %dma_wait3A_3485 : memref<1x1x16x128xf32, #tpu.memory_space<vmem>> -> memref<16x128xf32, #tpu.memory_space<vmem>>
      %dma_wait3A_3487 = arith.constant 0 : i32
      %dma_wait3A_3488 = arith.constant 0 : i32
      %dma_wait3A_3489 = tpu.memref_slice %arg2[%dma_wait3A_3487, %dma_wait3A_3488] : memref<16x1000000xf32, #tpu.memory_space<hbm>> -> memref<16x128xf32, #tpu.memory_space<hbm>>
      %dma_wait3A_3490 = arith.constant 0 : i32
      %dma_wait3A_3491 = arith.constant 0 : i32
      %dma_wait3A_3492 = tpu.memref_slice %arg6[%dma_wait3A_3481, %dma_wait3A_3482, %dma_wait3A_3490, %dma_wait3A_3491] : memref<5x8x16x128xf32, #tpu.memory_space<vmem>> -> memref<1x1x16x128xf32, #tpu.memory_space<vmem>>
      %dma_wait3A_3493 = tpu.memref_squeeze %dma_wait3A_3492 : memref<1x1x16x128xf32, #tpu.memory_space<vmem>> -> memref<16x128xf32, #tpu.memory_space<vmem>>
      %dma_wait3A_3494 = arith.constant 0 : i32
      %dma_wait3A_3495 = arith.constant 0 : i32
      %dma_wait3A_3496 = tpu.memref_slice %arg2[%dma_wait3A_3494, %dma_wait3A_3495] : memref<16x1000000xf32, #tpu.memory_space<hbm>> -> memref<16x128xf32, #tpu.memory_space<hbm>>
      tpu.wait_dma2 semaphore(%arg12 : memref<!tpu.dma_semaphore, #tpu.memory_space<semaphore_mem>>) src(%dma_wait3A_3496 : memref<16x128xf32, #tpu.memory_space<hbm>>) dst(%dma_wait3A_3493 : memref<16x128xf32, #tpu.memory_space<vmem>>)
      %mul3A_3497 = arith.constant 8 : i32
      %mul3A_3498 = arith.muli %add3A_3194, %mul3A_3497 : i32
      %get3A_3499 = arith.index_cast %mul3A_3498 : i32 to index
      %get3A_3500 = tpu.vector_load %arg5[%get3A_3499] {strides = array<i32>} : memref<528xi32, #tpu.memory_space<vmem>>, vector<16xi32>,
      %broadcast_in_dim3A_3501 = arith.constant 4 : i32
      %broadcast_in_dim3A_3502 = vector.broadcast %broadcast_in_dim3A_3501 : i32 to vector<16xi32>
      %slice3A_3503 = vector.extract_strided_slice %get3A_3500 {offsets = [0], sizes = [1], strides = [1]} : vector<16xi32> to vector<1xi32>
      %squeeze3A_3504 = vector.extract %slice3A_3503[0] : i32 from vector<1xi32>
      %and3A_3505 = arith.constant 127 : i32
      %and3A_3506 = arith.andi %squeeze3A_3504, %and3A_3505 : i32
      %broadcast_in_dim3A_3507 = vector.broadcast %and3A_3506 : i32 to vector<16xi32>
      %mul3A_3508 = arith.constant 8 : i32
      %mul3A_3509 = arith.muli %add3A_3194, %mul3A_3508 : i32
      %add3A_3510 = arith.constant 0 : i32
      %add3A_3511 = arith.addi %mul3A_3509, %add3A_3510 : i32
      %broadcast_in_dim3A_3512 = vector.broadcast %add3A_3511 : i32 to vector<16xi32>
      %broadcast_in_dim3A_3513 = arith.constant 0 : i32
      %broadcast_in_dim3A_3514 = vector.broadcast %broadcast_in_dim3A_3513 : i32 to vector<16xi32>
      %gather3A_3515 = tpu.vector_load_idx %arg6[%broadcast_in_dim3A_3502, %broadcast_in_dim3A_3514, %iota3A, %broadcast_in_dim3A_3507] : memref<5x8x16x128xf32, #tpu.memory_space<vmem>>[vector<16xi32>, vector<16xi32>, vector<16xi32>, vector<16xi32>], vector<16xf32>,
      tpu.vector_store_idx %arg7[%iota3A, %broadcast_in_dim3A_3512], %gather3A_3515 : memref<16x512xf32, #tpu.memory_space<vmem>>[vector<16xi32>, vector<16xi32>], vector<16xf32>,
      %slice3A_3516 = vector.extract_strided_slice %get3A_3500 {offsets = [1], sizes = [1], strides = [1]} : vector<16xi32> to vector<1xi32>
      %squeeze3A_3517 = vector.extract %slice3A_3516[0] : i32 from vector<1xi32>
      %and3A_3518 = arith.constant 127 : i32
      %and3A_3519 = arith.andi %squeeze3A_3517, %and3A_3518 : i32
      %broadcast_in_dim3A_3520 = vector.broadcast %and3A_3519 : i32 to vector<16xi32>
      %mul3A_3521 = arith.constant 8 : i32
      %mul3A_3522 = arith.muli %add3A_3194, %mul3A_3521 : i32
      %add3A_3523 = arith.constant 1 : i32
      %add3A_3524 = arith.addi %mul3A_3522, %add3A_3523 : i32
      %broadcast_in_dim3A_3525 = vector.broadcast %add3A_3524 : i32 to vector<16xi32>
      %broadcast_in_dim3A_3526 = arith.constant 1 : i32
      %broadcast_in_dim3A_3527 = vector.broadcast %broadcast_in_dim3A_3526 : i32 to vector<16xi32>
      %gather3A_3528 = tpu.vector_load_idx %arg6[%broadcast_in_dim3A_3502, %broadcast_in_dim3A_3527, %iota3A, %broadcast_in_dim3A_3520] : memref<5x8x16x128xf32, #tpu.memory_space<vmem>>[vector<16xi32>, vector<16xi32>, vector<16xi32>, vector<16xi32>], vector<16xf32>,
      tpu.vector_store_idx %arg7[%iota3A, %broadcast_in_dim3A_3525], %gather3A_3528 : memref<16x512xf32, #tpu.memory_space<vmem>>[vector<16xi32>, vector<16xi32>], vector<16xf32>,
      %slice3A_3529 = vector.extract_strided_slice %get3A_3500 {offsets = [2], sizes = [1], strides = [1]} : vector<16xi32> to vector<1xi32>
      %squeeze3A_3530 = vector.extract %slice3A_3529[0] : i32 from vector<1xi32>
      %and3A_3531 = arith.constant 127 : i32
      %and3A_3532 = arith.andi %squeeze3A_3530, %and3A_3531 : i32
      %broadcast_in_dim3A_3533 = vector.broadcast %and3A_3532 : i32 to vector<16xi32>
      %mul3A_3534 = arith.constant 8 : i32
      %mul3A_3535 = arith.muli %add3A_3194, %mul3A_3534 : i32
      %add3A_3536 = arith.constant 2 : i32
      %add3A_3537 = arith.addi %mul3A_3535, %add3A_3536 : i32
      %broadcast_in_dim3A_3538 = vector.broadcast %add3A_3537 : i32 to vector<16xi32>
      %broadcast_in_dim3A_3539 = arith.constant 2 : i32
      %broadcast_in_dim3A_3540 = vector.broadcast %broadcast_in_dim3A_3539 : i32 to vector<16xi32>
      %gather3A_3541 = tpu.vector_load_idx %arg6[%broadcast_in_dim3A_3502, %broadcast_in_dim3A_3540, %iota3A, %broadcast_in_dim3A_3533] : memref<5x8x16x128xf32, #tpu.memory_space<vmem>>[vector<16xi32>, vector<16xi32>, vector<16xi32>, vector<16xi32>], vector<16xf32>,
      tpu.vector_store_idx %arg7[%iota3A, %broadcast_in_dim3A_3538], %gather3A_3541 : memref<16x512xf32, #tpu.memory_space<vmem>>[vector<16xi32>, vector<16xi32>], vector<16xf32>,
      %slice3A_3542 = vector.extract_strided_slice %get3A_3500 {offsets = [3], sizes = [1], strides = [1]} : vector<16xi32> to vector<1xi32>
      %squeeze3A_3543 = vector.extract %slice3A_3542[0] : i32 from vector<1xi32>
      %and3A_3544 = arith.constant 127 : i32
      %and3A_3545 = arith.andi %squeeze3A_3543, %and3A_3544 : i32
      %broadcast_in_dim3A_3546 = vector.broadcast %and3A_3545 : i32 to vector<16xi32>
      %mul3A_3547 = arith.constant 8 : i32
      %mul3A_3548 = arith.muli %add3A_3194, %mul3A_3547 : i32
      %add3A_3549 = arith.constant 3 : i32
      %add3A_3550 = arith.addi %mul3A_3548, %add3A_3549 : i32
      %broadcast_in_dim3A_3551 = vector.broadcast %add3A_3550 : i32 to vector<16xi32>
      %broadcast_in_dim3A_3552 = arith.constant 3 : i32
      %broadcast_in_dim3A_3553 = vector.broadcast %broadcast_in_dim3A_3552 : i32 to vector<16xi32>
      %gather3A_3554 = tpu.vector_load_idx %arg6[%broadcast_in_dim3A_3502, %broadcast_in_dim3A_3553, %iota3A, %broadcast_in_dim3A_3546] : memref<5x8x16x128xf32, #tpu.memory_space<vmem>>[vector<16xi32>, vector<16xi32>, vector<16xi32>, vector<16xi32>], vector<16xf32>,
      tpu.vector_store_idx %arg7[%iota3A, %broadcast_in_dim3A_3551], %gather3A_3554 : memref<16x512xf32, #tpu.memory_space<vmem>>[vector<16xi32>, vector<16xi32>], vector<16xf32>,
      %slice3A_3555 = vector.extract_strided_slice %get3A_3500 {offsets = [4], sizes = [1], strides = [1]} : vector<16xi32> to vector<1xi32>
      %squeeze3A_3556 = vector.extract %slice3A_3555[0] : i32 from vector<1xi32>
      %and3A_3557 = arith.constant 127 : i32
      %and3A_3558 = arith.andi %squeeze3A_3556, %and3A_3557 : i32
      %broadcast_in_dim3A_3559 = vector.broadcast %and3A_3558 : i32 to vector<16xi32>
      %mul3A_3560 = arith.constant 8 : i32
      %mul3A_3561 = arith.muli %add3A_3194, %mul3A_3560 : i32
      %add3A_3562 = arith.constant 4 : i32
      %add3A_3563 = arith.addi %mul3A_3561, %add3A_3562 : i32
      %broadcast_in_dim3A_3564 = vector.broadcast %add3A_3563 : i32 to vector<16xi32>
      %broadcast_in_dim3A_3565 = arith.constant 4 : i32
      %broadcast_in_dim3A_3566 = vector.broadcast %broadcast_in_dim3A_3565 : i32 to vector<16xi32>
      %gather3A_3567 = tpu.vector_load_idx %arg6[%broadcast_in_dim3A_3502, %broadcast_in_dim3A_3566, %iota3A, %broadcast_in_dim3A_3559] : memref<5x8x16x128xf32, #tpu.memory_space<vmem>>[vector<16xi32>, vector<16xi32>, vector<16xi32>, vector<16xi32>], vector<16xf32>,
      tpu.vector_store_idx %arg7[%iota3A, %broadcast_in_dim3A_3564], %gather3A_3567 : memref<16x512xf32, #tpu.memory_space<vmem>>[vector<16xi32>, vector<16xi32>], vector<16xf32>,
      %slice3A_3568 = vector.extract_strided_slice %get3A_3500 {offsets = [5], sizes = [1], strides = [1]} : vector<16xi32> to vector<1xi32>
      %squeeze3A_3569 = vector.extract %slice3A_3568[0] : i32 from vector<1xi32>
      %and3A_3570 = arith.constant 127 : i32
      %and3A_3571 = arith.andi %squeeze3A_3569, %and3A_3570 : i32
      %broadcast_in_dim3A_3572 = vector.broadcast %and3A_3571 : i32 to vector<16xi32>
      %mul3A_3573 = arith.constant 8 : i32
      %mul3A_3574 = arith.muli %add3A_3194, %mul3A_3573 : i32
      %add3A_3575 = arith.constant 5 : i32
      %add3A_3576 = arith.addi %mul3A_3574, %add3A_3575 : i32
      %broadcast_in_dim3A_3577 = vector.broadcast %add3A_3576 : i32 to vector<16xi32>
      %broadcast_in_dim3A_3578 = arith.constant 5 : i32
      %broadcast_in_dim3A_3579 = vector.broadcast %broadcast_in_dim3A_3578 : i32 to vector<16xi32>
      %gather3A_3580 = tpu.vector_load_idx %arg6[%broadcast_in_dim3A_3502, %broadcast_in_dim3A_3579, %iota3A, %broadcast_in_dim3A_3572] : memref<5x8x16x128xf32, #tpu.memory_space<vmem>>[vector<16xi32>, vector<16xi32>, vector<16xi32>, vector<16xi32>], vector<16xf32>,
      tpu.vector_store_idx %arg7[%iota3A, %broadcast_in_dim3A_3577], %gather3A_3580 : memref<16x512xf32, #tpu.memory_space<vmem>>[vector<16xi32>, vector<16xi32>], vector<16xf32>,
      %slice3A_3581 = vector.extract_strided_slice %get3A_3500 {offsets = [6], sizes = [1], strides = [1]} : vector<16xi32> to vector<1xi32>
      %squeeze3A_3582 = vector.extract %slice3A_3581[0] : i32 from vector<1xi32>
      %and3A_3583 = arith.constant 127 : i32
      %and3A_3584 = arith.andi %squeeze3A_3582, %and3A_3583 : i32
      %broadcast_in_dim3A_3585 = vector.broadcast %and3A_3584 : i32 to vector<16xi32>
      %mul3A_3586 = arith.constant 8 : i32
      %mul3A_3587 = arith.muli %add3A_3194, %mul3A_3586 : i32
      %add3A_3588 = arith.constant 6 : i32
      %add3A_3589 = arith.addi %mul3A_3587, %add3A_3588 : i32
      %broadcast_in_dim3A_3590 = vector.broadcast %add3A_3589 : i32 to vector<16xi32>
      %broadcast_in_dim3A_3591 = arith.constant 6 : i32
      %broadcast_in_dim3A_3592 = vector.broadcast %broadcast_in_dim3A_3591 : i32 to vector<16xi32>
      %gather3A_3593 = tpu.vector_load_idx %arg6[%broadcast_in_dim3A_3502, %broadcast_in_dim3A_3592, %iota3A, %broadcast_in_dim3A_3585] : memref<5x8x16x128xf32, #tpu.memory_space<vmem>>[vector<16xi32>, vector<16xi32>, vector<16xi32>, vector<16xi32>], vector<16xf32>,
      tpu.vector_store_idx %arg7[%iota3A, %broadcast_in_dim3A_3590], %gather3A_3593 : memref<16x512xf32, #tpu.memory_space<vmem>>[vector<16xi32>, vector<16xi32>], vector<16xf32>,
      %slice3A_3594 = vector.extract_strided_slice %get3A_3500 {offsets = [7], sizes = [1], strides = [1]} : vector<16xi32> to vector<1xi32>
      %squeeze3A_3595 = vector.extract %slice3A_3594[0] : i32 from vector<1xi32>
      %and3A_3596 = arith.constant 127 : i32
      %and3A_3597 = arith.andi %squeeze3A_3595, %and3A_3596 : i32
      %broadcast_in_dim3A_3598 = vector.broadcast %and3A_3597 : i32 to vector<16xi32>
      %mul3A_3599 = arith.constant 8 : i32
      %mul3A_3600 = arith.muli %add3A_3194, %mul3A_3599 : i32
      %add3A_3601 = arith.constant 7 : i32
      %add3A_3602 = arith.addi %mul3A_3600, %add3A_3601 : i32
      %broadcast_in_dim3A_3603 = vector.broadcast %add3A_3602 : i32 to vector<16xi32>
      %broadcast_in_dim3A_3604 = arith.constant 7 : i32
      %broadcast_in_dim3A_3605 = vector.broadcast %broadcast_in_dim3A_3604 : i32 to vector<16xi32>
      %gather3A_3606 = tpu.vector_load_idx %arg6[%broadcast_in_dim3A_3502, %broadcast_in_dim3A_3605, %iota3A, %broadcast_in_dim3A_3598] : memref<5x8x16x128xf32, #tpu.memory_space<vmem>>[vector<16xi32>, vector<16xi32>, vector<16xi32>, vector<16xi32>], vector<16xf32>,
      tpu.vector_store_idx %arg7[%iota3A, %broadcast_in_dim3A_3603], %gather3A_3606 : memref<16x512xf32, #tpu.memory_space<vmem>>[vector<16xi32>, vector<16xi32>], vector<16xf32>,
    }
    %scan3A_681 = arith.constant 12 : i32
    %dma_wait3A = arith.constant 0 : i32
    %dma_wait3A_682 = arith.constant 0 : i32
    %dma_wait3A_683 = arith.constant 0 : i32
    %dma_wait3A_684 = arith.constant 0 : i32
    %dma_wait3A_685 = tpu.memref_slice %arg6[%dma_wait3A, %dma_wait3A_682, %dma_wait3A_683, %dma_wait3A_684] : memref<5x8x16x128xf32, #tpu.memory_space<vmem>> -> memref<1x1x16x128xf32, #tpu.memory_space<vmem>>
    %dma_wait3A_686 = tpu.memref_squeeze %dma_wait3A_685 : memref<1x1x16x128xf32, #tpu.memory_space<vmem>> -> memref<16x128xf32, #tpu.memory_space<vmem>>
    %dma_wait3A_687 = arith.constant 0 : i32
    %dma_wait3A_688 = arith.constant 0 : i32
    %dma_wait3A_689 = tpu.memref_slice %arg2[%dma_wait3A_687, %dma_wait3A_688] : memref<16x1000000xf32, #tpu.memory_space<hbm>> -> memref<16x128xf32, #tpu.memory_space<hbm>>
    %dma_wait3A_690 = arith.constant 0 : i32
    %dma_wait3A_691 = arith.constant 0 : i32
    %dma_wait3A_692 = tpu.memref_slice %arg6[%dma_wait3A, %dma_wait3A_682, %dma_wait3A_690, %dma_wait3A_691] : memref<5x8x16x128xf32, #tpu.memory_space<vmem>> -> memref<1x1x16x128xf32, #tpu.memory_space<vmem>>
    %dma_wait3A_693 = tpu.memref_squeeze %dma_wait3A_692 : memref<1x1x16x128xf32, #tpu.memory_space<vmem>> -> memref<16x128xf32, #tpu.memory_space<vmem>>
    %dma_wait3A_694 = arith.constant 0 : i32
    %dma_wait3A_695 = arith.constant 0 : i32
    %dma_wait3A_696 = tpu.memref_slice %arg2[%dma_wait3A_694, %dma_wait3A_695] : memref<16x1000000xf32, #tpu.memory_space<hbm>> -> memref<16x128xf32, #tpu.memory_space<hbm>>
    tpu.wait_dma2 semaphore(%arg8 : memref<!tpu.dma_semaphore, #tpu.memory_space<semaphore_mem>>) src(%dma_wait3A_696 : memref<16x128xf32, #tpu.memory_space<hbm>>) dst(%dma_wait3A_693 : memref<16x128xf32, #tpu.memory_space<vmem>>)
    %dma_wait3A_697 = arith.constant 0 : i32
    %dma_wait3A_698 = arith.constant 1 : i32
    %dma_wait3A_699 = arith.constant 0 : i32
    %dma_wait3A_700 = arith.constant 0 : i32
    %dma_wait3A_701 = tpu.memref_slice %arg6[%dma_wait3A_697, %dma_wait3A_698, %dma_wait3A_699, %dma_wait3A_700] : memref<5x8x16x128xf32, #tpu.memory_space<vmem>> -> memref<1x1x16x128xf32, #tpu.memory_space<vmem>>
    %dma_wait3A_702 = tpu.memref_squeeze %dma_wait3A_701 : memref<1x1x16x128xf32, #tpu.memory_space<vmem>> -> memref<16x128xf32, #tpu.memory_space<vmem>>
    %dma_wait3A_703 = arith.constant 0 : i32
    %dma_wait3A_704 = arith.constant 0 : i32
    %dma_wait3A_705 = tpu.memref_slice %arg2[%dma_wait3A_703, %dma_wait3A_704] : memref<16x1000000xf32, #tpu.memory_space<hbm>> -> memref<16x128xf32, #tpu.memory_space<hbm>>
    %dma_wait3A_706 = arith.constant 0 : i32
    %dma_wait3A_707 = arith.constant 0 : i32
    %dma_wait3A_708 = tpu.memref_slice %arg6[%dma_wait3A_697, %dma_wait3A_698, %dma_wait3A_706, %dma_wait3A_707] : memref<5x8x16x128xf32, #tpu.memory_space<vmem>> -> memref<1x1x16x128xf32, #tpu.memory_space<vmem>>
    %dma_wait3A_709 = tpu.memref_squeeze %dma_wait3A_708 : memref<1x1x16x128xf32, #tpu.memory_space<vmem>> -> memref<16x128xf32, #tpu.memory_space<vmem>>
    %dma_wait3A_710 = arith.constant 0 : i32
    %dma_wait3A_711 = arith.constant 0 : i32
    %dma_wait3A_712 = tpu.memref_slice %arg2[%dma_wait3A_710, %dma_wait3A_711] : memref<16x1000000xf32, #tpu.memory_space<hbm>> -> memref<16x128xf32, #tpu.memory_space<hbm>>
    tpu.wait_dma2 semaphore(%arg8 : memref<!tpu.dma_semaphore, #tpu.memory_space<semaphore_mem>>) src(%dma_wait3A_712 : memref<16x128xf32, #tpu.memory_space<hbm>>) dst(%dma_wait3A_709 : memref<16x128xf32, #tpu.memory_space<vmem>>)
    %dma_wait3A_713 = arith.constant 0 : i32
    %dma_wait3A_714 = arith.constant 2 : i32
    %dma_wait3A_715 = arith.constant 0 : i32
    %dma_wait3A_716 = arith.constant 0 : i32
    %dma_wait3A_717 = tpu.memref_slice %arg6[%dma_wait3A_713, %dma_wait3A_714, %dma_wait3A_715, %dma_wait3A_716] : memref<5x8x16x128xf32, #tpu.memory_space<vmem>> -> memref<1x1x16x128xf32, #tpu.memory_space<vmem>>
    %dma_wait3A_718 = tpu.memref_squeeze %dma_wait3A_717 : memref<1x1x16x128xf32, #tpu.memory_space<vmem>> -> memref<16x128xf32, #tpu.memory_space<vmem>>
    %dma_wait3A_719 = arith.constant 0 : i32
    %dma_wait3A_720 = arith.constant 0 : i32
    %dma_wait3A_721 = tpu.memref_slice %arg2[%dma_wait3A_719, %dma_wait3A_720] : memref<16x1000000xf32, #tpu.memory_space<hbm>> -> memref<16x128xf32, #tpu.memory_space<hbm>>
    %dma_wait3A_722 = arith.constant 0 : i32
    %dma_wait3A_723 = arith.constant 0 : i32
    %dma_wait3A_724 = tpu.memref_slice %arg6[%dma_wait3A_713, %dma_wait3A_714, %dma_wait3A_722, %dma_wait3A_723] : memref<5x8x16x128xf32, #tpu.memory_space<vmem>> -> memref<1x1x16x128xf32, #tpu.memory_space<vmem>>
    %dma_wait3A_725 = tpu.memref_squeeze %dma_wait3A_724 : memref<1x1x16x128xf32, #tpu.memory_space<vmem>> -> memref<16x128xf32, #tpu.memory_space<vmem>>
    %dma_wait3A_726 = arith.constant 0 : i32
    %dma_wait3A_727 = arith.constant 0 : i32
    %dma_wait3A_728 = tpu.memref_slice %arg2[%dma_wait3A_726, %dma_wait3A_727] : memref<16x1000000xf32, #tpu.memory_space<hbm>> -> memref<16x128xf32, #tpu.memory_space<hbm>>
    tpu.wait_dma2 semaphore(%arg8 : memref<!tpu.dma_semaphore, #tpu.memory_space<semaphore_mem>>) src(%dma_wait3A_728 : memref<16x128xf32, #tpu.memory_space<hbm>>) dst(%dma_wait3A_725 : memref<16x128xf32, #tpu.memory_space<vmem>>)
    %dma_wait3A_729 = arith.constant 0 : i32
    %dma_wait3A_730 = arith.constant 3 : i32
    %dma_wait3A_731 = arith.constant 0 : i32
    %dma_wait3A_732 = arith.constant 0 : i32
    %dma_wait3A_733 = tpu.memref_slice %arg6[%dma_wait3A_729, %dma_wait3A_730, %dma_wait3A_731, %dma_wait3A_732] : memref<5x8x16x128xf32, #tpu.memory_space<vmem>> -> memref<1x1x16x128xf32, #tpu.memory_space<vmem>>
    %dma_wait3A_734 = tpu.memref_squeeze %dma_wait3A_733 : memref<1x1x16x128xf32, #tpu.memory_space<vmem>> -> memref<16x128xf32, #tpu.memory_space<vmem>>
    %dma_wait3A_735 = arith.constant 0 : i32
    %dma_wait3A_736 = arith.constant 0 : i32
    %dma_wait3A_737 = tpu.memref_slice %arg2[%dma_wait3A_735, %dma_wait3A_736] : memref<16x1000000xf32, #tpu.memory_space<hbm>> -> memref<16x128xf32, #tpu.memory_space<hbm>>
    %dma_wait3A_738 = arith.constant 0 : i32
    %dma_wait3A_739 = arith.constant 0 : i32
    %dma_wait3A_740 = tpu.memref_slice %arg6[%dma_wait3A_729, %dma_wait3A_730, %dma_wait3A_738, %dma_wait3A_739] : memref<5x8x16x128xf32, #tpu.memory_space<vmem>> -> memref<1x1x16x128xf32, #tpu.memory_space<vmem>>
    %dma_wait3A_741 = tpu.memref_squeeze %dma_wait3A_740 : memref<1x1x16x128xf32, #tpu.memory_space<vmem>> -> memref<16x128xf32, #tpu.memory_space<vmem>>
    %dma_wait3A_742 = arith.constant 0 : i32
    %dma_wait3A_743 = arith.constant 0 : i32
    %dma_wait3A_744 = tpu.memref_slice %arg2[%dma_wait3A_742, %dma_wait3A_743] : memref<16x1000000xf32, #tpu.memory_space<hbm>> -> memref<16x128xf32, #tpu.memory_space<hbm>>
    tpu.wait_dma2 semaphore(%arg8 : memref<!tpu.dma_semaphore, #tpu.memory_space<semaphore_mem>>) src(%dma_wait3A_744 : memref<16x128xf32, #tpu.memory_space<hbm>>) dst(%dma_wait3A_741 : memref<16x128xf32, #tpu.memory_space<vmem>>)
    %dma_wait3A_745 = arith.constant 0 : i32
    %dma_wait3A_746 = arith.constant 4 : i32
    %dma_wait3A_747 = arith.constant 0 : i32
    %dma_wait3A_748 = arith.constant 0 : i32
    %dma_wait3A_749 = tpu.memref_slice %arg6[%dma_wait3A_745, %dma_wait3A_746, %dma_wait3A_747, %dma_wait3A_748] : memref<5x8x16x128xf32, #tpu.memory_space<vmem>> -> memref<1x1x16x128xf32, #tpu.memory_space<vmem>>
    %dma_wait3A_750 = tpu.memref_squeeze %dma_wait3A_749 : memref<1x1x16x128xf32, #tpu.memory_space<vmem>> -> memref<16x128xf32, #tpu.memory_space<vmem>>
    %dma_wait3A_751 = arith.constant 0 : i32
    %dma_wait3A_752 = arith.constant 0 : i32
    %dma_wait3A_753 = tpu.memref_slice %arg2[%dma_wait3A_751, %dma_wait3A_752] : memref<16x1000000xf32, #tpu.memory_space<hbm>> -> memref<16x128xf32, #tpu.memory_space<hbm>>
    %dma_wait3A_754 = arith.constant 0 : i32
    %dma_wait3A_755 = arith.constant 0 : i32
    %dma_wait3A_756 = tpu.memref_slice %arg6[%dma_wait3A_745, %dma_wait3A_746, %dma_wait3A_754, %dma_wait3A_755] : memref<5x8x16x128xf32, #tpu.memory_space<vmem>> -> memref<1x1x16x128xf32, #tpu.memory_space<vmem>>
    %dma_wait3A_757 = tpu.memref_squeeze %dma_wait3A_756 : memref<1x1x16x128xf32, #tpu.memory_space<vmem>> -> memref<16x128xf32, #tpu.memory_space<vmem>>
    %dma_wait3A_758 = arith.constant 0 : i32
    %dma_wait3A_759 = arith.constant 0 : i32
    %dma_wait3A_760 = tpu.memref_slice %arg2[%dma_wait3A_758, %dma_wait3A_759] : memref<16x1000000xf32, #tpu.memory_space<hbm>> -> memref<16x128xf32, #tpu.memory_space<hbm>>
    tpu.wait_dma2 semaphore(%arg8 : memref<!tpu.dma_semaphore, #tpu.memory_space<semaphore_mem>>) src(%dma_wait3A_760 : memref<16x128xf32, #tpu.memory_space<hbm>>) dst(%dma_wait3A_757 : memref<16x128xf32, #tpu.memory_space<vmem>>)
    %dma_wait3A_761 = arith.constant 0 : i32
    %dma_wait3A_762 = arith.constant 5 : i32
    %dma_wait3A_763 = arith.constant 0 : i32
    %dma_wait3A_764 = arith.constant 0 : i32
    %dma_wait3A_765 = tpu.memref_slice %arg6[%dma_wait3A_761, %dma_wait3A_762, %dma_wait3A_763, %dma_wait3A_764] : memref<5x8x16x128xf32, #tpu.memory_space<vmem>> -> memref<1x1x16x128xf32, #tpu.memory_space<vmem>>
    %dma_wait3A_766 = tpu.memref_squeeze %dma_wait3A_765 : memref<1x1x16x128xf32, #tpu.memory_space<vmem>> -> memref<16x128xf32, #tpu.memory_space<vmem>>
    %dma_wait3A_767 = arith.constant 0 : i32
    %dma_wait3A_768 = arith.constant 0 : i32
    %dma_wait3A_769 = tpu.memref_slice %arg2[%dma_wait3A_767, %dma_wait3A_768] : memref<16x1000000xf32, #tpu.memory_space<hbm>> -> memref<16x128xf32, #tpu.memory_space<hbm>>
    %dma_wait3A_770 = arith.constant 0 : i32
    %dma_wait3A_771 = arith.constant 0 : i32
    %dma_wait3A_772 = tpu.memref_slice %arg6[%dma_wait3A_761, %dma_wait3A_762, %dma_wait3A_770, %dma_wait3A_771] : memref<5x8x16x128xf32, #tpu.memory_space<vmem>> -> memref<1x1x16x128xf32, #tpu.memory_space<vmem>>
    %dma_wait3A_773 = tpu.memref_squeeze %dma_wait3A_772 : memref<1x1x16x128xf32, #tpu.memory_space<vmem>> -> memref<16x128xf32, #tpu.memory_space<vmem>>
    %dma_wait3A_774 = arith.constant 0 : i32
    %dma_wait3A_775 = arith.constant 0 : i32
    %dma_wait3A_776 = tpu.memref_slice %arg2[%dma_wait3A_774, %dma_wait3A_775] : memref<16x1000000xf32, #tpu.memory_space<hbm>> -> memref<16x128xf32, #tpu.memory_space<hbm>>
    tpu.wait_dma2 semaphore(%arg8 : memref<!tpu.dma_semaphore, #tpu.memory_space<semaphore_mem>>) src(%dma_wait3A_776 : memref<16x128xf32, #tpu.memory_space<hbm>>) dst(%dma_wait3A_773 : memref<16x128xf32, #tpu.memory_space<vmem>>)
    %dma_wait3A_777 = arith.constant 0 : i32
    %dma_wait3A_778 = arith.constant 6 : i32
    %dma_wait3A_779 = arith.constant 0 : i32
    %dma_wait3A_780 = arith.constant 0 : i32
    %dma_wait3A_781 = tpu.memref_slice %arg6[%dma_wait3A_777, %dma_wait3A_778, %dma_wait3A_779, %dma_wait3A_780] : memref<5x8x16x128xf32, #tpu.memory_space<vmem>> -> memref<1x1x16x128xf32, #tpu.memory_space<vmem>>
    %dma_wait3A_782 = tpu.memref_squeeze %dma_wait3A_781 : memref<1x1x16x128xf32, #tpu.memory_space<vmem>> -> memref<16x128xf32, #tpu.memory_space<vmem>>
    %dma_wait3A_783 = arith.constant 0 : i32
    %dma_wait3A_784 = arith.constant 0 : i32
    %dma_wait3A_785 = tpu.memref_slice %arg2[%dma_wait3A_783, %dma_wait3A_784] : memref<16x1000000xf32, #tpu.memory_space<hbm>> -> memref<16x128xf32, #tpu.memory_space<hbm>>
    %dma_wait3A_786 = arith.constant 0 : i32
    %dma_wait3A_787 = arith.constant 0 : i32
    %dma_wait3A_788 = tpu.memref_slice %arg6[%dma_wait3A_777, %dma_wait3A_778, %dma_wait3A_786, %dma_wait3A_787] : memref<5x8x16x128xf32, #tpu.memory_space<vmem>> -> memref<1x1x16x128xf32, #tpu.memory_space<vmem>>
    %dma_wait3A_789 = tpu.memref_squeeze %dma_wait3A_788 : memref<1x1x16x128xf32, #tpu.memory_space<vmem>> -> memref<16x128xf32, #tpu.memory_space<vmem>>
    %dma_wait3A_790 = arith.constant 0 : i32
    %dma_wait3A_791 = arith.constant 0 : i32
    %dma_wait3A_792 = tpu.memref_slice %arg2[%dma_wait3A_790, %dma_wait3A_791] : memref<16x1000000xf32, #tpu.memory_space<hbm>> -> memref<16x128xf32, #tpu.memory_space<hbm>>
    tpu.wait_dma2 semaphore(%arg8 : memref<!tpu.dma_semaphore, #tpu.memory_space<semaphore_mem>>) src(%dma_wait3A_792 : memref<16x128xf32, #tpu.memory_space<hbm>>) dst(%dma_wait3A_789 : memref<16x128xf32, #tpu.memory_space<vmem>>)
    %dma_wait3A_793 = arith.constant 0 : i32
    %dma_wait3A_794 = arith.constant 7 : i32
    %dma_wait3A_795 = arith.constant 0 : i32
    %dma_wait3A_796 = arith.constant 0 : i32
    %dma_wait3A_797 = tpu.memref_slice %arg6[%dma_wait3A_793, %dma_wait3A_794, %dma_wait3A_795, %dma_wait3A_796] : memref<5x8x16x128xf32, #tpu.memory_space<vmem>> -> memref<1x1x16x128xf32, #tpu.memory_space<vmem>>
    %dma_wait3A_798 = tpu.memref_squeeze %dma_wait3A_797 : memref<1x1x16x128xf32, #tpu.memory_space<vmem>> -> memref<16x128xf32, #tpu.memory_space<vmem>>
    %dma_wait3A_799 = arith.constant 0 : i32
    %dma_wait3A_800 = arith.constant 0 : i32
    %dma_wait3A_801 = tpu.memref_slice %arg2[%dma_wait3A_799, %dma_wait3A_800] : memref<16x1000000xf32, #tpu.memory_space<hbm>> -> memref<16x128xf32, #tpu.memory_space<hbm>>
    %dma_wait3A_802 = arith.constant 0 : i32
    %dma_wait3A_803 = arith.constant 0 : i32
    %dma_wait3A_804 = tpu.memref_slice %arg6[%dma_wait3A_793, %dma_wait3A_794, %dma_wait3A_802, %dma_wait3A_803] : memref<5x8x16x128xf32, #tpu.memory_space<vmem>> -> memref<1x1x16x128xf32, #tpu.memory_space<vmem>>
    %dma_wait3A_805 = tpu.memref_squeeze %dma_wait3A_804 : memref<1x1x16x128xf32, #tpu.memory_space<vmem>> -> memref<16x128xf32, #tpu.memory_space<vmem>>
    %dma_wait3A_806 = arith.constant 0 : i32
    %dma_wait3A_807 = arith.constant 0 : i32
    %dma_wait3A_808 = tpu.memref_slice %arg2[%dma_wait3A_806, %dma_wait3A_807] : memref<16x1000000xf32, #tpu.memory_space<hbm>> -> memref<16x128xf32, #tpu.memory_space<hbm>>
    tpu.wait_dma2 semaphore(%arg8 : memref<!tpu.dma_semaphore, #tpu.memory_space<semaphore_mem>>) src(%dma_wait3A_808 : memref<16x128xf32, #tpu.memory_space<hbm>>) dst(%dma_wait3A_805 : memref<16x128xf32, #tpu.memory_space<vmem>>)
    %get3A_809 = arith.constant 480 : index
    %get3A_810 = tpu.vector_load %arg5[%get3A_809] {strides = array<i32>} : memref<528xi32, #tpu.memory_space<vmem>>, vector<16xi32>,
    %broadcast_in_dim3A = arith.constant 0 : i32
    %broadcast_in_dim3A_811 = vector.broadcast %broadcast_in_dim3A : i32 to vector<16xi32>
    %slice3A_812 = vector.extract_strided_slice %get3A_810 {offsets = [0], sizes = [1], strides = [1]} : vector<16xi32> to vector<1xi32>
    %squeeze3A_813 = vector.extract %slice3A_812[0] : i32 from vector<1xi32>
    %and3A = arith.constant 127 : i32
    %and3A_814 = arith.andi %squeeze3A_813, %and3A : i32
    %broadcast_in_dim3A_815 = vector.broadcast %and3A_814 : i32 to vector<16xi32>
    %broadcast_in_dim3A_816 = arith.constant 480 : i32
    %broadcast_in_dim3A_817 = vector.broadcast %broadcast_in_dim3A_816 : i32 to vector<16xi32>
    %broadcast_in_dim3A_818 = arith.constant 0 : i32
    %broadcast_in_dim3A_819 = vector.broadcast %broadcast_in_dim3A_818 : i32 to vector<16xi32>
    %gather3A = tpu.vector_load_idx %arg6[%broadcast_in_dim3A_811, %broadcast_in_dim3A_819, %iota3A, %broadcast_in_dim3A_815] : memref<5x8x16x128xf32, #tpu.memory_space<vmem>>[vector<16xi32>, vector<16xi32>, vector<16xi32>, vector<16xi32>], vector<16xf32>,
    tpu.vector_store_idx %arg7[%iota3A, %broadcast_in_dim3A_817], %gather3A : memref<16x512xf32, #tpu.memory_space<vmem>>[vector<16xi32>, vector<16xi32>], vector<16xf32>,
    %slice3A_820 = vector.extract_strided_slice %get3A_810 {offsets = [1], sizes = [1], strides = [1]} : vector<16xi32> to vector<1xi32>
    %squeeze3A_821 = vector.extract %slice3A_820[0] : i32 from vector<1xi32>
    %and3A_822 = arith.constant 127 : i32
    %and3A_823 = arith.andi %squeeze3A_821, %and3A_822 : i32
    %broadcast_in_dim3A_824 = vector.broadcast %and3A_823 : i32 to vector<16xi32>
    %broadcast_in_dim3A_825 = arith.constant 481 : i32
    %broadcast_in_dim3A_826 = vector.broadcast %broadcast_in_dim3A_825 : i32 to vector<16xi32>
    %broadcast_in_dim3A_827 = arith.constant 1 : i32
    %broadcast_in_dim3A_828 = vector.broadcast %broadcast_in_dim3A_827 : i32 to vector<16xi32>
    %gather3A_829 = tpu.vector_load_idx %arg6[%broadcast_in_dim3A_811, %broadcast_in_dim3A_828, %iota3A, %broadcast_in_dim3A_824] : memref<5x8x16x128xf32, #tpu.memory_space<vmem>>[vector<16xi32>, vector<16xi32>, vector<16xi32>, vector<16xi32>], vector<16xf32>,
    tpu.vector_store_idx %arg7[%iota3A, %broadcast_in_dim3A_826], %gather3A_829 : memref<16x512xf32, #tpu.memory_space<vmem>>[vector<16xi32>, vector<16xi32>], vector<16xf32>,
    %slice3A_830 = vector.extract_strided_slice %get3A_810 {offsets = [2], sizes = [1], strides = [1]} : vector<16xi32> to vector<1xi32>
    %squeeze3A_831 = vector.extract %slice3A_830[0] : i32 from vector<1xi32>
    %and3A_832 = arith.constant 127 : i32
    %and3A_833 = arith.andi %squeeze3A_831, %and3A_832 : i32
    %broadcast_in_dim3A_834 = vector.broadcast %and3A_833 : i32 to vector<16xi32>
    %broadcast_in_dim3A_835 = arith.constant 482 : i32
    %broadcast_in_dim3A_836 = vector.broadcast %broadcast_in_dim3A_835 : i32 to vector<16xi32>
    %broadcast_in_dim3A_837 = arith.constant 2 : i32
    %broadcast_in_dim3A_838 = vector.broadcast %broadcast_in_dim3A_837 : i32 to vector<16xi32>
    %gather3A_839 = tpu.vector_load_idx %arg6[%broadcast_in_dim3A_811, %broadcast_in_dim3A_838, %iota3A, %broadcast_in_dim3A_834] : memref<5x8x16x128xf32, #tpu.memory_space<vmem>>[vector<16xi32>, vector<16xi32>, vector<16xi32>, vector<16xi32>], vector<16xf32>,
    tpu.vector_store_idx %arg7[%iota3A, %broadcast_in_dim3A_836], %gather3A_839 : memref<16x512xf32, #tpu.memory_space<vmem>>[vector<16xi32>, vector<16xi32>], vector<16xf32>,
    %slice3A_840 = vector.extract_strided_slice %get3A_810 {offsets = [3], sizes = [1], strides = [1]} : vector<16xi32> to vector<1xi32>
    %squeeze3A_841 = vector.extract %slice3A_840[0] : i32 from vector<1xi32>
    %and3A_842 = arith.constant 127 : i32
    %and3A_843 = arith.andi %squeeze3A_841, %and3A_842 : i32
    %broadcast_in_dim3A_844 = vector.broadcast %and3A_843 : i32 to vector<16xi32>
    %broadcast_in_dim3A_845 = arith.constant 483 : i32
    %broadcast_in_dim3A_846 = vector.broadcast %broadcast_in_dim3A_845 : i32 to vector<16xi32>
    %broadcast_in_dim3A_847 = arith.constant 3 : i32
    %broadcast_in_dim3A_848 = vector.broadcast %broadcast_in_dim3A_847 : i32 to vector<16xi32>
    %gather3A_849 = tpu.vector_load_idx %arg6[%broadcast_in_dim3A_811, %broadcast_in_dim3A_848, %iota3A, %broadcast_in_dim3A_844] : memref<5x8x16x128xf32, #tpu.memory_space<vmem>>[vector<16xi32>, vector<16xi32>, vector<16xi32>, vector<16xi32>], vector<16xf32>,
    tpu.vector_store_idx %arg7[%iota3A, %broadcast_in_dim3A_846], %gather3A_849 : memref<16x512xf32, #tpu.memory_space<vmem>>[vector<16xi32>, vector<16xi32>], vector<16xf32>,
    %slice3A_850 = vector.extract_strided_slice %get3A_810 {offsets = [4], sizes = [1], strides = [1]} : vector<16xi32> to vector<1xi32>
    %squeeze3A_851 = vector.extract %slice3A_850[0] : i32 from vector<1xi32>
    %and3A_852 = arith.constant 127 : i32
    %and3A_853 = arith.andi %squeeze3A_851, %and3A_852 : i32
    %broadcast_in_dim3A_854 = vector.broadcast %and3A_853 : i32 to vector<16xi32>
    %broadcast_in_dim3A_855 = arith.constant 484 : i32
    %broadcast_in_dim3A_856 = vector.broadcast %broadcast_in_dim3A_855 : i32 to vector<16xi32>
    %broadcast_in_dim3A_857 = arith.constant 4 : i32
    %broadcast_in_dim3A_858 = vector.broadcast %broadcast_in_dim3A_857 : i32 to vector<16xi32>
    %gather3A_859 = tpu.vector_load_idx %arg6[%broadcast_in_dim3A_811, %broadcast_in_dim3A_858, %iota3A, %broadcast_in_dim3A_854] : memref<5x8x16x128xf32, #tpu.memory_space<vmem>>[vector<16xi32>, vector<16xi32>, vector<16xi32>, vector<16xi32>], vector<16xf32>,
    tpu.vector_store_idx %arg7[%iota3A, %broadcast_in_dim3A_856], %gather3A_859 : memref<16x512xf32, #tpu.memory_space<vmem>>[vector<16xi32>, vector<16xi32>], vector<16xf32>,
    %slice3A_860 = vector.extract_strided_slice %get3A_810 {offsets = [5], sizes = [1], strides = [1]} : vector<16xi32> to vector<1xi32>
    %squeeze3A_861 = vector.extract %slice3A_860[0] : i32 from vector<1xi32>
    %and3A_862 = arith.constant 127 : i32
    %and3A_863 = arith.andi %squeeze3A_861, %and3A_862 : i32
    %broadcast_in_dim3A_864 = vector.broadcast %and3A_863 : i32 to vector<16xi32>
    %broadcast_in_dim3A_865 = arith.constant 485 : i32
    %broadcast_in_dim3A_866 = vector.broadcast %broadcast_in_dim3A_865 : i32 to vector<16xi32>
    %broadcast_in_dim3A_867 = arith.constant 5 : i32
    %broadcast_in_dim3A_868 = vector.broadcast %broadcast_in_dim3A_867 : i32 to vector<16xi32>
    %gather3A_869 = tpu.vector_load_idx %arg6[%broadcast_in_dim3A_811, %broadcast_in_dim3A_868, %iota3A, %broadcast_in_dim3A_864] : memref<5x8x16x128xf32, #tpu.memory_space<vmem>>[vector<16xi32>, vector<16xi32>, vector<16xi32>, vector<16xi32>], vector<16xf32>,
    tpu.vector_store_idx %arg7[%iota3A, %broadcast_in_dim3A_866], %gather3A_869 : memref<16x512xf32, #tpu.memory_space<vmem>>[vector<16xi32>, vector<16xi32>], vector<16xf32>,
    %slice3A_870 = vector.extract_strided_slice %get3A_810 {offsets = [6], sizes = [1], strides = [1]} : vector<16xi32> to vector<1xi32>
    %squeeze3A_871 = vector.extract %slice3A_870[0] : i32 from vector<1xi32>
    %and3A_872 = arith.constant 127 : i32
    %and3A_873 = arith.andi %squeeze3A_871, %and3A_872 : i32
    %broadcast_in_dim3A_874 = vector.broadcast %and3A_873 : i32 to vector<16xi32>
    %broadcast_in_dim3A_875 = arith.constant 486 : i32
    %broadcast_in_dim3A_876 = vector.broadcast %broadcast_in_dim3A_875 : i32 to vector<16xi32>
    %broadcast_in_dim3A_877 = arith.constant 6 : i32
    %broadcast_in_dim3A_878 = vector.broadcast %broadcast_in_dim3A_877 : i32 to vector<16xi32>
    %gather3A_879 = tpu.vector_load_idx %arg6[%broadcast_in_dim3A_811, %broadcast_in_dim3A_878, %iota3A, %broadcast_in_dim3A_874] : memref<5x8x16x128xf32, #tpu.memory_space<vmem>>[vector<16xi32>, vector<16xi32>, vector<16xi32>, vector<16xi32>], vector<16xf32>,
    tpu.vector_store_idx %arg7[%iota3A, %broadcast_in_dim3A_876], %gather3A_879 : memref<16x512xf32, #tpu.memory_space<vmem>>[vector<16xi32>, vector<16xi32>], vector<16xf32>,
    %slice3A_880 = vector.extract_strided_slice %get3A_810 {offsets = [7], sizes = [1], strides = [1]} : vector<16xi32> to vector<1xi32>
    %squeeze3A_881 = vector.extract %slice3A_880[0] : i32 from vector<1xi32>
    %and3A_882 = arith.constant 127 : i32
    %and3A_883 = arith.andi %squeeze3A_881, %and3A_882 : i32
    %broadcast_in_dim3A_884 = vector.broadcast %and3A_883 : i32 to vector<16xi32>
    %broadcast_in_dim3A_885 = arith.constant 487 : i32
    %broadcast_in_dim3A_886 = vector.broadcast %broadcast_in_dim3A_885 : i32 to vector<16xi32>
    %broadcast_in_dim3A_887 = arith.constant 7 : i32
    %broadcast_in_dim3A_888 = vector.broadcast %broadcast_in_dim3A_887 : i32 to vector<16xi32>
    %gather3A_889 = tpu.vector_load_idx %arg6[%broadcast_in_dim3A_811, %broadcast_in_dim3A_888, %iota3A, %broadcast_in_dim3A_884] : memref<5x8x16x128xf32, #tpu.memory_space<vmem>>[vector<16xi32>, vector<16xi32>, vector<16xi32>, vector<16xi32>], vector<16xf32>,
    tpu.vector_store_idx %arg7[%iota3A, %broadcast_in_dim3A_886], %gather3A_889 : memref<16x512xf32, #tpu.memory_space<vmem>>[vector<16xi32>, vector<16xi32>], vector<16xf32>,
    %dma_wait3A_890 = arith.constant 1 : i32
    %dma_wait3A_891 = arith.constant 0 : i32
    %dma_wait3A_892 = arith.constant 0 : i32
    %dma_wait3A_893 = arith.constant 0 : i32
    %dma_wait3A_894 = tpu.memref_slice %arg6[%dma_wait3A_890, %dma_wait3A_891, %dma_wait3A_892, %dma_wait3A_893] : memref<5x8x16x128xf32, #tpu.memory_space<vmem>> -> memref<1x1x16x128xf32, #tpu.memory_space<vmem>>
    %dma_wait3A_895 = tpu.memref_squeeze %dma_wait3A_894 : memref<1x1x16x128xf32, #tpu.memory_space<vmem>> -> memref<16x128xf32, #tpu.memory_space<vmem>>
    %dma_wait3A_896 = arith.constant 0 : i32
    %dma_wait3A_897 = arith.constant 0 : i32
    %dma_wait3A_898 = tpu.memref_slice %arg2[%dma_wait3A_896, %dma_wait3A_897] : memref<16x1000000xf32, #tpu.memory_space<hbm>> -> memref<16x128xf32, #tpu.memory_space<hbm>>
    %dma_wait3A_899 = arith.constant 0 : i32
    %dma_wait3A_900 = arith.constant 0 : i32
    %dma_wait3A_901 = tpu.memref_slice %arg6[%dma_wait3A_890, %dma_wait3A_891, %dma_wait3A_899, %dma_wait3A_900] : memref<5x8x16x128xf32, #tpu.memory_space<vmem>> -> memref<1x1x16x128xf32, #tpu.memory_space<vmem>>
    %dma_wait3A_902 = tpu.memref_squeeze %dma_wait3A_901 : memref<1x1x16x128xf32, #tpu.memory_space<vmem>> -> memref<16x128xf32, #tpu.memory_space<vmem>>
    %dma_wait3A_903 = arith.constant 0 : i32
    %dma_wait3A_904 = arith.constant 0 : i32
    %dma_wait3A_905 = tpu.memref_slice %arg2[%dma_wait3A_903, %dma_wait3A_904] : memref<16x1000000xf32, #tpu.memory_space<hbm>> -> memref<16x128xf32, #tpu.memory_space<hbm>>
    tpu.wait_dma2 semaphore(%arg9 : memref<!tpu.dma_semaphore, #tpu.memory_space<semaphore_mem>>) src(%dma_wait3A_905 : memref<16x128xf32, #tpu.memory_space<hbm>>) dst(%dma_wait3A_902 : memref<16x128xf32, #tpu.memory_space<vmem>>)
    %dma_wait3A_906 = arith.constant 1 : i32
    %dma_wait3A_907 = arith.constant 1 : i32
    %dma_wait3A_908 = arith.constant 0 : i32
    %dma_wait3A_909 = arith.constant 0 : i32
    %dma_wait3A_910 = tpu.memref_slice %arg6[%dma_wait3A_906, %dma_wait3A_907, %dma_wait3A_908, %dma_wait3A_909] : memref<5x8x16x128xf32, #tpu.memory_space<vmem>> -> memref<1x1x16x128xf32, #tpu.memory_space<vmem>>
    %dma_wait3A_911 = tpu.memref_squeeze %dma_wait3A_910 : memref<1x1x16x128xf32, #tpu.memory_space<vmem>> -> memref<16x128xf32, #tpu.memory_space<vmem>>
    %dma_wait3A_912 = arith.constant 0 : i32
    %dma_wait3A_913 = arith.constant 0 : i32
    %dma_wait3A_914 = tpu.memref_slice %arg2[%dma_wait3A_912, %dma_wait3A_913] : memref<16x1000000xf32, #tpu.memory_space<hbm>> -> memref<16x128xf32, #tpu.memory_space<hbm>>
    %dma_wait3A_915 = arith.constant 0 : i32
    %dma_wait3A_916 = arith.constant 0 : i32
    %dma_wait3A_917 = tpu.memref_slice %arg6[%dma_wait3A_906, %dma_wait3A_907, %dma_wait3A_915, %dma_wait3A_916] : memref<5x8x16x128xf32, #tpu.memory_space<vmem>> -> memref<1x1x16x128xf32, #tpu.memory_space<vmem>>
    %dma_wait3A_918 = tpu.memref_squeeze %dma_wait3A_917 : memref<1x1x16x128xf32, #tpu.memory_space<vmem>> -> memref<16x128xf32, #tpu.memory_space<vmem>>
    %dma_wait3A_919 = arith.constant 0 : i32
    %dma_wait3A_920 = arith.constant 0 : i32
    %dma_wait3A_921 = tpu.memref_slice %arg2[%dma_wait3A_919, %dma_wait3A_920] : memref<16x1000000xf32, #tpu.memory_space<hbm>> -> memref<16x128xf32, #tpu.memory_space<hbm>>
    tpu.wait_dma2 semaphore(%arg9 : memref<!tpu.dma_semaphore, #tpu.memory_space<semaphore_mem>>) src(%dma_wait3A_921 : memref<16x128xf32, #tpu.memory_space<hbm>>) dst(%dma_wait3A_918 : memref<16x128xf32, #tpu.memory_space<vmem>>)
    %dma_wait3A_922 = arith.constant 1 : i32
    %dma_wait3A_923 = arith.constant 2 : i32
    %dma_wait3A_924 = arith.constant 0 : i32
    %dma_wait3A_925 = arith.constant 0 : i32
    %dma_wait3A_926 = tpu.memref_slice %arg6[%dma_wait3A_922, %dma_wait3A_923, %dma_wait3A_924, %dma_wait3A_925] : memref<5x8x16x128xf32, #tpu.memory_space<vmem>> -> memref<1x1x16x128xf32, #tpu.memory_space<vmem>>
    %dma_wait3A_927 = tpu.memref_squeeze %dma_wait3A_926 : memref<1x1x16x128xf32, #tpu.memory_space<vmem>> -> memref<16x128xf32, #tpu.memory_space<vmem>>
    %dma_wait3A_928 = arith.constant 0 : i32
    %dma_wait3A_929 = arith.constant 0 : i32
    %dma_wait3A_930 = tpu.memref_slice %arg2[%dma_wait3A_928, %dma_wait3A_929] : memref<16x1000000xf32, #tpu.memory_space<hbm>> -> memref<16x128xf32, #tpu.memory_space<hbm>>
    %dma_wait3A_931 = arith.constant 0 : i32
    %dma_wait3A_932 = arith.constant 0 : i32
    %dma_wait3A_933 = tpu.memref_slice %arg6[%dma_wait3A_922, %dma_wait3A_923, %dma_wait3A_931, %dma_wait3A_932] : memref<5x8x16x128xf32, #tpu.memory_space<vmem>> -> memref<1x1x16x128xf32, #tpu.memory_space<vmem>>
    %dma_wait3A_934 = tpu.memref_squeeze %dma_wait3A_933 : memref<1x1x16x128xf32, #tpu.memory_space<vmem>> -> memref<16x128xf32, #tpu.memory_space<vmem>>
    %dma_wait3A_935 = arith.constant 0 : i32
    %dma_wait3A_936 = arith.constant 0 : i32
    %dma_wait3A_937 = tpu.memref_slice %arg2[%dma_wait3A_935, %dma_wait3A_936] : memref<16x1000000xf32, #tpu.memory_space<hbm>> -> memref<16x128xf32, #tpu.memory_space<hbm>>
    tpu.wait_dma2 semaphore(%arg9 : memref<!tpu.dma_semaphore, #tpu.memory_space<semaphore_mem>>) src(%dma_wait3A_937 : memref<16x128xf32, #tpu.memory_space<hbm>>) dst(%dma_wait3A_934 : memref<16x128xf32, #tpu.memory_space<vmem>>)
    %dma_wait3A_938 = arith.constant 1 : i32
    %dma_wait3A_939 = arith.constant 3 : i32
    %dma_wait3A_940 = arith.constant 0 : i32
    %dma_wait3A_941 = arith.constant 0 : i32
    %dma_wait3A_942 = tpu.memref_slice %arg6[%dma_wait3A_938, %dma_wait3A_939, %dma_wait3A_940, %dma_wait3A_941] : memref<5x8x16x128xf32, #tpu.memory_space<vmem>> -> memref<1x1x16x128xf32, #tpu.memory_space<vmem>>
    %dma_wait3A_943 = tpu.memref_squeeze %dma_wait3A_942 : memref<1x1x16x128xf32, #tpu.memory_space<vmem>> -> memref<16x128xf32, #tpu.memory_space<vmem>>
    %dma_wait3A_944 = arith.constant 0 : i32
    %dma_wait3A_945 = arith.constant 0 : i32
    %dma_wait3A_946 = tpu.memref_slice %arg2[%dma_wait3A_944, %dma_wait3A_945] : memref<16x1000000xf32, #tpu.memory_space<hbm>> -> memref<16x128xf32, #tpu.memory_space<hbm>>
    %dma_wait3A_947 = arith.constant 0 : i32
    %dma_wait3A_948 = arith.constant 0 : i32
    %dma_wait3A_949 = tpu.memref_slice %arg6[%dma_wait3A_938, %dma_wait3A_939, %dma_wait3A_947, %dma_wait3A_948] : memref<5x8x16x128xf32, #tpu.memory_space<vmem>> -> memref<1x1x16x128xf32, #tpu.memory_space<vmem>>
    %dma_wait3A_950 = tpu.memref_squeeze %dma_wait3A_949 : memref<1x1x16x128xf32, #tpu.memory_space<vmem>> -> memref<16x128xf32, #tpu.memory_space<vmem>>
    %dma_wait3A_951 = arith.constant 0 : i32
    %dma_wait3A_952 = arith.constant 0 : i32
    %dma_wait3A_953 = tpu.memref_slice %arg2[%dma_wait3A_951, %dma_wait3A_952] : memref<16x1000000xf32, #tpu.memory_space<hbm>> -> memref<16x128xf32, #tpu.memory_space<hbm>>
    tpu.wait_dma2 semaphore(%arg9 : memref<!tpu.dma_semaphore, #tpu.memory_space<semaphore_mem>>) src(%dma_wait3A_953 : memref<16x128xf32, #tpu.memory_space<hbm>>) dst(%dma_wait3A_950 : memref<16x128xf32, #tpu.memory_space<vmem>>)
    %dma_wait3A_954 = arith.constant 1 : i32
    %dma_wait3A_955 = arith.constant 4 : i32
    %dma_wait3A_956 = arith.constant 0 : i32
    %dma_wait3A_957 = arith.constant 0 : i32
    %dma_wait3A_958 = tpu.memref_slice %arg6[%dma_wait3A_954, %dma_wait3A_955, %dma_wait3A_956, %dma_wait3A_957] : memref<5x8x16x128xf32, #tpu.memory_space<vmem>> -> memref<1x1x16x128xf32, #tpu.memory_space<vmem>>
    %dma_wait3A_959 = tpu.memref_squeeze %dma_wait3A_958 : memref<1x1x16x128xf32, #tpu.memory_space<vmem>> -> memref<16x128xf32, #tpu.memory_space<vmem>>
    %dma_wait3A_960 = arith.constant 0 : i32
    %dma_wait3A_961 = arith.constant 0 : i32
    %dma_wait3A_962 = tpu.memref_slice %arg2[%dma_wait3A_960, %dma_wait3A_961] : memref<16x1000000xf32, #tpu.memory_space<hbm>> -> memref<16x128xf32, #tpu.memory_space<hbm>>
    %dma_wait3A_963 = arith.constant 0 : i32
    %dma_wait3A_964 = arith.constant 0 : i32
    %dma_wait3A_965 = tpu.memref_slice %arg6[%dma_wait3A_954, %dma_wait3A_955, %dma_wait3A_963, %dma_wait3A_964] : memref<5x8x16x128xf32, #tpu.memory_space<vmem>> -> memref<1x1x16x128xf32, #tpu.memory_space<vmem>>
    %dma_wait3A_966 = tpu.memref_squeeze %dma_wait3A_965 : memref<1x1x16x128xf32, #tpu.memory_space<vmem>> -> memref<16x128xf32, #tpu.memory_space<vmem>>
    %dma_wait3A_967 = arith.constant 0 : i32
    %dma_wait3A_968 = arith.constant 0 : i32
    %dma_wait3A_969 = tpu.memref_slice %arg2[%dma_wait3A_967, %dma_wait3A_968] : memref<16x1000000xf32, #tpu.memory_space<hbm>> -> memref<16x128xf32, #tpu.memory_space<hbm>>
    tpu.wait_dma2 semaphore(%arg9 : memref<!tpu.dma_semaphore, #tpu.memory_space<semaphore_mem>>) src(%dma_wait3A_969 : memref<16x128xf32, #tpu.memory_space<hbm>>) dst(%dma_wait3A_966 : memref<16x128xf32, #tpu.memory_space<vmem>>)
    %dma_wait3A_970 = arith.constant 1 : i32
    %dma_wait3A_971 = arith.constant 5 : i32
    %dma_wait3A_972 = arith.constant 0 : i32
    %dma_wait3A_973 = arith.constant 0 : i32
    %dma_wait3A_974 = tpu.memref_slice %arg6[%dma_wait3A_970, %dma_wait3A_971, %dma_wait3A_972, %dma_wait3A_973] : memref<5x8x16x128xf32, #tpu.memory_space<vmem>> -> memref<1x1x16x128xf32, #tpu.memory_space<vmem>>
    %dma_wait3A_975 = tpu.memref_squeeze %dma_wait3A_974 : memref<1x1x16x128xf32, #tpu.memory_space<vmem>> -> memref<16x128xf32, #tpu.memory_space<vmem>>
    %dma_wait3A_976 = arith.constant 0 : i32
    %dma_wait3A_977 = arith.constant 0 : i32
    %dma_wait3A_978 = tpu.memref_slice %arg2[%dma_wait3A_976, %dma_wait3A_977] : memref<16x1000000xf32, #tpu.memory_space<hbm>> -> memref<16x128xf32, #tpu.memory_space<hbm>>
    %dma_wait3A_979 = arith.constant 0 : i32
    %dma_wait3A_980 = arith.constant 0 : i32
    %dma_wait3A_981 = tpu.memref_slice %arg6[%dma_wait3A_970, %dma_wait3A_971, %dma_wait3A_979, %dma_wait3A_980] : memref<5x8x16x128xf32, #tpu.memory_space<vmem>> -> memref<1x1x16x128xf32, #tpu.memory_space<vmem>>
    %dma_wait3A_982 = tpu.memref_squeeze %dma_wait3A_981 : memref<1x1x16x128xf32, #tpu.memory_space<vmem>> -> memref<16x128xf32, #tpu.memory_space<vmem>>
    %dma_wait3A_983 = arith.constant 0 : i32
    %dma_wait3A_984 = arith.constant 0 : i32
    %dma_wait3A_985 = tpu.memref_slice %arg2[%dma_wait3A_983, %dma_wait3A_984] : memref<16x1000000xf32, #tpu.memory_space<hbm>> -> memref<16x128xf32, #tpu.memory_space<hbm>>
    tpu.wait_dma2 semaphore(%arg9 : memref<!tpu.dma_semaphore, #tpu.memory_space<semaphore_mem>>) src(%dma_wait3A_985 : memref<16x128xf32, #tpu.memory_space<hbm>>) dst(%dma_wait3A_982 : memref<16x128xf32, #tpu.memory_space<vmem>>)
    %dma_wait3A_986 = arith.constant 1 : i32
    %dma_wait3A_987 = arith.constant 6 : i32
    %dma_wait3A_988 = arith.constant 0 : i32
    %dma_wait3A_989 = arith.constant 0 : i32
    %dma_wait3A_990 = tpu.memref_slice %arg6[%dma_wait3A_986, %dma_wait3A_987, %dma_wait3A_988, %dma_wait3A_989] : memref<5x8x16x128xf32, #tpu.memory_space<vmem>> -> memref<1x1x16x128xf32, #tpu.memory_space<vmem>>
    %dma_wait3A_991 = tpu.memref_squeeze %dma_wait3A_990 : memref<1x1x16x128xf32, #tpu.memory_space<vmem>> -> memref<16x128xf32, #tpu.memory_space<vmem>>
    %dma_wait3A_992 = arith.constant 0 : i32
    %dma_wait3A_993 = arith.constant 0 : i32
    %dma_wait3A_994 = tpu.memref_slice %arg2[%dma_wait3A_992, %dma_wait3A_993] : memref<16x1000000xf32, #tpu.memory_space<hbm>> -> memref<16x128xf32, #tpu.memory_space<hbm>>
    %dma_wait3A_995 = arith.constant 0 : i32
    %dma_wait3A_996 = arith.constant 0 : i32
    %dma_wait3A_997 = tpu.memref_slice %arg6[%dma_wait3A_986, %dma_wait3A_987, %dma_wait3A_995, %dma_wait3A_996] : memref<5x8x16x128xf32, #tpu.memory_space<vmem>> -> memref<1x1x16x128xf32, #tpu.memory_space<vmem>>
    %dma_wait3A_998 = tpu.memref_squeeze %dma_wait3A_997 : memref<1x1x16x128xf32, #tpu.memory_space<vmem>> -> memref<16x128xf32, #tpu.memory_space<vmem>>
    %dma_wait3A_999 = arith.constant 0 : i32
    %dma_wait3A_1000 = arith.constant 0 : i32
    %dma_wait3A_1001 = tpu.memref_slice %arg2[%dma_wait3A_999, %dma_wait3A_1000] : memref<16x1000000xf32, #tpu.memory_space<hbm>> -> memref<16x128xf32, #tpu.memory_space<hbm>>
    tpu.wait_dma2 semaphore(%arg9 : memref<!tpu.dma_semaphore, #tpu.memory_space<semaphore_mem>>) src(%dma_wait3A_1001 : memref<16x128xf32, #tpu.memory_space<hbm>>) dst(%dma_wait3A_998 : memref<16x128xf32, #tpu.memory_space<vmem>>)
    %dma_wait3A_1002 = arith.constant 1 : i32
    %dma_wait3A_1003 = arith.constant 7 : i32
    %dma_wait3A_1004 = arith.constant 0 : i32
    %dma_wait3A_1005 = arith.constant 0 : i32
    %dma_wait3A_1006 = tpu.memref_slice %arg6[%dma_wait3A_1002, %dma_wait3A_1003, %dma_wait3A_1004, %dma_wait3A_1005] : memref<5x8x16x128xf32, #tpu.memory_space<vmem>> -> memref<1x1x16x128xf32, #tpu.memory_space<vmem>>
    %dma_wait3A_1007 = tpu.memref_squeeze %dma_wait3A_1006 : memref<1x1x16x128xf32, #tpu.memory_space<vmem>> -> memref<16x128xf32, #tpu.memory_space<vmem>>
    %dma_wait3A_1008 = arith.constant 0 : i32
    %dma_wait3A_1009 = arith.constant 0 : i32
    %dma_wait3A_1010 = tpu.memref_slice %arg2[%dma_wait3A_1008, %dma_wait3A_1009] : memref<16x1000000xf32, #tpu.memory_space<hbm>> -> memref<16x128xf32, #tpu.memory_space<hbm>>
    %dma_wait3A_1011 = arith.constant 0 : i32
    %dma_wait3A_1012 = arith.constant 0 : i32
    %dma_wait3A_1013 = tpu.memref_slice %arg6[%dma_wait3A_1002, %dma_wait3A_1003, %dma_wait3A_1011, %dma_wait3A_1012] : memref<5x8x16x128xf32, #tpu.memory_space<vmem>> -> memref<1x1x16x128xf32, #tpu.memory_space<vmem>>
    %dma_wait3A_1014 = tpu.memref_squeeze %dma_wait3A_1013 : memref<1x1x16x128xf32, #tpu.memory_space<vmem>> -> memref<16x128xf32, #tpu.memory_space<vmem>>
    %dma_wait3A_1015 = arith.constant 0 : i32
    %dma_wait3A_1016 = arith.constant 0 : i32
    %dma_wait3A_1017 = tpu.memref_slice %arg2[%dma_wait3A_1015, %dma_wait3A_1016] : memref<16x1000000xf32, #tpu.memory_space<hbm>> -> memref<16x128xf32, #tpu.memory_space<hbm>>
    tpu.wait_dma2 semaphore(%arg9 : memref<!tpu.dma_semaphore, #tpu.memory_space<semaphore_mem>>) src(%dma_wait3A_1017 : memref<16x128xf32, #tpu.memory_space<hbm>>) dst(%dma_wait3A_1014 : memref<16x128xf32, #tpu.memory_space<vmem>>)
    %get3A_1018 = arith.constant 488 : index
    %get3A_1019 = tpu.vector_load %arg5[%get3A_1018] {strides = array<i32>} : memref<528xi32, #tpu.memory_space<vmem>>, vector<16xi32>,
    %broadcast_in_dim3A_1020 = arith.constant 1 : i32
    %broadcast_in_dim3A_1021 = vector.broadcast %broadcast_in_dim3A_1020 : i32 to vector<16xi32>
    %slice3A_1022 = vector.extract_strided_slice %get3A_1019 {offsets = [0], sizes = [1], strides = [1]} : vector<16xi32> to vector<1xi32>
    %squeeze3A_1023 = vector.extract %slice3A_1022[0] : i32 from vector<1xi32>
    %and3A_1024 = arith.constant 127 : i32
    %and3A_1025 = arith.andi %squeeze3A_1023, %and3A_1024 : i32
    %broadcast_in_dim3A_1026 = vector.broadcast %and3A_1025 : i32 to vector<16xi32>
    %broadcast_in_dim3A_1027 = arith.constant 488 : i32
    %broadcast_in_dim3A_1028 = vector.broadcast %broadcast_in_dim3A_1027 : i32 to vector<16xi32>
    %broadcast_in_dim3A_1029 = arith.constant 0 : i32
    %broadcast_in_dim3A_1030 = vector.broadcast %broadcast_in_dim3A_1029 : i32 to vector<16xi32>
    %gather3A_1031 = tpu.vector_load_idx %arg6[%broadcast_in_dim3A_1021, %broadcast_in_dim3A_1030, %iota3A, %broadcast_in_dim3A_1026] : memref<5x8x16x128xf32, #tpu.memory_space<vmem>>[vector<16xi32>, vector<16xi32>, vector<16xi32>, vector<16xi32>], vector<16xf32>,
    tpu.vector_store_idx %arg7[%iota3A, %broadcast_in_dim3A_1028], %gather3A_1031 : memref<16x512xf32, #tpu.memory_space<vmem>>[vector<16xi32>, vector<16xi32>], vector<16xf32>,
    %slice3A_1032 = vector.extract_strided_slice %get3A_1019 {offsets = [1], sizes = [1], strides = [1]} : vector<16xi32> to vector<1xi32>
    %squeeze3A_1033 = vector.extract %slice3A_1032[0] : i32 from vector<1xi32>
    %and3A_1034 = arith.constant 127 : i32
    %and3A_1035 = arith.andi %squeeze3A_1033, %and3A_1034 : i32
    %broadcast_in_dim3A_1036 = vector.broadcast %and3A_1035 : i32 to vector<16xi32>
    %broadcast_in_dim3A_1037 = arith.constant 489 : i32
    %broadcast_in_dim3A_1038 = vector.broadcast %broadcast_in_dim3A_1037 : i32 to vector<16xi32>
    %broadcast_in_dim3A_1039 = arith.constant 1 : i32
    %broadcast_in_dim3A_1040 = vector.broadcast %broadcast_in_dim3A_1039 : i32 to vector<16xi32>
    %gather3A_1041 = tpu.vector_load_idx %arg6[%broadcast_in_dim3A_1021, %broadcast_in_dim3A_1040, %iota3A, %broadcast_in_dim3A_1036] : memref<5x8x16x128xf32, #tpu.memory_space<vmem>>[vector<16xi32>, vector<16xi32>, vector<16xi32>, vector<16xi32>], vector<16xf32>,
    tpu.vector_store_idx %arg7[%iota3A, %broadcast_in_dim3A_1038], %gather3A_1041 : memref<16x512xf32, #tpu.memory_space<vmem>>[vector<16xi32>, vector<16xi32>], vector<16xf32>,
    %slice3A_1042 = vector.extract_strided_slice %get3A_1019 {offsets = [2], sizes = [1], strides = [1]} : vector<16xi32> to vector<1xi32>
    %squeeze3A_1043 = vector.extract %slice3A_1042[0] : i32 from vector<1xi32>
    %and3A_1044 = arith.constant 127 : i32
    %and3A_1045 = arith.andi %squeeze3A_1043, %and3A_1044 : i32
    %broadcast_in_dim3A_1046 = vector.broadcast %and3A_1045 : i32 to vector<16xi32>
    %broadcast_in_dim3A_1047 = arith.constant 490 : i32
    %broadcast_in_dim3A_1048 = vector.broadcast %broadcast_in_dim3A_1047 : i32 to vector<16xi32>
    %broadcast_in_dim3A_1049 = arith.constant 2 : i32
    %broadcast_in_dim3A_1050 = vector.broadcast %broadcast_in_dim3A_1049 : i32 to vector<16xi32>
    %gather3A_1051 = tpu.vector_load_idx %arg6[%broadcast_in_dim3A_1021, %broadcast_in_dim3A_1050, %iota3A, %broadcast_in_dim3A_1046] : memref<5x8x16x128xf32, #tpu.memory_space<vmem>>[vector<16xi32>, vector<16xi32>, vector<16xi32>, vector<16xi32>], vector<16xf32>,
    tpu.vector_store_idx %arg7[%iota3A, %broadcast_in_dim3A_1048], %gather3A_1051 : memref<16x512xf32, #tpu.memory_space<vmem>>[vector<16xi32>, vector<16xi32>], vector<16xf32>,
    %slice3A_1052 = vector.extract_strided_slice %get3A_1019 {offsets = [3], sizes = [1], strides = [1]} : vector<16xi32> to vector<1xi32>
    %squeeze3A_1053 = vector.extract %slice3A_1052[0] : i32 from vector<1xi32>
    %and3A_1054 = arith.constant 127 : i32
    %and3A_1055 = arith.andi %squeeze3A_1053, %and3A_1054 : i32
    %broadcast_in_dim3A_1056 = vector.broadcast %and3A_1055 : i32 to vector<16xi32>
    %broadcast_in_dim3A_1057 = arith.constant 491 : i32
    %broadcast_in_dim3A_1058 = vector.broadcast %broadcast_in_dim3A_1057 : i32 to vector<16xi32>
    %broadcast_in_dim3A_1059 = arith.constant 3 : i32
    %broadcast_in_dim3A_1060 = vector.broadcast %broadcast_in_dim3A_1059 : i32 to vector<16xi32>
    %gather3A_1061 = tpu.vector_load_idx %arg6[%broadcast_in_dim3A_1021, %broadcast_in_dim3A_1060, %iota3A, %broadcast_in_dim3A_1056] : memref<5x8x16x128xf32, #tpu.memory_space<vmem>>[vector<16xi32>, vector<16xi32>, vector<16xi32>, vector<16xi32>], vector<16xf32>,
    tpu.vector_store_idx %arg7[%iota3A, %broadcast_in_dim3A_1058], %gather3A_1061 : memref<16x512xf32, #tpu.memory_space<vmem>>[vector<16xi32>, vector<16xi32>], vector<16xf32>,
    %slice3A_1062 = vector.extract_strided_slice %get3A_1019 {offsets = [4], sizes = [1], strides = [1]} : vector<16xi32> to vector<1xi32>
    %squeeze3A_1063 = vector.extract %slice3A_1062[0] : i32 from vector<1xi32>
    %and3A_1064 = arith.constant 127 : i32
    %and3A_1065 = arith.andi %squeeze3A_1063, %and3A_1064 : i32
    %broadcast_in_dim3A_1066 = vector.broadcast %and3A_1065 : i32 to vector<16xi32>
    %broadcast_in_dim3A_1067 = arith.constant 492 : i32
    %broadcast_in_dim3A_1068 = vector.broadcast %broadcast_in_dim3A_1067 : i32 to vector<16xi32>
    %broadcast_in_dim3A_1069 = arith.constant 4 : i32
    %broadcast_in_dim3A_1070 = vector.broadcast %broadcast_in_dim3A_1069 : i32 to vector<16xi32>
    %gather3A_1071 = tpu.vector_load_idx %arg6[%broadcast_in_dim3A_1021, %broadcast_in_dim3A_1070, %iota3A, %broadcast_in_dim3A_1066] : memref<5x8x16x128xf32, #tpu.memory_space<vmem>>[vector<16xi32>, vector<16xi32>, vector<16xi32>, vector<16xi32>], vector<16xf32>,
    tpu.vector_store_idx %arg7[%iota3A, %broadcast_in_dim3A_1068], %gather3A_1071 : memref<16x512xf32, #tpu.memory_space<vmem>>[vector<16xi32>, vector<16xi32>], vector<16xf32>,
    %slice3A_1072 = vector.extract_strided_slice %get3A_1019 {offsets = [5], sizes = [1], strides = [1]} : vector<16xi32> to vector<1xi32>
    %squeeze3A_1073 = vector.extract %slice3A_1072[0] : i32 from vector<1xi32>
    %and3A_1074 = arith.constant 127 : i32
    %and3A_1075 = arith.andi %squeeze3A_1073, %and3A_1074 : i32
    %broadcast_in_dim3A_1076 = vector.broadcast %and3A_1075 : i32 to vector<16xi32>
    %broadcast_in_dim3A_1077 = arith.constant 493 : i32
    %broadcast_in_dim3A_1078 = vector.broadcast %broadcast_in_dim3A_1077 : i32 to vector<16xi32>
    %broadcast_in_dim3A_1079 = arith.constant 5 : i32
    %broadcast_in_dim3A_1080 = vector.broadcast %broadcast_in_dim3A_1079 : i32 to vector<16xi32>
    %gather3A_1081 = tpu.vector_load_idx %arg6[%broadcast_in_dim3A_1021, %broadcast_in_dim3A_1080, %iota3A, %broadcast_in_dim3A_1076] : memref<5x8x16x128xf32, #tpu.memory_space<vmem>>[vector<16xi32>, vector<16xi32>, vector<16xi32>, vector<16xi32>], vector<16xf32>,
    tpu.vector_store_idx %arg7[%iota3A, %broadcast_in_dim3A_1078], %gather3A_1081 : memref<16x512xf32, #tpu.memory_space<vmem>>[vector<16xi32>, vector<16xi32>], vector<16xf32>,
    %slice3A_1082 = vector.extract_strided_slice %get3A_1019 {offsets = [6], sizes = [1], strides = [1]} : vector<16xi32> to vector<1xi32>
    %squeeze3A_1083 = vector.extract %slice3A_1082[0] : i32 from vector<1xi32>
    %and3A_1084 = arith.constant 127 : i32
    %and3A_1085 = arith.andi %squeeze3A_1083, %and3A_1084 : i32
    %broadcast_in_dim3A_1086 = vector.broadcast %and3A_1085 : i32 to vector<16xi32>
    %broadcast_in_dim3A_1087 = arith.constant 494 : i32
    %broadcast_in_dim3A_1088 = vector.broadcast %broadcast_in_dim3A_1087 : i32 to vector<16xi32>
    %broadcast_in_dim3A_1089 = arith.constant 6 : i32
    %broadcast_in_dim3A_1090 = vector.broadcast %broadcast_in_dim3A_1089 : i32 to vector<16xi32>
    %gather3A_1091 = tpu.vector_load_idx %arg6[%broadcast_in_dim3A_1021, %broadcast_in_dim3A_1090, %iota3A, %broadcast_in_dim3A_1086] : memref<5x8x16x128xf32, #tpu.memory_space<vmem>>[vector<16xi32>, vector<16xi32>, vector<16xi32>, vector<16xi32>], vector<16xf32>,
    tpu.vector_store_idx %arg7[%iota3A, %broadcast_in_dim3A_1088], %gather3A_1091 : memref<16x512xf32, #tpu.memory_space<vmem>>[vector<16xi32>, vector<16xi32>], vector<16xf32>,
    %slice3A_1092 = vector.extract_strided_slice %get3A_1019 {offsets = [7], sizes = [1], strides = [1]} : vector<16xi32> to vector<1xi32>
    %squeeze3A_1093 = vector.extract %slice3A_1092[0] : i32 from vector<1xi32>
    %and3A_1094 = arith.constant 127 : i32
    %and3A_1095 = arith.andi %squeeze3A_1093, %and3A_1094 : i32
    %broadcast_in_dim3A_1096 = vector.broadcast %and3A_1095 : i32 to vector<16xi32>
    %broadcast_in_dim3A_1097 = arith.constant 495 : i32
    %broadcast_in_dim3A_1098 = vector.broadcast %broadcast_in_dim3A_1097 : i32 to vector<16xi32>
    %broadcast_in_dim3A_1099 = arith.constant 7 : i32
    %broadcast_in_dim3A_1100 = vector.broadcast %broadcast_in_dim3A_1099 : i32 to vector<16xi32>
    %gather3A_1101 = tpu.vector_load_idx %arg6[%broadcast_in_dim3A_1021, %broadcast_in_dim3A_1100, %iota3A, %broadcast_in_dim3A_1096] : memref<5x8x16x128xf32, #tpu.memory_space<vmem>>[vector<16xi32>, vector<16xi32>, vector<16xi32>, vector<16xi32>], vector<16xf32>,
    tpu.vector_store_idx %arg7[%iota3A, %broadcast_in_dim3A_1098], %gather3A_1101 : memref<16x512xf32, #tpu.memory_space<vmem>>[vector<16xi32>, vector<16xi32>], vector<16xf32>,
    %dma_wait3A_1102 = arith.constant 2 : i32
    %dma_wait3A_1103 = arith.constant 0 : i32
    %dma_wait3A_1104 = arith.constant 0 : i32
    %dma_wait3A_1105 = arith.constant 0 : i32
    %dma_wait3A_1106 = tpu.memref_slice %arg6[%dma_wait3A_1102, %dma_wait3A_1103, %dma_wait3A_1104, %dma_wait3A_1105] : memref<5x8x16x128xf32, #tpu.memory_space<vmem>> -> memref<1x1x16x128xf32, #tpu.memory_space<vmem>>
    %dma_wait3A_1107 = tpu.memref_squeeze %dma_wait3A_1106 : memref<1x1x16x128xf32, #tpu.memory_space<vmem>> -> memref<16x128xf32, #tpu.memory_space<vmem>>
    %dma_wait3A_1108 = arith.constant 0 : i32
    %dma_wait3A_1109 = arith.constant 0 : i32
    %dma_wait3A_1110 = tpu.memref_slice %arg2[%dma_wait3A_1108, %dma_wait3A_1109] : memref<16x1000000xf32, #tpu.memory_space<hbm>> -> memref<16x128xf32, #tpu.memory_space<hbm>>
    %dma_wait3A_1111 = arith.constant 0 : i32
    %dma_wait3A_1112 = arith.constant 0 : i32
    %dma_wait3A_1113 = tpu.memref_slice %arg6[%dma_wait3A_1102, %dma_wait3A_1103, %dma_wait3A_1111, %dma_wait3A_1112] : memref<5x8x16x128xf32, #tpu.memory_space<vmem>> -> memref<1x1x16x128xf32, #tpu.memory_space<vmem>>
    %dma_wait3A_1114 = tpu.memref_squeeze %dma_wait3A_1113 : memref<1x1x16x128xf32, #tpu.memory_space<vmem>> -> memref<16x128xf32, #tpu.memory_space<vmem>>
    %dma_wait3A_1115 = arith.constant 0 : i32
    %dma_wait3A_1116 = arith.constant 0 : i32
    %dma_wait3A_1117 = tpu.memref_slice %arg2[%dma_wait3A_1115, %dma_wait3A_1116] : memref<16x1000000xf32, #tpu.memory_space<hbm>> -> memref<16x128xf32, #tpu.memory_space<hbm>>
    tpu.wait_dma2 semaphore(%arg10 : memref<!tpu.dma_semaphore, #tpu.memory_space<semaphore_mem>>) src(%dma_wait3A_1117 : memref<16x128xf32, #tpu.memory_space<hbm>>) dst(%dma_wait3A_1114 : memref<16x128xf32, #tpu.memory_space<vmem>>)
    %dma_wait3A_1118 = arith.constant 2 : i32
    %dma_wait3A_1119 = arith.constant 1 : i32
    %dma_wait3A_1120 = arith.constant 0 : i32
    %dma_wait3A_1121 = arith.constant 0 : i32
    %dma_wait3A_1122 = tpu.memref_slice %arg6[%dma_wait3A_1118, %dma_wait3A_1119, %dma_wait3A_1120, %dma_wait3A_1121] : memref<5x8x16x128xf32, #tpu.memory_space<vmem>> -> memref<1x1x16x128xf32, #tpu.memory_space<vmem>>
    %dma_wait3A_1123 = tpu.memref_squeeze %dma_wait3A_1122 : memref<1x1x16x128xf32, #tpu.memory_space<vmem>> -> memref<16x128xf32, #tpu.memory_space<vmem>>
    %dma_wait3A_1124 = arith.constant 0 : i32
    %dma_wait3A_1125 = arith.constant 0 : i32
    %dma_wait3A_1126 = tpu.memref_slice %arg2[%dma_wait3A_1124, %dma_wait3A_1125] : memref<16x1000000xf32, #tpu.memory_space<hbm>> -> memref<16x128xf32, #tpu.memory_space<hbm>>
    %dma_wait3A_1127 = arith.constant 0 : i32
    %dma_wait3A_1128 = arith.constant 0 : i32
    %dma_wait3A_1129 = tpu.memref_slice %arg6[%dma_wait3A_1118, %dma_wait3A_1119, %dma_wait3A_1127, %dma_wait3A_1128] : memref<5x8x16x128xf32, #tpu.memory_space<vmem>> -> memref<1x1x16x128xf32, #tpu.memory_space<vmem>>
    %dma_wait3A_1130 = tpu.memref_squeeze %dma_wait3A_1129 : memref<1x1x16x128xf32, #tpu.memory_space<vmem>> -> memref<16x128xf32, #tpu.memory_space<vmem>>
    %dma_wait3A_1131 = arith.constant 0 : i32
    %dma_wait3A_1132 = arith.constant 0 : i32
    %dma_wait3A_1133 = tpu.memref_slice %arg2[%dma_wait3A_1131, %dma_wait3A_1132] : memref<16x1000000xf32, #tpu.memory_space<hbm>> -> memref<16x128xf32, #tpu.memory_space<hbm>>
    tpu.wait_dma2 semaphore(%arg10 : memref<!tpu.dma_semaphore, #tpu.memory_space<semaphore_mem>>) src(%dma_wait3A_1133 : memref<16x128xf32, #tpu.memory_space<hbm>>) dst(%dma_wait3A_1130 : memref<16x128xf32, #tpu.memory_space<vmem>>)
    %dma_wait3A_1134 = arith.constant 2 : i32
    %dma_wait3A_1135 = arith.constant 2 : i32
    %dma_wait3A_1136 = arith.constant 0 : i32
    %dma_wait3A_1137 = arith.constant 0 : i32
    %dma_wait3A_1138 = tpu.memref_slice %arg6[%dma_wait3A_1134, %dma_wait3A_1135, %dma_wait3A_1136, %dma_wait3A_1137] : memref<5x8x16x128xf32, #tpu.memory_space<vmem>> -> memref<1x1x16x128xf32, #tpu.memory_space<vmem>>
    %dma_wait3A_1139 = tpu.memref_squeeze %dma_wait3A_1138 : memref<1x1x16x128xf32, #tpu.memory_space<vmem>> -> memref<16x128xf32, #tpu.memory_space<vmem>>
    %dma_wait3A_1140 = arith.constant 0 : i32
    %dma_wait3A_1141 = arith.constant 0 : i32
    %dma_wait3A_1142 = tpu.memref_slice %arg2[%dma_wait3A_1140, %dma_wait3A_1141] : memref<16x1000000xf32, #tpu.memory_space<hbm>> -> memref<16x128xf32, #tpu.memory_space<hbm>>
    %dma_wait3A_1143 = arith.constant 0 : i32
    %dma_wait3A_1144 = arith.constant 0 : i32
    %dma_wait3A_1145 = tpu.memref_slice %arg6[%dma_wait3A_1134, %dma_wait3A_1135, %dma_wait3A_1143, %dma_wait3A_1144] : memref<5x8x16x128xf32, #tpu.memory_space<vmem>> -> memref<1x1x16x128xf32, #tpu.memory_space<vmem>>
    %dma_wait3A_1146 = tpu.memref_squeeze %dma_wait3A_1145 : memref<1x1x16x128xf32, #tpu.memory_space<vmem>> -> memref<16x128xf32, #tpu.memory_space<vmem>>
    %dma_wait3A_1147 = arith.constant 0 : i32
    %dma_wait3A_1148 = arith.constant 0 : i32
    %dma_wait3A_1149 = tpu.memref_slice %arg2[%dma_wait3A_1147, %dma_wait3A_1148] : memref<16x1000000xf32, #tpu.memory_space<hbm>> -> memref<16x128xf32, #tpu.memory_space<hbm>>
    tpu.wait_dma2 semaphore(%arg10 : memref<!tpu.dma_semaphore, #tpu.memory_space<semaphore_mem>>) src(%dma_wait3A_1149 : memref<16x128xf32, #tpu.memory_space<hbm>>) dst(%dma_wait3A_1146 : memref<16x128xf32, #tpu.memory_space<vmem>>)
    %dma_wait3A_1150 = arith.constant 2 : i32
    %dma_wait3A_1151 = arith.constant 3 : i32
    %dma_wait3A_1152 = arith.constant 0 : i32
    %dma_wait3A_1153 = arith.constant 0 : i32
    %dma_wait3A_1154 = tpu.memref_slice %arg6[%dma_wait3A_1150, %dma_wait3A_1151, %dma_wait3A_1152, %dma_wait3A_1153] : memref<5x8x16x128xf32, #tpu.memory_space<vmem>> -> memref<1x1x16x128xf32, #tpu.memory_space<vmem>>
    %dma_wait3A_1155 = tpu.memref_squeeze %dma_wait3A_1154 : memref<1x1x16x128xf32, #tpu.memory_space<vmem>> -> memref<16x128xf32, #tpu.memory_space<vmem>>
    %dma_wait3A_1156 = arith.constant 0 : i32
    %dma_wait3A_1157 = arith.constant 0 : i32
    %dma_wait3A_1158 = tpu.memref_slice %arg2[%dma_wait3A_1156, %dma_wait3A_1157] : memref<16x1000000xf32, #tpu.memory_space<hbm>> -> memref<16x128xf32, #tpu.memory_space<hbm>>
    %dma_wait3A_1159 = arith.constant 0 : i32
    %dma_wait3A_1160 = arith.constant 0 : i32
    %dma_wait3A_1161 = tpu.memref_slice %arg6[%dma_wait3A_1150, %dma_wait3A_1151, %dma_wait3A_1159, %dma_wait3A_1160] : memref<5x8x16x128xf32, #tpu.memory_space<vmem>> -> memref<1x1x16x128xf32, #tpu.memory_space<vmem>>
    %dma_wait3A_1162 = tpu.memref_squeeze %dma_wait3A_1161 : memref<1x1x16x128xf32, #tpu.memory_space<vmem>> -> memref<16x128xf32, #tpu.memory_space<vmem>>
    %dma_wait3A_1163 = arith.constant 0 : i32
    %dma_wait3A_1164 = arith.constant 0 : i32
    %dma_wait3A_1165 = tpu.memref_slice %arg2[%dma_wait3A_1163, %dma_wait3A_1164] : memref<16x1000000xf32, #tpu.memory_space<hbm>> -> memref<16x128xf32, #tpu.memory_space<hbm>>
    tpu.wait_dma2 semaphore(%arg10 : memref<!tpu.dma_semaphore, #tpu.memory_space<semaphore_mem>>) src(%dma_wait3A_1165 : memref<16x128xf32, #tpu.memory_space<hbm>>) dst(%dma_wait3A_1162 : memref<16x128xf32, #tpu.memory_space<vmem>>)
    %dma_wait3A_1166 = arith.constant 2 : i32
    %dma_wait3A_1167 = arith.constant 4 : i32
    %dma_wait3A_1168 = arith.constant 0 : i32
    %dma_wait3A_1169 = arith.constant 0 : i32
    %dma_wait3A_1170 = tpu.memref_slice %arg6[%dma_wait3A_1166, %dma_wait3A_1167, %dma_wait3A_1168, %dma_wait3A_1169] : memref<5x8x16x128xf32, #tpu.memory_space<vmem>> -> memref<1x1x16x128xf32, #tpu.memory_space<vmem>>
    %dma_wait3A_1171 = tpu.memref_squeeze %dma_wait3A_1170 : memref<1x1x16x128xf32, #tpu.memory_space<vmem>> -> memref<16x128xf32, #tpu.memory_space<vmem>>
    %dma_wait3A_1172 = arith.constant 0 : i32
    %dma_wait3A_1173 = arith.constant 0 : i32
    %dma_wait3A_1174 = tpu.memref_slice %arg2[%dma_wait3A_1172, %dma_wait3A_1173] : memref<16x1000000xf32, #tpu.memory_space<hbm>> -> memref<16x128xf32, #tpu.memory_space<hbm>>
    %dma_wait3A_1175 = arith.constant 0 : i32
    %dma_wait3A_1176 = arith.constant 0 : i32
    %dma_wait3A_1177 = tpu.memref_slice %arg6[%dma_wait3A_1166, %dma_wait3A_1167, %dma_wait3A_1175, %dma_wait3A_1176] : memref<5x8x16x128xf32, #tpu.memory_space<vmem>> -> memref<1x1x16x128xf32, #tpu.memory_space<vmem>>
    %dma_wait3A_1178 = tpu.memref_squeeze %dma_wait3A_1177 : memref<1x1x16x128xf32, #tpu.memory_space<vmem>> -> memref<16x128xf32, #tpu.memory_space<vmem>>
    %dma_wait3A_1179 = arith.constant 0 : i32
    %dma_wait3A_1180 = arith.constant 0 : i32
    %dma_wait3A_1181 = tpu.memref_slice %arg2[%dma_wait3A_1179, %dma_wait3A_1180] : memref<16x1000000xf32, #tpu.memory_space<hbm>> -> memref<16x128xf32, #tpu.memory_space<hbm>>
    tpu.wait_dma2 semaphore(%arg10 : memref<!tpu.dma_semaphore, #tpu.memory_space<semaphore_mem>>) src(%dma_wait3A_1181 : memref<16x128xf32, #tpu.memory_space<hbm>>) dst(%dma_wait3A_1178 : memref<16x128xf32, #tpu.memory_space<vmem>>)
    %dma_wait3A_1182 = arith.constant 2 : i32
    %dma_wait3A_1183 = arith.constant 5 : i32
    %dma_wait3A_1184 = arith.constant 0 : i32
    %dma_wait3A_1185 = arith.constant 0 : i32
    %dma_wait3A_1186 = tpu.memref_slice %arg6[%dma_wait3A_1182, %dma_wait3A_1183, %dma_wait3A_1184, %dma_wait3A_1185] : memref<5x8x16x128xf32, #tpu.memory_space<vmem>> -> memref<1x1x16x128xf32, #tpu.memory_space<vmem>>
    %dma_wait3A_1187 = tpu.memref_squeeze %dma_wait3A_1186 : memref<1x1x16x128xf32, #tpu.memory_space<vmem>> -> memref<16x128xf32, #tpu.memory_space<vmem>>
    %dma_wait3A_1188 = arith.constant 0 : i32
    %dma_wait3A_1189 = arith.constant 0 : i32
    %dma_wait3A_1190 = tpu.memref_slice %arg2[%dma_wait3A_1188, %dma_wait3A_1189] : memref<16x1000000xf32, #tpu.memory_space<hbm>> -> memref<16x128xf32, #tpu.memory_space<hbm>>
    %dma_wait3A_1191 = arith.constant 0 : i32
    %dma_wait3A_1192 = arith.constant 0 : i32
    %dma_wait3A_1193 = tpu.memref_slice %arg6[%dma_wait3A_1182, %dma_wait3A_1183, %dma_wait3A_1191, %dma_wait3A_1192] : memref<5x8x16x128xf32, #tpu.memory_space<vmem>> -> memref<1x1x16x128xf32, #tpu.memory_space<vmem>>
    %dma_wait3A_1194 = tpu.memref_squeeze %dma_wait3A_1193 : memref<1x1x16x128xf32, #tpu.memory_space<vmem>> -> memref<16x128xf32, #tpu.memory_space<vmem>>
    %dma_wait3A_1195 = arith.constant 0 : i32
    %dma_wait3A_1196 = arith.constant 0 : i32
    %dma_wait3A_1197 = tpu.memref_slice %arg2[%dma_wait3A_1195, %dma_wait3A_1196] : memref<16x1000000xf32, #tpu.memory_space<hbm>> -> memref<16x128xf32, #tpu.memory_space<hbm>>
    tpu.wait_dma2 semaphore(%arg10 : memref<!tpu.dma_semaphore, #tpu.memory_space<semaphore_mem>>) src(%dma_wait3A_1197 : memref<16x128xf32, #tpu.memory_space<hbm>>) dst(%dma_wait3A_1194 : memref<16x128xf32, #tpu.memory_space<vmem>>)
    %dma_wait3A_1198 = arith.constant 2 : i32
    %dma_wait3A_1199 = arith.constant 6 : i32
    %dma_wait3A_1200 = arith.constant 0 : i32
    %dma_wait3A_1201 = arith.constant 0 : i32
    %dma_wait3A_1202 = tpu.memref_slice %arg6[%dma_wait3A_1198, %dma_wait3A_1199, %dma_wait3A_1200, %dma_wait3A_1201] : memref<5x8x16x128xf32, #tpu.memory_space<vmem>> -> memref<1x1x16x128xf32, #tpu.memory_space<vmem>>
    %dma_wait3A_1203 = tpu.memref_squeeze %dma_wait3A_1202 : memref<1x1x16x128xf32, #tpu.memory_space<vmem>> -> memref<16x128xf32, #tpu.memory_space<vmem>>
    %dma_wait3A_1204 = arith.constant 0 : i32
    %dma_wait3A_1205 = arith.constant 0 : i32
    %dma_wait3A_1206 = tpu.memref_slice %arg2[%dma_wait3A_1204, %dma_wait3A_1205] : memref<16x1000000xf32, #tpu.memory_space<hbm>> -> memref<16x128xf32, #tpu.memory_space<hbm>>
    %dma_wait3A_1207 = arith.constant 0 : i32
    %dma_wait3A_1208 = arith.constant 0 : i32
    %dma_wait3A_1209 = tpu.memref_slice %arg6[%dma_wait3A_1198, %dma_wait3A_1199, %dma_wait3A_1207, %dma_wait3A_1208] : memref<5x8x16x128xf32, #tpu.memory_space<vmem>> -> memref<1x1x16x128xf32, #tpu.memory_space<vmem>>
    %dma_wait3A_1210 = tpu.memref_squeeze %dma_wait3A_1209 : memref<1x1x16x128xf32, #tpu.memory_space<vmem>> -> memref<16x128xf32, #tpu.memory_space<vmem>>
    %dma_wait3A_1211 = arith.constant 0 : i32
    %dma_wait3A_1212 = arith.constant 0 : i32
    %dma_wait3A_1213 = tpu.memref_slice %arg2[%dma_wait3A_1211, %dma_wait3A_1212] : memref<16x1000000xf32, #tpu.memory_space<hbm>> -> memref<16x128xf32, #tpu.memory_space<hbm>>
    tpu.wait_dma2 semaphore(%arg10 : memref<!tpu.dma_semaphore, #tpu.memory_space<semaphore_mem>>) src(%dma_wait3A_1213 : memref<16x128xf32, #tpu.memory_space<hbm>>) dst(%dma_wait3A_1210 : memref<16x128xf32, #tpu.memory_space<vmem>>)
    %dma_wait3A_1214 = arith.constant 2 : i32
    %dma_wait3A_1215 = arith.constant 7 : i32
    %dma_wait3A_1216 = arith.constant 0 : i32
    %dma_wait3A_1217 = arith.constant 0 : i32
    %dma_wait3A_1218 = tpu.memref_slice %arg6[%dma_wait3A_1214, %dma_wait3A_1215, %dma_wait3A_1216, %dma_wait3A_1217] : memref<5x8x16x128xf32, #tpu.memory_space<vmem>> -> memref<1x1x16x128xf32, #tpu.memory_space<vmem>>
    %dma_wait3A_1219 = tpu.memref_squeeze %dma_wait3A_1218 : memref<1x1x16x128xf32, #tpu.memory_space<vmem>> -> memref<16x128xf32, #tpu.memory_space<vmem>>
    %dma_wait3A_1220 = arith.constant 0 : i32
    %dma_wait3A_1221 = arith.constant 0 : i32
    %dma_wait3A_1222 = tpu.memref_slice %arg2[%dma_wait3A_1220, %dma_wait3A_1221] : memref<16x1000000xf32, #tpu.memory_space<hbm>> -> memref<16x128xf32, #tpu.memory_space<hbm>>
    %dma_wait3A_1223 = arith.constant 0 : i32
    %dma_wait3A_1224 = arith.constant 0 : i32
    %dma_wait3A_1225 = tpu.memref_slice %arg6[%dma_wait3A_1214, %dma_wait3A_1215, %dma_wait3A_1223, %dma_wait3A_1224] : memref<5x8x16x128xf32, #tpu.memory_space<vmem>> -> memref<1x1x16x128xf32, #tpu.memory_space<vmem>>
    %dma_wait3A_1226 = tpu.memref_squeeze %dma_wait3A_1225 : memref<1x1x16x128xf32, #tpu.memory_space<vmem>> -> memref<16x128xf32, #tpu.memory_space<vmem>>
    %dma_wait3A_1227 = arith.constant 0 : i32
    %dma_wait3A_1228 = arith.constant 0 : i32
    %dma_wait3A_1229 = tpu.memref_slice %arg2[%dma_wait3A_1227, %dma_wait3A_1228] : memref<16x1000000xf32, #tpu.memory_space<hbm>> -> memref<16x128xf32, #tpu.memory_space<hbm>>
    tpu.wait_dma2 semaphore(%arg10 : memref<!tpu.dma_semaphore, #tpu.memory_space<semaphore_mem>>) src(%dma_wait3A_1229 : memref<16x128xf32, #tpu.memory_space<hbm>>) dst(%dma_wait3A_1226 : memref<16x128xf32, #tpu.memory_space<vmem>>)
    %get3A_1230 = arith.constant 496 : index
    %get3A_1231 = tpu.vector_load %arg5[%get3A_1230] {strides = array<i32>} : memref<528xi32, #tpu.memory_space<vmem>>, vector<16xi32>,
    %broadcast_in_dim3A_1232 = arith.constant 2 : i32
    %broadcast_in_dim3A_1233 = vector.broadcast %broadcast_in_dim3A_1232 : i32 to vector<16xi32>
    %slice3A_1234 = vector.extract_strided_slice %get3A_1231 {offsets = [0], sizes = [1], strides = [1]} : vector<16xi32> to vector<1xi32>
    %squeeze3A_1235 = vector.extract %slice3A_1234[0] : i32 from vector<1xi32>
    %and3A_1236 = arith.constant 127 : i32
    %and3A_1237 = arith.andi %squeeze3A_1235, %and3A_1236 : i32
    %broadcast_in_dim3A_1238 = vector.broadcast %and3A_1237 : i32 to vector<16xi32>
    %broadcast_in_dim3A_1239 = arith.constant 496 : i32
    %broadcast_in_dim3A_1240 = vector.broadcast %broadcast_in_dim3A_1239 : i32 to vector<16xi32>
    %broadcast_in_dim3A_1241 = arith.constant 0 : i32
    %broadcast_in_dim3A_1242 = vector.broadcast %broadcast_in_dim3A_1241 : i32 to vector<16xi32>
    %gather3A_1243 = tpu.vector_load_idx %arg6[%broadcast_in_dim3A_1233, %broadcast_in_dim3A_1242, %iota3A, %broadcast_in_dim3A_1238] : memref<5x8x16x128xf32, #tpu.memory_space<vmem>>[vector<16xi32>, vector<16xi32>, vector<16xi32>, vector<16xi32>], vector<16xf32>,
    tpu.vector_store_idx %arg7[%iota3A, %broadcast_in_dim3A_1240], %gather3A_1243 : memref<16x512xf32, #tpu.memory_space<vmem>>[vector<16xi32>, vector<16xi32>], vector<16xf32>,
    %slice3A_1244 = vector.extract_strided_slice %get3A_1231 {offsets = [1], sizes = [1], strides = [1]} : vector<16xi32> to vector<1xi32>
    %squeeze3A_1245 = vector.extract %slice3A_1244[0] : i32 from vector<1xi32>
    %and3A_1246 = arith.constant 127 : i32
    %and3A_1247 = arith.andi %squeeze3A_1245, %and3A_1246 : i32
    %broadcast_in_dim3A_1248 = vector.broadcast %and3A_1247 : i32 to vector<16xi32>
    %broadcast_in_dim3A_1249 = arith.constant 497 : i32
    %broadcast_in_dim3A_1250 = vector.broadcast %broadcast_in_dim3A_1249 : i32 to vector<16xi32>
    %broadcast_in_dim3A_1251 = arith.constant 1 : i32
    %broadcast_in_dim3A_1252 = vector.broadcast %broadcast_in_dim3A_1251 : i32 to vector<16xi32>
    %gather3A_1253 = tpu.vector_load_idx %arg6[%broadcast_in_dim3A_1233, %broadcast_in_dim3A_1252, %iota3A, %broadcast_in_dim3A_1248] : memref<5x8x16x128xf32, #tpu.memory_space<vmem>>[vector<16xi32>, vector<16xi32>, vector<16xi32>, vector<16xi32>], vector<16xf32>,
    tpu.vector_store_idx %arg7[%iota3A, %broadcast_in_dim3A_1250], %gather3A_1253 : memref<16x512xf32, #tpu.memory_space<vmem>>[vector<16xi32>, vector<16xi32>], vector<16xf32>,
    %slice3A_1254 = vector.extract_strided_slice %get3A_1231 {offsets = [2], sizes = [1], strides = [1]} : vector<16xi32> to vector<1xi32>
    %squeeze3A_1255 = vector.extract %slice3A_1254[0] : i32 from vector<1xi32>
    %and3A_1256 = arith.constant 127 : i32
    %and3A_1257 = arith.andi %squeeze3A_1255, %and3A_1256 : i32
    %broadcast_in_dim3A_1258 = vector.broadcast %and3A_1257 : i32 to vector<16xi32>
    %broadcast_in_dim3A_1259 = arith.constant 498 : i32
    %broadcast_in_dim3A_1260 = vector.broadcast %broadcast_in_dim3A_1259 : i32 to vector<16xi32>
    %broadcast_in_dim3A_1261 = arith.constant 2 : i32
    %broadcast_in_dim3A_1262 = vector.broadcast %broadcast_in_dim3A_1261 : i32 to vector<16xi32>
    %gather3A_1263 = tpu.vector_load_idx %arg6[%broadcast_in_dim3A_1233, %broadcast_in_dim3A_1262, %iota3A, %broadcast_in_dim3A_1258] : memref<5x8x16x128xf32, #tpu.memory_space<vmem>>[vector<16xi32>, vector<16xi32>, vector<16xi32>, vector<16xi32>], vector<16xf32>,
    tpu.vector_store_idx %arg7[%iota3A, %broadcast_in_dim3A_1260], %gather3A_1263 : memref<16x512xf32, #tpu.memory_space<vmem>>[vector<16xi32>, vector<16xi32>], vector<16xf32>,
    %slice3A_1264 = vector.extract_strided_slice %get3A_1231 {offsets = [3], sizes = [1], strides = [1]} : vector<16xi32> to vector<1xi32>
    %squeeze3A_1265 = vector.extract %slice3A_1264[0] : i32 from vector<1xi32>
    %and3A_1266 = arith.constant 127 : i32
    %and3A_1267 = arith.andi %squeeze3A_1265, %and3A_1266 : i32
    %broadcast_in_dim3A_1268 = vector.broadcast %and3A_1267 : i32 to vector<16xi32>
    %broadcast_in_dim3A_1269 = arith.constant 499 : i32
    %broadcast_in_dim3A_1270 = vector.broadcast %broadcast_in_dim3A_1269 : i32 to vector<16xi32>
    %broadcast_in_dim3A_1271 = arith.constant 3 : i32
    %broadcast_in_dim3A_1272 = vector.broadcast %broadcast_in_dim3A_1271 : i32 to vector<16xi32>
    %gather3A_1273 = tpu.vector_load_idx %arg6[%broadcast_in_dim3A_1233, %broadcast_in_dim3A_1272, %iota3A, %broadcast_in_dim3A_1268] : memref<5x8x16x128xf32, #tpu.memory_space<vmem>>[vector<16xi32>, vector<16xi32>, vector<16xi32>, vector<16xi32>], vector<16xf32>,
    tpu.vector_store_idx %arg7[%iota3A, %broadcast_in_dim3A_1270], %gather3A_1273 : memref<16x512xf32, #tpu.memory_space<vmem>>[vector<16xi32>, vector<16xi32>], vector<16xf32>,
    %slice3A_1274 = vector.extract_strided_slice %get3A_1231 {offsets = [4], sizes = [1], strides = [1]} : vector<16xi32> to vector<1xi32>
    %squeeze3A_1275 = vector.extract %slice3A_1274[0] : i32 from vector<1xi32>
    %and3A_1276 = arith.constant 127 : i32
    %and3A_1277 = arith.andi %squeeze3A_1275, %and3A_1276 : i32
    %broadcast_in_dim3A_1278 = vector.broadcast %and3A_1277 : i32 to vector<16xi32>
    %broadcast_in_dim3A_1279 = arith.constant 500 : i32
    %broadcast_in_dim3A_1280 = vector.broadcast %broadcast_in_dim3A_1279 : i32 to vector<16xi32>
    %broadcast_in_dim3A_1281 = arith.constant 4 : i32
    %broadcast_in_dim3A_1282 = vector.broadcast %broadcast_in_dim3A_1281 : i32 to vector<16xi32>
    %gather3A_1283 = tpu.vector_load_idx %arg6[%broadcast_in_dim3A_1233, %broadcast_in_dim3A_1282, %iota3A, %broadcast_in_dim3A_1278] : memref<5x8x16x128xf32, #tpu.memory_space<vmem>>[vector<16xi32>, vector<16xi32>, vector<16xi32>, vector<16xi32>], vector<16xf32>,
    tpu.vector_store_idx %arg7[%iota3A, %broadcast_in_dim3A_1280], %gather3A_1283 : memref<16x512xf32, #tpu.memory_space<vmem>>[vector<16xi32>, vector<16xi32>], vector<16xf32>,
    %slice3A_1284 = vector.extract_strided_slice %get3A_1231 {offsets = [5], sizes = [1], strides = [1]} : vector<16xi32> to vector<1xi32>
    %squeeze3A_1285 = vector.extract %slice3A_1284[0] : i32 from vector<1xi32>
    %and3A_1286 = arith.constant 127 : i32
    %and3A_1287 = arith.andi %squeeze3A_1285, %and3A_1286 : i32
    %broadcast_in_dim3A_1288 = vector.broadcast %and3A_1287 : i32 to vector<16xi32>
    %broadcast_in_dim3A_1289 = arith.constant 501 : i32
    %broadcast_in_dim3A_1290 = vector.broadcast %broadcast_in_dim3A_1289 : i32 to vector<16xi32>
    %broadcast_in_dim3A_1291 = arith.constant 5 : i32
    %broadcast_in_dim3A_1292 = vector.broadcast %broadcast_in_dim3A_1291 : i32 to vector<16xi32>
    %gather3A_1293 = tpu.vector_load_idx %arg6[%broadcast_in_dim3A_1233, %broadcast_in_dim3A_1292, %iota3A, %broadcast_in_dim3A_1288] : memref<5x8x16x128xf32, #tpu.memory_space<vmem>>[vector<16xi32>, vector<16xi32>, vector<16xi32>, vector<16xi32>], vector<16xf32>,
    tpu.vector_store_idx %arg7[%iota3A, %broadcast_in_dim3A_1290], %gather3A_1293 : memref<16x512xf32, #tpu.memory_space<vmem>>[vector<16xi32>, vector<16xi32>], vector<16xf32>,
    %slice3A_1294 = vector.extract_strided_slice %get3A_1231 {offsets = [6], sizes = [1], strides = [1]} : vector<16xi32> to vector<1xi32>
    %squeeze3A_1295 = vector.extract %slice3A_1294[0] : i32 from vector<1xi32>
    %and3A_1296 = arith.constant 127 : i32
    %and3A_1297 = arith.andi %squeeze3A_1295, %and3A_1296 : i32
    %broadcast_in_dim3A_1298 = vector.broadcast %and3A_1297 : i32 to vector<16xi32>
    %broadcast_in_dim3A_1299 = arith.constant 502 : i32
    %broadcast_in_dim3A_1300 = vector.broadcast %broadcast_in_dim3A_1299 : i32 to vector<16xi32>
    %broadcast_in_dim3A_1301 = arith.constant 6 : i32
    %broadcast_in_dim3A_1302 = vector.broadcast %broadcast_in_dim3A_1301 : i32 to vector<16xi32>
    %gather3A_1303 = tpu.vector_load_idx %arg6[%broadcast_in_dim3A_1233, %broadcast_in_dim3A_1302, %iota3A, %broadcast_in_dim3A_1298] : memref<5x8x16x128xf32, #tpu.memory_space<vmem>>[vector<16xi32>, vector<16xi32>, vector<16xi32>, vector<16xi32>], vector<16xf32>,
    tpu.vector_store_idx %arg7[%iota3A, %broadcast_in_dim3A_1300], %gather3A_1303 : memref<16x512xf32, #tpu.memory_space<vmem>>[vector<16xi32>, vector<16xi32>], vector<16xf32>,
    %slice3A_1304 = vector.extract_strided_slice %get3A_1231 {offsets = [7], sizes = [1], strides = [1]} : vector<16xi32> to vector<1xi32>
    %squeeze3A_1305 = vector.extract %slice3A_1304[0] : i32 from vector<1xi32>
    %and3A_1306 = arith.constant 127 : i32
    %and3A_1307 = arith.andi %squeeze3A_1305, %and3A_1306 : i32
    %broadcast_in_dim3A_1308 = vector.broadcast %and3A_1307 : i32 to vector<16xi32>
    %broadcast_in_dim3A_1309 = arith.constant 503 : i32
    %broadcast_in_dim3A_1310 = vector.broadcast %broadcast_in_dim3A_1309 : i32 to vector<16xi32>
    %broadcast_in_dim3A_1311 = arith.constant 7 : i32
    %broadcast_in_dim3A_1312 = vector.broadcast %broadcast_in_dim3A_1311 : i32 to vector<16xi32>
    %gather3A_1313 = tpu.vector_load_idx %arg6[%broadcast_in_dim3A_1233, %broadcast_in_dim3A_1312, %iota3A, %broadcast_in_dim3A_1308] : memref<5x8x16x128xf32, #tpu.memory_space<vmem>>[vector<16xi32>, vector<16xi32>, vector<16xi32>, vector<16xi32>], vector<16xf32>,
    tpu.vector_store_idx %arg7[%iota3A, %broadcast_in_dim3A_1310], %gather3A_1313 : memref<16x512xf32, #tpu.memory_space<vmem>>[vector<16xi32>, vector<16xi32>], vector<16xf32>,
    %dma_wait3A_1314 = arith.constant 3 : i32
    %dma_wait3A_1315 = arith.constant 0 : i32
    %dma_wait3A_1316 = arith.constant 0 : i32
    %dma_wait3A_1317 = arith.constant 0 : i32
    %dma_wait3A_1318 = tpu.memref_slice %arg6[%dma_wait3A_1314, %dma_wait3A_1315, %dma_wait3A_1316, %dma_wait3A_1317] : memref<5x8x16x128xf32, #tpu.memory_space<vmem>> -> memref<1x1x16x128xf32, #tpu.memory_space<vmem>>
    %dma_wait3A_1319 = tpu.memref_squeeze %dma_wait3A_1318 : memref<1x1x16x128xf32, #tpu.memory_space<vmem>> -> memref<16x128xf32, #tpu.memory_space<vmem>>
    %dma_wait3A_1320 = arith.constant 0 : i32
    %dma_wait3A_1321 = arith.constant 0 : i32
    %dma_wait3A_1322 = tpu.memref_slice %arg2[%dma_wait3A_1320, %dma_wait3A_1321] : memref<16x1000000xf32, #tpu.memory_space<hbm>> -> memref<16x128xf32, #tpu.memory_space<hbm>>
    %dma_wait3A_1323 = arith.constant 0 : i32
    %dma_wait3A_1324 = arith.constant 0 : i32
    %dma_wait3A_1325 = tpu.memref_slice %arg6[%dma_wait3A_1314, %dma_wait3A_1315, %dma_wait3A_1323, %dma_wait3A_1324] : memref<5x8x16x128xf32, #tpu.memory_space<vmem>> -> memref<1x1x16x128xf32, #tpu.memory_space<vmem>>
    %dma_wait3A_1326 = tpu.memref_squeeze %dma_wait3A_1325 : memref<1x1x16x128xf32, #tpu.memory_space<vmem>> -> memref<16x128xf32, #tpu.memory_space<vmem>>
    %dma_wait3A_1327 = arith.constant 0 : i32
    %dma_wait3A_1328 = arith.constant 0 : i32
    %dma_wait3A_1329 = tpu.memref_slice %arg2[%dma_wait3A_1327, %dma_wait3A_1328] : memref<16x1000000xf32, #tpu.memory_space<hbm>> -> memref<16x128xf32, #tpu.memory_space<hbm>>
    tpu.wait_dma2 semaphore(%arg11 : memref<!tpu.dma_semaphore, #tpu.memory_space<semaphore_mem>>) src(%dma_wait3A_1329 : memref<16x128xf32, #tpu.memory_space<hbm>>) dst(%dma_wait3A_1326 : memref<16x128xf32, #tpu.memory_space<vmem>>)
    %dma_wait3A_1330 = arith.constant 3 : i32
    %dma_wait3A_1331 = arith.constant 1 : i32
    %dma_wait3A_1332 = arith.constant 0 : i32
    %dma_wait3A_1333 = arith.constant 0 : i32
    %dma_wait3A_1334 = tpu.memref_slice %arg6[%dma_wait3A_1330, %dma_wait3A_1331, %dma_wait3A_1332, %dma_wait3A_1333] : memref<5x8x16x128xf32, #tpu.memory_space<vmem>> -> memref<1x1x16x128xf32, #tpu.memory_space<vmem>>
    %dma_wait3A_1335 = tpu.memref_squeeze %dma_wait3A_1334 : memref<1x1x16x128xf32, #tpu.memory_space<vmem>> -> memref<16x128xf32, #tpu.memory_space<vmem>>
    %dma_wait3A_1336 = arith.constant 0 : i32
    %dma_wait3A_1337 = arith.constant 0 : i32
    %dma_wait3A_1338 = tpu.memref_slice %arg2[%dma_wait3A_1336, %dma_wait3A_1337] : memref<16x1000000xf32, #tpu.memory_space<hbm>> -> memref<16x128xf32, #tpu.memory_space<hbm>>
    %dma_wait3A_1339 = arith.constant 0 : i32
    %dma_wait3A_1340 = arith.constant 0 : i32
    %dma_wait3A_1341 = tpu.memref_slice %arg6[%dma_wait3A_1330, %dma_wait3A_1331, %dma_wait3A_1339, %dma_wait3A_1340] : memref<5x8x16x128xf32, #tpu.memory_space<vmem>> -> memref<1x1x16x128xf32, #tpu.memory_space<vmem>>
    %dma_wait3A_1342 = tpu.memref_squeeze %dma_wait3A_1341 : memref<1x1x16x128xf32, #tpu.memory_space<vmem>> -> memref<16x128xf32, #tpu.memory_space<vmem>>
    %dma_wait3A_1343 = arith.constant 0 : i32
    %dma_wait3A_1344 = arith.constant 0 : i32
    %dma_wait3A_1345 = tpu.memref_slice %arg2[%dma_wait3A_1343, %dma_wait3A_1344] : memref<16x1000000xf32, #tpu.memory_space<hbm>> -> memref<16x128xf32, #tpu.memory_space<hbm>>
    tpu.wait_dma2 semaphore(%arg11 : memref<!tpu.dma_semaphore, #tpu.memory_space<semaphore_mem>>) src(%dma_wait3A_1345 : memref<16x128xf32, #tpu.memory_space<hbm>>) dst(%dma_wait3A_1342 : memref<16x128xf32, #tpu.memory_space<vmem>>)
    %dma_wait3A_1346 = arith.constant 3 : i32
    %dma_wait3A_1347 = arith.constant 2 : i32
    %dma_wait3A_1348 = arith.constant 0 : i32
    %dma_wait3A_1349 = arith.constant 0 : i32
    %dma_wait3A_1350 = tpu.memref_slice %arg6[%dma_wait3A_1346, %dma_wait3A_1347, %dma_wait3A_1348, %dma_wait3A_1349] : memref<5x8x16x128xf32, #tpu.memory_space<vmem>> -> memref<1x1x16x128xf32, #tpu.memory_space<vmem>>
    %dma_wait3A_1351 = tpu.memref_squeeze %dma_wait3A_1350 : memref<1x1x16x128xf32, #tpu.memory_space<vmem>> -> memref<16x128xf32, #tpu.memory_space<vmem>>
    %dma_wait3A_1352 = arith.constant 0 : i32
    %dma_wait3A_1353 = arith.constant 0 : i32
    %dma_wait3A_1354 = tpu.memref_slice %arg2[%dma_wait3A_1352, %dma_wait3A_1353] : memref<16x1000000xf32, #tpu.memory_space<hbm>> -> memref<16x128xf32, #tpu.memory_space<hbm>>
    %dma_wait3A_1355 = arith.constant 0 : i32
    %dma_wait3A_1356 = arith.constant 0 : i32
    %dma_wait3A_1357 = tpu.memref_slice %arg6[%dma_wait3A_1346, %dma_wait3A_1347, %dma_wait3A_1355, %dma_wait3A_1356] : memref<5x8x16x128xf32, #tpu.memory_space<vmem>> -> memref<1x1x16x128xf32, #tpu.memory_space<vmem>>
    %dma_wait3A_1358 = tpu.memref_squeeze %dma_wait3A_1357 : memref<1x1x16x128xf32, #tpu.memory_space<vmem>> -> memref<16x128xf32, #tpu.memory_space<vmem>>
    %dma_wait3A_1359 = arith.constant 0 : i32
    %dma_wait3A_1360 = arith.constant 0 : i32
    %dma_wait3A_1361 = tpu.memref_slice %arg2[%dma_wait3A_1359, %dma_wait3A_1360] : memref<16x1000000xf32, #tpu.memory_space<hbm>> -> memref<16x128xf32, #tpu.memory_space<hbm>>
    tpu.wait_dma2 semaphore(%arg11 : memref<!tpu.dma_semaphore, #tpu.memory_space<semaphore_mem>>) src(%dma_wait3A_1361 : memref<16x128xf32, #tpu.memory_space<hbm>>) dst(%dma_wait3A_1358 : memref<16x128xf32, #tpu.memory_space<vmem>>)
    %dma_wait3A_1362 = arith.constant 3 : i32
    %dma_wait3A_1363 = arith.constant 3 : i32
    %dma_wait3A_1364 = arith.constant 0 : i32
    %dma_wait3A_1365 = arith.constant 0 : i32
    %dma_wait3A_1366 = tpu.memref_slice %arg6[%dma_wait3A_1362, %dma_wait3A_1363, %dma_wait3A_1364, %dma_wait3A_1365] : memref<5x8x16x128xf32, #tpu.memory_space<vmem>> -> memref<1x1x16x128xf32, #tpu.memory_space<vmem>>
    %dma_wait3A_1367 = tpu.memref_squeeze %dma_wait3A_1366 : memref<1x1x16x128xf32, #tpu.memory_space<vmem>> -> memref<16x128xf32, #tpu.memory_space<vmem>>
    %dma_wait3A_1368 = arith.constant 0 : i32
    %dma_wait3A_1369 = arith.constant 0 : i32
    %dma_wait3A_1370 = tpu.memref_slice %arg2[%dma_wait3A_1368, %dma_wait3A_1369] : memref<16x1000000xf32, #tpu.memory_space<hbm>> -> memref<16x128xf32, #tpu.memory_space<hbm>>
    %dma_wait3A_1371 = arith.constant 0 : i32
    %dma_wait3A_1372 = arith.constant 0 : i32
    %dma_wait3A_1373 = tpu.memref_slice %arg6[%dma_wait3A_1362, %dma_wait3A_1363, %dma_wait3A_1371, %dma_wait3A_1372] : memref<5x8x16x128xf32, #tpu.memory_space<vmem>> -> memref<1x1x16x128xf32, #tpu.memory_space<vmem>>
    %dma_wait3A_1374 = tpu.memref_squeeze %dma_wait3A_1373 : memref<1x1x16x128xf32, #tpu.memory_space<vmem>> -> memref<16x128xf32, #tpu.memory_space<vmem>>
    %dma_wait3A_1375 = arith.constant 0 : i32
    %dma_wait3A_1376 = arith.constant 0 : i32
    %dma_wait3A_1377 = tpu.memref_slice %arg2[%dma_wait3A_1375, %dma_wait3A_1376] : memref<16x1000000xf32, #tpu.memory_space<hbm>> -> memref<16x128xf32, #tpu.memory_space<hbm>>
    tpu.wait_dma2 semaphore(%arg11 : memref<!tpu.dma_semaphore, #tpu.memory_space<semaphore_mem>>) src(%dma_wait3A_1377 : memref<16x128xf32, #tpu.memory_space<hbm>>) dst(%dma_wait3A_1374 : memref<16x128xf32, #tpu.memory_space<vmem>>)
    %dma_wait3A_1378 = arith.constant 3 : i32
    %dma_wait3A_1379 = arith.constant 4 : i32
    %dma_wait3A_1380 = arith.constant 0 : i32
    %dma_wait3A_1381 = arith.constant 0 : i32
    %dma_wait3A_1382 = tpu.memref_slice %arg6[%dma_wait3A_1378, %dma_wait3A_1379, %dma_wait3A_1380, %dma_wait3A_1381] : memref<5x8x16x128xf32, #tpu.memory_space<vmem>> -> memref<1x1x16x128xf32, #tpu.memory_space<vmem>>
    %dma_wait3A_1383 = tpu.memref_squeeze %dma_wait3A_1382 : memref<1x1x16x128xf32, #tpu.memory_space<vmem>> -> memref<16x128xf32, #tpu.memory_space<vmem>>
    %dma_wait3A_1384 = arith.constant 0 : i32
    %dma_wait3A_1385 = arith.constant 0 : i32
    %dma_wait3A_1386 = tpu.memref_slice %arg2[%dma_wait3A_1384, %dma_wait3A_1385] : memref<16x1000000xf32, #tpu.memory_space<hbm>> -> memref<16x128xf32, #tpu.memory_space<hbm>>
    %dma_wait3A_1387 = arith.constant 0 : i32
    %dma_wait3A_1388 = arith.constant 0 : i32
    %dma_wait3A_1389 = tpu.memref_slice %arg6[%dma_wait3A_1378, %dma_wait3A_1379, %dma_wait3A_1387, %dma_wait3A_1388] : memref<5x8x16x128xf32, #tpu.memory_space<vmem>> -> memref<1x1x16x128xf32, #tpu.memory_space<vmem>>
    %dma_wait3A_1390 = tpu.memref_squeeze %dma_wait3A_1389 : memref<1x1x16x128xf32, #tpu.memory_space<vmem>> -> memref<16x128xf32, #tpu.memory_space<vmem>>
    %dma_wait3A_1391 = arith.constant 0 : i32
    %dma_wait3A_1392 = arith.constant 0 : i32
    %dma_wait3A_1393 = tpu.memref_slice %arg2[%dma_wait3A_1391, %dma_wait3A_1392] : memref<16x1000000xf32, #tpu.memory_space<hbm>> -> memref<16x128xf32, #tpu.memory_space<hbm>>
    tpu.wait_dma2 semaphore(%arg11 : memref<!tpu.dma_semaphore, #tpu.memory_space<semaphore_mem>>) src(%dma_wait3A_1393 : memref<16x128xf32, #tpu.memory_space<hbm>>) dst(%dma_wait3A_1390 : memref<16x128xf32, #tpu.memory_space<vmem>>)
    %dma_wait3A_1394 = arith.constant 3 : i32
    %dma_wait3A_1395 = arith.constant 5 : i32
    %dma_wait3A_1396 = arith.constant 0 : i32
    %dma_wait3A_1397 = arith.constant 0 : i32
    %dma_wait3A_1398 = tpu.memref_slice %arg6[%dma_wait3A_1394, %dma_wait3A_1395, %dma_wait3A_1396, %dma_wait3A_1397] : memref<5x8x16x128xf32, #tpu.memory_space<vmem>> -> memref<1x1x16x128xf32, #tpu.memory_space<vmem>>
    %dma_wait3A_1399 = tpu.memref_squeeze %dma_wait3A_1398 : memref<1x1x16x128xf32, #tpu.memory_space<vmem>> -> memref<16x128xf32, #tpu.memory_space<vmem>>
    %dma_wait3A_1400 = arith.constant 0 : i32
    %dma_wait3A_1401 = arith.constant 0 : i32
    %dma_wait3A_1402 = tpu.memref_slice %arg2[%dma_wait3A_1400, %dma_wait3A_1401] : memref<16x1000000xf32, #tpu.memory_space<hbm>> -> memref<16x128xf32, #tpu.memory_space<hbm>>
    %dma_wait3A_1403 = arith.constant 0 : i32
    %dma_wait3A_1404 = arith.constant 0 : i32
    %dma_wait3A_1405 = tpu.memref_slice %arg6[%dma_wait3A_1394, %dma_wait3A_1395, %dma_wait3A_1403, %dma_wait3A_1404] : memref<5x8x16x128xf32, #tpu.memory_space<vmem>> -> memref<1x1x16x128xf32, #tpu.memory_space<vmem>>
    %dma_wait3A_1406 = tpu.memref_squeeze %dma_wait3A_1405 : memref<1x1x16x128xf32, #tpu.memory_space<vmem>> -> memref<16x128xf32, #tpu.memory_space<vmem>>
    %dma_wait3A_1407 = arith.constant 0 : i32
    %dma_wait3A_1408 = arith.constant 0 : i32
    %dma_wait3A_1409 = tpu.memref_slice %arg2[%dma_wait3A_1407, %dma_wait3A_1408] : memref<16x1000000xf32, #tpu.memory_space<hbm>> -> memref<16x128xf32, #tpu.memory_space<hbm>>
    tpu.wait_dma2 semaphore(%arg11 : memref<!tpu.dma_semaphore, #tpu.memory_space<semaphore_mem>>) src(%dma_wait3A_1409 : memref<16x128xf32, #tpu.memory_space<hbm>>) dst(%dma_wait3A_1406 : memref<16x128xf32, #tpu.memory_space<vmem>>)
    %dma_wait3A_1410 = arith.constant 3 : i32
    %dma_wait3A_1411 = arith.constant 6 : i32
    %dma_wait3A_1412 = arith.constant 0 : i32
    %dma_wait3A_1413 = arith.constant 0 : i32
    %dma_wait3A_1414 = tpu.memref_slice %arg6[%dma_wait3A_1410, %dma_wait3A_1411, %dma_wait3A_1412, %dma_wait3A_1413] : memref<5x8x16x128xf32, #tpu.memory_space<vmem>> -> memref<1x1x16x128xf32, #tpu.memory_space<vmem>>
    %dma_wait3A_1415 = tpu.memref_squeeze %dma_wait3A_1414 : memref<1x1x16x128xf32, #tpu.memory_space<vmem>> -> memref<16x128xf32, #tpu.memory_space<vmem>>
    %dma_wait3A_1416 = arith.constant 0 : i32
    %dma_wait3A_1417 = arith.constant 0 : i32
    %dma_wait3A_1418 = tpu.memref_slice %arg2[%dma_wait3A_1416, %dma_wait3A_1417] : memref<16x1000000xf32, #tpu.memory_space<hbm>> -> memref<16x128xf32, #tpu.memory_space<hbm>>
    %dma_wait3A_1419 = arith.constant 0 : i32
    %dma_wait3A_1420 = arith.constant 0 : i32
    %dma_wait3A_1421 = tpu.memref_slice %arg6[%dma_wait3A_1410, %dma_wait3A_1411, %dma_wait3A_1419, %dma_wait3A_1420] : memref<5x8x16x128xf32, #tpu.memory_space<vmem>> -> memref<1x1x16x128xf32, #tpu.memory_space<vmem>>
    %dma_wait3A_1422 = tpu.memref_squeeze %dma_wait3A_1421 : memref<1x1x16x128xf32, #tpu.memory_space<vmem>> -> memref<16x128xf32, #tpu.memory_space<vmem>>
    %dma_wait3A_1423 = arith.constant 0 : i32
    %dma_wait3A_1424 = arith.constant 0 : i32
    %dma_wait3A_1425 = tpu.memref_slice %arg2[%dma_wait3A_1423, %dma_wait3A_1424] : memref<16x1000000xf32, #tpu.memory_space<hbm>> -> memref<16x128xf32, #tpu.memory_space<hbm>>
    tpu.wait_dma2 semaphore(%arg11 : memref<!tpu.dma_semaphore, #tpu.memory_space<semaphore_mem>>) src(%dma_wait3A_1425 : memref<16x128xf32, #tpu.memory_space<hbm>>) dst(%dma_wait3A_1422 : memref<16x128xf32, #tpu.memory_space<vmem>>)
    %dma_wait3A_1426 = arith.constant 3 : i32
    %dma_wait3A_1427 = arith.constant 7 : i32
    %dma_wait3A_1428 = arith.constant 0 : i32
    %dma_wait3A_1429 = arith.constant 0 : i32
    %dma_wait3A_1430 = tpu.memref_slice %arg6[%dma_wait3A_1426, %dma_wait3A_1427, %dma_wait3A_1428, %dma_wait3A_1429] : memref<5x8x16x128xf32, #tpu.memory_space<vmem>> -> memref<1x1x16x128xf32, #tpu.memory_space<vmem>>
    %dma_wait3A_1431 = tpu.memref_squeeze %dma_wait3A_1430 : memref<1x1x16x128xf32, #tpu.memory_space<vmem>> -> memref<16x128xf32, #tpu.memory_space<vmem>>
    %dma_wait3A_1432 = arith.constant 0 : i32
    %dma_wait3A_1433 = arith.constant 0 : i32
    %dma_wait3A_1434 = tpu.memref_slice %arg2[%dma_wait3A_1432, %dma_wait3A_1433] : memref<16x1000000xf32, #tpu.memory_space<hbm>> -> memref<16x128xf32, #tpu.memory_space<hbm>>
    %dma_wait3A_1435 = arith.constant 0 : i32
    %dma_wait3A_1436 = arith.constant 0 : i32
    %dma_wait3A_1437 = tpu.memref_slice %arg6[%dma_wait3A_1426, %dma_wait3A_1427, %dma_wait3A_1435, %dma_wait3A_1436] : memref<5x8x16x128xf32, #tpu.memory_space<vmem>> -> memref<1x1x16x128xf32, #tpu.memory_space<vmem>>
    %dma_wait3A_1438 = tpu.memref_squeeze %dma_wait3A_1437 : memref<1x1x16x128xf32, #tpu.memory_space<vmem>> -> memref<16x128xf32, #tpu.memory_space<vmem>>
    %dma_wait3A_1439 = arith.constant 0 : i32
    %dma_wait3A_1440 = arith.constant 0 : i32
    %dma_wait3A_1441 = tpu.memref_slice %arg2[%dma_wait3A_1439, %dma_wait3A_1440] : memref<16x1000000xf32, #tpu.memory_space<hbm>> -> memref<16x128xf32, #tpu.memory_space<hbm>>
    tpu.wait_dma2 semaphore(%arg11 : memref<!tpu.dma_semaphore, #tpu.memory_space<semaphore_mem>>) src(%dma_wait3A_1441 : memref<16x128xf32, #tpu.memory_space<hbm>>) dst(%dma_wait3A_1438 : memref<16x128xf32, #tpu.memory_space<vmem>>)
    %get3A_1442 = arith.constant 504 : index
    %get3A_1443 = tpu.vector_load %arg5[%get3A_1442] {strides = array<i32>} : memref<528xi32, #tpu.memory_space<vmem>>, vector<16xi32>,
    %broadcast_in_dim3A_1444 = arith.constant 3 : i32
    %broadcast_in_dim3A_1445 = vector.broadcast %broadcast_in_dim3A_1444 : i32 to vector<16xi32>
    %slice3A_1446 = vector.extract_strided_slice %get3A_1443 {offsets = [0], sizes = [1], strides = [1]} : vector<16xi32> to vector<1xi32>
    %squeeze3A_1447 = vector.extract %slice3A_1446[0] : i32 from vector<1xi32>
    %and3A_1448 = arith.constant 127 : i32
    %and3A_1449 = arith.andi %squeeze3A_1447, %and3A_1448 : i32
    %broadcast_in_dim3A_1450 = vector.broadcast %and3A_1449 : i32 to vector<16xi32>
    %broadcast_in_dim3A_1451 = arith.constant 504 : i32
    %broadcast_in_dim3A_1452 = vector.broadcast %broadcast_in_dim3A_1451 : i32 to vector<16xi32>
    %broadcast_in_dim3A_1453 = arith.constant 0 : i32
    %broadcast_in_dim3A_1454 = vector.broadcast %broadcast_in_dim3A_1453 : i32 to vector<16xi32>
    %gather3A_1455 = tpu.vector_load_idx %arg6[%broadcast_in_dim3A_1445, %broadcast_in_dim3A_1454, %iota3A, %broadcast_in_dim3A_1450] : memref<5x8x16x128xf32, #tpu.memory_space<vmem>>[vector<16xi32>, vector<16xi32>, vector<16xi32>, vector<16xi32>], vector<16xf32>,
    tpu.vector_store_idx %arg7[%iota3A, %broadcast_in_dim3A_1452], %gather3A_1455 : memref<16x512xf32, #tpu.memory_space<vmem>>[vector<16xi32>, vector<16xi32>], vector<16xf32>,
    %slice3A_1456 = vector.extract_strided_slice %get3A_1443 {offsets = [1], sizes = [1], strides = [1]} : vector<16xi32> to vector<1xi32>
    %squeeze3A_1457 = vector.extract %slice3A_1456[0] : i32 from vector<1xi32>
    %and3A_1458 = arith.constant 127 : i32
    %and3A_1459 = arith.andi %squeeze3A_1457, %and3A_1458 : i32
    %broadcast_in_dim3A_1460 = vector.broadcast %and3A_1459 : i32 to vector<16xi32>
    %broadcast_in_dim3A_1461 = arith.constant 505 : i32
    %broadcast_in_dim3A_1462 = vector.broadcast %broadcast_in_dim3A_1461 : i32 to vector<16xi32>
    %broadcast_in_dim3A_1463 = arith.constant 1 : i32
    %broadcast_in_dim3A_1464 = vector.broadcast %broadcast_in_dim3A_1463 : i32 to vector<16xi32>
    %gather3A_1465 = tpu.vector_load_idx %arg6[%broadcast_in_dim3A_1445, %broadcast_in_dim3A_1464, %iota3A, %broadcast_in_dim3A_1460] : memref<5x8x16x128xf32, #tpu.memory_space<vmem>>[vector<16xi32>, vector<16xi32>, vector<16xi32>, vector<16xi32>], vector<16xf32>,
    tpu.vector_store_idx %arg7[%iota3A, %broadcast_in_dim3A_1462], %gather3A_1465 : memref<16x512xf32, #tpu.memory_space<vmem>>[vector<16xi32>, vector<16xi32>], vector<16xf32>,
    %slice3A_1466 = vector.extract_strided_slice %get3A_1443 {offsets = [2], sizes = [1], strides = [1]} : vector<16xi32> to vector<1xi32>
    %squeeze3A_1467 = vector.extract %slice3A_1466[0] : i32 from vector<1xi32>
    %and3A_1468 = arith.constant 127 : i32
    %and3A_1469 = arith.andi %squeeze3A_1467, %and3A_1468 : i32
    %broadcast_in_dim3A_1470 = vector.broadcast %and3A_1469 : i32 to vector<16xi32>
    %broadcast_in_dim3A_1471 = arith.constant 506 : i32
    %broadcast_in_dim3A_1472 = vector.broadcast %broadcast_in_dim3A_1471 : i32 to vector<16xi32>
    %broadcast_in_dim3A_1473 = arith.constant 2 : i32
    %broadcast_in_dim3A_1474 = vector.broadcast %broadcast_in_dim3A_1473 : i32 to vector<16xi32>
    %gather3A_1475 = tpu.vector_load_idx %arg6[%broadcast_in_dim3A_1445, %broadcast_in_dim3A_1474, %iota3A, %broadcast_in_dim3A_1470] : memref<5x8x16x128xf32, #tpu.memory_space<vmem>>[vector<16xi32>, vector<16xi32>, vector<16xi32>, vector<16xi32>], vector<16xf32>,
    tpu.vector_store_idx %arg7[%iota3A, %broadcast_in_dim3A_1472], %gather3A_1475 : memref<16x512xf32, #tpu.memory_space<vmem>>[vector<16xi32>, vector<16xi32>], vector<16xf32>,
    %slice3A_1476 = vector.extract_strided_slice %get3A_1443 {offsets = [3], sizes = [1], strides = [1]} : vector<16xi32> to vector<1xi32>
    %squeeze3A_1477 = vector.extract %slice3A_1476[0] : i32 from vector<1xi32>
    %and3A_1478 = arith.constant 127 : i32
    %and3A_1479 = arith.andi %squeeze3A_1477, %and3A_1478 : i32
    %broadcast_in_dim3A_1480 = vector.broadcast %and3A_1479 : i32 to vector<16xi32>
    %broadcast_in_dim3A_1481 = arith.constant 507 : i32
    %broadcast_in_dim3A_1482 = vector.broadcast %broadcast_in_dim3A_1481 : i32 to vector<16xi32>
    %broadcast_in_dim3A_1483 = arith.constant 3 : i32
    %broadcast_in_dim3A_1484 = vector.broadcast %broadcast_in_dim3A_1483 : i32 to vector<16xi32>
    %gather3A_1485 = tpu.vector_load_idx %arg6[%broadcast_in_dim3A_1445, %broadcast_in_dim3A_1484, %iota3A, %broadcast_in_dim3A_1480] : memref<5x8x16x128xf32, #tpu.memory_space<vmem>>[vector<16xi32>, vector<16xi32>, vector<16xi32>, vector<16xi32>], vector<16xf32>,
    tpu.vector_store_idx %arg7[%iota3A, %broadcast_in_dim3A_1482], %gather3A_1485 : memref<16x512xf32, #tpu.memory_space<vmem>>[vector<16xi32>, vector<16xi32>], vector<16xf32>,
    %slice3A_1486 = vector.extract_strided_slice %get3A_1443 {offsets = [4], sizes = [1], strides = [1]} : vector<16xi32> to vector<1xi32>
    %squeeze3A_1487 = vector.extract %slice3A_1486[0] : i32 from vector<1xi32>
    %and3A_1488 = arith.constant 127 : i32
    %and3A_1489 = arith.andi %squeeze3A_1487, %and3A_1488 : i32
    %broadcast_in_dim3A_1490 = vector.broadcast %and3A_1489 : i32 to vector<16xi32>
    %broadcast_in_dim3A_1491 = arith.constant 508 : i32
    %broadcast_in_dim3A_1492 = vector.broadcast %broadcast_in_dim3A_1491 : i32 to vector<16xi32>
    %broadcast_in_dim3A_1493 = arith.constant 4 : i32
    %broadcast_in_dim3A_1494 = vector.broadcast %broadcast_in_dim3A_1493 : i32 to vector<16xi32>
    %gather3A_1495 = tpu.vector_load_idx %arg6[%broadcast_in_dim3A_1445, %broadcast_in_dim3A_1494, %iota3A, %broadcast_in_dim3A_1490] : memref<5x8x16x128xf32, #tpu.memory_space<vmem>>[vector<16xi32>, vector<16xi32>, vector<16xi32>, vector<16xi32>], vector<16xf32>,
    tpu.vector_store_idx %arg7[%iota3A, %broadcast_in_dim3A_1492], %gather3A_1495 : memref<16x512xf32, #tpu.memory_space<vmem>>[vector<16xi32>, vector<16xi32>], vector<16xf32>,
    %slice3A_1496 = vector.extract_strided_slice %get3A_1443 {offsets = [5], sizes = [1], strides = [1]} : vector<16xi32> to vector<1xi32>
    %squeeze3A_1497 = vector.extract %slice3A_1496[0] : i32 from vector<1xi32>
    %and3A_1498 = arith.constant 127 : i32
    %and3A_1499 = arith.andi %squeeze3A_1497, %and3A_1498 : i32
    %broadcast_in_dim3A_1500 = vector.broadcast %and3A_1499 : i32 to vector<16xi32>
    %broadcast_in_dim3A_1501 = arith.constant 509 : i32
    %broadcast_in_dim3A_1502 = vector.broadcast %broadcast_in_dim3A_1501 : i32 to vector<16xi32>
    %broadcast_in_dim3A_1503 = arith.constant 5 : i32
    %broadcast_in_dim3A_1504 = vector.broadcast %broadcast_in_dim3A_1503 : i32 to vector<16xi32>
    %gather3A_1505 = tpu.vector_load_idx %arg6[%broadcast_in_dim3A_1445, %broadcast_in_dim3A_1504, %iota3A, %broadcast_in_dim3A_1500] : memref<5x8x16x128xf32, #tpu.memory_space<vmem>>[vector<16xi32>, vector<16xi32>, vector<16xi32>, vector<16xi32>], vector<16xf32>,
    tpu.vector_store_idx %arg7[%iota3A, %broadcast_in_dim3A_1502], %gather3A_1505 : memref<16x512xf32, #tpu.memory_space<vmem>>[vector<16xi32>, vector<16xi32>], vector<16xf32>,
    %slice3A_1506 = vector.extract_strided_slice %get3A_1443 {offsets = [6], sizes = [1], strides = [1]} : vector<16xi32> to vector<1xi32>
    %squeeze3A_1507 = vector.extract %slice3A_1506[0] : i32 from vector<1xi32>
    %and3A_1508 = arith.constant 127 : i32
    %and3A_1509 = arith.andi %squeeze3A_1507, %and3A_1508 : i32
    %broadcast_in_dim3A_1510 = vector.broadcast %and3A_1509 : i32 to vector<16xi32>
    %broadcast_in_dim3A_1511 = arith.constant 510 : i32
    %broadcast_in_dim3A_1512 = vector.broadcast %broadcast_in_dim3A_1511 : i32 to vector<16xi32>
    %broadcast_in_dim3A_1513 = arith.constant 6 : i32
    %broadcast_in_dim3A_1514 = vector.broadcast %broadcast_in_dim3A_1513 : i32 to vector<16xi32>
    %gather3A_1515 = tpu.vector_load_idx %arg6[%broadcast_in_dim3A_1445, %broadcast_in_dim3A_1514, %iota3A, %broadcast_in_dim3A_1510] : memref<5x8x16x128xf32, #tpu.memory_space<vmem>>[vector<16xi32>, vector<16xi32>, vector<16xi32>, vector<16xi32>], vector<16xf32>,
    tpu.vector_store_idx %arg7[%iota3A, %broadcast_in_dim3A_1512], %gather3A_1515 : memref<16x512xf32, #tpu.memory_space<vmem>>[vector<16xi32>, vector<16xi32>], vector<16xf32>,
    %slice3A_1516 = vector.extract_strided_slice %get3A_1443 {offsets = [7], sizes = [1], strides = [1]} : vector<16xi32> to vector<1xi32>
    %squeeze3A_1517 = vector.extract %slice3A_1516[0] : i32 from vector<1xi32>
    %and3A_1518 = arith.constant 127 : i32
    %and3A_1519 = arith.andi %squeeze3A_1517, %and3A_1518 : i32
    %broadcast_in_dim3A_1520 = vector.broadcast %and3A_1519 : i32 to vector<16xi32>
    %broadcast_in_dim3A_1521 = arith.constant 511 : i32
    %broadcast_in_dim3A_1522 = vector.broadcast %broadcast_in_dim3A_1521 : i32 to vector<16xi32>
    %broadcast_in_dim3A_1523 = arith.constant 7 : i32
    %broadcast_in_dim3A_1524 = vector.broadcast %broadcast_in_dim3A_1523 : i32 to vector<16xi32>
    %gather3A_1525 = tpu.vector_load_idx %arg6[%broadcast_in_dim3A_1445, %broadcast_in_dim3A_1524, %iota3A, %broadcast_in_dim3A_1520] : memref<5x8x16x128xf32, #tpu.memory_space<vmem>>[vector<16xi32>, vector<16xi32>, vector<16xi32>, vector<16xi32>], vector<16xf32>,
    tpu.vector_store_idx %arg7[%iota3A, %broadcast_in_dim3A_1522], %gather3A_1525 : memref<16x512xf32, #tpu.memory_space<vmem>>[vector<16xi32>, vector<16xi32>], vector<16xf32>,
    "tpu.region"() ({
      %run_scoped3A = tpu.sem_alloc : memref<!tpu.dma_semaphore, #tpu.memory_space<semaphore_mem>>
      %dma_start3A_1526 = arith.constant 0 : i32
      %dma_start3A_1527 = tpu.memref_slice %arg4[%dma_start3A_1526, %mul3A_2] : memref<16x16384xf32, #tpu.memory_space<hbm>> -> memref<16x512xf32, #tpu.memory_space<hbm>>
      %dma_start3A_1528 = arith.constant 0 : i32
      %dma_start3A_1529 = tpu.memref_slice %arg4[%dma_start3A_1528, %mul3A_2] : memref<16x16384xf32, #tpu.memory_space<hbm>> -> memref<16x512xf32, #tpu.memory_space<hbm>>
      tpu.enqueue_dma source(%arg7 : memref<16x512xf32, #tpu.memory_space<vmem>>) target(%dma_start3A_1529 : memref<16x512xf32, #tpu.memory_space<hbm>>) target_semaphore(%run_scoped3A : memref<!tpu.dma_semaphore, #tpu.memory_space<semaphore_mem>>)
      %dma_wait3A_1530 = arith.constant 0 : i32
      %dma_wait3A_1531 = tpu.memref_slice %arg4[%dma_wait3A_1530, %mul3A_2] : memref<16x16384xf32, #tpu.memory_space<hbm>> -> memref<16x512xf32, #tpu.memory_space<hbm>>
      %dma_wait3A_1532 = arith.constant 0 : i32
      %dma_wait3A_1533 = tpu.memref_slice %arg4[%dma_wait3A_1532, %mul3A_2] : memref<16x16384xf32, #tpu.memory_space<hbm>> -> memref<16x512xf32, #tpu.memory_space<hbm>>
      tpu.wait_dma2 semaphore(%run_scoped3A : memref<!tpu.dma_semaphore, #tpu.memory_space<semaphore_mem>>) src(%arg7 : memref<16x512xf32, #tpu.memory_space<vmem>>) dst(%dma_wait3A_1533 : memref<16x512xf32, #tpu.memory_space<hbm>>)
      tpu.yield
    }) : () -> ()
    return
  }
}

</mosaic_0001>

<sc_bundles>
// kernel: kernel.3.cloned.1.call-start
scs
__scs_entry_jumppad:
0x0: {  	(pc) =	sbr.rel $0x88, $3  }
0x1: {  	(tag) =	ssettag $0x0;
	lr =	simm.s32 $0x1  }
0x2: {  	[smem:$0x3F9F] =	sst lr;
	_ =	strace $0xD0000000  }
0x3: {  	_ = 	snop  }
0x4: {  	_ = 	snop  }
0x5: {  	_ = 	snop  }
0x6: {  	_ = 	snop  }
0x7: {  	_ = 	snop  }
__scs_overlays_trampoline_lowered:
0x8: {  	[smem:$0x3FAE] =	sst s0  }
0x9: {  	[smem:$0x3FAF] =	sst s1  }
0xa: {  	[smem:$0x3FB0] =	sst s2  }
0xb: {  	[smem:$0x3FB1] =	sst s3  }
0xc: {  	[smem:$0x3FB2] =	sst s4  }
0xd: {  	[smem:$0x3FB3] =	sst s5  }
0xe: {  	[smem:$0x3FB4] =	sst s6  }
0xf: {  	[smem:$0x3FB5] =	sst s7  }
0x10: {  	[smem:$0x3FB6] =	sst s8  }
0x11: {  	[smem:$0x3FB7] =	sst s9;
	s0 =	simm.s32 @!p0 $0x0  }
0x12: {  	s1 =	sld [smem:$0x3F9D];
	s0 =	simm.s32 @p0 $0x1  }
0x13: {  	[smem:$0x3FB8] =	sst s0;
	s0 =	simm.s32 @!p1 $0x0  }
0x14: {  	s2 =	sld [smem:$0x3F9C];
	s0 =	simm.s32 @p1 $0x1  }
0x15: {  	[smem:$0x3FB9] =	sst s0;
	s0 =	simm.s32 @!p2 $0x0  }
0x16: {  	s3 =	sld [smem:$0x3FDB];
	s0 =	simm.s32 @p2 $0x1  }
0x17: {  	s4 =	simm.s32 $0x1BF5;
	[smem:$0x3FBB] =	sst s0  }
0x18: {  	s0 =	sld [smem:$0x3F9E];
	_ =	swait.ge [sflag:s4], $0x0  }
0x19: {  	s7 =	sld [smem:$0x3F9F]  }
0x1a: {  	s8 =	sadd.s32 $0xFFFFE003, lr  }
0x1b: {  	s9 =	sadd.s32 $0xFFFFFEF7, lr;
	s5 =	simm.s32 $0xFFFFFFFF;
	p2 =	slt.u32 s8, $0xFFFFF086  }
0x1c: {  	p1 =	slt.u32 s9, $0xF7A;
	s5 =	simm.s32 @!p2 $0x0  }
0x1d: {  	s5 =	simm.s32 @p1 $0x1;
	p0 =	seq.s32 s7, s2  }
0x1e: {  	s7 =	smul.u32 @!p0 $0xF7A, s2;
	p2 =	seq.s32 @!p0 s5, $0x0  }
0x1f: {  	s9 =	smul.u32 $0xF7A, s1;
	s8 =	simm.s32 @!p0 $0x1BF5;
	p2 =	por !p2, p0  }
0x20: {  	[sflag:s8] =	ssyncset.s32 @!p0 $0xFFFFF086;
	s6 =	sadd.s32 @!p0 s3, s7;
	s7 =	simm.s32 @!p0 $0x108  }
0x21: {  	s3 =	sadd.s32 s3, s9;
	s6 =	sadd.s32 @!p0 $0x88, s6;
	s7 =	simm.s32 @p2 $0x1082  }
0x22: {  	[simem:s7], [sflag:s8] =	dma.local @!p0 [hbm:s6], $0xF7A  }
0x23: {  	s9 =	sor.u32 $0xD0000000, s2;
	s6 =	simm.s32 $0x108;
	_ =	swait.ge @!p0 [sflag:s8], $0x0  }
0x24: {  	s3 =	sadd.s32 $0x88, s3;
	s6 =	simm.s32 @!p1 $0x1082;
	[sflag:s4] =	ssyncset.s32 $0xFFFFF086  }
0x25: {  	[simem:s6], [sflag:s4] =	dma.local [hbm:s3], $0xF7A  }
0x26: {  	[smem:$0x3F9F] =	sst s1;
	(tag) =	ssettag s2;
	_ =	strace s9  }
0x27: {  	s1 =	sld [smem:$0x3FAF]  }
0x28: {  	s2 =	sld [smem:$0x3FB0]  }
0x29: {  	s4 =	sld [smem:$0x3FB2]  }
0x2a: {  	p0 =	seq.s32 s5, $0x0;
	s5 =	sld [smem:$0x3FB3]  }
0x2b: {  	s6 =	sld [smem:$0x3FB4]  }
0x2c: {  	s7 =	sld [smem:$0x3FB5]  }
0x2d: {  	s3 =	simm.s32 $0x108;
	s8 =	sld [smem:$0x3FB6]  }
0x2e: {  	s3 =	simm.s32 @!p0 $0x1082;
	s9 =	sld [smem:$0x3FB7]  }
0x2f: {  	lr =	sadd.s32 s0, s3;
	s0 =	sld [smem:$0x3FAE]  }
0x30: {  	s3 =	sld [smem:$0x3FB1]  }
0x31: {  	[smem:$0x3FBA] =	sst s10  }
0x32: {  	s10 =	sld [smem:$0x3FB8];
	_ =	sdelay $0x3  }
0x33: {  	p0 =	seq.s32 s10, $0x1;
	s10 =	sld [smem:$0x3FBA];
	_ =	sdelay $0x3  }
0x34: {  	[smem:$0x3FBA] =	sst s10  }
0x35: {  	s10 =	sld [smem:$0x3FB9];
	_ =	sdelay $0x3  }
0x36: {  	p1 =	seq.s32 s10, $0x1;
	s10 =	sld [smem:$0x3FBA];
	_ =	sdelay $0x3  }
0x37: {  	[smem:$0x3FBA] =	sst s10  }
0x38: {  	s10 =	sld [smem:$0x3FBB]  }
0x39: {  	_ = 	snop;
	(pc) =	sbr.ind lr, $3  }
0x3a: {  	_ = 	snop  }
0x3b: {  	_ = 	snop  }
0x3c: {  	p2 =	seq.s32 s10, $0x1;
	s10 =	sld [smem:$0x3FBA]  }
0x3d: {  	_ =	shalt  }
0x3e: {  	_ =	shalt  }
0x3f: {  	_ =	shalt  }
0x40: {  	_ =	shalt  }
0x41: {  	_ =	shalt  }
0x42: {  	_ =	shalt  }
0x43: {  	_ =	shalt  }
0x44: {  	_ =	shalt  }
0x45: {  	_ =	shalt  }
0x46: {  	_ =	shalt  }
0x47: {  	_ =	shalt  }
0x48: {  	_ =	shalt  }
0x49: {  	_ =	shalt  }
0x4a: {  	_ =	shalt  }
0x4b: {  	_ =	shalt  }
0x4c: {  	_ =	shalt  }
0x4d: {  	_ =	shalt  }
0x4e: {  	_ =	shalt  }
0x4f: {  	_ =	shalt  }
0x50: {  	_ =	shalt  }
0x51: {  	_ =	shalt  }
0x52: {  	_ =	shalt  }
0x53: {  	_ =	shalt  }
0x54: {  	_ =	shalt  }
0x55: {  	_ =	shalt  }
0x56: {  	_ =	shalt  }
0x57: {  	_ =	shalt  }
0x58: {  	_ =	shalt  }
0x59: {  	_ =	shalt  }
0x5a: {  	_ =	shalt  }
0x5b: {  	_ =	shalt  }
0x5c: {  	_ =	shalt  }
0x5d: {  	_ =	shalt  }
0x5e: {  	_ =	shalt  }
0x5f: {  	_ =	shalt  }
0x60: {  	_ =	shalt  }
0x61: {  	_ =	shalt  }
0x62: {  	_ =	shalt  }
0x63: {  	_ =	shalt  }
0x64: {  	_ =	shalt  }
0x65: {  	_ =	shalt  }
0x66: {  	_ =	shalt  }
0x67: {  	_ =	shalt  }
0x68: {  	_ =	shalt  }
0x69: {  	_ =	shalt  }
0x6a: {  	_ =	shalt  }
0x6b: {  	_ =	shalt  }
0x6c: {  	_ =	shalt  }
0x6d: {  	_ =	shalt  }
0x6e: {  	_ =	shalt  }
0x6f: {  	_ =	shalt  }
0x70: {  	_ =	shalt  }
0x71: {  	_ =	shalt  }
0x72: {  	_ =	shalt  }
0x73: {  	_ =	shalt  }
0x74: {  	_ =	shalt  }
0x75: {  	_ =	shalt  }
0x76: {  	_ =	shalt  }
0x77: {  	_ =	shalt  }
0x78: {  	_ =	shalt  }
0x79: {  	_ =	shalt  }
0x7a: {  	_ =	shalt  }
0x7b: {  	_ =	shalt  }
0x7c: {  	_ =	shalt  }
0x7d: {  	_ =	shalt  }
0x7e: {  	_ =	shalt  }
0x7f: {  	_ =	shalt  }
0x80: {  	_ =	shalt  }
0x81: {  	_ =	shalt  }
0x82: {  	_ =	shalt  }
0x83: {  	_ =	shalt  }
0x84: {  	_ =	shalt  }
0x85: {  	_ =	shalt  }
0x86: {  	_ =	shalt  }
0x87: {  	_ =	shalt  }
.Lfunc_end0:
.L_simem_size_0:
called_computation_lowered:
.L_overlay_start_0:
0x88: {  	s2 =	sld [smem:$0x3FD9]  }
0x89: {  	s3 =	sld [smem:$0x3FFE];
	_ =	sdelay $0x1  }
0x8a: {  	s1 =	srdreg.scid  }
0x8b: {  	s0 =	sand.u32 $0x1, s1  }
0x8c: {  	s18 =	sshll.u32 s0, $0xA;
	s2 =	sadd.s32 s3, s2  }
0x8d: {  	s2 =	sadd.s32 s2, s18  }
0x8e: {  	[smem:$0x3FC6] =	sst s2  }
0x8f: {  	_ = 	snop  }
0x90: {  	s2 =	sld [smem:$0x3FC9]  }
0x91: {  	s19 =	sld [smem:$0x3FC8]  }
0x92: {  	s4 =	sld [smem:$0x3FD0];
	(tm) =	ssettm $0x1  }
0x93: {  	s5 =	sld [smem:$0x3FFB];
	_ =	sdelay $0x3  }
0x94: {  	_ =	strace s5  }
0x95: {  	s5 =	sld [smem:$0x3FFC];
	_ =	sdelay $0x3  }
0x96: {  	_ =	strace s5  }
0x97: {  	s5 =	sld [smem:$0x3FFD];
	_ =	sdelay $0x3  }
0x98: {  	_ =	strace s5  }
0x99: {  	_ =	strace $0x8FFFFFFF  }
0x9a: {  	s20 =	sld [smem:$0x3FDB];
	_ =	sdelay $0x1  }
0x9b: {  	s6 =	simm.s32 $_scs_section_size  }
0x9c: {  	s7 =	simm.s32 $_size__tile_overlayer_lowered;
	s8 =	simm.s32 $_tile_overlayer_lowered  }
0x9d: {  	s23 =	simm.s32 $0x1BFF;
	s22 =	sshll.u32 s8, $0x1;
	s5 =	sadd.s32 s6, s20  }
0x9e: {  	s9 =	simm.s32 $0x0;
	s21 =	sshll.u32 s7, $0x1;
	s7 =	sadd.s32 s22, s5  }
0x9f: {  	[timem:s9], [sflag:s23] =	dma.local [hbm:s7], s21  }
0xa0: {  	_ =	swait.ge [sflag:s23], s21  }
0xa1: {  	s6 =	ssub.s32 $0x0, s21;
	[sflag:s23] =	ssyncset.done $0x0  }
0xa2: {  	[sflag:s23] =	ssyncadd.s32 s6;
	_ =	sdelay $0x1  }
0xa3: {  	s24 =	simm.s32 $0x1B8B  }
0xa4: {  	_ =	swait.ge [sflag:s24], $0x1  }
0xa5: {  	[sflag:s24] =	ssyncset.done $0x0  }
0xa6: {  	s25 =	simm.s32 $0x1B8E;
	[sflag:s24] =	ssyncadd.s32 $0xFFFFFFFF  }
0xa7: {  	s26 =	simm.s32 $execute0_lowered;
	[smem:$0x3FD2] =	sst s25  }
0xa8: {  	s6 =	sshll.u32 s26, $0x1;
	_ =	strace $0x80000046;
	[dreg:$0x1] =	wrdreg $0xFFFFFFFF  }
0xa9: {  	s28 =	simm.s32 $_size_execute0_lowered;
	s5 =	sadd.s32 s5, s6;
	[dreg:$0x0] =	wrdreg $0x0  }
0xaa: {  	s6 =	sshll.u32 s28, $0x1;
	[dreg:$0x2] =	wrdreg s5  }
0xab: {  	[dreg:$0x3] =	wrdreg s6  }
0xac: {  	[dreg:$0x4] =	wrdreg $0xC0  }
0xad: {  	_ =	task [dreg:s9], $0x5FFFF  }
0xae: {  	[dreg:$0x1] =	wrdreg $0xFFFFFFFF  }
0xaf: {  	[dreg:$0x0] =	wrdreg $0x60  }
0xb0: {  	[dreg:$0x2] =	wrdreg s19  }
0xb1: {  	[dreg:$0x3] =	wrdreg s2  }
0xb2: {  	[dreg:$0x4] =	wrdreg s4  }
0xb3: {  	[dreg:$0x5] =	wrdreg $0x9  }
0xb4: {  	_ =	task.clear_ibuf [dreg:s9], $0x6FFFF;
	_ =	strace $0x90000046  }
0xb5: {  	s29 =	simm.s32 $0x9;
	_ =	strace $0x80000048  }
0xb6: {  	_ =	swait.ge [sflag:s29], $0x1  }
0xb7: {  	[sflag:s29] =	ssyncadd.s32 $0xFFFFFFFF  }
0xb8: {  	_ =	strace $0x90000048  }
0xb9: {  	_ =	sfence  }
0xba: {  	s30 =	sld [smem:$0x0];
	_ =	sdelay $0x2  }
0xbb: {  	s31 =	sshll.u32 s1, $0xD;
	s1 =	sshrl.u32 s1, $0x2  }
0xbc: {  	s3 =	sand.u32 $0x4000, s31;
	s1 =	sadd.s32 s1, s30  }
0xbd: {  	s0 =	sor.u32 s3, s0;
	s1 =	sshll.u32 s1, $0x11  }
0xbe: {  	s0 =	sor.u32 s1, s0  }
0xbf: {  	s0 =	sadd.s32 $0x8F2B, s0  }
0xc0: {  	[sflag:s0] =	ssyncadd.remote.s32 $0x1  }
0xc1: {  	_ =	sfence.sel $0xFFFF  }
0xc2: {  	[dreg:$0x0] =	wrdreg $0xFFFFFFFF;
	(pc) =	sbr.abs _section_cstart, $3  }
0xc3: {  	[dreg:$0x1] =	wrdreg $0xFFFFFFFF  }
0xc4: {  	_ =	task.clear_ibuf [dreg:s9], $0x2FFFF;
	_ =	strace $0x9FFFFFFF  }
0xc5: {  	(tm) =	ssettm $0x7FFFFFFF  }
tec
execute0_lowered:
.L_overlay_start_1:
0x0: {  	(tag) =	ssettag $0x1  }
0x1: {  	v0 =	vimm.s32 $0x1380;
	vm14 =	vcmask $0x300  }
0x2: {  	vm13 =	vcmask $0x704;
	vm12 =	vcmask $0xB08;
	vm11 =	vcmask $0xF0C  }
0x3: {  	vm10 =	vcmask $0x1310;
	vm9 =	vcmask $0x1714;
	vm8 =	vcmask $0x1B18  }
0x4: {  	vm7 =	vcmask $0x1F1C;
	vm6 =	vcmask $0x2320;
	vm5 =	vcmask $0x2724  }
0x5: {  	vm4 =	vcmask $0x2B28;
	vm3 =	vcmask $0x2F2C;
	v1 =	vlaneseq.u32  }
0x6: {  	vm2 =	vcmask $0x3330;
	vm1 =	vcmask $0x3734;
	vm0 =	vcmask $0x3B38  }
0x7: {  	v18 =	vimm.s32 $0x1FE0;
	v19 =	vimm.s32 $0x1FE1;
	v55 =	vimm.s32 $0x1FE2  }
0x8: {  	v56 =	vimm.s32 $0x1FE3;
	v34 =	vimm.s32 $0x1FE4;
	v59 =	vimm.s32 $0x1FE5  }
0x9: {  	v60 =	vimm.s32 $0x1FE6;
	v61 =	vimm.s32 $0x1FE7;
	v36 =	vimm.s32 $0x1FE8  }
0xa: {  	v37 =	vimm.s32 $0x1FE9;
	v38 =	vimm.s32 $0x1FEA;
	v41 =	vimm.s32 $0x1FEB  }
0xb: {  	v42 =	vimm.s32 $0x1FEC;
	v43 =	vimm.s32 $0x1FED;
	v46 =	vimm.s32 $0x1FEE  }
0xc: {  	v47 =	vimm.s32 $0x1FEF;
	v48 =	vimm.s32 $0x1FF0;
	v49 =	vimm.s32 $0x1FF1  }
0xd: {  	v50 =	vimm.s32 $0x1FF2;
	v51 =	vimm.s32 $0x1FF3;
	v52 =	vimm.s32 $0x1FF4  }
0xe: {  	v53 =	vimm.s32 $0x1FF5;
	v0 =	vsel vm14, $0x0, v0;
	v20 =	vsel vm14, $0xC60, v18  }
0xf: {  	v19 =	vsel vm14, $0xC61, v19;
	v34 =	vsel vm14, $0xC64, v34;
	v0 =	vsel vm13, $0x80, v0  }
0x10: {  	v20 =	vsel vm13, $0xCE0, v20;
	v21 =	vsel vm13, $0xCE1, v19;
	v34 =	vsel vm13, $0xCE4, v34  }
0x11: {  	v0 =	vsel vm12, $0x100, v0;
	v22 =	vsel vm12, $0xD60, v20;
	v21 =	vsel vm12, $0xD61, v21  }
0x12: {  	v34 =	vsel vm12, $0xD64, v34;
	v0 =	vsel vm11, $0x180, v0;
	v22 =	vsel vm11, $0xDE0, v22  }
0x13: {  	v23 =	vsel vm11, $0xDE1, v21;
	v34 =	vsel vm11, $0xDE4, v34;
	v0 =	vsel vm10, $0x200, v0  }
0x14: {  	v24 =	vsel vm10, $0xE60, v22;
	v23 =	vsel vm10, $0xE61, v23;
	v34 =	vsel vm10, $0xE64, v34  }
0x15: {  	v0 =	vsel vm9, $0x280, v0;
	v24 =	vsel vm9, $0xEE0, v24;
	v25 =	vsel vm9, $0xEE1, v23  }
0x16: {  	v34 =	vsel vm9, $0xEE4, v34;
	v0 =	vsel vm8, $0x300, v0;
	v26 =	vsel vm8, $0xF60, v24  }
0x17: {  	v25 =	vsel vm8, $0xF61, v25;
	v34 =	vsel vm8, $0xF64, v34;
	v0 =	vsel vm7, $0x380, v0  }
0x18: {  	v26 =	vsel vm7, $0xFE0, v26;
	v27 =	vsel vm7, $0xFE1, v25;
	v34 =	vsel vm7, $0xFE4, v34  }
0x19: {  	v0 =	vsel vm6, $0x1000, v0;
	v28 =	vsel vm6, $0x1C60, v26;
	v27 =	vsel vm6, $0x1C61, v27  }
0x1a: {  	v34 =	vsel vm6, $0x1C64, v34;
	v0 =	vsel vm5, $0x1080, v0;
	v28 =	vsel vm5, $0x1CE0, v28  }
0x1b: {  	v29 =	vsel vm5, $0x1CE1, v27;
	v34 =	vsel vm5, $0x1CE4, v34;
	v0 =	vsel vm4, $0x1100, v0  }
0x1c: {  	v30 =	vsel vm4, $0x1D60, v28;
	v29 =	vsel vm4, $0x1D61, v29;
	v34 =	vsel vm4, $0x1D64, v34  }
0x1d: {  	v2 =	vsel vm3, $0x1180, v0;
	v0 =	vmul.u32 $0x80, v1;
	v30 =	vsel vm3, $0x1DE0, v30  }
0x1e: {  	v31 =	vsel vm3, $0x1DE1, v29;
	v34 =	vsel vm3, $0x1DE4, v34;
	v1 =	vsel vm2, $0x1200, v2  }
0x1f: {  	v32 =	vsel vm2, $0x1E60, v30;
	v31 =	vsel vm2, $0x1E61, v31;
	v34 =	vsel vm2, $0x1E64, v34  }
0x20: {  	v1 =	vsel vm1, $0x1280, v1;
	v2 =	vor.u32 $0x800, v0;
	v3 =	vor.u32 $0x1000, v0  }
0x21: {  	v4 =	vor.u32 $0x1800, v0;
	v5 =	vor.u32 $0x2000, v0;
	v6 =	vor.u32 $0x2800, v0  }
0x22: {  	v7 =	vor.u32 $0x3000, v0;
	v8 =	vor.u32 $0x3800, v0;
	v9 =	vor.u32 $0x4000, v0  }
0x23: {  	v10 =	vor.u32 $0x4800, v0;
	v11 =	vor.u32 $0x5000, v0;
	v12 =	vor.u32 $0x5800, v0  }
0x24: {  	v13 =	vor.u32 $0x6000, v0;
	v14 =	vor.u32 $0x6800, v0;
	v15 =	vor.u32 $0x7000, v0  }
0x25: {  	v16 =	vor.u32 $0x7800, v0;
	v17 =	vor.u32 $0x8000, v0;
	v18 =	vor.u32 $0x8800, v0  }
0x26: {  	v19 =	vor.u32 $0x9000, v0;
	v20 =	vor.u32 $0x9800, v0;
	v21 =	vor.u32 $0xA000, v0  }
0x27: {  	v22 =	vor.u32 $0xA800, v0;
	v23 =	vor.u32 $0xB000, v0;
	v24 =	vor.u32 $0xB800, v0  }
0x28: {  	v25 =	vor.u32 $0xC000, v0;
	v26 =	vor.u32 $0xC800, v0;
	v27 =	vor.u32 $0xD000, v0  }
0x29: {  	v28 =	vor.u32 $0xD800, v0;
	v29 =	vor.u32 $0xE000, v0;
	v30 =	vor.u32 $0xE800, v0  }
0x2a: {  	v32 =	vsel vm1, $0x1EE0, v32;
	v33 =	vsel vm1, $0x1EE1, v31;
	v31 =	vor.u32 $0xF000, v0  }
0x2b: {  	v34 =	vsel vm1, $0x1EE4, v34;
	v35 =	vor.u32 $0x11000, v0;
	v1 =	vsel vm0, $0x1300, v1  }
0x2c: {  	v32 =	vsel vm0, $0x1F60, v32;
	v54 =	vsel vm0, $0x1F61, v33;
	v33 =	vsel vm14, $0xC63, v56  }
0x2d: {  	v58 =	vsel vm0, $0x1F64, v34;
	v34 =	vsel vm14, $0xC67, v61;
	v56 =	vimm.s32 $0x1FF8  }
0x2e: {  	v61 =	vimm.s32 $0x1FFD;
	[tilespmem:$0x1FF10] =	vst v32;
	v32 =	vsel vm14, $0xC62, v55;
	v33 =	vsel vm13, $0xCE3, v33  }
0x2f: {  	[tilespmem:$0x1FF20] =	vst v54;
	v34 =	vsel vm13, $0xCE7, v34;
	v54 =	vimm.s32 $0x1FF6;
	v55 =	vimm.s32 $0x1FF7  }
0x30: {  	[tilespmem:$0x1FF50] =	vst v58;
	v58 =	vimm.s32 $0x1FFA;
	v32 =	vsel vm13, $0xCE2, v32;
	v33 =	vsel vm12, $0xD63, v33  }
0x31: {  	v34 =	vsel vm12, $0xD67, v34;
	v32 =	vsel vm12, $0xD62, v32;
	v33 =	vsel vm11, $0xDE3, v33  }
0x32: {  	v34 =	vsel vm11, $0xDE7, v34;
	v32 =	vsel vm11, $0xDE2, v32;
	v33 =	vsel vm10, $0xE63, v33  }
0x33: {  	v34 =	vsel vm10, $0xE67, v34;
	v32 =	vsel vm10, $0xE62, v32;
	v33 =	vsel vm9, $0xEE3, v33  }
0x34: {  	v34 =	vsel vm9, $0xEE7, v34;
	v32 =	vsel vm9, $0xEE2, v32;
	v33 =	vsel vm8, $0xF63, v33  }
0x35: {  	v34 =	vsel vm8, $0xF67, v34;
	v32 =	vsel vm8, $0xF62, v32;
	v33 =	vsel vm7, $0xFE3, v33  }
0x36: {  	v34 =	vsel vm7, $0xFE7, v34;
	v32 =	vsel vm7, $0xFE2, v32;
	v33 =	vsel vm6, $0x1C63, v33  }
0x37: {  	v34 =	vsel vm6, $0x1C67, v34;
	v32 =	vsel vm6, $0x1C62, v32;
	v33 =	vsel vm5, $0x1CE3, v33  }
0x38: {  	v34 =	vsel vm5, $0x1CE7, v34;
	v32 =	vsel vm5, $0x1CE2, v32;
	v33 =	vsel vm4, $0x1D63, v33  }
0x39: {  	v34 =	vsel vm4, $0x1D67, v34;
	v32 =	vsel vm4, $0x1D62, v32;
	v33 =	vsel vm3, $0x1DE3, v33  }
0x3a: {  	v34 =	vsel vm3, $0x1DE7, v34;
	v32 =	vsel vm3, $0x1DE2, v32;
	v33 =	vsel vm2, $0x1E63, v33  }
0x3b: {  	v34 =	vsel vm2, $0x1E67, v34;
	v32 =	vsel vm2, $0x1E62, v32;
	v33 =	vsel vm1, $0x1EE3, v33  }
0x3c: {  	v34 =	vsel vm1, $0x1EE7, v34;
	v32 =	vsel vm1, $0x1EE2, v32;
	v57 =	vsel vm0, $0x1F63, v33  }
0x3d: {  	v33 =	vsel vm14, $0xC66, v60;
	v63 =	vsel vm0, $0x1F67, v34;
	v34 =	vsel vm14, $0xC6A, v38  }
0x3e: {  	v60 =	vimm.s32 $0x1FFC;
	v38 =	vor.u32 $0x12800, v0;
	v32 =	vsel vm0, $0x1F62, v32;
	[tilespmem:$0x1FF40] =	vst v57  }
0x3f: {  	v33 =	vsel vm13, $0xCE6, v33;
	[tilespmem:$0x1FF80] =	vst v63;
	v34 =	vsel vm13, $0xCEA, v34;
	v57 =	vimm.s32 $0x1FF9  }
0x40: {  	v63 =	vimm.s32 $0x1FFF;
	[tilespmem:$0x1FF30] =	vst v32;
	v32 =	vsel vm14, $0xC65, v59;
	v33 =	vsel vm12, $0xD66, v33  }
0x41: {  	v34 =	vsel vm12, $0xD6A, v34;
	v59 =	vimm.s32 $0x1FFB;
	v32 =	vsel vm13, $0xCE5, v32  }
0x42: {  	v33 =	vsel vm11, $0xDE6, v33;
	v34 =	vsel vm11, $0xDEA, v34;
	v32 =	vsel vm12, $0xD65, v32  }
0x43: {  	v33 =	vsel vm10, $0xE66, v33;
	v34 =	vsel vm10, $0xE6A, v34;
	v32 =	vsel vm11, $0xDE5, v32  }
0x44: {  	v33 =	vsel vm9, $0xEE6, v33;
	v34 =	vsel vm9, $0xEEA, v34;
	v32 =	vsel vm10, $0xE65, v32  }
0x45: {  	v33 =	vsel vm8, $0xF66, v33;
	v34 =	vsel vm8, $0xF6A, v34;
	v32 =	vsel vm9, $0xEE5, v32  }
0x46: {  	v33 =	vsel vm7, $0xFE6, v33;
	v34 =	vsel vm7, $0xFEA, v34;
	v32 =	vsel vm8, $0xF65, v32  }
0x47: {  	v33 =	vsel vm6, $0x1C66, v33;
	v34 =	vsel vm6, $0x1C6A, v34;
	v32 =	vsel vm7, $0xFE5, v32  }
0x48: {  	v33 =	vsel vm5, $0x1CE6, v33;
	v34 =	vsel vm5, $0x1CEA, v34;
	v32 =	vsel vm6, $0x1C65, v32  }
0x49: {  	v33 =	vsel vm4, $0x1D66, v33;
	v34 =	vsel vm4, $0x1D6A, v34;
	v32 =	vsel vm5, $0x1CE5, v32  }
0x4a: {  	v33 =	vsel vm3, $0x1DE6, v33;
	v34 =	vsel vm3, $0x1DEA, v34;
	v32 =	vsel vm4, $0x1D65, v32  }
0x4b: {  	v33 =	vsel vm2, $0x1E66, v33;
	v34 =	vsel vm2, $0x1E6A, v34;
	v32 =	vsel vm3, $0x1DE5, v32  }
0x4c: {  	v33 =	vsel vm1, $0x1EE6, v33;
	v34 =	vsel vm1, $0x1EEA, v34;
	v32 =	vsel vm2, $0x1E65, v32  }
0x4d: {  	v62 =	vsel vm0, $0x1F66, v33;
	v33 =	vsel vm14, $0xC69, v37;
	v40 =	vsel vm0, $0x1F6A, v34  }
0x4e: {  	v34 =	vsel vm14, $0xC6D, v43;
	v37 =	vor.u32 $0x12000, v0;
	v32 =	vsel vm1, $0x1EE5, v32;
	[tilespmem:$0x1FF70] =	vst v62  }
0x4f: {  	v33 =	vsel vm13, $0xCE9, v33;
	[tilespmem:$0x1FFB0] =	vst v40;
	v34 =	vsel vm13, $0xCED, v34;
	v32 =	vsel vm0, $0x1F65, v32  }
0x50: {  	v62 =	vimm.s32 $0x1FFE;
	v40 =	vor.u32 $0x13800, v0;
	[tilespmem:$0x1FF60] =	vst v32;
	v32 =	vsel vm14, $0xC68, v36  }
0x51: {  	v33 =	vsel vm12, $0xD69, v33;
	v34 =	vsel vm12, $0xD6D, v34;
	v32 =	vsel vm13, $0xCE8, v32  }
0x52: {  	v33 =	vsel vm11, $0xDE9, v33;
	v34 =	vsel vm11, $0xDED, v34;
	v32 =	vsel vm12, $0xD68, v32  }
0x53: {  	v36 =	vor.u32 $0x11800, v0;
	v33 =	vsel vm10, $0xE69, v33;
	v32 =	vsel vm11, $0xDE8, v32  }
0x54: {  	v34 =	vsel vm10, $0xE6D, v34;
	v33 =	vsel vm9, $0xEE9, v33;
	v32 =	vsel vm10, $0xE68, v32  }
0x55: {  	v34 =	vsel vm9, $0xEED, v34;
	v33 =	vsel vm8, $0xF69, v33;
	v32 =	vsel vm9, $0xEE8, v32  }
0x56: {  	v34 =	vsel vm8, $0xF6D, v34;
	v33 =	vsel vm7, $0xFE9, v33;
	v32 =	vsel vm8, $0xF68, v32  }
0x57: {  	v34 =	vsel vm7, $0xFED, v34;
	v33 =	vsel vm6, $0x1C69, v33;
	v32 =	vsel vm7, $0xFE8, v32  }
0x58: {  	v34 =	vsel vm6, $0x1C6D, v34;
	v33 =	vsel vm5, $0x1CE9, v33;
	v32 =	vsel vm6, $0x1C68, v32  }
0x59: {  	v34 =	vsel vm5, $0x1CED, v34;
	v33 =	vsel vm4, $0x1D69, v33;
	v32 =	vsel vm5, $0x1CE8, v32  }
0x5a: {  	v34 =	vsel vm4, $0x1D6D, v34;
	v33 =	vsel vm3, $0x1DE9, v33;
	v32 =	vsel vm4, $0x1D68, v32  }
0x5b: {  	v34 =	vsel vm3, $0x1DED, v34;
	v33 =	vsel vm2, $0x1E69, v33;
	v32 =	vsel vm3, $0x1DE8, v32  }
0x5c: {  	v34 =	vsel vm2, $0x1E6D, v34;
	v33 =	vsel vm1, $0x1EE9, v33;
	v32 =	vsel vm2, $0x1E68, v32  }
0x5d: {  	v34 =	vsel vm1, $0x1EED, v34;
	v39 =	vsel vm0, $0x1F69, v33;
	v32 =	vsel vm1, $0x1EE8, v32  }
0x5e: {  	v33 =	vsel vm14, $0xC6C, v42;
	v45 =	vsel vm0, $0x1F6D, v34;
	v32 =	vsel vm0, $0x1F68, v32  }
0x5f: {  	v34 =	vsel vm14, $0xC70, v48;
	v33 =	vsel vm13, $0xCEC, v33;
	[tilespmem:$0x1FF90] =	vst v32;
	v32 =	vsel vm14, $0xC6B, v41  }
0x60: {  	[tilespmem:$0x1FFA0] =	vst v39;
	v34 =	vsel vm13, $0xCF0, v34;
	v39 =	vor.u32 $0x13000, v0;
	v32 =	vsel vm13, $0xCEB, v32  }
0x61: {  	v33 =	vsel vm12, $0xD6C, v33;
	v34 =	vsel vm12, $0xD70, v34;
	v32 =	vsel vm12, $0xD6B, v32  }
0x62: {  	v33 =	vsel vm11, $0xDEC, v33;
	v34 =	vsel vm11, $0xDF0, v34;
	v32 =	vsel vm11, $0xDEB, v32  }
0x63: {  	v33 =	vsel vm10, $0xE6C, v33;
	v34 =	vsel vm10, $0xE70, v34;
	v32 =	vsel vm10, $0xE6B, v32  }
0x64: {  	v33 =	vsel vm9, $0xEEC, v33;
	v34 =	vsel vm9, $0xEF0, v34;
	v32 =	vsel vm9, $0xEEB, v32  }
0x65: {  	v33 =	vsel vm8, $0xF6C, v33;
	v34 =	vsel vm8, $0xF70, v34;
	v32 =	vsel vm8, $0xF6B, v32  }
0x66: {  	v33 =	vsel vm7, $0xFEC, v33;
	v34 =	vsel vm7, $0xFF0, v34;
	v32 =	vsel vm7, $0xFEB, v32  }
0x67: {  	v33 =	vsel vm6, $0x1C6C, v33;
	v34 =	vsel vm6, $0x1C70, v34;
	v32 =	vsel vm6, $0x1C6B, v32  }
0x68: {  	v33 =	vsel vm5, $0x1CEC, v33;
	v34 =	vsel vm5, $0x1CF0, v34;
	v32 =	vsel vm5, $0x1CEB, v32  }
0x69: {  	v33 =	vsel vm4, $0x1D6C, v33;
	v34 =	vsel vm4, $0x1D70, v34;
	v32 =	vsel vm4, $0x1D6B, v32  }
0x6a: {  	v33 =	vsel vm3, $0x1DEC, v33;
	v34 =	vsel vm3, $0x1DF0, v34;
	v32 =	vsel vm3, $0x1DEB, v32  }
0x6b: {  	v33 =	vsel vm2, $0x1E6C, v33;
	v34 =	vsel vm2, $0x1E70, v34;
	v32 =	vsel vm2, $0x1E6B, v32  }
0x6c: {  	v33 =	vsel vm1, $0x1EEC, v33;
	v34 =	vsel vm1, $0x1EF0, v34;
	v32 =	vsel vm1, $0x1EEB, v32  }
0x6d: {  	v44 =	vsel vm0, $0x1F6C, v33;
	v33 =	vsel vm14, $0xC6F, v47;
	v32 =	vsel vm0, $0x1F6B, v32  }
0x6e: {  	v48 =	vsel vm0, $0x1F70, v34;
	v34 =	vsel vm14, $0xC73, v51;
	[tilespmem:$0x1FFC0] =	vst v32;
	v32 =	vsel vm14, $0xC6E, v46  }
0x6f: {  	v33 =	vsel vm13, $0xCEF, v33;
	v34 =	vsel vm13, $0xCF3, v34;
	v32 =	vsel vm13, $0xCEE, v32  }
0x70: {  	v33 =	vsel vm12, $0xD6F, v33;
	v34 =	vsel vm12, $0xD73, v34;
	v32 =	vsel vm12, $0xD6E, v32  }
0x71: {  	v33 =	vsel vm11, $0xDEF, v33;
	v34 =	vsel vm11, $0xDF3, v34;
	v32 =	vsel vm11, $0xDEE, v32  }
0x72: {  	v33 =	vsel vm10, $0xE6F, v33;
	v34 =	vsel vm10, $0xE73, v34;
	v32 =	vsel vm10, $0xE6E, v32  }
0x73: {  	v33 =	vsel vm9, $0xEEF, v33;
	v34 =	vsel vm9, $0xEF3, v34;
	v32 =	vsel vm9, $0xEEE, v32  }
0x74: {  	v33 =	vsel vm8, $0xF6F, v33;
	v34 =	vsel vm8, $0xF73, v34;
	v32 =	vsel vm8, $0xF6E, v32  }
0x75: {  	v33 =	vsel vm7, $0xFEF, v33;
	v34 =	vsel vm7, $0xFF3, v34;
	v32 =	vsel vm7, $0xFEE, v32  }
0x76: {  	v33 =	vsel vm6, $0x1C6F, v33;
	v34 =	vsel vm6, $0x1C73, v34;
	v32 =	vsel vm6, $0x1C6E, v32  }
0x77: {  	v33 =	vsel vm5, $0x1CEF, v33;
	v34 =	vsel vm5, $0x1CF3, v34;
	v32 =	vsel vm5, $0x1CEE, v32  }
0x78: {  	v33 =	vsel vm4, $0x1D6F, v33;
	v34 =	vsel vm4, $0x1D73, v34;
	v32 =	vsel vm4, $0x1D6E, v32  }
0x79: {  	v33 =	vsel vm3, $0x1DEF, v33;
	v34 =	vsel vm3, $0x1DF3, v34;
	v32 =	vsel vm3, $0x1DEE, v32  }
0x7a: {  	v33 =	vsel vm2, $0x1E6F, v33;
	v34 =	vsel vm2, $0x1E73, v34;
	v32 =	vsel vm2, $0x1E6E, v32  }
0x7b: {  	v33 =	vsel vm1, $0x1EEF, v33;
	v34 =	vsel vm1, $0x1EF3, v34;
	v32 =	vsel vm1, $0x1EEE, v32  }
0x7c: {  	v47 =	vsel vm0, $0x1F6F, v33;
	v33 =	vsel vm14, $0xC72, v50;
	v32 =	vsel vm0, $0x1F6E, v32  }
0x7d: {  	v51 =	vsel vm0, $0x1F73, v34;
	v33 =	vsel vm13, $0xCF2, v33;
	[tilespmem:$0x1FFF0] =	vst v32;
	v32 =	vsel vm14, $0xC71, v49  }
0x7e: {  	v34 =	vsel vm14, $0xC76, v54;
	v33 =	vsel vm12, $0xD72, v33;
	v32 =	vsel vm13, $0xCF1, v32  }
0x7f: {  	v34 =	vsel vm13, $0xCF6, v34;
	v33 =	vsel vm11, $0xDF2, v33;
	v32 =	vsel vm12, $0xD71, v32  }
0x80: {  	v34 =	vsel vm12, $0xD76, v34;
	v33 =	vsel vm10, $0xE72, v33;
	v32 =	vsel vm11, $0xDF1, v32  }
0x81: {  	v34 =	vsel vm11, $0xDF6, v34;
	v33 =	vsel vm9, $0xEF2, v33;
	v32 =	vsel vm10, $0xE71, v32  }
0x82: {  	v34 =	vsel vm10, $0xE76, v34;
	v33 =	vsel vm8, $0xF72, v33;
	v32 =	vsel vm9, $0xEF1, v32  }
0x83: {  	v34 =	vsel vm9, $0xEF6, v34;
	v33 =	vsel vm7, $0xFF2, v33;
	v32 =	vsel vm8, $0xF71, v32  }
0x84: {  	v34 =	vsel vm8, $0xF76, v34;
	v33 =	vsel vm6, $0x1C72, v33;
	v32 =	vsel vm7, $0xFF1, v32  }
0x85: {  	v34 =	vsel vm7, $0xFF6, v34;
	v33 =	vsel vm5, $0x1CF2, v33;
	v32 =	vsel vm6, $0x1C71, v32  }
0x86: {  	v34 =	vsel vm6, $0x1C76, v34;
	v33 =	vsel vm4, $0x1D72, v33;
	v32 =	vsel vm5, $0x1CF1, v32  }
0x87: {  	v34 =	vsel vm5, $0x1CF6, v34;
	v33 =	vsel vm3, $0x1DF2, v33;
	v32 =	vsel vm4, $0x1D71, v32  }
0x88: {  	v34 =	vsel vm4, $0x1D76, v34;
	v33 =	vsel vm2, $0x1E72, v33;
	v32 =	vsel vm3, $0x1DF1, v32  }
0x89: {  	v34 =	vsel vm3, $0x1DF6, v34;
	v33 =	vsel vm1, $0x1EF2, v33;
	v32 =	vsel vm2, $0x1E71, v32  }
0x8a: {  	v50 =	vsel vm0, $0x1F72, v33;
	v33 =	vsel vm14, $0xC75, v53;
	v32 =	vsel vm1, $0x1EF1, v32  }
0x8b: {  	v33 =	vsel vm13, $0xCF5, v33;
	v49 =	vsel vm0, $0x1F71, v32;
	v32 =	vsel vm14, $0xC74, v52  }
0x8c: {  	v34 =	vsel vm2, $0x1E76, v34;
	v33 =	vsel vm12, $0xD75, v33;
	v32 =	vsel vm13, $0xCF4, v32  }
0x8d: {  	v34 =	vsel vm1, $0x1EF6, v34;
	v33 =	vsel vm11, $0xDF5, v33;
	v32 =	vsel vm12, $0xD74, v32  }
0x8e: {  	v54 =	vsel vm0, $0x1F76, v34;
	v33 =	vsel vm10, $0xE75, v33;
	v32 =	vsel vm11, $0xDF4, v32  }
0x8f: {  	v34 =	vsel vm14, $0xC79, v57;
	v33 =	vsel vm9, $0xEF5, v33;
	v32 =	vsel vm10, $0xE74, v32  }
0x90: {  	v34 =	vsel vm13, $0xCF9, v34;
	v33 =	vsel vm8, $0xF75, v33;
	v32 =	vsel vm9, $0xEF4, v32  }
0x91: {  	v34 =	vsel vm12, $0xD79, v34;
	v33 =	vsel vm7, $0xFF5, v33;
	v32 =	vsel vm8, $0xF74, v32  }
0x92: {  	v34 =	vsel vm11, $0xDF9, v34;
	v33 =	vsel vm6, $0x1C75, v33;
	v32 =	vsel vm7, $0xFF4, v32  }
0x93: {  	v34 =	vsel vm10, $0xE79, v34;
	v33 =	vsel vm5, $0x1CF5, v33;
	v32 =	vsel vm6, $0x1C74, v32  }
0x94: {  	v34 =	vsel vm9, $0xEF9, v34;
	v33 =	vsel vm4, $0x1D75, v33;
	v32 =	vsel vm5, $0x1CF4, v32  }
0x95: {  	v34 =	vsel vm8, $0xF79, v34;
	v33 =	vsel vm3, $0x1DF5, v33;
	v32 =	vsel vm4, $0x1D74, v32  }
0x96: {  	v34 =	vsel vm7, $0xFF9, v34;
	v33 =	vsel vm2, $0x1E75, v33;
	v32 =	vsel vm3, $0x1DF4, v32  }
0x97: {  	v34 =	vsel vm6, $0x1C79, v34;
	v33 =	vsel vm1, $0x1EF5, v33;
	v32 =	vsel vm2, $0x1E74, v32  }
0x98: {  	v53 =	vsel vm0, $0x1F75, v33;
	v33 =	vsel vm14, $0xC78, v56;
	v32 =	vsel vm1, $0x1EF4, v32  }
0x99: {  	v33 =	vsel vm13, $0xCF8, v33;
	v52 =	vsel vm0, $0x1F74, v32;
	v32 =	vsel vm14, $0xC77, v55  }
0x9a: {  	v34 =	vsel vm5, $0x1CF9, v34;
	v33 =	vsel vm12, $0xD78, v33;
	v32 =	vsel vm13, $0xCF7, v32  }
0x9b: {  	v34 =	vsel vm4, $0x1D79, v34;
	v33 =	vsel vm11, $0xDF8, v33;
	v32 =	vsel vm12, $0xD77, v32  }
0x9c: {  	v34 =	vsel vm3, $0x1DF9, v34;
	v33 =	vsel vm10, $0xE78, v33;
	v32 =	vsel vm11, $0xDF7, v32  }
0x9d: {  	v34 =	vsel vm2, $0x1E79, v34;
	v33 =	vsel vm9, $0xEF8, v33;
	v32 =	vsel vm10, $0xE77, v32  }
0x9e: {  	v34 =	vsel vm1, $0x1EF9, v34;
	v33 =	vsel vm8, $0xF78, v33;
	v32 =	vsel vm9, $0xEF7, v32  }
0x9f: {  	v57 =	vsel vm0, $0x1F79, v34;
	v33 =	vsel vm7, $0xFF8, v33;
	v32 =	vsel vm8, $0xF77, v32  }
0xa0: {  	v34 =	vsel vm14, $0xC7C, v60;
	v33 =	vsel vm6, $0x1C78, v33;
	v32 =	vsel vm7, $0xFF7, v32  }
0xa1: {  	v34 =	vsel vm13, $0xCFC, v34;
	v33 =	vsel vm5, $0x1CF8, v33;
	v32 =	vsel vm6, $0x1C77, v32  }
0xa2: {  	v34 =	vsel vm12, $0xD7C, v34;
	v33 =	vsel vm4, $0x1D78, v33;
	v32 =	vsel vm5, $0x1CF7, v32  }
0xa3: {  	v34 =	vsel vm11, $0xDFC, v34;
	v33 =	vsel vm3, $0x1DF8, v33;
	v32 =	vsel vm4, $0x1D77, v32  }
0xa4: {  	v34 =	vsel vm10, $0xE7C, v34;
	v33 =	vsel vm2, $0x1E78, v33;
	v32 =	vsel vm3, $0x1DF7, v32  }
0xa5: {  	v34 =	vsel vm9, $0xEFC, v34;
	v33 =	vsel vm1, $0x1EF8, v33;
	v32 =	vsel vm2, $0x1E77, v32  }
0xa6: {  	v56 =	vsel vm0, $0x1F78, v33;
	v33 =	vsel vm14, $0xC7B, v59;
	v32 =	vsel vm1, $0x1EF7, v32  }
0xa7: {  	v33 =	vsel vm13, $0xCFB, v33;
	v55 =	vsel vm0, $0x1F77, v32;
	v32 =	vsel vm14, $0xC7A, v58  }
0xa8: {  	v34 =	vsel vm8, $0xF7C, v34;
	v33 =	vsel vm12, $0xD7B, v33;
	v32 =	vsel vm13, $0xCFA, v32  }
0xa9: {  	v34 =	vsel vm7, $0xFFC, v34;
	v33 =	vsel vm11, $0xDFB, v33;
	v32 =	vsel vm12, $0xD7A, v32  }
0xaa: {  	v34 =	vsel vm6, $0x1C7C, v34;
	v33 =	vsel vm10, $0xE7B, v33;
	v32 =	vsel vm11, $0xDFA, v32  }
0xab: {  	v34 =	vsel vm5, $0x1CFC, v34;
	v33 =	vsel vm9, $0xEFB, v33;
	v32 =	vsel vm10, $0xE7A, v32  }
0xac: {  	v34 =	vsel vm4, $0x1D7C, v34;
	v33 =	vsel vm8, $0xF7B, v33;
	v32 =	vsel vm9, $0xEFA, v32  }
0xad: {  	s0 =	rddreg [dreg:$0x0];
	v34 =	vsel vm3, $0x1DFC, v34;
	v33 =	vsel vm7, $0xFFB, v33;
	v32 =	vsel vm8, $0xF7A, v32  }
0xae: {  	s1 =	rddreg [dreg:$0x1];
	v34 =	vsel vm2, $0x1E7C, v34;
	v33 =	vsel vm6, $0x1C7B, v33;
	v32 =	vsel vm7, $0xFFA, v32  }
0xaf: {  	s2 =	rddreg [dreg:$0x2];
	s3 =	srdreg.scid;
	v34 =	vsel vm1, $0x1EFC, v34;
	v33 =	vsel vm5, $0x1CFB, v33;
	v32 =	vsel vm6, $0x1C7A, v32  }
0xb0: {  	s6 =	simm.s32 $0x0;
	s5 =	stileid.u32;
	s23 =	simm.s32 $0x6;
	v60 =	vsel vm0, $0x1F7C, v34;
	v33 =	vsel vm4, $0x1D7B, v33;
	v32 =	vsel vm5, $0x1CFA, v32  }
0xb1: {  	s8 =	simm.s32 $0x400;
	s9 =	simm.s32 $0x7A1400;
	s3 =	sand.u32 $0x1, s3;
	v34 =	vsel vm14, $0xC7F, v63;
	v33 =	vsel vm3, $0x1DFB, v33;
	v32 =	vsel vm4, $0x1D7A, v32  }
0xb2: {  	s5 =	sshll.u32 s5, $0xA;
	s4 =	ssub.s32 $0x2, s3;
	s3 =	sshll.u32 s3, $0x9;
	v34 =	vsel vm13, $0xCFF, v34;
	v33 =	vsel vm2, $0x1E7B, v33;
	v32 =	vsel vm3, $0x1DFA, v32  }
0xb3: {  	s10 =	simm.s32 $0x280;
	s24 =	simm.s32 $0xA80;
	s3 =	sor.u32 s3, s5;
	v34 =	vsel vm12, $0xD7F, v34;
	v33 =	vsel vm1, $0x1EFB, v33;
	v32 =	vsel vm2, $0x1E7A, v32  }
0xb4: {  	s17 =	simm.s32 $0x10280;
	s14 =	sshrl.u32 s4, $0x1;
	s5 =	sshrl.u32 s3, $0x3;
	[tilespmem:$0x1FFE0] =	vst v45;
	v59 =	vsel vm0, $0x1F7B, v33;
	v33 =	vsel vm14, $0xC7E, v62;
	v32 =	vsel vm1, $0x1EFA, v32  }
0xb5: {  	[smem:$0x7FF] =	sst s6;
	s4 =	ssub.s32 s4, s14;
	s1 =	sadd.s32 s1, s5;
	[tilespmem:$0x1FFD0] =	vst v44;
	v33 =	vsel vm13, $0xCFE, v33;
	v58 =	vsel vm0, $0x1F7A, v32;
	v32 =	vsel vm14, $0xC7D, v61  }
0xb6: {  	s15 =	sadd.s32 s2, s3;
	_ =	strace $0x80000047;
	[dreg:$0xc] =	wrdreg s1;
	v34 =	vsel vm11, $0xDFF, v34;
	v33 =	vsel vm12, $0xD7E, v33;
	v32 =	vsel vm13, $0xCFD, v32  }
0xb7: {  	s18 =	simm.s32 $0x10A80;
	s16 =	smax.u32 s4, $0x1;
	[dreg:$0xd] =	wrdreg s15;
	v34 =	vsel vm10, $0xE7F, v34;
	v33 =	vsel vm11, $0xDFE, v33;
	v32 =	vsel vm12, $0xD7D, v32  }
0xb8: {  	s19 =	simm.s32 $0x11280;
	s20 =	simm.s32 $0x11A80;
	[dreg:$0xe] =	wrdreg s16;
	v34 =	vsel vm9, $0xEFF, v34;
	v33 =	vsel vm10, $0xE7E, v33;
	v32 =	vsel vm11, $0xDFD, v32  }
0xb9: {  	s21 =	simm.s32 $0x12280;
	s22 =	simm.s32 $0x12A80;
	[dreg:$0x4] =	wrdreg s17;
	v34 =	vsel vm8, $0xF7F, v34;
	v33 =	vsel vm9, $0xEFE, v33;
	v32 =	vsel vm10, $0xE7D, v32  }
0xba: {  	s25 =	simm.s32 $0x13280;
	s26 =	simm.s32 $0x13A80;
	[dreg:$0x5] =	wrdreg s18;
	v34 =	vsel vm7, $0xFFF, v34;
	v33 =	vsel vm8, $0xF7E, v33;
	v32 =	vsel vm9, $0xEFD, v32  }
0xbb: {  	s12 =	simm.s32 $0x8280;
	s13 =	simm.s32 $0x8A80;
	[dreg:$0x6] =	wrdreg s19;
	v34 =	vsel vm6, $0x1C7F, v34;
	v33 =	vsel vm7, $0xFFE, v33;
	v32 =	vsel vm8, $0xF7D, v32  }
0xbc: {  	s28 =	simm.s32 $0xAA80;
	s29 =	simm.s32 $0xB280;
	[dreg:$0x7] =	wrdreg s20;
	v34 =	vsel vm5, $0x1CFF, v34;
	v33 =	vsel vm6, $0x1C7E, v33;
	v32 =	vsel vm7, $0xFFD, v32  }
0xbd: {  	s30 =	simm.s32 $0xBA80;
	s31 =	simm.s32 $0xC280;
	[dreg:$0x8] =	wrdreg s21;
	v34 =	vsel vm4, $0x1D7F, v34;
	v33 =	vsel vm5, $0x1CFE, v33;
	v32 =	vsel vm6, $0x1C7D, v32  }
0xbe: {  	s7 =	simm.s32 $0xFA80;
	s6 =	simm.s32 $0xF280;
	[dreg:$0x9] =	wrdreg s22;
	v34 =	vsel vm3, $0x1DFF, v34;
	v33 =	vsel vm4, $0x1D7E, v33;
	v32 =	vsel vm5, $0x1CFD, v32  }
0xbf: {  	s14 =	simm.s32 $0x9280;
	s3 =	simm.s32 $0xDA80;
	[dreg:$0xa] =	wrdreg s25;
	v34 =	vsel vm2, $0x1E7F, v34;
	v33 =	vsel vm3, $0x1DFE, v33;
	v32 =	vsel vm4, $0x1D7D, v32  }
0xc0: {  	s4 =	simm.s32 $0xE280;
	s5 =	simm.s32 $0xEA80;
	[dreg:$0xb] =	wrdreg s26;
	v34 =	vsel vm1, $0x1EFF, v34;
	v33 =	vsel vm2, $0x1E7E, v33;
	v32 =	vsel vm3, $0x1DFD, v32  }
0xc1: {  	s15 =	simm.s32 $0x1;
	s16 =	simm.s32 $0x14280;
	s17 =	simm.s32 $0x2;
	v63 =	vsel vm0, $0x1F7F, v34;
	v33 =	vsel vm1, $0x1EFE, v33;
	v32 =	vsel vm2, $0x1E7D, v32  }
0xc2: {  	s18 =	simm.s32 $0x3;
	s19 =	simm.s32 $0x4;
	s20 =	simm.s32 $0x5;
	v34 =	vor.u32 $0x10800, v0;
	v62 =	vsel vm0, $0x1F7E, v33;
	v32 =	vsel vm1, $0x1EFD, v32  }
0xc3: {  	s1 =	simm.s32 $0x0;
	s25 =	simm.s32 $0x9A80;
	s26 =	simm.s32 $0xA280;
	v33 =	vor.u32 $0x10000, v0;
	v61 =	vsel vm0, $0x1F7D, v32;
	v32 =	vor.u32 $0xF800, v0  }
.LBB2_1:
0xc4: {  	[dreg:$0xf] =	wrdreg s1  }
0xc5: {  	s21 =	simm.s32 $0x0;
	s22 =	rddreg [dreg:$0xc]  }
0xc6: {  	[tilespmem:s21], [sflag:$0x6] =	stream.linear.gather [hbm4b:s22+s21], $0x200, $0x38;
	[tilespmem:$0x16280] =	vst v63  }
0xc7: {  	_ =	swait.ge [sflag:s23], $0x200  }
0xc8: {  	[sflag:s23] =	ssyncset.done $0x0  }
0xc9: {  	[sflag:s23] =	ssyncadd.s32 $0xFFFFFE00  }
0xca: {  	v41 =	vld [tilespmem:$0x0];
	_ =	sdelay $0x4  }
0xcb: {  	(v2sf) =	vpush v41, $0x0;
	_ =	sdelay $0x1  }
0xcc: {  	(v2sf) =	vpush v41, $0x1;
	_ =	sdelay $0x1  }
0xcd: {  	(v2sf) =	vpush v41, $0x2;
	_ =	sdelay $0x5  }
0xce: {  	(v2sf) =	vpush v41, $0x3;
	_ =	sdelay $0x4  }
0xcf: {  	s22 =	spop (v2sf);
	(v2sf) =	vpush v41, $0x4;
	_ =	sdelay $0x1  }
0xd0: {  	s23 =	spop (v2sf);
	(v2sf) =	vpush v41, $0x5  }
0xd1: {  	s21 =	sand.u32 $0xFFFFF80, s22  }
0xd2: {  	s21 =	sadd.s32 s0, s21;
	s1 =	spop (v2sf)  }
0xd3: {  	(v2sf) =	vpush v41, $0x6;
	[tilespmem:s10], [sflag:$0x1] =	stream.strided.gather [hbm4b:s21+s8], $0x800, s9, s8, $0x38;
	[tilespmem:$0x16280] =	vst v63  }
0xd4: {  	s21 =	sand.u32 $0xFFFFF80, s23  }
0xd5: {  	s21 =	sadd.s32 s0, s21  }
0xd6: {  	(v2sf) =	vpush v41, $0x7;
	[tilespmem:s24], [sflag:$0x1] =	stream.strided.gather [hbm4b:s21+s8], $0x800, s9, s8, $0x38;
	[tilespmem:$0x16280] =	vst v63  }
0xd7: {  	s21 =	sand.u32 $0xFFFFF80, s1  }
0xd8: {  	s2 =	simm.s32 $0x1280;
	s11 =	spop (v2sf);
	s21 =	sadd.s32 s0, s21  }
0xd9: {  	[tilespmem:s2], [sflag:$0x1] =	stream.strided.gather [hbm4b:s21+s8], $0x800, s9, s8, $0x38;
	[tilespmem:$0x16280] =	vst v63  }
0xda: {  	s21 =	sand.u32 $0xFFFFF80, s11  }
0xdb: {  	s22 =	simm.s32 $0x1A80;
	s21 =	sadd.s32 s0, s21  }
0xdc: {  	[tilespmem:s22], [sflag:$0x1] =	stream.strided.gather [hbm4b:s21+s8], $0x800, s9, s8, $0x38;
	[tilespmem:$0x16280] =	vst v63  }
0xdd: {  	s23 =	spop (v2sf)  }
0xde: {  	s21 =	sand.u32 $0xFFFFF80, s23  }
0xdf: {  	s24 =	simm.s32 $0x2280;
	s1 =	spop (v2sf);
	s21 =	sadd.s32 s0, s21  }
0xe0: {  	[tilespmem:s24], [sflag:$0x1] =	stream.strided.gather [hbm4b:s21+s8], $0x800, s9, s8, $0x38;
	[tilespmem:$0x16280] =	vst v63  }
0xe1: {  	s21 =	sand.u32 $0xFFFFF80, s1  }
0xe2: {  	s2 =	simm.s32 $0x2A80;
	s11 =	spop (v2sf);
	s21 =	sadd.s32 s0, s21  }
0xe3: {  	[tilespmem:s2], [sflag:$0x1] =	stream.strided.gather [hbm4b:s21+s8], $0x800, s9, s8, $0x38;
	[tilespmem:$0x16280] =	vst v63  }
0xe4: {  	s21 =	sand.u32 $0xFFFFF80, s11  }
0xe5: {  	s22 =	simm.s32 $0x3280;
	s23 =	spop (v2sf);
	s21 =	sadd.s32 s0, s21  }
0xe6: {  	[tilespmem:s22], [sflag:$0x1] =	stream.strided.gather [hbm4b:s21+s8], $0x800, s9, s8, $0x38;
	[tilespmem:$0x16280] =	vst v63  }
0xe7: {  	s21 =	sand.u32 $0xFFFFF80, s23  }
0xe8: {  	s24 =	simm.s32 $0x3A80;
	s21 =	sadd.s32 s0, s21  }
0xe9: {  	[tilespmem:s24], [sflag:$0x1] =	stream.strided.gather [hbm4b:s21+s8], $0x800, s9, s8, $0x38;
	[tilespmem:$0x16280] =	vst v63  }
0xea: {  	v44 =	vld [tilespmem:$0x8];
	_ =	sdelay $0x4  }
0xeb: {  	(v2sf) =	vpush v44, $0x0;
	_ =	sdelay $0x1  }
0xec: {  	(v2sf) =	vpush v44, $0x1;
	_ =	sdelay $0x1  }
0xed: {  	(v2sf) =	vpush v44, $0x2  }
0xee: {  	(v2sf) =	vpush v44, $0x3;
	_ =	sdelay $0x5  }
0xef: {  	(v2sf) =	vpush v44, $0x4;
	_ =	sdelay $0x3  }
0xf0: {  	s1 =	spop (v2sf)  }
0xf1: {  	(v2sf) =	vpush v44, $0x5;
	s21 =	sand.u32 $0xFFFFF80, s1  }
0xf2: {  	s2 =	simm.s32 $0x4280;
	s11 =	spop (v2sf);
	s21 =	sadd.s32 s0, s21  }
0xf3: {  	(v2sf) =	vpush v44, $0x6;
	[tilespmem:s2], [sflag:$0x2] =	stream.strided.gather [hbm4b:s21+s8], $0x800, s9, s8, $0x38;
	[tilespmem:$0x16280] =	vst v63  }
0xf4: {  	s23 =	spop (v2sf);
	s21 =	sand.u32 $0xFFFFF80, s11  }
0xf5: {  	s22 =	simm.s32 $0x4A80;
	s1 =	spop (v2sf);
	s21 =	sadd.s32 s0, s21  }
0xf6: {  	(v2sf) =	vpush v44, $0x7;
	[tilespmem:s22], [sflag:$0x2] =	stream.strided.gather [hbm4b:s21+s8], $0x800, s9, s8, $0x38;
	[tilespmem:$0x16280] =	vst v63  }
0xf7: {  	s21 =	sand.u32 $0xFFFFF80, s23  }
0xf8: {  	s24 =	simm.s32 $0x5280;
	s21 =	sadd.s32 s0, s21  }
0xf9: {  	[tilespmem:s24], [sflag:$0x2] =	stream.strided.gather [hbm4b:s21+s8], $0x800, s9, s8, $0x38;
	[tilespmem:$0x16280] =	vst v63  }
0xfa: {  	s21 =	sand.u32 $0xFFFFF80, s1  }
0xfb: {  	s2 =	simm.s32 $0x5A80;
	s11 =	spop (v2sf);
	s21 =	sadd.s32 s0, s21  }
0xfc: {  	[tilespmem:s2], [sflag:$0x2] =	stream.strided.gather [hbm4b:s21+s8], $0x800, s9, s8, $0x38;
	[tilespmem:$0x16280] =	vst v63  }
0xfd: {  	s21 =	sand.u32 $0xFFFFF80, s11  }
0xfe: {  	s22 =	simm.s32 $0x6280;
	s21 =	sadd.s32 s0, s21  }
0xff: {  	[tilespmem:s22], [sflag:$0x2] =	stream.strided.gather [hbm4b:s21+s8], $0x800, s9, s8, $0x38;
	[tilespmem:$0x16280] =	vst v63  }
0x100: {  	s23 =	spop (v2sf)  }
0x101: {  	s21 =	sand.u32 $0xFFFFF80, s23  }
0x102: {  	s24 =	simm.s32 $0x6A80;
	s2 =	spop (v2sf);
	s21 =	sadd.s32 s0, s21  }
0x103: {  	[tilespmem:s24], [sflag:$0x2] =	stream.strided.gather [hbm4b:s21+s8], $0x800, s9, s8, $0x38;
	[tilespmem:$0x16280] =	vst v63  }
0x104: {  	s21 =	sand.u32 $0xFFFFF80, s2  }
0x105: {  	s11 =	simm.s32 $0x7280;
	s22 =	spop (v2sf);
	s21 =	sadd.s32 s0, s21  }
0x106: {  	[tilespmem:s11], [sflag:$0x2] =	stream.strided.gather [hbm4b:s21+s8], $0x800, s9, s8, $0x38;
	[tilespmem:$0x16280] =	vst v63  }
0x107: {  	s21 =	sand.u32 $0xFFFFF80, s22  }
0x108: {  	s23 =	simm.s32 $0x7A80;
	s21 =	sadd.s32 s0, s21  }
0x109: {  	[tilespmem:s23], [sflag:$0x2] =	stream.strided.gather [hbm4b:s21+s8], $0x800, s9, s8, $0x38;
	[tilespmem:$0x16280] =	vst v63  }
0x10a: {  	v45 =	vld [tilespmem:$0x10];
	_ =	sdelay $0x4  }
0x10b: {  	(v2sf) =	vpush v45, $0x0;
	_ =	sdelay $0x1  }
0x10c: {  	(v2sf) =	vpush v45, $0x1;
	_ =	sdelay $0x1  }
0x10d: {  	(v2sf) =	vpush v45, $0x2  }
0x10e: {  	(v2sf) =	vpush v45, $0x3;
	_ =	sdelay $0x5  }
0x10f: {  	(v2sf) =	vpush v45, $0x4;
	_ =	sdelay $0x3  }
0x110: {  	s24 =	spop (v2sf)  }
0x111: {  	(v2sf) =	vpush v45, $0x5;
	s21 =	sand.u32 $0xFFFFF80, s24  }
0x112: {  	s1 =	spop (v2sf);
	s21 =	sadd.s32 s0, s21  }
0x113: {  	(v2sf) =	vpush v45, $0x6;
	[tilespmem:s12], [sflag:$0x3] =	stream.strided.gather [hbm4b:s21+s8], $0x800, s9, s8, $0x38;
	[tilespmem:$0x16280] =	vst v63  }
0x114: {  	s2 =	spop (v2sf);
	s21 =	sand.u32 $0xFFFFF80, s1  }
0x115: {  	s11 =	spop (v2sf);
	s21 =	sadd.s32 s0, s21  }
0x116: {  	(v2sf) =	vpush v45, $0x7;
	[tilespmem:s13], [sflag:$0x3] =	stream.strided.gather [hbm4b:s21+s8], $0x800, s9, s8, $0x38;
	[tilespmem:$0x16280] =	vst v63  }
0x117: {  	s21 =	sand.u32 $0xFFFFF80, s2  }
0x118: {  	s21 =	sadd.s32 s0, s21  }
0x119: {  	[tilespmem:s14], [sflag:$0x3] =	stream.strided.gather [hbm4b:s21+s8], $0x800, s9, s8, $0x38;
	[tilespmem:$0x16280] =	vst v63  }
0x11a: {  	s21 =	sand.u32 $0xFFFFF80, s11  }
0x11b: {  	s22 =	spop (v2sf);
	s21 =	sadd.s32 s0, s21  }
0x11c: {  	[tilespmem:s25], [sflag:$0x3] =	stream.strided.gather [hbm4b:s21+s8], $0x800, s9, s8, $0x38;
	[tilespmem:$0x16280] =	vst v63  }
0x11d: {  	s21 =	sand.u32 $0xFFFFF80, s22  }
0x11e: {  	s21 =	sadd.s32 s0, s21  }
0x11f: {  	[tilespmem:s26], [sflag:$0x3] =	stream.strided.gather [hbm4b:s21+s8], $0x800, s9, s8, $0x38;
	[tilespmem:$0x16280] =	vst v63  }
0x120: {  	s23 =	spop (v2sf)  }
0x121: {  	s21 =	sand.u32 $0xFFFFF80, s23  }
0x122: {  	s24 =	spop (v2sf);
	s21 =	sadd.s32 s0, s21  }
0x123: {  	[tilespmem:s28], [sflag:$0x3] =	stream.strided.gather [hbm4b:s21+s8], $0x800, s9, s8, $0x38;
	[tilespmem:$0x16280] =	vst v63  }
0x124: {  	s21 =	sand.u32 $0xFFFFF80, s24  }
0x125: {  	s1 =	spop (v2sf);
	s21 =	sadd.s32 s0, s21  }
0x126: {  	[tilespmem:s29], [sflag:$0x3] =	stream.strided.gather [hbm4b:s21+s8], $0x800, s9, s8, $0x38;
	[tilespmem:$0x16280] =	vst v63  }
0x127: {  	s21 =	sand.u32 $0xFFFFF80, s1  }
0x128: {  	s21 =	sadd.s32 s0, s21  }
0x129: {  	[tilespmem:s30], [sflag:$0x3] =	stream.strided.gather [hbm4b:s21+s8], $0x800, s9, s8, $0x38;
	[tilespmem:$0x16280] =	vst v63  }
0x12a: {  	v46 =	vld [tilespmem:$0x18];
	_ =	sdelay $0x4  }
0x12b: {  	(v2sf) =	vpush v46, $0x0  }
0x12c: {  	(v2sf) =	vpush v46, $0x1;
	_ =	sdelay $0x1  }
0x12d: {  	(v2sf) =	vpush v46, $0x2;
	_ =	sdelay $0x4  }
0x12e: {  	(v2sf) =	vpush v46, $0x3  }
0x12f: {  	(v2sf) =	vpush v46, $0x4;
	_ =	sdelay $0x5  }
0x130: {  	s2 =	spop (v2sf);
	(v2sf) =	vpush v46, $0x5  }
0x131: {  	s11 =	spop (v2sf);
	(v2sf) =	vpush v46, $0x6  }
0x132: {  	s21 =	sand.u32 $0xFFFFF80, s2  }
0x133: {  	s21 =	sadd.s32 s0, s21;
	s22 =	spop (v2sf)  }
0x134: {  	(v2sf) =	vpush v46, $0x7;
	[tilespmem:s31], [sflag:$0x4] =	stream.strided.gather [hbm4b:s21+s8], $0x800, s9, s8, $0x38;
	[tilespmem:$0x16280] =	vst v63  }
0x135: {  	s21 =	sand.u32 $0xFFFFF80, s11  }
0x136: {  	s1 =	simm.s32 $0xCA80;
	s21 =	sadd.s32 s0, s21  }
0x137: {  	[tilespmem:s1], [sflag:$0x4] =	stream.strided.gather [hbm4b:s21+s8], $0x800, s9, s8, $0x38;
	[tilespmem:$0x16280] =	vst v63  }
0x138: {  	s2 =	simm.s32 $0xD280;
	s23 =	spop (v2sf);
	s21 =	sand.u32 $0xFFFFF80, s22  }
0x139: {  	s24 =	sand.u32 $0xFFFFF80, s23;
	s11 =	spop (v2sf);
	s21 =	sadd.s32 s0, s21  }
0x13a: {  	[tilespmem:s2], [sflag:$0x4] =	stream.strided.gather [hbm4b:s21+s8], $0x800, s9, s8, $0x38;
	[tilespmem:$0x16280] =	vst v63  }
0x13b: {  	s22 =	sand.u32 $0xFFFFF80, s11;
	s21 =	sadd.s32 s0, s24  }
0x13c: {  	[tilespmem:s3], [sflag:$0x4] =	stream.strided.gather [hbm4b:s21+s8], $0x800, s9, s8, $0x38;
	[tilespmem:$0x16280] =	vst v63  }
0x13d: {  	s21 =	sadd.s32 s0, s22  }
0x13e: {  	[tilespmem:s4], [sflag:$0x4] =	stream.strided.gather [hbm4b:s21+s8], $0x800, s9, s8, $0x38;
	[tilespmem:$0x16280] =	vst v63  }
0x13f: {  	s23 =	spop (v2sf)  }
0x140: {  	s24 =	sand.u32 $0xFFFFF80, s23;
	s11 =	spop (v2sf)  }
0x141: {  	s21 =	sadd.s32 s0, s24;
	s23 =	sand.u32 $0xFFFFF80, s11  }
0x142: {  	[tilespmem:s5], [sflag:$0x4] =	stream.strided.gather [hbm4b:s21+s8], $0x800, s9, s8, $0x38;
	[tilespmem:$0x16280] =	vst v63  }
0x143: {  	s24 =	spop (v2sf);
	s21 =	sadd.s32 s0, s23  }
0x144: {  	[tilespmem:s6], [sflag:$0x4] =	stream.strided.gather [hbm4b:s21+s8], $0x800, s9, s8, $0x38;
	[tilespmem:$0x16280] =	vst v63  }
0x145: {  	s21 =	sand.u32 $0xFFFFF80, s24  }
0x146: {  	s21 =	sadd.s32 s0, s21  }
0x147: {  	[tilespmem:s7], [sflag:$0x4] =	stream.strided.gather [hbm4b:s21+s8], $0x800, s9, s8, $0x38;
	[tilespmem:$0x16280] =	vst v63  }
0x148: {  	s22 =	simm.s32 $0x0;
	s21 =	simm.s32 $0x20  }
.LBB2_2:
0x149: {  	v41 =	vld [tilespmem:s21+$0x0];
	_ =	sdelay $0x4  }
0x14a: {  	(v2sf) =	vpush v41, $0x0;
	_ =	sdelay $0x3  }
0x14b: {  	(v2sf) =	vpush v41, $0x1;
	_ =	sdelay $0x1  }
0x14c: {  	(v2sf) =	vpush v41, $0x2;
	_ =	sdelay $0x2  }
0x14d: {  	(v2sf) =	vpush v41, $0x3;
	_ =	sdelay $0x5  }
0x14e: {  	s23 =	spop (v2sf);
	(v2sf) =	vpush v41, $0x4  }
0x14f: {  	s23 =	sand.u32 $0xFFFFF80, s23  }
0x150: {  	s24 =	rddreg [dreg:$0x4];
	s23 =	sadd.s32 s0, s23  }
0x151: {  	[tilespmem:s24], [sflag:$0x5] =	stream.strided.gather [hbm4b:s23+s8], $0x800, s9, s8, $0x38;
	[tilespmem:$0x16280] =	vst v63  }
0x152: {  	s24 =	spop (v2sf);
	(v2sf) =	vpush v41, $0x5;
	_ =	sdelay $0x1  }
0x153: {  	s23 =	sand.u32 $0xFFFFF80, s24;
	s24 =	spop (v2sf);
	(v2sf) =	vpush v41, $0x6  }
0x154: {  	s11 =	rddreg [dreg:$0x5];
	s23 =	sadd.s32 s0, s23  }
0x155: {  	[tilespmem:s11], [sflag:$0x5] =	stream.strided.gather [hbm4b:s23+s8], $0x800, s9, s8, $0x38;
	[tilespmem:$0x16280] =	vst v63  }
0x156: {  	s23 =	sand.u32 $0xFFFFF80, s24;
	s24 =	spop (v2sf);
	(v2sf) =	vpush v41, $0x7  }
0x157: {  	s11 =	rddreg [dreg:$0x6];
	s23 =	sadd.s32 s0, s23  }
0x158: {  	[tilespmem:s11], [sflag:$0x5] =	stream.strided.gather [hbm4b:s23+s8], $0x800, s9, s8, $0x38;
	[tilespmem:$0x16280] =	vst v63  }
0x159: {  	s23 =	sand.u32 $0xFFFFF80, s24  }
0x15a: {  	s11 =	rddreg [dreg:$0x7];
	s23 =	sadd.s32 s0, s23  }
0x15b: {  	[tilespmem:s11], [sflag:$0x5] =	stream.strided.gather [hbm4b:s23+s8], $0x800, s9, s8, $0x38;
	[tilespmem:$0x16280] =	vst v63  }
0x15c: {  	s24 =	spop (v2sf)  }
0x15d: {  	s23 =	sand.u32 $0xFFFFF80, s24  }
0x15e: {  	s11 =	rddreg [dreg:$0x8];
	s23 =	sadd.s32 s0, s23  }
0x15f: {  	[tilespmem:s11], [sflag:$0x5] =	stream.strided.gather [hbm4b:s23+s8], $0x800, s9, s8, $0x38;
	[tilespmem:$0x16280] =	vst v63  }
0x160: {  	s24 =	spop (v2sf)  }
0x161: {  	s23 =	sand.u32 $0xFFFFF80, s24  }
0x162: {  	s11 =	rddreg [dreg:$0x9];
	s24 =	spop (v2sf);
	s23 =	sadd.s32 s0, s23  }
0x163: {  	[tilespmem:s11], [sflag:$0x5] =	stream.strided.gather [hbm4b:s23+s8], $0x800, s9, s8, $0x38;
	[tilespmem:$0x16280] =	vst v63  }
0x164: {  	s23 =	sand.u32 $0xFFFFF80, s24  }
0x165: {  	s11 =	rddreg [dreg:$0xa];
	s24 =	spop (v2sf);
	s23 =	sadd.s32 s0, s23  }
0x166: {  	[tilespmem:s11], [sflag:$0x5] =	stream.strided.gather [hbm4b:s23+s8], $0x800, s9, s8, $0x38;
	[tilespmem:$0x16280] =	vst v63  }
0x167: {  	s23 =	sand.u32 $0xFFFFF80, s24  }
0x168: {  	s11 =	rddreg [dreg:$0xb];
	s23 =	sadd.s32 s0, s23  }
0x169: {  	[tilespmem:s11], [sflag:$0x5] =	stream.strided.gather [hbm4b:s23+s8], $0x800, s9, s8, $0x38;
	[tilespmem:$0x16280] =	vst v63  }
0x16a: {  	_ =	swait.ge [sflag:s15], $0x800  }
0x16b: {  	[sflag:s15] =	ssyncset.done $0x0  }
0x16c: {  	[sflag:s15] =	ssyncadd.s32 $0xFFFFF800  }
0x16d: {  	_ =	swait.ge [sflag:s15], $0x800  }
0x16e: {  	[sflag:s15] =	ssyncset.done $0x0  }
0x16f: {  	[sflag:s15] =	ssyncadd.s32 $0xFFFFF800  }
0x170: {  	_ =	swait.ge [sflag:s15], $0x800  }
0x171: {  	[sflag:s15] =	ssyncset.done $0x0  }
0x172: {  	[sflag:s15] =	ssyncadd.s32 $0xFFFFF800  }
0x173: {  	_ =	swait.ge [sflag:s15], $0x800  }
0x174: {  	[sflag:s15] =	ssyncset.done $0x0  }
0x175: {  	[sflag:s15] =	ssyncadd.s32 $0xFFFFF800  }
0x176: {  	_ =	swait.ge [sflag:s15], $0x800  }
0x177: {  	[sflag:s15] =	ssyncset.done $0x0  }
0x178: {  	[sflag:s15] =	ssyncadd.s32 $0xFFFFF800  }
0x179: {  	_ =	swait.ge [sflag:s15], $0x800  }
0x17a: {  	[sflag:s15] =	ssyncset.done $0x0  }
0x17b: {  	[sflag:s15] =	ssyncadd.s32 $0xFFFFF800  }
0x17c: {  	_ =	swait.ge [sflag:s15], $0x800  }
0x17d: {  	[sflag:s15] =	ssyncset.done $0x0  }
0x17e: {  	[sflag:s15] =	ssyncadd.s32 $0xFFFFF800  }
0x17f: {  	_ =	swait.ge [sflag:s15], $0x800  }
0x180: {  	[sflag:s15] =	ssyncset.done $0x0  }
0x181: {  	[sflag:s15] =	ssyncadd.s32 $0xFFFFF800  }
0x182: {  	v41 =	vld [tilespmem:s21+$0xFFFFFFE0];
	_ =	sdelay $0x4  }
0x183: {  	(v2sf) =	vpush v41, $0x0;
	_ =	sdelay $0x5  }
0x184: {  	(v2sf) =	vpush v41, $0x1;
	_ =	sdelay $0x5  }
0x185: {  	(v2sf) =	vpush v41, $0x2;
	_ =	sdelay $0x2  }
0x186: {  	s11 =	spop (v2sf)  }
0x187: {  	s23 =	sand.u32 $0x7F, s11  }
0x188: {  	v42 =	vor.u32 s23, v0  }
0x189: {  	v43 =	vmov s22;
	(v2sf) =	vpush v41, $0x3  }
0x18a: {  	v44 =	vshll.u32 v43, $0x3  }
0x18b: {  	v43 =	vand.u32 $0x78, v43;
	v44 =	vand.u32 $0x1C00, v44  }
0x18c: {  	v43 =	vor.u32 v43, v44;
	s11 =	spop (v2sf)  }
0x18d: {  	v43 =	vadd.s32 v1, v43;
	s23 =	sand.u32 $0x7F, s11;
	v42 =	vld.idx.msk [tilespmem:v42+s10+$0x0], $0xffff  }
0x18e: {  	s11 =	sadd.s32 $0x1, s22;
	v44 =	vor.u32 s23, v2  }
0x18f: {  	(v2sf) =	vpush v41, $0x4;
	v45 =	vmov s11  }
0x190: {  	v46 =	vshll.u32 v45, $0x3  }
0x191: {  	v45 =	vand.u32 $0x79, v45;
	v46 =	vand.u32 $0x1C00, v46  }
0x192: {  	s11 =	spop (v2sf);
	v45 =	vor.u32 v45, v46;
	[tilespmem:v43+s16+$0x0] =	vst.idx.msk $0xffff, v42  }
0x193: {  	s23 =	sand.u32 $0x7F, s11;
	v42 =	vadd.s32 v1, v45;
	v43 =	vld.idx.msk [tilespmem:v44+s10+$0x0], $0xffff  }
0x194: {  	s11 =	sadd.s32 $0x2, s22;
	v44 =	vor.u32 s23, v3  }
0x195: {  	(v2sf) =	vpush v41, $0x5;
	v45 =	vmov s11  }
0x196: {  	v46 =	vshll.u32 v45, $0x3  }
0x197: {  	v45 =	vand.u32 $0x7A, v45;
	v46 =	vand.u32 $0x1C00, v46  }
0x198: {  	s11 =	spop (v2sf);
	v46 =	vor.u32 v45, v46;
	[tilespmem:v42+s16+$0x0] =	vst.idx.msk $0xffff, v43  }
0x199: {  	s23 =	sand.u32 $0x7F, s11;
	v42 =	vadd.s32 v1, v46;
	v43 =	vld.idx.msk [tilespmem:v44+s10+$0x0], $0xffff  }
0x19a: {  	s11 =	sadd.s32 $0x3, s22;
	v44 =	vor.u32 s23, v4  }
0x19b: {  	(v2sf) =	vpush v41, $0x6;
	v45 =	vmov s11  }
0x19c: {  	v46 =	vshll.u32 v45, $0x3  }
0x19d: {  	v45 =	vand.u32 $0x7B, v45;
	v46 =	vand.u32 $0x1C00, v46  }
0x19e: {  	s11 =	spop (v2sf);
	v45 =	vor.u32 v45, v46;
	[tilespmem:v42+s16+$0x0] =	vst.idx.msk $0xffff, v43  }
0x19f: {  	s23 =	sand.u32 $0x7F, s11;
	v42 =	vadd.s32 v1, v45;
	v43 =	vld.idx.msk [tilespmem:v44+s10+$0x0], $0xffff  }
0x1a0: {  	s11 =	sadd.s32 $0x4, s22;
	v44 =	vor.u32 s23, v5  }
0x1a1: {  	(v2sf) =	vpush v41, $0x7;
	v45 =	vmov s11  }
0x1a2: {  	v41 =	vshll.u32 v45, $0x3  }
0x1a3: {  	v45 =	vand.u32 $0x7C, v45;
	v41 =	vand.u32 $0x1C00, v41  }
0x1a4: {  	s11 =	spop (v2sf);
	v41 =	vor.u32 v45, v41;
	[tilespmem:v42+s16+$0x0] =	vst.idx.msk $0xffff, v43  }
0x1a5: {  	s23 =	sand.u32 $0x7F, s11;
	v41 =	vadd.s32 v1, v41;
	v42 =	vld.idx.msk [tilespmem:v44+s10+$0x0], $0xffff  }
0x1a6: {  	s11 =	sadd.s32 $0x5, s22;
	v43 =	vor.u32 s23, v6  }
0x1a7: {  	v44 =	vmov s11  }
0x1a8: {  	v45 =	vshll.u32 v44, $0x3  }
0x1a9: {  	v44 =	vand.u32 $0x7D, v44;
	v45 =	vand.u32 $0x1C00, v45  }
0x1aa: {  	s11 =	spop (v2sf);
	v46 =	vor.u32 v44, v45;
	[tilespmem:v41+s16+$0x0] =	vst.idx.msk $0xffff, v42  }
0x1ab: {  	s23 =	sand.u32 $0x7F, s11;
	v41 =	vadd.s32 v1, v46;
	v42 =	vld.idx.msk [tilespmem:v43+s10+$0x0], $0xffff  }
0x1ac: {  	s11 =	sadd.s32 $0x6, s22;
	v43 =	vor.u32 s23, v7  }
0x1ad: {  	v44 =	vmov s11  }
0x1ae: {  	v45 =	vshll.u32 v44, $0x3  }
0x1af: {  	v44 =	vand.u32 $0x7E, v44;
	v45 =	vand.u32 $0x1C00, v45  }
0x1b0: {  	s11 =	spop (v2sf);
	v45 =	vor.u32 v44, v45;
	[tilespmem:v41+s16+$0x0] =	vst.idx.msk $0xffff, v42  }
0x1b1: {  	s23 =	sand.u32 $0x7F, s11;
	v41 =	vadd.s32 v1, v45;
	v42 =	vld.idx.msk [tilespmem:v43+s10+$0x0], $0xffff  }
0x1b2: {  	s11 =	sadd.s32 $0x7, s22;
	v43 =	vor.u32 s23, v8  }
0x1b3: {  	v44 =	vmov s11  }
0x1b4: {  	v45 =	vshll.u32 v44, $0x3  }
0x1b5: {  	v44 =	vand.u32 $0x7F, v44;
	v45 =	vand.u32 $0x1C00, v45  }
0x1b6: {  	v46 =	vor.u32 v44, v45;
	[tilespmem:v41+s16+$0x0] =	vst.idx.msk $0xffff, v42  }
0x1b7: {  	v41 =	vadd.s32 v1, v46;
	v42 =	vld.idx.msk [tilespmem:v43+s10+$0x0], $0xffff;
	_ =	sdelay $0x4  }
0x1b8: {  	[tilespmem:v41+s16+$0x0] =	vst.idx.msk $0xffff, v42  }
0x1b9: {  	v41 =	vld [tilespmem:s21+$0x8];
	_ =	sdelay $0x4  }
0x1ba: {  	(v2sf) =	vpush v41, $0x0;
	_ =	sdelay $0x2  }
0x1bb: {  	(v2sf) =	vpush v41, $0x1;
	_ =	sdelay $0x2  }
0x1bc: {  	(v2sf) =	vpush v41, $0x2;
	_ =	sdelay $0x4  }
0x1bd: {  	(v2sf) =	vpush v41, $0x3;
	_ =	sdelay $0x3  }
0x1be: {  	s11 =	spop (v2sf);
	(v2sf) =	vpush v41, $0x4;
	_ =	sdelay $0x1  }
0x1bf: {  	s23 =	sand.u32 $0xFFFFF80, s11  }
0x1c0: {  	s11 =	spop (v2sf);
	s23 =	sadd.s32 s0, s23  }
0x1c1: {  	(v2sf) =	vpush v41, $0x5;
	[tilespmem:s10], [sflag:$0x1] =	stream.strided.gather [hbm4b:s23+s8], $0x800, s9, s8, $0x38;
	[tilespmem:$0x16280] =	vst v63  }
0x1c2: {  	s23 =	sand.u32 $0xFFFFF80, s11  }
0x1c3: {  	s24 =	simm.s32 $0xA80;
	s11 =	spop (v2sf);
	s23 =	sadd.s32 s0, s23  }
0x1c4: {  	[tilespmem:s24], [sflag:$0x1] =	stream.strided.gather [hbm4b:s23+s8], $0x800, s9, s8, $0x38;
	[tilespmem:$0x16280] =	vst v63  }
0x1c5: {  	(v2sf) =	vpush v41, $0x6;
	s23 =	sand.u32 $0xFFFFF80, s11  }
0x1c6: {  	s11 =	simm.s32 $0x1280;
	s23 =	sadd.s32 s0, s23  }
0x1c7: {  	[tilespmem:s11], [sflag:$0x1] =	stream.strided.gather [hbm4b:s23+s8], $0x800, s9, s8, $0x38;
	[tilespmem:$0x16280] =	vst v63  }
0x1c8: {  	s11 =	spop (v2sf)  }
0x1c9: {  	(v2sf) =	vpush v41, $0x7;
	s23 =	sand.u32 $0xFFFFF80, s11  }
0x1ca: {  	s11 =	simm.s32 $0x1A80;
	s23 =	sadd.s32 s0, s23  }
0x1cb: {  	[tilespmem:s11], [sflag:$0x1] =	stream.strided.gather [hbm4b:s23+s8], $0x800, s9, s8, $0x38;
	[tilespmem:$0x16280] =	vst v63  }
0x1cc: {  	s11 =	spop (v2sf)  }
0x1cd: {  	s23 =	sand.u32 $0xFFFFF80, s11  }
0x1ce: {  	s11 =	simm.s32 $0x2280;
	s23 =	sadd.s32 s0, s23  }
0x1cf: {  	[tilespmem:s11], [sflag:$0x1] =	stream.strided.gather [hbm4b:s23+s8], $0x800, s9, s8, $0x38;
	[tilespmem:$0x16280] =	vst v63  }
0x1d0: {  	s11 =	spop (v2sf)  }
0x1d1: {  	s23 =	sand.u32 $0xFFFFF80, s11  }
0x1d2: {  	s11 =	simm.s32 $0x2A80;
	s23 =	sadd.s32 s0, s23  }
0x1d3: {  	[tilespmem:s11], [sflag:$0x1] =	stream.strided.gather [hbm4b:s23+s8], $0x800, s9, s8, $0x38;
	[tilespmem:$0x16280] =	vst v63  }
0x1d4: {  	s11 =	spop (v2sf)  }
0x1d5: {  	s23 =	sand.u32 $0xFFFFF80, s11  }
0x1d6: {  	s11 =	simm.s32 $0x3280;
	s23 =	sadd.s32 s0, s23  }
0x1d7: {  	[tilespmem:s11], [sflag:$0x1] =	stream.strided.gather [hbm4b:s23+s8], $0x800, s9, s8, $0x38;
	[tilespmem:$0x16280] =	vst v63  }
0x1d8: {  	s11 =	spop (v2sf)  }
0x1d9: {  	s23 =	sand.u32 $0xFFFFF80, s11  }
0x1da: {  	s11 =	simm.s32 $0x3A80;
	s23 =	sadd.s32 s0, s23  }
0x1db: {  	[tilespmem:s11], [sflag:$0x1] =	stream.strided.gather [hbm4b:s23+s8], $0x800, s9, s8, $0x38;
	[tilespmem:$0x16280] =	vst v63  }
0x1dc: {  	_ =	swait.ge [sflag:s17], $0x800  }
0x1dd: {  	[sflag:s17] =	ssyncset.done $0x0  }
0x1de: {  	[sflag:s17] =	ssyncadd.s32 $0xFFFFF800  }
0x1df: {  	_ =	swait.ge [sflag:s17], $0x800  }
0x1e0: {  	[sflag:s17] =	ssyncset.done $0x0  }
0x1e1: {  	[sflag:s17] =	ssyncadd.s32 $0xFFFFF800  }
0x1e2: {  	_ =	swait.ge [sflag:s17], $0x800  }
0x1e3: {  	[sflag:s17] =	ssyncset.done $0x0  }
0x1e4: {  	[sflag:s17] =	ssyncadd.s32 $0xFFFFF800  }
0x1e5: {  	_ =	swait.ge [sflag:s17], $0x800  }
0x1e6: {  	[sflag:s17] =	ssyncset.done $0x0  }
0x1e7: {  	[sflag:s17] =	ssyncadd.s32 $0xFFFFF800  }
0x1e8: {  	_ =	swait.ge [sflag:s17], $0x800  }
0x1e9: {  	[sflag:s17] =	ssyncset.done $0x0  }
0x1ea: {  	[sflag:s17] =	ssyncadd.s32 $0xFFFFF800  }
0x1eb: {  	_ =	swait.ge [sflag:s17], $0x800  }
0x1ec: {  	[sflag:s17] =	ssyncset.done $0x0  }
0x1ed: {  	[sflag:s17] =	ssyncadd.s32 $0xFFFFF800  }
0x1ee: {  	_ =	swait.ge [sflag:s17], $0x800  }
0x1ef: {  	[sflag:s17] =	ssyncset.done $0x0  }
0x1f0: {  	[sflag:s17] =	ssyncadd.s32 $0xFFFFF800  }
0x1f1: {  	_ =	swait.ge [sflag:s17], $0x800  }
0x1f2: {  	[sflag:s17] =	ssyncset.done $0x0  }
0x1f3: {  	[sflag:s17] =	ssyncadd.s32 $0xFFFFF800  }
0x1f4: {  	v41 =	vld [tilespmem:s21+$0xFFFFFFE8];
	_ =	sdelay $0x4  }
0x1f5: {  	(v2sf) =	vpush v41, $0x0;
	_ =	sdelay $0x5  }
0x1f6: {  	(v2sf) =	vpush v41, $0x1;
	_ =	sdelay $0x5  }
0x1f7: {  	(v2sf) =	vpush v41, $0x2;
	_ =	sdelay $0x2  }
0x1f8: {  	s11 =	spop (v2sf)  }
0x1f9: {  	s23 =	sand.u32 $0x7F, s11  }
0x1fa: {  	s11 =	sadd.s32 $0x8, s22;
	v42 =	vor.u32 s23, v9  }
0x1fb: {  	(v2sf) =	vpush v41, $0x3;
	v43 =	vmov s11  }
0x1fc: {  	v44 =	vshll.u32 v43, $0x3  }
0x1fd: {  	v43 =	vand.u32 $0x78, v43;
	v44 =	vand.u32 $0x3C00, v44  }
0x1fe: {  	s11 =	spop (v2sf);
	v43 =	vor.u32 v43, v44  }
0x1ff: {  	s23 =	sand.u32 $0x7F, s11;
	v43 =	vadd.s32 v1, v43;
	v42 =	vld.idx.msk [tilespmem:v42+s10+$0x0], $0xffff  }
0x200: {  	s11 =	sadd.s32 $0x9, s22;
	v44 =	vor.u32 s23, v10  }
0x201: {  	(v2sf) =	vpush v41, $0x4;
	v45 =	vmov s11  }
0x202: {  	v46 =	vshll.u32 v45, $0x3  }
0x203: {  	v45 =	vand.u32 $0x79, v45;
	v46 =	vand.u32 $0x3C00, v46  }
0x204: {  	s11 =	spop (v2sf);
	v45 =	vor.u32 v45, v46;
	[tilespmem:v43+s16+$0x0] =	vst.idx.msk $0xffff, v42  }
0x205: {  	s23 =	sand.u32 $0x7F, s11;
	v42 =	vadd.s32 v1, v45;
	v43 =	vld.idx.msk [tilespmem:v44+s10+$0x0], $0xffff  }
0x206: {  	s11 =	sadd.s32 $0xA, s22;
	v44 =	vor.u32 s23, v11  }
0x207: {  	(v2sf) =	vpush v41, $0x5;
	v45 =	vmov s11  }
0x208: {  	v46 =	vshll.u32 v45, $0x3  }
0x209: {  	v45 =	vand.u32 $0x7A, v45;
	v46 =	vand.u32 $0x3C00, v46  }
0x20a: {  	s11 =	spop (v2sf);
	v46 =	vor.u32 v45, v46;
	[tilespmem:v42+s16+$0x0] =	vst.idx.msk $0xffff, v43  }
0x20b: {  	s23 =	sand.u32 $0x7F, s11;
	v42 =	vadd.s32 v1, v46;
	v43 =	vld.idx.msk [tilespmem:v44+s10+$0x0], $0xffff  }
0x20c: {  	s11 =	sadd.s32 $0xB, s22;
	v44 =	vor.u32 s23, v12  }
0x20d: {  	(v2sf) =	vpush v41, $0x6;
	v45 =	vmov s11  }
0x20e: {  	v46 =	vshll.u32 v45, $0x3  }
0x20f: {  	v45 =	vand.u32 $0x7B, v45;
	v46 =	vand.u32 $0x3C00, v46  }
0x210: {  	s11 =	spop (v2sf);
	v45 =	vor.u32 v45, v46;
	[tilespmem:v42+s16+$0x0] =	vst.idx.msk $0xffff, v43  }
0x211: {  	s23 =	sand.u32 $0x7F, s11;
	v42 =	vadd.s32 v1, v45;
	v43 =	vld.idx.msk [tilespmem:v44+s10+$0x0], $0xffff  }
0x212: {  	s11 =	sadd.s32 $0xC, s22;
	v44 =	vor.u32 s23, v13  }
0x213: {  	(v2sf) =	vpush v41, $0x7;
	v45 =	vmov s11  }
0x214: {  	v41 =	vshll.u32 v45, $0x3  }
0x215: {  	v45 =	vand.u32 $0x7C, v45;
	v41 =	vand.u32 $0x3C00, v41  }
0x216: {  	s11 =	spop (v2sf);
	v41 =	vor.u32 v45, v41;
	[tilespmem:v42+s16+$0x0] =	vst.idx.msk $0xffff, v43  }
0x217: {  	s23 =	sand.u32 $0x7F, s11;
	v41 =	vadd.s32 v1, v41;
	v42 =	vld.idx.msk [tilespmem:v44+s10+$0x0], $0xffff  }
0x218: {  	s11 =	sadd.s32 $0xD, s22;
	v43 =	vor.u32 s23, v14  }
0x219: {  	v44 =	vmov s11  }
0x21a: {  	v45 =	vshll.u32 v44, $0x3  }
0x21b: {  	v44 =	vand.u32 $0x7D, v44;
	v45 =	vand.u32 $0x3C00, v45  }
0x21c: {  	s11 =	spop (v2sf);
	v46 =	vor.u32 v44, v45;
	[tilespmem:v41+s16+$0x0] =	vst.idx.msk $0xffff, v42  }
0x21d: {  	s23 =	sand.u32 $0x7F, s11;
	v41 =	vadd.s32 v1, v46;
	v42 =	vld.idx.msk [tilespmem:v43+s10+$0x0], $0xffff  }
0x21e: {  	s11 =	sadd.s32 $0xE, s22;
	v43 =	vor.u32 s23, v15  }
0x21f: {  	v44 =	vmov s11  }
0x220: {  	v45 =	vshll.u32 v44, $0x3  }
0x221: {  	v44 =	vand.u32 $0x7E, v44;
	v45 =	vand.u32 $0x3C00, v45  }
0x222: {  	s11 =	spop (v2sf);
	v45 =	vor.u32 v44, v45;
	[tilespmem:v41+s16+$0x0] =	vst.idx.msk $0xffff, v42  }
0x223: {  	s23 =	sand.u32 $0x7F, s11;
	v41 =	vadd.s32 v1, v45;
	v42 =	vld.idx.msk [tilespmem:v43+s10+$0x0], $0xffff  }
0x224: {  	s11 =	sadd.s32 $0xF, s22;
	v43 =	vor.u32 s23, v16  }
0x225: {  	v44 =	vmov s11  }
0x226: {  	v45 =	vshll.u32 v44, $0x3  }
0x227: {  	v44 =	vand.u32 $0x7F, v44;
	v45 =	vand.u32 $0x3C00, v45  }
0x228: {  	v46 =	vor.u32 v44, v45;
	[tilespmem:v41+s16+$0x0] =	vst.idx.msk $0xffff, v42  }
0x229: {  	v41 =	vadd.s32 v1, v46;
	v42 =	vld.idx.msk [tilespmem:v43+s10+$0x0], $0xffff;
	_ =	sdelay $0x4  }
0x22a: {  	[tilespmem:v41+s16+$0x0] =	vst.idx.msk $0xffff, v42  }
0x22b: {  	v41 =	vld [tilespmem:s21+$0x10];
	_ =	sdelay $0x4  }
0x22c: {  	(v2sf) =	vpush v41, $0x0;
	_ =	sdelay $0x3  }
0x22d: {  	(v2sf) =	vpush v41, $0x1;
	_ =	sdelay $0x3  }
0x22e: {  	(v2sf) =	vpush v41, $0x2;
	_ =	sdelay $0x3  }
0x22f: {  	(v2sf) =	vpush v41, $0x3;
	_ =	sdelay $0x2  }
0x230: {  	s11 =	spop (v2sf)  }
0x231: {  	(v2sf) =	vpush v41, $0x4;
	s23 =	sand.u32 $0xFFFFF80, s11  }
0x232: {  	s11 =	simm.s32 $0x4280;
	s23 =	sadd.s32 s0, s23  }
0x233: {  	[tilespmem:s11], [sflag:$0x2] =	stream.strided.gather [hbm4b:s23+s8], $0x800, s9, s8, $0x38;
	[tilespmem:$0x16280] =	vst v63  }
0x234: {  	s11 =	spop (v2sf)  }
0x235: {  	(v2sf) =	vpush v41, $0x5;
	s23 =	sand.u32 $0xFFFFF80, s11  }
0x236: {  	s11 =	simm.s32 $0x4A80;
	s23 =	sadd.s32 s0, s23  }
0x237: {  	[tilespmem:s11], [sflag:$0x2] =	stream.strided.gather [hbm4b:s23+s8], $0x800, s9, s8, $0x38;
	[tilespmem:$0x16280] =	vst v63  }
0x238: {  	s11 =	spop (v2sf)  }
0x239: {  	(v2sf) =	vpush v41, $0x6;
	s23 =	sand.u32 $0xFFFFF80, s11  }
0x23a: {  	s11 =	simm.s32 $0x5280;
	s23 =	sadd.s32 s0, s23  }
0x23b: {  	[tilespmem:s11], [sflag:$0x2] =	stream.strided.gather [hbm4b:s23+s8], $0x800, s9, s8, $0x38;
	[tilespmem:$0x16280] =	vst v63  }
0x23c: {  	s11 =	spop (v2sf)  }
0x23d: {  	(v2sf) =	vpush v41, $0x7;
	s23 =	sand.u32 $0xFFFFF80, s11  }
0x23e: {  	s11 =	simm.s32 $0x5A80;
	s23 =	sadd.s32 s0, s23  }
0x23f: {  	[tilespmem:s11], [sflag:$0x2] =	stream.strided.gather [hbm4b:s23+s8], $0x800, s9, s8, $0x38;
	[tilespmem:$0x16280] =	vst v63  }
0x240: {  	s11 =	spop (v2sf)  }
0x241: {  	s23 =	sand.u32 $0xFFFFF80, s11  }
0x242: {  	s11 =	simm.s32 $0x6280;
	s23 =	sadd.s32 s0, s23  }
0x243: {  	[tilespmem:s11], [sflag:$0x2] =	stream.strided.gather [hbm4b:s23+s8], $0x800, s9, s8, $0x38;
	[tilespmem:$0x16280] =	vst v63  }
0x244: {  	s11 =	spop (v2sf)  }
0x245: {  	s23 =	sand.u32 $0xFFFFF80, s11  }
0x246: {  	s11 =	simm.s32 $0x6A80;
	s23 =	sadd.s32 s0, s23  }
0x247: {  	[tilespmem:s11], [sflag:$0x2] =	stream.strided.gather [hbm4b:s23+s8], $0x800, s9, s8, $0x38;
	[tilespmem:$0x16280] =	vst v63  }
0x248: {  	s11 =	spop (v2sf)  }
0x249: {  	s23 =	sand.u32 $0xFFFFF80, s11  }
0x24a: {  	s11 =	simm.s32 $0x7280;
	s23 =	sadd.s32 s0, s23  }
0x24b: {  	[tilespmem:s11], [sflag:$0x2] =	stream.strided.gather [hbm4b:s23+s8], $0x800, s9, s8, $0x38;
	[tilespmem:$0x16280] =	vst v63  }
0x24c: {  	s11 =	spop (v2sf)  }
0x24d: {  	s23 =	sand.u32 $0xFFFFF80, s11  }
0x24e: {  	s11 =	simm.s32 $0x7A80;
	s23 =	sadd.s32 s0, s23  }
0x24f: {  	[tilespmem:s11], [sflag:$0x2] =	stream.strided.gather [hbm4b:s23+s8], $0x800, s9, s8, $0x38;
	[tilespmem:$0x16280] =	vst v63  }
0x250: {  	_ =	swait.ge [sflag:s18], $0x800  }
0x251: {  	[sflag:s18] =	ssyncset.done $0x0  }
0x252: {  	[sflag:s18] =	ssyncadd.s32 $0xFFFFF800  }
0x253: {  	_ =	swait.ge [sflag:s18], $0x800  }
0x254: {  	[sflag:s18] =	ssyncset.done $0x0  }
0x255: {  	[sflag:s18] =	ssyncadd.s32 $0xFFFFF800  }
0x256: {  	_ =	swait.ge [sflag:s18], $0x800  }
0x257: {  	[sflag:s18] =	ssyncset.done $0x0  }
0x258: {  	[sflag:s18] =	ssyncadd.s32 $0xFFFFF800  }
0x259: {  	_ =	swait.ge [sflag:s18], $0x800  }
0x25a: {  	[sflag:s18] =	ssyncset.done $0x0  }
0x25b: {  	[sflag:s18] =	ssyncadd.s32 $0xFFFFF800  }
0x25c: {  	_ =	swait.ge [sflag:s18], $0x800  }
0x25d: {  	[sflag:s18] =	ssyncset.done $0x0  }
0x25e: {  	[sflag:s18] =	ssyncadd.s32 $0xFFFFF800  }
0x25f: {  	_ =	swait.ge [sflag:s18], $0x800  }
0x260: {  	[sflag:s18] =	ssyncset.done $0x0  }
0x261: {  	[sflag:s18] =	ssyncadd.s32 $0xFFFFF800  }
0x262: {  	_ =	swait.ge [sflag:s18], $0x800  }
0x263: {  	[sflag:s18] =	ssyncset.done $0x0  }
0x264: {  	[sflag:s18] =	ssyncadd.s32 $0xFFFFF800  }
0x265: {  	_ =	swait.ge [sflag:s18], $0x800  }
0x266: {  	[sflag:s18] =	ssyncset.done $0x0  }
0x267: {  	[sflag:s18] =	ssyncadd.s32 $0xFFFFF800  }
0x268: {  	v41 =	vld [tilespmem:s21+$0xFFFFFFF0];
	_ =	sdelay $0x4  }
0x269: {  	(v2sf) =	vpush v41, $0x0;
	_ =	sdelay $0x5  }
0x26a: {  	(v2sf) =	vpush v41, $0x1;
	_ =	sdelay $0x5  }
0x26b: {  	(v2sf) =	vpush v41, $0x2;
	_ =	sdelay $0x2  }
0x26c: {  	s11 =	spop (v2sf)  }
0x26d: {  	s23 =	sand.u32 $0x7F, s11  }
0x26e: {  	s11 =	sadd.s32 $0x10, s22;
	v42 =	vor.u32 s23, v17  }
0x26f: {  	(v2sf) =	vpush v41, $0x3;
	v43 =	vmov s11  }
0x270: {  	v44 =	vshll.u32 v43, $0x3  }
0x271: {  	v43 =	vand.u32 $0x78, v43;
	v44 =	vand.u32 $0x3C00, v44  }
0x272: {  	s11 =	spop (v2sf);
	v43 =	vor.u32 v43, v44  }
0x273: {  	s23 =	sand.u32 $0x7F, s11;
	v43 =	vadd.s32 v1, v43;
	v42 =	vld.idx.msk [tilespmem:v42+s10+$0x0], $0xffff  }
0x274: {  	s11 =	sadd.s32 $0x11, s22;
	v44 =	vor.u32 s23, v18  }
0x275: {  	(v2sf) =	vpush v41, $0x4;
	v45 =	vmov s11  }
0x276: {  	v46 =	vshll.u32 v45, $0x3  }
0x277: {  	v45 =	vand.u32 $0x79, v45;
	v46 =	vand.u32 $0x3C00, v46  }
0x278: {  	s11 =	spop (v2sf);
	v45 =	vor.u32 v45, v46;
	[tilespmem:v43+s16+$0x0] =	vst.idx.msk $0xffff, v42  }
0x279: {  	s23 =	sand.u32 $0x7F, s11;
	v42 =	vadd.s32 v1, v45;
	v43 =	vld.idx.msk [tilespmem:v44+s10+$0x0], $0xffff  }
0x27a: {  	s11 =	sadd.s32 $0x12, s22;
	v44 =	vor.u32 s23, v19  }
0x27b: {  	(v2sf) =	vpush v41, $0x5;
	v45 =	vmov s11  }
0x27c: {  	v46 =	vshll.u32 v45, $0x3  }
0x27d: {  	v45 =	vand.u32 $0x7A, v45;
	v46 =	vand.u32 $0x3C00, v46  }
0x27e: {  	s11 =	spop (v2sf);
	v46 =	vor.u32 v45, v46;
	[tilespmem:v42+s16+$0x0] =	vst.idx.msk $0xffff, v43  }
0x27f: {  	s23 =	sand.u32 $0x7F, s11;
	v42 =	vadd.s32 v1, v46;
	v43 =	vld.idx.msk [tilespmem:v44+s10+$0x0], $0xffff  }
0x280: {  	s11 =	sadd.s32 $0x13, s22;
	v44 =	vor.u32 s23, v20  }
0x281: {  	(v2sf) =	vpush v41, $0x6;
	v45 =	vmov s11  }
0x282: {  	v46 =	vshll.u32 v45, $0x3  }
0x283: {  	v45 =	vand.u32 $0x7B, v45;
	v46 =	vand.u32 $0x3C00, v46  }
0x284: {  	s11 =	spop (v2sf);
	v45 =	vor.u32 v45, v46;
	[tilespmem:v42+s16+$0x0] =	vst.idx.msk $0xffff, v43  }
0x285: {  	s23 =	sand.u32 $0x7F, s11;
	v42 =	vadd.s32 v1, v45;
	v43 =	vld.idx.msk [tilespmem:v44+s10+$0x0], $0xffff  }
0x286: {  	s11 =	sadd.s32 $0x14, s22;
	v44 =	vor.u32 s23, v21  }
0x287: {  	(v2sf) =	vpush v41, $0x7;
	v45 =	vmov s11  }
0x288: {  	v41 =	vshll.u32 v45, $0x3  }
0x289: {  	v45 =	vand.u32 $0x7C, v45;
	v41 =	vand.u32 $0x3C00, v41  }
0x28a: {  	s11 =	spop (v2sf);
	v41 =	vor.u32 v45, v41;
	[tilespmem:v42+s16+$0x0] =	vst.idx.msk $0xffff, v43  }
0x28b: {  	s23 =	sand.u32 $0x7F, s11;
	v41 =	vadd.s32 v1, v41;
	v42 =	vld.idx.msk [tilespmem:v44+s10+$0x0], $0xffff  }
0x28c: {  	s11 =	sadd.s32 $0x15, s22;
	v43 =	vor.u32 s23, v22  }
0x28d: {  	v44 =	vmov s11  }
0x28e: {  	v45 =	vshll.u32 v44, $0x3  }
0x28f: {  	v44 =	vand.u32 $0x7D, v44;
	v45 =	vand.u32 $0x3C00, v45  }
0x290: {  	s11 =	spop (v2sf);
	v46 =	vor.u32 v44, v45;
	[tilespmem:v41+s16+$0x0] =	vst.idx.msk $0xffff, v42  }
0x291: {  	s23 =	sand.u32 $0x7F, s11;
	v41 =	vadd.s32 v1, v46;
	v42 =	vld.idx.msk [tilespmem:v43+s10+$0x0], $0xffff  }
0x292: {  	s11 =	sadd.s32 $0x16, s22;
	v43 =	vor.u32 s23, v23  }
0x293: {  	v44 =	vmov s11  }
0x294: {  	v45 =	vshll.u32 v44, $0x3  }
0x295: {  	v44 =	vand.u32 $0x7E, v44;
	v45 =	vand.u32 $0x3C00, v45  }
0x296: {  	s11 =	spop (v2sf);
	v45 =	vor.u32 v44, v45;
	[tilespmem:v41+s16+$0x0] =	vst.idx.msk $0xffff, v42  }
0x297: {  	s23 =	sand.u32 $0x7F, s11;
	v41 =	vadd.s32 v1, v45;
	v42 =	vld.idx.msk [tilespmem:v43+s10+$0x0], $0xffff  }
0x298: {  	s11 =	sadd.s32 $0x17, s22;
	v43 =	vor.u32 s23, v24  }
0x299: {  	v44 =	vmov s11  }
0x29a: {  	v45 =	vshll.u32 v44, $0x3  }
0x29b: {  	v44 =	vand.u32 $0x7F, v44;
	v45 =	vand.u32 $0x3C00, v45  }
0x29c: {  	v46 =	vor.u32 v44, v45;
	[tilespmem:v41+s16+$0x0] =	vst.idx.msk $0xffff, v42  }
0x29d: {  	v41 =	vadd.s32 v1, v46;
	v42 =	vld.idx.msk [tilespmem:v43+s10+$0x0], $0xffff;
	_ =	sdelay $0x4  }
0x29e: {  	[tilespmem:v41+s16+$0x0] =	vst.idx.msk $0xffff, v42  }
0x29f: {  	v41 =	vld [tilespmem:s21+$0x18];
	_ =	sdelay $0x4  }
0x2a0: {  	(v2sf) =	vpush v41, $0x0;
	_ =	sdelay $0x1  }
0x2a1: {  	(v2sf) =	vpush v41, $0x1;
	_ =	sdelay $0x2  }
0x2a2: {  	(v2sf) =	vpush v41, $0x2;
	_ =	sdelay $0x2  }
0x2a3: {  	(v2sf) =	vpush v41, $0x3;
	_ =	sdelay $0x6  }
0x2a4: {  	s11 =	spop (v2sf);
	(v2sf) =	vpush v41, $0x4;
	_ =	sdelay $0x1  }
0x2a5: {  	s23 =	sand.u32 $0xFFFFF80, s11;
	s11 =	spop (v2sf);
	(v2sf) =	vpush v41, $0x5  }
0x2a6: {  	s23 =	sadd.s32 s0, s23  }
0x2a7: {  	[tilespmem:s12], [sflag:$0x3] =	stream.strided.gather [hbm4b:s23+s8], $0x800, s9, s8, $0x38;
	[tilespmem:$0x16280] =	vst v63  }
0x2a8: {  	s23 =	sand.u32 $0xFFFFF80, s11;
	s11 =	spop (v2sf);
	(v2sf) =	vpush v41, $0x6  }
0x2a9: {  	s23 =	sadd.s32 s0, s23  }
0x2aa: {  	[tilespmem:s13], [sflag:$0x3] =	stream.strided.gather [hbm4b:s23+s8], $0x800, s9, s8, $0x38;
	[tilespmem:$0x16280] =	vst v63  }
0x2ab: {  	s23 =	sand.u32 $0xFFFFF80, s11;
	s11 =	spop (v2sf);
	(v2sf) =	vpush v41, $0x7;
	_ =	sdelay $0x1  }
0x2ac: {  	s23 =	sadd.s32 s0, s23  }
0x2ad: {  	[tilespmem:s14], [sflag:$0x3] =	stream.strided.gather [hbm4b:s23+s8], $0x800, s9, s8, $0x38;
	[tilespmem:$0x16280] =	vst v63  }
0x2ae: {  	s23 =	sand.u32 $0xFFFFF80, s11  }
0x2af: {  	s23 =	sadd.s32 s0, s23  }
0x2b0: {  	[tilespmem:s25], [sflag:$0x3] =	stream.strided.gather [hbm4b:s23+s8], $0x800, s9, s8, $0x38;
	[tilespmem:$0x16280] =	vst v63  }
0x2b1: {  	s11 =	spop (v2sf)  }
0x2b2: {  	s23 =	sand.u32 $0xFFFFF80, s11  }
0x2b3: {  	s11 =	spop (v2sf);
	s23 =	sadd.s32 s0, s23  }
0x2b4: {  	[tilespmem:s26], [sflag:$0x3] =	stream.strided.gather [hbm4b:s23+s8], $0x800, s9, s8, $0x38;
	[tilespmem:$0x16280] =	vst v63  }
0x2b5: {  	s23 =	sand.u32 $0xFFFFF80, s11  }
0x2b6: {  	s11 =	spop (v2sf);
	s23 =	sadd.s32 s0, s23  }
0x2b7: {  	[tilespmem:s28], [sflag:$0x3] =	stream.strided.gather [hbm4b:s23+s8], $0x800, s9, s8, $0x38;
	[tilespmem:$0x16280] =	vst v63  }
0x2b8: {  	s23 =	sand.u32 $0xFFFFF80, s11  }
0x2b9: {  	s11 =	spop (v2sf);
	s23 =	sadd.s32 s0, s23  }
0x2ba: {  	[tilespmem:s29], [sflag:$0x3] =	stream.strided.gather [hbm4b:s23+s8], $0x800, s9, s8, $0x38;
	[tilespmem:$0x16280] =	vst v63  }
0x2bb: {  	s23 =	sand.u32 $0xFFFFF80, s11  }
0x2bc: {  	s23 =	sadd.s32 s0, s23  }
0x2bd: {  	[tilespmem:s30], [sflag:$0x3] =	stream.strided.gather [hbm4b:s23+s8], $0x800, s9, s8, $0x38;
	[tilespmem:$0x16280] =	vst v63  }
0x2be: {  	_ =	swait.ge [sflag:s19], $0x800  }
0x2bf: {  	[sflag:s19] =	ssyncset.done $0x0  }
0x2c0: {  	[sflag:s19] =	ssyncadd.s32 $0xFFFFF800  }
0x2c1: {  	_ =	swait.ge [sflag:s19], $0x800  }
0x2c2: {  	[sflag:s19] =	ssyncset.done $0x0  }
0x2c3: {  	[sflag:s19] =	ssyncadd.s32 $0xFFFFF800  }
0x2c4: {  	_ =	swait.ge [sflag:s19], $0x800  }
0x2c5: {  	[sflag:s19] =	ssyncset.done $0x0  }
0x2c6: {  	[sflag:s19] =	ssyncadd.s32 $0xFFFFF800  }
0x2c7: {  	_ =	swait.ge [sflag:s19], $0x800  }
0x2c8: {  	[sflag:s19] =	ssyncset.done $0x0  }
0x2c9: {  	[sflag:s19] =	ssyncadd.s32 $0xFFFFF800  }
0x2ca: {  	_ =	swait.ge [sflag:s19], $0x800  }
0x2cb: {  	[sflag:s19] =	ssyncset.done $0x0  }
0x2cc: {  	[sflag:s19] =	ssyncadd.s32 $0xFFFFF800  }
0x2cd: {  	_ =	swait.ge [sflag:s19], $0x800  }
0x2ce: {  	[sflag:s19] =	ssyncset.done $0x0  }
0x2cf: {  	[sflag:s19] =	ssyncadd.s32 $0xFFFFF800  }
0x2d0: {  	_ =	swait.ge [sflag:s19], $0x800  }
0x2d1: {  	[sflag:s19] =	ssyncset.done $0x0  }
0x2d2: {  	[sflag:s19] =	ssyncadd.s32 $0xFFFFF800  }
0x2d3: {  	_ =	swait.ge [sflag:s19], $0x800  }
0x2d4: {  	[sflag:s19] =	ssyncset.done $0x0  }
0x2d5: {  	[sflag:s19] =	ssyncadd.s32 $0xFFFFF800  }
0x2d6: {  	v41 =	vld [tilespmem:s21+$0xFFFFFFF8];
	_ =	sdelay $0x4  }
0x2d7: {  	(v2sf) =	vpush v41, $0x0;
	_ =	sdelay $0x5  }
0x2d8: {  	(v2sf) =	vpush v41, $0x1;
	_ =	sdelay $0x5  }
0x2d9: {  	(v2sf) =	vpush v41, $0x2;
	_ =	sdelay $0x2  }
0x2da: {  	s11 =	spop (v2sf)  }
0x2db: {  	s23 =	sand.u32 $0x7F, s11  }
0x2dc: {  	s11 =	sadd.s32 $0x18, s22;
	v42 =	vor.u32 s23, v25  }
0x2dd: {  	(v2sf) =	vpush v41, $0x3;
	v43 =	vmov s11  }
0x2de: {  	v44 =	vshll.u32 v43, $0x3  }
0x2df: {  	v43 =	vand.u32 $0x78, v43;
	v44 =	vand.u32 $0x3C00, v44  }
0x2e0: {  	s11 =	spop (v2sf);
	v43 =	vor.u32 v43, v44  }
0x2e1: {  	s23 =	sand.u32 $0x7F, s11;
	v43 =	vadd.s32 v1, v43;
	v42 =	vld.idx.msk [tilespmem:v42+s10+$0x0], $0xffff  }
0x2e2: {  	s11 =	sadd.s32 $0x19, s22;
	v44 =	vor.u32 s23, v26  }
0x2e3: {  	(v2sf) =	vpush v41, $0x4;
	v45 =	vmov s11  }
0x2e4: {  	v46 =	vshll.u32 v45, $0x3  }
0x2e5: {  	v45 =	vand.u32 $0x79, v45;
	v46 =	vand.u32 $0x3C00, v46  }
0x2e6: {  	s11 =	spop (v2sf);
	v45 =	vor.u32 v45, v46;
	[tilespmem:v43+s16+$0x0] =	vst.idx.msk $0xffff, v42  }
0x2e7: {  	s23 =	sand.u32 $0x7F, s11;
	v42 =	vadd.s32 v1, v45;
	v43 =	vld.idx.msk [tilespmem:v44+s10+$0x0], $0xffff  }
0x2e8: {  	s11 =	sadd.s32 $0x1A, s22;
	v44 =	vor.u32 s23, v27  }
0x2e9: {  	(v2sf) =	vpush v41, $0x5;
	v45 =	vmov s11  }
0x2ea: {  	v46 =	vshll.u32 v45, $0x3  }
0x2eb: {  	v45 =	vand.u32 $0x7A, v45;
	v46 =	vand.u32 $0x3C00, v46  }
0x2ec: {  	s11 =	spop (v2sf);
	v46 =	vor.u32 v45, v46;
	[tilespmem:v42+s16+$0x0] =	vst.idx.msk $0xffff, v43  }
0x2ed: {  	s23 =	sand.u32 $0x7F, s11;
	v42 =	vadd.s32 v1, v46;
	v43 =	vld.idx.msk [tilespmem:v44+s10+$0x0], $0xffff  }
0x2ee: {  	s11 =	sadd.s32 $0x1B, s22;
	v44 =	vor.u32 s23, v28  }
0x2ef: {  	(v2sf) =	vpush v41, $0x6;
	v45 =	vmov s11  }
0x2f0: {  	v46 =	vshll.u32 v45, $0x3  }
0x2f1: {  	v45 =	vand.u32 $0x7B, v45;
	v46 =	vand.u32 $0x3C00, v46  }
0x2f2: {  	s11 =	spop (v2sf);
	v45 =	vor.u32 v45, v46;
	[tilespmem:v42+s16+$0x0] =	vst.idx.msk $0xffff, v43  }
0x2f3: {  	s23 =	sand.u32 $0x7F, s11;
	v42 =	vadd.s32 v1, v45;
	v43 =	vld.idx.msk [tilespmem:v44+s10+$0x0], $0xffff  }
0x2f4: {  	s11 =	sadd.s32 $0x1C, s22;
	v44 =	vor.u32 s23, v29  }
0x2f5: {  	(v2sf) =	vpush v41, $0x7;
	v45 =	vmov s11  }
0x2f6: {  	v41 =	vshll.u32 v45, $0x3  }
0x2f7: {  	v45 =	vand.u32 $0x7C, v45;
	v41 =	vand.u32 $0x3C00, v41  }
0x2f8: {  	s11 =	spop (v2sf);
	v41 =	vor.u32 v45, v41;
	[tilespmem:v42+s16+$0x0] =	vst.idx.msk $0xffff, v43  }
0x2f9: {  	s23 =	sand.u32 $0x7F, s11;
	v41 =	vadd.s32 v1, v41;
	v42 =	vld.idx.msk [tilespmem:v44+s10+$0x0], $0xffff  }
0x2fa: {  	s11 =	sadd.s32 $0x1D, s22;
	v43 =	vor.u32 s23, v30  }
0x2fb: {  	v44 =	vmov s11  }
0x2fc: {  	v45 =	vshll.u32 v44, $0x3  }
0x2fd: {  	v44 =	vand.u32 $0x7D, v44;
	v45 =	vand.u32 $0x3C00, v45  }
0x2fe: {  	s11 =	spop (v2sf);
	v46 =	vor.u32 v44, v45;
	[tilespmem:v41+s16+$0x0] =	vst.idx.msk $0xffff, v42  }
0x2ff: {  	s23 =	sand.u32 $0x7F, s11;
	v41 =	vadd.s32 v1, v46;
	v42 =	vld.idx.msk [tilespmem:v43+s10+$0x0], $0xffff  }
0x300: {  	s11 =	sadd.s32 $0x1E, s22;
	v43 =	vor.u32 s23, v31  }
0x301: {  	v44 =	vmov s11  }
0x302: {  	v45 =	vshll.u32 v44, $0x3  }
0x303: {  	v44 =	vand.u32 $0x7E, v44;
	v45 =	vand.u32 $0x3C00, v45  }
0x304: {  	s11 =	spop (v2sf);
	v45 =	vor.u32 v44, v45;
	[tilespmem:v41+s16+$0x0] =	vst.idx.msk $0xffff, v42  }
0x305: {  	s23 =	sand.u32 $0x7F, s11;
	v41 =	vadd.s32 v1, v45;
	v42 =	vld.idx.msk [tilespmem:v43+s10+$0x0], $0xffff  }
0x306: {  	s11 =	sadd.s32 $0x1F, s22;
	v43 =	vor.u32 s23, v32  }
0x307: {  	v44 =	vmov s11  }
0x308: {  	v45 =	vshll.u32 v44, $0x3  }
0x309: {  	v44 =	vand.u32 $0x7F, v44;
	v45 =	vand.u32 $0x3C00, v45  }
0x30a: {  	v46 =	vor.u32 v44, v45;
	[tilespmem:v41+s16+$0x0] =	vst.idx.msk $0xffff, v42  }
0x30b: {  	v41 =	vadd.s32 v1, v46;
	v42 =	vld.idx.msk [tilespmem:v43+s10+$0x0], $0xffff;
	_ =	sdelay $0x4  }
0x30c: {  	[tilespmem:v41+s16+$0x0] =	vst.idx.msk $0xffff, v42  }
0x30d: {  	v41 =	vld [tilespmem:s21+$0x20];
	_ =	sdelay $0x4  }
0x30e: {  	(v2sf) =	vpush v41, $0x0;
	_ =	sdelay $0x1  }
0x30f: {  	(v2sf) =	vpush v41, $0x1;
	_ =	sdelay $0x2  }
0x310: {  	(v2sf) =	vpush v41, $0x2;
	_ =	sdelay $0x2  }
0x311: {  	(v2sf) =	vpush v41, $0x3;
	_ =	sdelay $0x6  }
0x312: {  	s11 =	spop (v2sf);
	(v2sf) =	vpush v41, $0x4;
	_ =	sdelay $0x1  }
0x313: {  	s23 =	sand.u32 $0xFFFFF80, s11;
	s11 =	spop (v2sf);
	(v2sf) =	vpush v41, $0x5  }
0x314: {  	s23 =	sadd.s32 s0, s23  }
0x315: {  	[tilespmem:s31], [sflag:$0x4] =	stream.strided.gather [hbm4b:s23+s8], $0x800, s9, s8, $0x38;
	[tilespmem:$0x16280] =	vst v63  }
0x316: {  	s23 =	sand.u32 $0xFFFFF80, s11;
	s11 =	spop (v2sf);
	(v2sf) =	vpush v41, $0x6  }
0x317: {  	s23 =	sadd.s32 s0, s23  }
0x318: {  	[tilespmem:s1], [sflag:$0x4] =	stream.strided.gather [hbm4b:s23+s8], $0x800, s9, s8, $0x38;
	[tilespmem:$0x16280] =	vst v63  }
0x319: {  	s23 =	sand.u32 $0xFFFFF80, s11;
	s11 =	spop (v2sf);
	(v2sf) =	vpush v41, $0x7;
	_ =	sdelay $0x1  }
0x31a: {  	s23 =	sadd.s32 s0, s23  }
0x31b: {  	[tilespmem:s2], [sflag:$0x4] =	stream.strided.gather [hbm4b:s23+s8], $0x800, s9, s8, $0x38;
	[tilespmem:$0x16280] =	vst v63  }
0x31c: {  	s23 =	sand.u32 $0xFFFFF80, s11  }
0x31d: {  	s23 =	sadd.s32 s0, s23  }
0x31e: {  	[tilespmem:s3], [sflag:$0x4] =	stream.strided.gather [hbm4b:s23+s8], $0x800, s9, s8, $0x38;
	[tilespmem:$0x16280] =	vst v63  }
0x31f: {  	s11 =	spop (v2sf)  }
0x320: {  	s23 =	sand.u32 $0xFFFFF80, s11  }
0x321: {  	s11 =	spop (v2sf);
	s23 =	sadd.s32 s0, s23  }
0x322: {  	[tilespmem:s4], [sflag:$0x4] =	stream.strided.gather [hbm4b:s23+s8], $0x800, s9, s8, $0x38;
	[tilespmem:$0x16280] =	vst v63  }
0x323: {  	s23 =	sand.u32 $0xFFFFF80, s11  }
0x324: {  	s11 =	spop (v2sf);
	s23 =	sadd.s32 s0, s23  }
0x325: {  	[tilespmem:s5], [sflag:$0x4] =	stream.strided.gather [hbm4b:s23+s8], $0x800, s9, s8, $0x38;
	[tilespmem:$0x16280] =	vst v63  }
0x326: {  	s23 =	sand.u32 $0xFFFFF80, s11  }
0x327: {  	s11 =	spop (v2sf);
	s23 =	sadd.s32 s0, s23  }
0x328: {  	[tilespmem:s6], [sflag:$0x4] =	stream.strided.gather [hbm4b:s23+s8], $0x800, s9, s8, $0x38;
	[tilespmem:$0x16280] =	vst v63  }
0x329: {  	s23 =	sand.u32 $0xFFFFF80, s11  }
0x32a: {  	s23 =	sadd.s32 s0, s23  }
0x32b: {  	[tilespmem:s7], [sflag:$0x4] =	stream.strided.gather [hbm4b:s23+s8], $0x800, s9, s8, $0x38;
	[tilespmem:$0x16280] =	vst v63  }
0x32c: {  	_ =	swait.ge [sflag:s20], $0x800  }
0x32d: {  	[sflag:s20] =	ssyncset.done $0x0  }
0x32e: {  	[sflag:s20] =	ssyncadd.s32 $0xFFFFF800  }
0x32f: {  	_ =	swait.ge [sflag:s20], $0x800  }
0x330: {  	[sflag:s20] =	ssyncset.done $0x0  }
0x331: {  	[sflag:s20] =	ssyncadd.s32 $0xFFFFF800  }
0x332: {  	_ =	swait.ge [sflag:s20], $0x800  }
0x333: {  	[sflag:s20] =	ssyncset.done $0x0  }
0x334: {  	[sflag:s20] =	ssyncadd.s32 $0xFFFFF800  }
0x335: {  	_ =	swait.ge [sflag:s20], $0x800  }
0x336: {  	[sflag:s20] =	ssyncset.done $0x0  }
0x337: {  	[sflag:s20] =	ssyncadd.s32 $0xFFFFF800  }
0x338: {  	_ =	swait.ge [sflag:s20], $0x800  }
0x339: {  	[sflag:s20] =	ssyncset.done $0x0  }
0x33a: {  	[sflag:s20] =	ssyncadd.s32 $0xFFFFF800  }
0x33b: {  	_ =	swait.ge [sflag:s20], $0x800  }
0x33c: {  	[sflag:s20] =	ssyncset.done $0x0  }
0x33d: {  	[sflag:s20] =	ssyncadd.s32 $0xFFFFF800  }
0x33e: {  	_ =	swait.ge [sflag:s20], $0x800  }
0x33f: {  	[sflag:s20] =	ssyncset.done $0x0  }
0x340: {  	[sflag:s20] =	ssyncadd.s32 $0xFFFFF800  }
0x341: {  	_ =	swait.ge [sflag:s20], $0x800  }
0x342: {  	[sflag:s20] =	ssyncset.done $0x0  }
0x343: {  	[sflag:s20] =	ssyncadd.s32 $0xFFFFF800  }
0x344: {  	v41 =	vld [tilespmem:s21+$0x0];
	_ =	sdelay $0x4  }
0x345: {  	(v2sf) =	vpush v41, $0x0;
	_ =	sdelay $0x5  }
0x346: {  	(v2sf) =	vpush v41, $0x1;
	_ =	sdelay $0x5  }
0x347: {  	(v2sf) =	vpush v41, $0x2;
	_ =	sdelay $0x2  }
0x348: {  	s11 =	spop (v2sf)  }
0x349: {  	s23 =	sand.u32 $0x7F, s11  }
0x34a: {  	s11 =	sadd.s32 $0x20, s22;
	v42 =	vor.u32 s23, v33  }
0x34b: {  	(v2sf) =	vpush v41, $0x3;
	v43 =	vmov s11  }
0x34c: {  	v44 =	vshll.u32 v43, $0x3  }
0x34d: {  	v43 =	vand.u32 $0x78, v43;
	v44 =	vand.u32 $0x3C00, v44  }
0x34e: {  	s11 =	spop (v2sf);
	v43 =	vor.u32 v43, v44  }
0x34f: {  	s23 =	sand.u32 $0x7F, s11;
	v43 =	vadd.s32 v1, v43;
	v42 =	vld.idx.msk [tilespmem:v42+s10+$0x0], $0xffff  }
0x350: {  	s11 =	sadd.s32 $0x21, s22;
	v44 =	vor.u32 s23, v34  }
0x351: {  	(v2sf) =	vpush v41, $0x4;
	v45 =	vmov s11  }
0x352: {  	v46 =	vshll.u32 v45, $0x3  }
0x353: {  	v45 =	vand.u32 $0x79, v45;
	v46 =	vand.u32 $0x3C00, v46  }
0x354: {  	s11 =	spop (v2sf);
	v45 =	vor.u32 v45, v46;
	[tilespmem:v43+s16+$0x0] =	vst.idx.msk $0xffff, v42  }
0x355: {  	s23 =	sand.u32 $0x7F, s11;
	v42 =	vadd.s32 v1, v45;
	v43 =	vld.idx.msk [tilespmem:v44+s10+$0x0], $0xffff  }
0x356: {  	s11 =	sadd.s32 $0x22, s22;
	v44 =	vor.u32 s23, v35  }
0x357: {  	(v2sf) =	vpush v41, $0x5;
	v45 =	vmov s11  }
0x358: {  	v46 =	vshll.u32 v45, $0x3  }
0x359: {  	v45 =	vand.u32 $0x7A, v45;
	v46 =	vand.u32 $0x3C00, v46  }
0x35a: {  	v46 =	vor.u32 v45, v46;
	s11 =	spop (v2sf);
	[tilespmem:v42+s16+$0x0] =	vst.idx.msk $0xffff, v43  }
0x35b: {  	s23 =	sand.u32 $0x7F, s11;
	v42 =	vadd.s32 v1, v46;
	v43 =	vld.idx.msk [tilespmem:v44+s10+$0x0], $0xffff  }
0x35c: {  	s11 =	sadd.s32 $0x23, s22;
	v44 =	vor.u32 s23, v36  }
0x35d: {  	(v2sf) =	vpush v41, $0x6;
	v45 =	vmov s11  }
0x35e: {  	v46 =	vshll.u32 v45, $0x3  }
0x35f: {  	v45 =	vand.u32 $0x7B, v45;
	v46 =	vand.u32 $0x3C00, v46  }
0x360: {  	s11 =	spop (v2sf);
	v45 =	vor.u32 v45, v46;
	[tilespmem:v42+s16+$0x0] =	vst.idx.msk $0xffff, v43  }
0x361: {  	s23 =	sand.u32 $0x7F, s11;
	v42 =	vadd.s32 v1, v45;
	v43 =	vld.idx.msk [tilespmem:v44+s10+$0x0], $0xffff  }
0x362: {  	s11 =	sadd.s32 $0x24, s22;
	v44 =	vor.u32 s23, v37  }
0x363: {  	(v2sf) =	vpush v41, $0x7;
	v45 =	vmov s11  }
0x364: {  	v41 =	vshll.u32 v45, $0x3  }
0x365: {  	v45 =	vand.u32 $0x7C, v45;
	v41 =	vand.u32 $0x3C00, v41  }
0x366: {  	s11 =	spop (v2sf);
	v41 =	vor.u32 v45, v41;
	[tilespmem:v42+s16+$0x0] =	vst.idx.msk $0xffff, v43  }
0x367: {  	s23 =	sand.u32 $0x7F, s11;
	v41 =	vadd.s32 v1, v41;
	v42 =	vld.idx.msk [tilespmem:v44+s10+$0x0], $0xffff  }
0x368: {  	s11 =	sadd.s32 $0x25, s22;
	v43 =	vor.u32 s23, v38  }
0x369: {  	v44 =	vmov s11  }
0x36a: {  	v45 =	vshll.u32 v44, $0x3  }
0x36b: {  	v44 =	vand.u32 $0x7D, v44;
	v45 =	vand.u32 $0x3C00, v45  }
0x36c: {  	s11 =	spop (v2sf);
	v46 =	vor.u32 v44, v45;
	[tilespmem:v41+s16+$0x0] =	vst.idx.msk $0xffff, v42  }
0x36d: {  	s23 =	sand.u32 $0x7F, s11;
	v41 =	vadd.s32 v1, v46;
	v42 =	vld.idx.msk [tilespmem:v43+s10+$0x0], $0xffff  }
0x36e: {  	s11 =	sadd.s32 $0x26, s22;
	v43 =	vor.u32 s23, v39  }
0x36f: {  	v44 =	vmov s11  }
0x370: {  	v45 =	vshll.u32 v44, $0x3  }
0x371: {  	v44 =	vand.u32 $0x7E, v44;
	v45 =	vand.u32 $0x3C00, v45  }
0x372: {  	s11 =	spop (v2sf);
	v45 =	vor.u32 v44, v45;
	[tilespmem:v41+s16+$0x0] =	vst.idx.msk $0xffff, v42  }
0x373: {  	s23 =	sand.u32 $0x7F, s11;
	v41 =	vadd.s32 v1, v45;
	v42 =	vld.idx.msk [tilespmem:v43+s10+$0x0], $0xffff  }
0x374: {  	s11 =	sadd.s32 $0x27, s22;
	v43 =	vor.u32 s23, v40  }
0x375: {  	v44 =	vmov s11  }
0x376: {  	v45 =	vshll.u32 v44, $0x3  }
0x377: {  	v44 =	vand.u32 $0x7F, v44;
	v45 =	vand.u32 $0x3C00, v45  }
0x378: {  	v46 =	vor.u32 v44, v45;
	[tilespmem:v41+s16+$0x0] =	vst.idx.msk $0xffff, v42  }
0x379: {  	p0 =	sne.s32 s22, $0x1B8;
	v41 =	vadd.s32 v1, v46;
	v42 =	vld.idx.msk [tilespmem:v43+s10+$0x0], $0xffff  }
.Ltmp0:
0x37a: {  	_ = 	snop;
	(pc) =	sbr.rel @p0 .LBB2_2-.Ltmp0, $2  }
0x37b: {  	_ =	sdelay $0x2  }
0x37c: {  	s21 =	sadd.s32 $0x28, s21;
	s22 =	sadd.s32 $0x28, s22;
	[tilespmem:v41+s16+$0x0] =	vst.idx.msk $0xffff, v42  }
0x37d: {  	_ =	swait.ge [sflag:s15], $0x800  }
0x37e: {  	[sflag:s15] =	ssyncset.done $0x0  }
0x37f: {  	[sflag:s15] =	ssyncadd.s32 $0xFFFFF800  }
0x380: {  	_ =	swait.ge [sflag:s15], $0x800  }
0x381: {  	[sflag:s15] =	ssyncset.done $0x0  }
0x382: {  	[sflag:s15] =	ssyncadd.s32 $0xFFFFF800  }
0x383: {  	_ =	swait.ge [sflag:s15], $0x800  }
0x384: {  	[sflag:s15] =	ssyncset.done $0x0  }
0x385: {  	[sflag:s15] =	ssyncadd.s32 $0xFFFFF800  }
0x386: {  	_ =	swait.ge [sflag:s15], $0x800  }
0x387: {  	[sflag:s15] =	ssyncset.done $0x0  }
0x388: {  	[sflag:s15] =	ssyncadd.s32 $0xFFFFF800  }
0x389: {  	_ =	swait.ge [sflag:s15], $0x800  }
0x38a: {  	[sflag:s15] =	ssyncset.done $0x0  }
0x38b: {  	[sflag:s15] =	ssyncadd.s32 $0xFFFFF800  }
0x38c: {  	_ =	swait.ge [sflag:s15], $0x800  }
0x38d: {  	[sflag:s15] =	ssyncset.done $0x0  }
0x38e: {  	[sflag:s15] =	ssyncadd.s32 $0xFFFFF800  }
0x38f: {  	_ =	swait.ge [sflag:s15], $0x800  }
0x390: {  	[sflag:s15] =	ssyncset.done $0x0  }
0x391: {  	[sflag:s15] =	ssyncadd.s32 $0xFFFFF800  }
0x392: {  	_ =	swait.ge [sflag:s15], $0x800  }
0x393: {  	[sflag:s15] =	ssyncset.done $0x0  }
0x394: {  	[sflag:s15] =	ssyncadd.s32 $0xFFFFF800  }
0x395: {  	v41 =	vld [tilespmem:$0x1E0];
	_ =	sdelay $0x4  }
0x396: {  	(v2sf) =	vpush v41, $0x0;
	_ =	sdelay $0x7  }
0x397: {  	(v2sf) =	vpush v41, $0x1;
	_ =	sdelay $0x6  }
0x398: {  	s21 =	spop (v2sf)  }
0x399: {  	(v2sf) =	vpush v41, $0x2;
	s21 =	sand.u32 $0x7F, s21  }
0x39a: {  	v42 =	vor.u32 s21, v0;
	_ =	sdelay $0x1  }
0x39b: {  	v44 =	vld [tilespmem:$0x1FF10];
	_ =	sdelay $0x2  }
0x39c: {  	(v2sf) =	vpush v41, $0x3;
	v42 =	vld.idx.msk [tilespmem:v42+s10+$0x0], $0xffff  }
0x39d: {  	s2 =	spop (v2sf)  }
0x39e: {  	s21 =	sand.u32 $0x7F, s2  }
0x39f: {  	v43 =	vor.u32 s21, v2;
	_ =	sdelay $0x1  }
0x3a0: {  	[tilespmem:v44+s16+$0x0] =	vst.idx.msk $0xffff, v42;
	v44 =	vld [tilespmem:$0x1FF20];
	_ =	sdelay $0x2  }
0x3a1: {  	(v2sf) =	vpush v41, $0x4;
	v42 =	vld.idx.msk [tilespmem:v43+s10+$0x0], $0xffff  }
0x3a2: {  	s11 =	spop (v2sf)  }
0x3a3: {  	s21 =	sand.u32 $0x7F, s11  }
0x3a4: {  	v43 =	vor.u32 s21, v3;
	_ =	sdelay $0x1  }
0x3a5: {  	[tilespmem:v44+s16+$0x0] =	vst.idx.msk $0xffff, v42;
	v44 =	vld [tilespmem:$0x1FF30];
	_ =	sdelay $0x1  }
0x3a6: {  	s22 =	spop (v2sf)  }
0x3a7: {  	(v2sf) =	vpush v41, $0x5;
	s21 =	sand.u32 $0x7F, s22;
	v42 =	vld.idx.msk [tilespmem:v43+s10+$0x0], $0xffff  }
0x3a8: {  	v43 =	vor.u32 s21, v4;
	_ =	sdelay $0x1  }
0x3a9: {  	v45 =	vld [tilespmem:$0x1FF40];
	_ =	sdelay $0x1  }
0x3aa: {  	[tilespmem:v44+s16+$0x0] =	vst.idx.msk $0xffff, v42  }
0x3ab: {  	v42 =	vld.idx.msk [tilespmem:v43+s10+$0x0], $0xffff  }
0x3ac: {  	s23 =	spop (v2sf)  }
0x3ad: {  	(v2sf) =	vpush v41, $0x6;
	s21 =	sand.u32 $0x7F, s23  }
0x3ae: {  	v46 =	vor.u32 s21, v5;
	_ =	sdelay $0x1  }
0x3af: {  	[tilespmem:v45+s16+$0x0] =	vst.idx.msk $0xffff, v42;
	v45 =	vld [tilespmem:$0x1FF50];
	_ =	sdelay $0x2  }
0x3b0: {  	(v2sf) =	vpush v41, $0x7;
	v41 =	vld.idx.msk [tilespmem:v46+s10+$0x0], $0xffff  }
0x3b1: {  	s1 =	spop (v2sf)  }
0x3b2: {  	s21 =	sand.u32 $0x7F, s1  }
0x3b3: {  	v46 =	vor.u32 s21, v6;
	_ =	sdelay $0x1  }
0x3b4: {  	[tilespmem:v45+s16+$0x0] =	vst.idx.msk $0xffff, v41;
	v45 =	vld [tilespmem:$0x1FF60];
	_ =	sdelay $0x2  }
0x3b5: {  	v41 =	vld.idx.msk [tilespmem:v46+s10+$0x0], $0xffff  }
0x3b6: {  	s2 =	spop (v2sf)  }
0x3b7: {  	s21 =	sand.u32 $0x7F, s2  }
0x3b8: {  	v46 =	vor.u32 s21, v7;
	_ =	sdelay $0x1  }
0x3b9: {  	[tilespmem:v45+s16+$0x0] =	vst.idx.msk $0xffff, v41;
	v45 =	vld [tilespmem:$0x1FF70];
	_ =	sdelay $0x1  }
0x3ba: {  	s11 =	spop (v2sf)  }
0x3bb: {  	s21 =	sand.u32 $0x7F, s11;
	v41 =	vld.idx.msk [tilespmem:v46+s10+$0x0], $0xffff  }
0x3bc: {  	v46 =	vor.u32 s21, v8;
	_ =	sdelay $0x3  }
0x3bd: {  	[tilespmem:v45+s16+$0x0] =	vst.idx.msk $0xffff, v41  }
0x3be: {  	v41 =	vld.idx.msk [tilespmem:v46+s10+$0x0], $0xffff  }
0x3bf: {  	v46 =	vld [tilespmem:$0x1FF80];
	_ =	sdelay $0x7  }
0x3c0: {  	[tilespmem:v46+s16+$0x0] =	vst.idx.msk $0xffff, v41  }
0x3c1: {  	_ =	swait.ge [sflag:s17], $0x800  }
0x3c2: {  	[sflag:s17] =	ssyncset.done $0x0  }
0x3c3: {  	[sflag:s17] =	ssyncadd.s32 $0xFFFFF800  }
0x3c4: {  	_ =	swait.ge [sflag:s17], $0x800  }
0x3c5: {  	[sflag:s17] =	ssyncset.done $0x0  }
0x3c6: {  	[sflag:s17] =	ssyncadd.s32 $0xFFFFF800  }
0x3c7: {  	_ =	swait.ge [sflag:s17], $0x800  }
0x3c8: {  	[sflag:s17] =	ssyncset.done $0x0  }
0x3c9: {  	[sflag:s17] =	ssyncadd.s32 $0xFFFFF800  }
0x3ca: {  	_ =	swait.ge [sflag:s17], $0x800  }
0x3cb: {  	[sflag:s17] =	ssyncset.done $0x0  }
0x3cc: {  	[sflag:s17] =	ssyncadd.s32 $0xFFFFF800  }
0x3cd: {  	_ =	swait.ge [sflag:s17], $0x800  }
0x3ce: {  	[sflag:s17] =	ssyncset.done $0x0  }
0x3cf: {  	[sflag:s17] =	ssyncadd.s32 $0xFFFFF800  }
0x3d0: {  	_ =	swait.ge [sflag:s17], $0x800  }
0x3d1: {  	[sflag:s17] =	ssyncset.done $0x0  }
0x3d2: {  	[sflag:s17] =	ssyncadd.s32 $0xFFFFF800  }
0x3d3: {  	_ =	swait.ge [sflag:s17], $0x800  }
0x3d4: {  	[sflag:s17] =	ssyncset.done $0x0  }
0x3d5: {  	[sflag:s17] =	ssyncadd.s32 $0xFFFFF800  }
0x3d6: {  	_ =	swait.ge [sflag:s17], $0x800  }
0x3d7: {  	[sflag:s17] =	ssyncset.done $0x0  }
0x3d8: {  	[sflag:s17] =	ssyncadd.s32 $0xFFFFF800  }
0x3d9: {  	v41 =	vld [tilespmem:$0x1E8];
	_ =	sdelay $0x4  }
0x3da: {  	(v2sf) =	vpush v41, $0x0;
	_ =	sdelay $0x7  }
0x3db: {  	(v2sf) =	vpush v41, $0x1;
	_ =	sdelay $0x6  }
0x3dc: {  	s22 =	spop (v2sf)  }
0x3dd: {  	(v2sf) =	vpush v41, $0x2;
	s21 =	sand.u32 $0x7F, s22  }
0x3de: {  	v45 =	vor.u32 s21, v9;
	_ =	sdelay $0x1  }
0x3df: {  	v44 =	vld [tilespmem:$0x1FF90];
	_ =	sdelay $0x2  }
0x3e0: {  	v42 =	vld.idx.msk [tilespmem:v45+s10+$0x0], $0xffff  }
0x3e1: {  	s23 =	spop (v2sf)  }
0x3e2: {  	(v2sf) =	vpush v41, $0x3;
	s21 =	sand.u32 $0x7F, s23  }
0x3e3: {  	v43 =	vor.u32 s21, v10;
	_ =	sdelay $0x1  }
0x3e4: {  	[tilespmem:v44+s16+$0x0] =	vst.idx.msk $0xffff, v42;
	v44 =	vld [tilespmem:$0x1FFA0];
	_ =	sdelay $0x2  }
0x3e5: {  	(v2sf) =	vpush v41, $0x4;
	v42 =	vld.idx.msk [tilespmem:v43+s10+$0x0], $0xffff  }
0x3e6: {  	s1 =	spop (v2sf)  }
0x3e7: {  	s21 =	sand.u32 $0x7F, s1  }
0x3e8: {  	v43 =	vor.u32 s21, v11;
	_ =	sdelay $0x1  }
0x3e9: {  	[tilespmem:v44+s16+$0x0] =	vst.idx.msk $0xffff, v42;
	v44 =	vld [tilespmem:$0x1FFB0];
	_ =	sdelay $0x2  }
0x3ea: {  	v42 =	vld.idx.msk [tilespmem:v43+s10+$0x0], $0xffff  }
0x3eb: {  	s2 =	spop (v2sf)  }
0x3ec: {  	s21 =	sand.u32 $0x7F, s2  }
0x3ed: {  	v43 =	vor.u32 s21, v12  }
0x3ee: {  	(v2sf) =	vpush v41, $0x5  }
0x3ef: {  	[tilespmem:v44+s16+$0x0] =	vst.idx.msk $0xffff, v42;
	v44 =	vld [tilespmem:$0x1FFC0];
	_ =	sdelay $0x1  }
0x3f0: {  	s11 =	spop (v2sf)  }
0x3f1: {  	s21 =	sand.u32 $0x7F, s11;
	v42 =	vld.idx.msk [tilespmem:v43+s10+$0x0], $0xffff  }
0x3f2: {  	v46 =	vor.u32 s21, v13;
	_ =	sdelay $0x2  }
0x3f3: {  	(v2sf) =	vpush v41, $0x6  }
0x3f4: {  	[tilespmem:v44+s16+$0x0] =	vst.idx.msk $0xffff, v42  }
0x3f5: {  	(v2sf) =	vpush v41, $0x7;
	v41 =	vld.idx.msk [tilespmem:v46+s10+$0x0], $0xffff  }
0x3f6: {  	v46 =	vld [tilespmem:$0x1FFD0];
	_ =	sdelay $0x3  }
0x3f7: {  	s22 =	spop (v2sf)  }
0x3f8: {  	s21 =	sand.u32 $0x7F, s22  }
0x3f9: {  	v45 =	vor.u32 s21, v14;
	_ =	sdelay $0x1  }
0x3fa: {  	[tilespmem:v46+s16+$0x0] =	vst.idx.msk $0xffff, v41;
	v46 =	vld [tilespmem:$0x1FFE0];
	_ =	sdelay $0x2  }
0x3fb: {  	v41 =	vld.idx.msk [tilespmem:v45+s10+$0x0], $0xffff  }
0x3fc: {  	s23 =	spop (v2sf)  }
0x3fd: {  	s21 =	sand.u32 $0x7F, s23  }
0x3fe: {  	v45 =	vor.u32 s21, v15;
	_ =	sdelay $0x1  }
0x3ff: {  	[tilespmem:v46+s16+$0x0] =	vst.idx.msk $0xffff, v41;
	v46 =	vld [tilespmem:$0x1FFF0];
	_ =	sdelay $0x1  }
0x400: {  	s1 =	spop (v2sf)  }
0x401: {  	s21 =	sand.u32 $0x7F, s1;
	v41 =	vld.idx.msk [tilespmem:v45+s10+$0x0], $0xffff  }
0x402: {  	v45 =	vor.u32 s21, v16;
	_ =	sdelay $0x3  }
0x403: {  	[tilespmem:v46+s16+$0x0] =	vst.idx.msk $0xffff, v41  }
0x404: {  	v41 =	vld.idx.msk [tilespmem:v45+s10+$0x0], $0xffff;
	_ =	sdelay $0x4  }
0x405: {  	[tilespmem:v47+s16+$0x0] =	vst.idx.msk $0xffff, v41  }
0x406: {  	_ =	swait.ge [sflag:s18], $0x800  }
0x407: {  	[sflag:s18] =	ssyncset.done $0x0  }
0x408: {  	[sflag:s18] =	ssyncadd.s32 $0xFFFFF800  }
0x409: {  	_ =	swait.ge [sflag:s18], $0x800  }
0x40a: {  	[sflag:s18] =	ssyncset.done $0x0  }
0x40b: {  	[sflag:s18] =	ssyncadd.s32 $0xFFFFF800  }
0x40c: {  	_ =	swait.ge [sflag:s18], $0x800  }
0x40d: {  	[sflag:s18] =	ssyncset.done $0x0  }
0x40e: {  	[sflag:s18] =	ssyncadd.s32 $0xFFFFF800  }
0x40f: {  	_ =	swait.ge [sflag:s18], $0x800  }
0x410: {  	[sflag:s18] =	ssyncset.done $0x0  }
0x411: {  	[sflag:s18] =	ssyncadd.s32 $0xFFFFF800  }
0x412: {  	_ =	swait.ge [sflag:s18], $0x800  }
0x413: {  	[sflag:s18] =	ssyncset.done $0x0  }
0x414: {  	[sflag:s18] =	ssyncadd.s32 $0xFFFFF800  }
0x415: {  	_ =	swait.ge [sflag:s18], $0x800  }
0x416: {  	[sflag:s18] =	ssyncset.done $0x0  }
0x417: {  	[sflag:s18] =	ssyncadd.s32 $0xFFFFF800  }
0x418: {  	_ =	swait.ge [sflag:s18], $0x800  }
0x419: {  	[sflag:s18] =	ssyncset.done $0x0  }
0x41a: {  	[sflag:s18] =	ssyncadd.s32 $0xFFFFF800  }
0x41b: {  	_ =	swait.ge [sflag:s18], $0x800  }
0x41c: {  	[sflag:s18] =	ssyncset.done $0x0  }
0x41d: {  	[sflag:s18] =	ssyncadd.s32 $0xFFFFF800  }
0x41e: {  	v41 =	vld [tilespmem:$0x1F0];
	_ =	sdelay $0x4  }
0x41f: {  	(v2sf) =	vpush v41, $0x0;
	_ =	sdelay $0x5  }
0x420: {  	(v2sf) =	vpush v41, $0x1;
	_ =	sdelay $0x5  }
0x421: {  	(v2sf) =	vpush v41, $0x2;
	_ =	sdelay $0x2  }
0x422: {  	s2 =	spop (v2sf)  }
0x423: {  	s21 =	sand.u32 $0x7F, s2  }
0x424: {  	v45 =	vor.u32 s21, v17  }
0x425: {  	(v2sf) =	vpush v41, $0x3;
	_ =	sdelay $0x2  }
0x426: {  	s11 =	spop (v2sf)  }
0x427: {  	s21 =	sand.u32 $0x7F, s11;
	v42 =	vld.idx.msk [tilespmem:v45+s10+$0x0], $0xffff  }
0x428: {  	v46 =	vor.u32 s21, v18  }
0x429: {  	(v2sf) =	vpush v41, $0x4;
	_ =	sdelay $0x2  }
0x42a: {  	s22 =	spop (v2sf);
	[tilespmem:v48+s16+$0x0] =	vst.idx.msk $0xffff, v42  }
0x42b: {  	s21 =	sand.u32 $0x7F, s22;
	v42 =	vld.idx.msk [tilespmem:v46+s10+$0x0], $0xffff  }
0x42c: {  	v45 =	vor.u32 s21, v19  }
0x42d: {  	(v2sf) =	vpush v41, $0x5;
	_ =	sdelay $0x2  }
0x42e: {  	s23 =	spop (v2sf);
	[tilespmem:v49+s16+$0x0] =	vst.idx.msk $0xffff, v42  }
0x42f: {  	s21 =	sand.u32 $0x7F, s23;
	v42 =	vld.idx.msk [tilespmem:v45+s10+$0x0], $0xffff  }
0x430: {  	v46 =	vor.u32 s21, v20  }
0x431: {  	(v2sf) =	vpush v41, $0x6;
	_ =	sdelay $0x2  }
0x432: {  	s1 =	spop (v2sf);
	[tilespmem:v50+s16+$0x0] =	vst.idx.msk $0xffff, v42  }
0x433: {  	s21 =	sand.u32 $0x7F, s1;
	v42 =	vld.idx.msk [tilespmem:v46+s10+$0x0], $0xffff  }
0x434: {  	v45 =	vor.u32 s21, v21  }
0x435: {  	(v2sf) =	vpush v41, $0x7;
	_ =	sdelay $0x2  }
0x436: {  	s2 =	spop (v2sf);
	[tilespmem:v51+s16+$0x0] =	vst.idx.msk $0xffff, v42  }
0x437: {  	s21 =	sand.u32 $0x7F, s2;
	v46 =	vld.idx.msk [tilespmem:v45+s10+$0x0], $0xffff  }
0x438: {  	v45 =	vor.u32 s21, v22;
	_ =	sdelay $0x3  }
0x439: {  	s11 =	spop (v2sf);
	[tilespmem:v52+s16+$0x0] =	vst.idx.msk $0xffff, v46  }
0x43a: {  	s21 =	sand.u32 $0x7F, s11;
	v41 =	vld.idx.msk [tilespmem:v45+s10+$0x0], $0xffff  }
0x43b: {  	v46 =	vor.u32 s21, v23;
	_ =	sdelay $0x3  }
0x43c: {  	s22 =	spop (v2sf);
	[tilespmem:v53+s16+$0x0] =	vst.idx.msk $0xffff, v41  }
0x43d: {  	s21 =	sand.u32 $0x7F, s22;
	v41 =	vld.idx.msk [tilespmem:v46+s10+$0x0], $0xffff  }
0x43e: {  	v45 =	vor.u32 s21, v24;
	_ =	sdelay $0x3  }
0x43f: {  	[tilespmem:v54+s16+$0x0] =	vst.idx.msk $0xffff, v41  }
0x440: {  	v41 =	vld.idx.msk [tilespmem:v45+s10+$0x0], $0xffff;
	_ =	sdelay $0x4  }
0x441: {  	[tilespmem:v55+s16+$0x0] =	vst.idx.msk $0xffff, v41  }
0x442: {  	_ =	swait.ge [sflag:s19], $0x800  }
0x443: {  	[sflag:s19] =	ssyncset.done $0x0  }
0x444: {  	[sflag:s19] =	ssyncadd.s32 $0xFFFFF800  }
0x445: {  	_ =	swait.ge [sflag:s19], $0x800  }
0x446: {  	[sflag:s19] =	ssyncset.done $0x0  }
0x447: {  	[sflag:s19] =	ssyncadd.s32 $0xFFFFF800  }
0x448: {  	_ =	swait.ge [sflag:s19], $0x800  }
0x449: {  	[sflag:s19] =	ssyncset.done $0x0  }
0x44a: {  	[sflag:s19] =	ssyncadd.s32 $0xFFFFF800  }
0x44b: {  	_ =	swait.ge [sflag:s19], $0x800  }
0x44c: {  	[sflag:s19] =	ssyncset.done $0x0  }
0x44d: {  	[sflag:s19] =	ssyncadd.s32 $0xFFFFF800  }
0x44e: {  	_ =	swait.ge [sflag:s19], $0x800  }
0x44f: {  	[sflag:s19] =	ssyncset.done $0x0  }
0x450: {  	[sflag:s19] =	ssyncadd.s32 $0xFFFFF800  }
0x451: {  	_ =	swait.ge [sflag:s19], $0x800  }
0x452: {  	[sflag:s19] =	ssyncset.done $0x0  }
0x453: {  	[sflag:s19] =	ssyncadd.s32 $0xFFFFF800  }
0x454: {  	_ =	swait.ge [sflag:s19], $0x800  }
0x455: {  	[sflag:s19] =	ssyncset.done $0x0  }
0x456: {  	[sflag:s19] =	ssyncadd.s32 $0xFFFFF800  }
0x457: {  	_ =	swait.ge [sflag:s19], $0x800  }
0x458: {  	[sflag:s19] =	ssyncset.done $0x0  }
0x459: {  	[sflag:s19] =	ssyncadd.s32 $0xFFFFF800  }
0x45a: {  	v41 =	vld [tilespmem:$0x1F8];
	_ =	sdelay $0x4  }
0x45b: {  	(v2sf) =	vpush v41, $0x0;
	_ =	sdelay $0x5  }
0x45c: {  	(v2sf) =	vpush v41, $0x1;
	_ =	sdelay $0x5  }
0x45d: {  	(v2sf) =	vpush v41, $0x2;
	_ =	sdelay $0x2  }
0x45e: {  	s23 =	spop (v2sf)  }
0x45f: {  	s21 =	sand.u32 $0x7F, s23  }
0x460: {  	v46 =	vor.u32 s21, v25  }
0x461: {  	(v2sf) =	vpush v41, $0x3;
	_ =	sdelay $0x2  }
0x462: {  	s1 =	spop (v2sf)  }
0x463: {  	s21 =	sand.u32 $0x7F, s1;
	v42 =	vld.idx.msk [tilespmem:v46+s10+$0x0], $0xffff  }
0x464: {  	v45 =	vor.u32 s21, v26  }
0x465: {  	(v2sf) =	vpush v41, $0x4;
	_ =	sdelay $0x2  }
0x466: {  	s2 =	spop (v2sf);
	[tilespmem:v56+s16+$0x0] =	vst.idx.msk $0xffff, v42  }
0x467: {  	s21 =	sand.u32 $0x7F, s2;
	v42 =	vld.idx.msk [tilespmem:v45+s10+$0x0], $0xffff  }
0x468: {  	v46 =	vor.u32 s21, v27  }
0x469: {  	(v2sf) =	vpush v41, $0x5;
	_ =	sdelay $0x2  }
0x46a: {  	s11 =	spop (v2sf);
	[tilespmem:v57+s16+$0x0] =	vst.idx.msk $0xffff, v42  }
0x46b: {  	s21 =	sand.u32 $0x7F, s11;
	v42 =	vld.idx.msk [tilespmem:v46+s10+$0x0], $0xffff  }
0x46c: {  	v45 =	vor.u32 s21, v28  }
0x46d: {  	(v2sf) =	vpush v41, $0x6;
	_ =	sdelay $0x2  }
0x46e: {  	s22 =	spop (v2sf);
	[tilespmem:v58+s16+$0x0] =	vst.idx.msk $0xffff, v42  }
0x46f: {  	s21 =	sand.u32 $0x7F, s22;
	v42 =	vld.idx.msk [tilespmem:v45+s10+$0x0], $0xffff  }
0x470: {  	v46 =	vor.u32 s21, v29  }
0x471: {  	(v2sf) =	vpush v41, $0x7;
	_ =	sdelay $0x2  }
0x472: {  	s23 =	spop (v2sf);
	[tilespmem:v59+s16+$0x0] =	vst.idx.msk $0xffff, v42  }
0x473: {  	s21 =	sand.u32 $0x7F, s23;
	v45 =	vld.idx.msk [tilespmem:v46+s10+$0x0], $0xffff  }
0x474: {  	v46 =	vor.u32 s21, v30;
	_ =	sdelay $0x3  }
0x475: {  	s1 =	spop (v2sf);
	[tilespmem:v60+s16+$0x0] =	vst.idx.msk $0xffff, v45  }
0x476: {  	s21 =	sand.u32 $0x7F, s1;
	v41 =	vld.idx.msk [tilespmem:v46+s10+$0x0], $0xffff  }
0x477: {  	v45 =	vor.u32 s21, v31;
	_ =	sdelay $0x3  }
0x478: {  	s2 =	spop (v2sf);
	[tilespmem:v61+s16+$0x0] =	vst.idx.msk $0xffff, v41  }
0x479: {  	s21 =	sand.u32 $0x7F, s2;
	v41 =	vld.idx.msk [tilespmem:v45+s10+$0x0], $0xffff  }
0x47a: {  	v46 =	vor.u32 s21, v32;
	_ =	sdelay $0x3  }
0x47b: {  	[tilespmem:v62+s16+$0x0] =	vst.idx.msk $0xffff, v41  }
0x47c: {  	v41 =	vld.idx.msk [tilespmem:v46+s10+$0x0], $0xffff;
	_ =	sdelay $0x3  }
0x47d: {  	s11 =	rddreg [dreg:$0xd]  }
0x47e: {  	s23 =	simm.s32 $0x6;
	s1 =	simm.s32 $0x1000;
	s2 =	simm.s32 $0x20000;
	[tilespmem:v63+s16+$0x0] =	vst.idx.msk $0xffff, v41  }
0x47f: {  	[hbm4b:s11+s1] =	stream.strided.scatter [tilespmem:s16], [sflag:$0x6], $0x2000, s2, s1, $0x38;
	[tilespmem:$0x16280] =	vst v63  }
0x480: {  	_ =	swait.ge [sflag:s23], $0x2000  }
0x481: {  	s21 =	rddreg [dreg:$0xf]  }
0x482: {  	s22 =	rddreg [dreg:$0xe];
	s1 =	sadd.s32 $0x1, s21  }
0x483: {  	p0 =	sne.s32 s1, s22  }
.Ltmp1:
0x484: {  	_ = 	snop;
	(pc) =	sbr.rel @p0 .LBB2_1-.Ltmp1, $3  }
0x485: {  	_ =	sdelay $0x1  }
0x486: {  	[sflag:s23] =	ssyncset.done $0x0  }
0x487: {  	[sflag:s23] =	ssyncadd.s32 $0xFFFFE000  }
0x488: {  	_ =	sfence.sel $0x180000  }
0x489: {  	[bflag:$0x0] =	sbarrier.arrive $0xFFFF  }
0x48a: {  	_ =	strace $0x90000047  }
0x48b: {  	s0 =	stileid.u32;
	[bflag:$0x2] =	sbarrier.arrive $0xFFFF  }
0x48c: {  	p0 =	sne.s32 s0, $0x0;
	s0 =	rddreg [dreg:$0x3]  }
0x48d: {  	s0 =	sadd.s32 @!p0 $0x100000, s0  }
0x48e: {  	[sflag:s0] =	ssyncadd.tile.s32 @!p0 $0x1;
	_ =	shalt  }
.Lfunc_end2:
_tile_overlayer_lowered:
.L_overlay_start_2:
0x48f: {  	(tag) =	ssettag $0x2  }
0x490: {  	s0 =	rddreg [dreg:$0x0];
	s2 =	stileid.u32  }
0x491: {  	s1 =	rddreg [dreg:$0x1];
	p0 =	sne.s32 s2, $0x0  }
0x492: {  	s3 =	rddreg [dreg:$0x2];
	[bflag:$0x3] =	sbarrier.arrive $0xFFFF;
	s2 =	simm.s32 @!p0 $0x1C06  }
0x493: {  	[timem:s3], [sflag:s2] =	dma.local @!p0 [hbm:s0], s1  }
0x494: {  	s0 =	simm.s32 @!p0 $0x6  }
0x495: {  	_ =	swait.ge @!p0 [sflag:s0], s1  }
0x496: {  	s1 =	ssub.s32 @!p0 $0x0, s1;
	[sflag:s0] =	ssyncset.done @!p0 $0x0  }
0x497: {  	[sflag:s0] =	ssyncadd.s32 @!p0 s1  }
0x498: {  	[bflag:$0x3] =	sbarrier.arrive $0xFFFF  }
0x499: {  	_ =	shalt  }

</sc_bundles>
